<compile_context>
chip_gen: v7x
topology: tpu7x:2x2x1
jax: 0.10.2.dev20260603
libtpu: 0.0.44.dev20260713+nightly
codegen_flags: <defaults>
</compile_context>

<pallas_src>
import math

import jax
import jax.numpy as jnp
from jax import lax
from jax.experimental import pallas as pl
from jax.experimental.pallas import tpu as pltpu
from jax.experimental.pallas import tpu_sc as plsc

N, E, D, G, P, S, L = 10000, 320000, 128, 2000, 32, 2, 3

NCORES, NSUB = 2, 16
NP = 10240
CH = 128
ROWS_PT = NP // NSUB
EPC = E // NCORES
EPT = EPC // NSUB
NCHF = EPT // CH
TAIL = EPT - NCHF * CH
GCH = 64
GPW = NP // (NCORES * NSUB)
BN = 1000

_SDS = jax.ShapeDtypeStruct
_f32 = jnp.float32


ACH = 64
ANCH = EPT // ACH
ATAIL = EPT - ANCH * ACH


def _sc_agg_body(h_hbm, ei_hbm, zrow_hbm, agg_out, *scr):
    sidx_all = scr[0]
    didx = scr[1:5]
    rows = scr[5:9]
    rows_t, didx_t, agg_sh = scr[9:12]
    gsem = scr[12:16]
    dsem = scr[16:20]
    ssem = scr[20:24]

    c = lax.axis_index("c")
    s = lax.axis_index("s")
    r0 = pl.multiple_of(s * ROWS_PT, 8)
    pltpu.sync_copy(zrow_hbm.at[pl.ds(r0, ROWS_PT)], agg_sh.at[pl.ds(r0, ROWS_PT)])
    ebase = pl.multiple_of((c * NSUB + s) * EPT, 8)
    pltpu.sync_copy(ei_hbm.at[pl.ds(ebase, EPT)], sidx_all)
    plsc.subcore_barrier()

    def start(j, t):
        off = pl.multiple_of(j * ACH, 8)
        pltpu.async_copy(ei_hbm.at[pl.ds(E + ebase + off, ACH)], didx[t], dsem[t])
        pltpu.async_copy(h_hbm.at[sidx_all.at[pl.ds(off, ACH)]], rows[t], gsem[t])

    def wait_scatter(t):
        pltpu.make_async_copy(rows[t], agg_sh.at[didx[t]], ssem[t]).wait()

    def process(j, t):
        off = pl.multiple_of(j * ACH, 8)
        pltpu.make_async_copy(
            ei_hbm.at[pl.ds(E + ebase + off, ACH)], didx[t], dsem[t]).wait()
        pltpu.make_async_copy(
            h_hbm.at[sidx_all.at[pl.ds(off, ACH)]], rows[t], gsem[t]).wait()
        pltpu.async_copy(rows[t], agg_sh.at[didx[t]], ssem[t], add=True)

    for t in range(4):
        start(t, t)

    def body(m, carry):
        process(4 * m + 0, 0)
        process(4 * m + 1, 1)
        wait_scatter(0)
        start(4 * m + 4, 0)
        process(4 * m + 2, 2)
        wait_scatter(1)
        start(4 * m + 5, 1)
        process(4 * m + 3, 3)
        wait_scatter(2)
        start(4 * m + 6, 2)
        wait_scatter(3)
        start(4 * m + 7, 3)
        return carry

    lax.fori_loop(0, ANCH // 4 - 1, body, 0)
    base = ANCH - 4
    process(base + 0, 0)
    process(base + 1, 1)
    wait_scatter(0)
    process(base + 2, 2)
    wait_scatter(1)
    process(base + 3, 3)
    wait_scatter(2)
    wait_scatter(3)

    toff = pl.multiple_of(ANCH * ACH, 8)
    pltpu.sync_copy(ei_hbm.at[pl.ds(E + ebase + toff, ATAIL)], didx_t)
    pltpu.async_copy(
        h_hbm.at[sidx_all.at[pl.ds(toff, ATAIL)]], rows_t, gsem[0]).wait()
    pltpu.sync_copy(rows_t, agg_sh.at[didx_t], add=True)

    plsc.subcore_barrier()
    pltpu.sync_copy(agg_sh.at[pl.ds(r0, ROWS_PT)], agg_out.at[c, pl.ds(r0, ROWS_PT)])


_sc_agg = pl.kernel(
    _sc_agg_body,
    out_type=_SDS((NCORES, NP, D), _f32),
    mesh=plsc.VectorSubcoreMesh(core_axis_name="c", subcore_axis_name="s",
                                num_cores=NCORES, num_subcores=NSUB),
    scratch_types=(
        [pltpu.VMEM((EPT,), jnp.int32)]
        + [pltpu.VMEM((ACH,), jnp.int32)] * 4
        + [pltpu.VMEM((ACH, D), _f32)] * 4
        + [pltpu.VMEM((TAIL, D), _f32),
           pltpu.VMEM((TAIL,), jnp.int32),
           pltpu.VMEM_SHARED((NP, D), _f32)]
        + [pltpu.SemaphoreType.DMA] * 12
    ),
)


def _sc_deg_body(ei_hbm, ones_hbm, zrow_hbm,
                 deg_out,
                 didx0, didx1, didx_t, ones_v, deg_sh, dsem0, dsem1):
    c = lax.axis_index("c")
    s = lax.axis_index("s")
    r0 = pl.multiple_of(s * ROWS_PT, 8)
    pltpu.sync_copy(zrow_hbm.at[pl.ds(r0, ROWS_PT)], deg_sh.at[pl.ds(r0, ROWS_PT)])
    pltpu.sync_copy(ones_hbm, ones_v)
    ebase = pl.multiple_of((c * NSUB + s) * EPT, 8)
    plsc.subcore_barrier()

    def start(j, didx, dsem):
        off = pl.multiple_of(j * CH, 8)
        pltpu.async_copy(ei_hbm.at[pl.ds(E + ebase + off, CH)], didx, dsem)

    def finish(j, didx, dsem):
        off = pl.multiple_of(j * CH, 8)
        pltpu.make_async_copy(
            ei_hbm.at[pl.ds(E + ebase + off, CH)], didx, dsem).wait()
        pltpu.sync_copy(ones_v, deg_sh.at[didx], add=True)

    start(0, didx0, dsem0)

    def body(m, carry):
        start(2 * m + 1, didx1, dsem1)
        finish(2 * m, didx0, dsem0)

        @pl.when(m < NCHF // 2 - 1)
        def _():
            start(2 * m + 2, didx0, dsem0)

        finish(2 * m + 1, didx1, dsem1)
        return carry

    lax.fori_loop(0, NCHF // 2, body, 0)
    toff = pl.multiple_of(NCHF * CH, 8)
    pltpu.sync_copy(ei_hbm.at[pl.ds(E + ebase + toff, TAIL)], didx_t)
    pltpu.sync_copy(ones_v.at[pl.ds(0, TAIL)], deg_sh.at[didx_t], add=True)

    plsc.subcore_barrier()
    pltpu.sync_copy(deg_sh.at[pl.ds(r0, ROWS_PT)], deg_out.at[c, pl.ds(r0, ROWS_PT)])


_sc_deg = pl.kernel(
    _sc_deg_body,
    out_type=_SDS((NCORES, NP, D), _f32),
    mesh=plsc.VectorSubcoreMesh(core_axis_name="c", subcore_axis_name="s",
                                num_cores=NCORES, num_subcores=NSUB),
    scratch_types=[
        pltpu.VMEM((CH,), jnp.int32),
        pltpu.VMEM((CH,), jnp.int32),
        pltpu.VMEM((TAIL,), jnp.int32),
        pltpu.VMEM((CH, D), _f32),
        pltpu.VMEM_SHARED((NP, D), _f32),
        pltpu.SemaphoreType.DMA,
        pltpu.SemaphoreType.DMA,
    ],
)


def _sc_gath_body(emb_hbm, glpT_hbm, gid_hbm, emb_out, gev_out,
                  gidx, erows, grows, sem, sem2):
    c = lax.axis_index("c")
    s = lax.axis_index("s")
    w = s * NCORES + c
    base0 = w * GPW

    def body(j, carry):
        b = pl.multiple_of(base0 + j * GCH, 8)
        pltpu.sync_copy(gid_hbm.at[pl.ds(b, GCH)], gidx)
        pltpu.async_copy(emb_hbm.at[gidx], erows, sem).wait()
        pltpu.async_copy(glpT_hbm.at[gidx], grows, sem2).wait()
        pltpu.sync_copy(erows, emb_out.at[pl.ds(b, GCH)])
        pltpu.sync_copy(grows, gev_out.at[pl.ds(b, GCH)])
        return carry

    lax.fori_loop(0, GPW // GCH, body, 0)


_sc_gath = pl.kernel(
    _sc_gath_body,
    out_type=(_SDS((NP, D), _f32), _SDS((NP, D), _f32)),
    mesh=plsc.VectorSubcoreMesh(core_axis_name="c", subcore_axis_name="s",
                                num_cores=NCORES, num_subcores=NSUB),
    scratch_types=[
        pltpu.VMEM((GCH,), jnp.int32),
        pltpu.VMEM((GCH, D), _f32),
        pltpu.VMEM((GCH, D), _f32),
        pltpu.SemaphoreType.DMA,
        pltpu.SemaphoreType.DMA,
    ],
)


def _tc_prep_body(co_ref, cW1_ref, cb1_ref, cW2_ref, cb2_ref, pgT_ref,
                  cmlp_ref, glpT_ref):
    co = co_ref[...]
    t = (co[:, 0:1] * cW1_ref[0:1, :] + co[:, 1:2] * cW1_ref[1:2, :]
         + cb1_ref[...])
    t = jnp.maximum(t, 0.0)
    cmlp_ref[...] = (jnp.dot(t, cW2_ref[...], preferred_element_type=_f32)
                     + cb2_ref[...])
    pgT = pgT_ref[...]
    m = jnp.max(pgT, axis=0, keepdims=True)
    lse = jnp.log(jnp.sum(jnp.exp(pgT - m), axis=0, keepdims=True)) + m
    glpT_ref[...] = jnp.concatenate(
        [pgT - lse, jnp.zeros((G, D - P), _f32)], axis=1)


def _tc_add_body(a_ref, b_ref, o_ref):
    o_ref[...] = a_ref[...] + b_ref[...]


def _tc_mlp_body(h_ref, aggA_ref, aggB_ref, dA_ref, dB_ref,
                 W1_ref, b1_ref, W2_ref, b2_ref, out_ref):
    h = h_ref[...]
    deg = jnp.maximum(dA_ref[0][:, 0:1] + dB_ref[0][:, 0:1], 1.0)
    agg = (aggA_ref[0] + aggB_ref[0]) / deg
    W1 = W1_ref[...]
    x = (jnp.dot(h, W1[:D], preferred_element_type=_f32)
         + jnp.dot(agg, W1[D:], preferred_element_type=_f32) + b1_ref[...])
    x = jnp.maximum(x, 0.0)
    x = jnp.dot(x, W2_ref[...], preferred_element_type=_f32) + b2_ref[...]
    out_ref[...] = h + jnp.maximum(x, 0.0)


_LOG2PI = math.log(2.0 * math.pi)


def _tc_head_body(h_ref, gev_ref, co_ref, aW_ref, ab_ref, pgl_ref, pp_ref,
                  pcmT_ref, pclvT_ref,
                  logits_ref, q_ref, gp_ref, pred_ref, ce_ref, pclp_ref):
    pgl = pgl_ref[...]
    m = jnp.max(pgl, axis=1, keepdims=True)
    lse = jnp.log(jnp.sum(jnp.exp(pgl - m), axis=1, keepdims=True)) + m
    gp = jnp.exp(pgl - lse)
    gp_ref[...] = gp
    lv = jnp.clip(pclvT_ref[...], -4.0, 4.0)
    co = co_ref[...]
    ce = jnp.zeros((BN, P), _f32)
    for s_ in range(S):
        dlt = co[:, s_:s_ + 1] - pcmT_ref[s_:s_ + 1, :]
        ce = ce + dlt * dlt * jnp.exp(-lv[s_:s_ + 1, :]) + lv[s_:s_ + 1, :] + _LOG2PI
    ce = -0.5 * ce
    ce_ref[...] = ce
    logits = (jnp.dot(h_ref[...], aW_ref[...], preferred_element_type=_f32)
              + ab_ref[...] + gev_ref[...][:, :P] + ce + pp_ref[...])
    logits_ref[...] = logits
    lm = jnp.max(logits, axis=1, keepdims=True)
    e2 = jnp.exp(logits - lm)
    q = e2 / jnp.sum(e2, axis=1, keepdims=True)
    q_ref[...] = q
    pred_ref[...] = jnp.dot(q, gp, preferred_element_type=_f32)
    t = jnp.log(jnp.maximum(q, 1e-9)) + ce
    tm = jnp.max(t, axis=1, keepdims=True)
    pclp_ref[...] = tm + jnp.log(jnp.sum(jnp.exp(t - tm), axis=1, keepdims=True))


def _row_spec(w):
    return pl.BlockSpec((BN, w), lambda i: (i, 0))


def _part_spec(cidx):
    return pl.BlockSpec((1, BN, D), lambda i, _c=cidx: (_c, i, 0))


def _const_spec(shape):
    return pl.BlockSpec(shape, lambda i: tuple(0 for _ in shape))


_tc_prep = pl.pallas_call(
    _tc_prep_body,
    out_shape=(_SDS((N, D), _f32), _SDS((G, D), _f32)),
)

_tc_add = pl.pallas_call(
    _tc_add_body,
    grid=(N // BN,),
    in_specs=[_row_spec(D), _row_spec(D)],
    out_specs=_row_spec(D),
    out_shape=_SDS((N, D), _f32),
)

_tc_mlp = pl.pallas_call(
    _tc_mlp_body,
    grid=(N // BN,),
    in_specs=[_row_spec(D), _part_spec(0), _part_spec(1), _part_spec(0),
              _part_spec(1), _const_spec((2 * D, D)), _const_spec((1, D)),
              _const_spec((D, D)), _const_spec((1, D))],
    out_specs=_row_spec(D),
    out_shape=_SDS((N, D), _f32),
)

_tc_head = pl.pallas_call(
    _tc_head_body,
    grid=(N // BN,),
    in_specs=[_row_spec(D), _row_spec(D), _row_spec(S), _const_spec((D, P)),
              _const_spec((1, P)), _const_spec((P, G)), _const_spec((1, P)),
              _const_spec((S, P)), _const_spec((S, P))],
    out_specs=(_row_spec(P), _row_spec(P), _const_spec((P, G)), _row_spec(G),
               _row_spec(P), _row_spec(1)),
    out_shape=(_SDS((N, P), _f32), _SDS((N, P), _f32), _SDS((P, G), _f32),
               _SDS((N, G), _f32), _SDS((N, P), _f32), _SDS((N, 1), _f32)),
)


def kernel(coords, gene_ids, edge_index, gene_emb, cW1, cb1, cW2, cb2,
           mpW1, mpb1, mpW2, mpb2, aW, ab, pg_logits, pp_logits,
           pc_means, pc_logvars):
    gid_p = jnp.pad(gene_ids, (0, NP - N))
    ei_flat = edge_index.reshape(2 * E)
    zrow = jnp.zeros((NP, D), _f32)
    onesr = jnp.ones((CH, D), _f32)

    cmlp, glpT = _tc_prep(coords, cW1, cb1[None], cW2, cb2[None],
                          pg_logits.T)
    emb, gev = _sc_gath(gene_emb, glpT, gid_p)
    h = _tc_add(emb, cmlp)
    degP = _sc_deg(ei_flat, onesr, zrow)
    for i in range(L):
        aggP = _sc_agg(h, ei_flat, zrow)
        h = _tc_mlp(h, aggP, aggP, degP, degP,
                    mpW1[i], mpb1[i][None], mpW2[i], mpb2[i][None])
    logits, q, gp, pred, ce, pclp = _tc_head(
        h, gev, coords, aW, ab[None], pg_logits, pp_logits[None],
        pc_means.T, pc_logvars.T)
    return (h, logits, q, gp, pred, ce, pclp.reshape(N))

# --- scband reference (transcript-rebuilt; emitter-appended) ---
"""Pipeline reference for scband-point-program-model-16320875725296 (READ-ONLY COPY).

The authoritative reference and input builder live on the scoring server;
editing this copy changes nothing except your own understanding.
"""

import math
import jax, jax.numpy as jnp
import numpy as np

N = 10000
E = 320000
D = 128
G = 2000
P = 32
S = 2
L = 3


def setup_inputs(seed: int = 0) -> dict:
    key = jax.random.key(seed)
    ks = jax.random.split(key, 16)
    inp = {}
    inp["coords"] = jax.random.uniform(ks[0], (N, S), dtype=jnp.float32)
    inp["gene_ids"] = jax.random.randint(ks[1], (N,), 0, G, dtype=jnp.int32)
    inp["edge_index"] = jax.random.randint(ks[2], (2, E), 0, N, dtype=jnp.int32)
    inp["gene_emb"] = jax.random.normal(ks[3], (G, D), dtype=jnp.float32) * 0.02
    inp["cW1"] = jax.random.normal(ks[4], (S, D), dtype=jnp.float32) * (1.0 / math.sqrt(S))
    inp["cb1"] = jnp.zeros((D,), dtype=jnp.float32)
    inp["cW2"] = jax.random.normal(ks[5], (D, D), dtype=jnp.float32) * (1.0 / math.sqrt(D))
    inp["cb2"] = jnp.zeros((D,), dtype=jnp.float32)
    inp["mpW1"] = jax.random.normal(ks[6], (L, 2 * D, D), dtype=jnp.float32) * (1.0 / math.sqrt(2 * D))
    inp["mpb1"] = jnp.zeros((L, D), dtype=jnp.float32)
    inp["mpW2"] = jax.random.normal(ks[7], (L, D, D), dtype=jnp.float32) * (1.0 / math.sqrt(D))
    inp["mpb2"] = jnp.zeros((L, D), dtype=jnp.float32)
    inp["aW"] = jax.random.normal(ks[8], (D, P), dtype=jnp.float32) * (1.0 / math.sqrt(D))
    inp["ab"] = jnp.zeros((P,), dtype=jnp.float32)
    inp["pg_logits"] = jax.random.normal(ks[9], (P, G), dtype=jnp.float32) * 0.01
    inp["pp_logits"] = jnp.zeros((P,), dtype=jnp.float32)
    inp["pc_means"] = jax.random.normal(ks[10], (P, S), dtype=jnp.float32) * 0.1
    inp["pc_logvars"] = jnp.zeros((P, S), dtype=jnp.float32)
    return inp


def _forward(coords, gene_ids, edge_index, gene_emb, cW1, cb1, cW2, cb2,
             mpW1, mpb1, mpW2, mpb2, aW, ab, pg_logits, pp_logits,
             pc_means, pc_logvars, temperature=1.0):
    h = gene_emb[gene_ids] + (jax.nn.relu(coords @ cW1 + cb1) @ cW2 + cb2)
    src = edge_index[0]
    dst = edge_index[1]
    for i in range(L):
        agg = jnp.zeros_like(h).at[dst].add(h[src])
        deg = jnp.clip(jnp.bincount(dst, length=N), 1, None).astype(h.dtype)[:, None]
        agg = agg / deg
        m = jnp.concatenate([h, agg], axis=1)
        out = jax.nn.relu(m @ mpW1[i] + mpb1[i])
        out = jax.nn.relu(out @ mpW2[i] + mpb2[i])
        h = h + out
    gene_log_probs = jax.nn.log_softmax(pg_logits, axis=1)
    gene_evidence = gene_log_probs[:, gene_ids].T
    lv = jnp.clip(pc_logvars, -4.0, 4.0)
    diff = coords[:, None, :] - pc_means[None, :, :]
    coord_evidence = -0.5 * (diff ** 2 / jnp.exp(lv)[None, :, :] + lv[None, :, :]
                             + math.log(2 * math.pi)).sum(axis=2)
    logits = (h @ aW + ab + gene_evidence + coord_evidence + pp_logits[None, :]) / temperature
    q = jax.nn.softmax(logits, axis=1)
    gene_probs = jnp.exp(gene_log_probs)
    pred_gene_probs = q @ gene_probs
    pred_coord_logprob = jax.scipy.special.logsumexp(
        jnp.log(jnp.clip(q, 1e-09, None)) + coord_evidence, axis=1)
    return (h, logits, q, gene_probs, pred_gene_probs, coord_evidence, pred_coord_logprob)


def reference(coords, gene_ids, edge_index, gene_emb, cW1, cb1, cW2, cb2,
              mpW1, mpb1, mpW2, mpb2, aW, ab, pg_logits, pp_logits,
              pc_means, pc_logvars):
    return _forward(coords, gene_ids, edge_index, gene_emb, cW1, cb1, cW2, cb2,
                    mpW1, mpb1, mpW2, mpb2, aW, ab, pg_logits, pp_logits,
                    pc_means, pc_logvars)

if __name__ == "__main__":
    import jax
    _d = setup_inputs()
    print(jax.jit(kernel)(*tuple(_d.values())))

</pallas_src>

<mosaic_0001>
#map = affine_map<(d0, d1) -> (0, 0)>
#map1 = affine_map<(d0, d1) -> (0)>
#map2 = affine_map<(d0, d1) -> (0, 0, 0)>
module attributes {stable_mosaic.version = 14 : i64} {
  func.func @_sc_agg_body(%arg0: i32, %arg1: i32, %arg2: memref<10000x128xf32, #tpu.memory_space<hbm>>, %arg3: memref<640000xi32, #tpu.memory_space<hbm>>, %arg4: memref<10240x128xf32, #tpu.memory_space<hbm>>, %arg5: memref<2x10240x128xf32, #tpu.memory_space<hbm>>, %arg6: memref<10000xi32, #tpu.memory_space<vmem>>, %arg7: memref<64xi32, #tpu.memory_space<vmem>>, %arg8: memref<64xi32, #tpu.memory_space<vmem>>, %arg9: memref<64xi32, #tpu.memory_space<vmem>>, %arg10: memref<64xi32, #tpu.memory_space<vmem>>, %arg11: memref<64x128xf32, #tpu.memory_space<vmem>>, %arg12: memref<64x128xf32, #tpu.memory_space<vmem>>, %arg13: memref<64x128xf32, #tpu.memory_space<vmem>>, %arg14: memref<64x128xf32, #tpu.memory_space<vmem>>, %arg15: memref<16x128xf32, #tpu.memory_space<vmem>>, %arg16: memref<16xi32, #tpu.memory_space<vmem>>, %arg17: memref<10240x128xf32, #tpu.memory_space<vmem_shared>>, %arg18: memref<!tpu.dma_semaphore, #tpu.memory_space<semaphore_mem>>, %arg19: memref<!tpu.dma_semaphore, #tpu.memory_space<semaphore_mem>>, %arg20: memref<!tpu.dma_semaphore, #tpu.memory_space<semaphore_mem>>, %arg21: memref<!tpu.dma_semaphore, #tpu.memory_space<semaphore_mem>>, %arg22: memref<!tpu.dma_semaphore, #tpu.memory_space<semaphore_mem>>, %arg23: memref<!tpu.dma_semaphore, #tpu.memory_space<semaphore_mem>>, %arg24: memref<!tpu.dma_semaphore, #tpu.memory_space<semaphore_mem>>, %arg25: memref<!tpu.dma_semaphore, #tpu.memory_space<semaphore_mem>>, %arg26: memref<!tpu.dma_semaphore, #tpu.memory_space<semaphore_mem>>, %arg27: memref<!tpu.dma_semaphore, #tpu.memory_space<semaphore_mem>>, %arg28: memref<!tpu.dma_semaphore, #tpu.memory_space<semaphore_mem>>, %arg29: memref<!tpu.dma_semaphore, #tpu.memory_space<semaphore_mem>>) attributes {dimension_semantics = [#tpu.dimension_semantics<core_parallel>, #tpu.dimension_semantics<subcore_parallel>], iteration_bounds = array<i64: 2, 16>, scalar_prefetch = 0 : i64, scratch_operands = 24 : i64, tpu.core_type = #tpu.core_type<sc_vector_subcore>, window_params = [{transform_indices = #map}, {transform_indices = #map1}, {transform_indices = #map}, {transform_indices = #map2}]} {
    %mul3A = arith.constant 640 : i32
    %mul3A_0 = arith.muli %arg1, %mul3A : i32
    %multiple_of3A = tpu.assume_multiple %mul3A_0, 8 : i32
    "tpu.region"() ({
      %run_scoped3A = tpu.sem_alloc : memref<!tpu.dma_semaphore, #tpu.memory_space<semaphore_mem>>
      %dma_start3A_135 = arith.constant 0 : i32
      %dma_start3A_136 = tpu.memref_slice %arg17[%multiple_of3A, %dma_start3A_135] : memref<10240x128xf32, #tpu.memory_space<vmem_shared>> -> memref<640x128xf32, #tpu.memory_space<vmem_shared>>
      %dma_start3A_137 = arith.constant 0 : i32
      %dma_start3A_138 = tpu.memref_slice %arg4[%multiple_of3A, %dma_start3A_137] : memref<10240x128xf32, #tpu.memory_space<hbm>> -> memref<640x128xf32, #tpu.memory_space<hbm>>
      tpu.enqueue_dma source(%dma_start3A_138 : memref<640x128xf32, #tpu.memory_space<hbm>>) target(%dma_start3A_136 : memref<640x128xf32, #tpu.memory_space<vmem_shared>>) target_semaphore(%run_scoped3A : memref<!tpu.dma_semaphore, #tpu.memory_space<semaphore_mem>>)
      %dma_wait3A_139 = arith.constant 0 : i32
      %dma_wait3A_140 = tpu.memref_slice %arg17[%multiple_of3A, %dma_wait3A_139] : memref<10240x128xf32, #tpu.memory_space<vmem_shared>> -> memref<640x128xf32, #tpu.memory_space<vmem_shared>>
      %dma_wait3A_141 = arith.constant 0 : i32
      %dma_wait3A_142 = tpu.memref_slice %arg4[%multiple_of3A, %dma_wait3A_141] : memref<10240x128xf32, #tpu.memory_space<hbm>> -> memref<640x128xf32, #tpu.memory_space<hbm>>
      tpu.wait_dma2 semaphore(%run_scoped3A : memref<!tpu.dma_semaphore, #tpu.memory_space<semaphore_mem>>) src(%dma_wait3A_142 : memref<640x128xf32, #tpu.memory_space<hbm>>) dst(%dma_wait3A_140 : memref<640x128xf32, #tpu.memory_space<vmem_shared>>)
      tpu.yield
    }) : () -> ()
    %mul3A_1 = arith.constant 16 : i32
    %mul3A_2 = arith.muli %arg0, %mul3A_1 : i32
    %add3A = arith.addi %mul3A_2, %arg1 : i32
    %mul3A_3 = arith.constant 10000 : i32
    %mul3A_4 = arith.muli %add3A, %mul3A_3 : i32
    %multiple_of3A_5 = tpu.assume_multiple %mul3A_4, 8 : i32
    "tpu.region"() ({
      %run_scoped3A = tpu.sem_alloc : memref<!tpu.dma_semaphore, #tpu.memory_space<semaphore_mem>>
      %dma_start3A_135 = tpu.memref_slice %arg3[%multiple_of3A_5] : memref<640000xi32, #tpu.memory_space<hbm>> -> memref<10000xi32, #tpu.memory_space<hbm>>
      %dma_start3A_136 = tpu.memref_slice %arg3[%multiple_of3A_5] : memref<640000xi32, #tpu.memory_space<hbm>> -> memref<10000xi32, #tpu.memory_space<hbm>>
      tpu.enqueue_dma source(%dma_start3A_136 : memref<10000xi32, #tpu.memory_space<hbm>>) target(%arg6 : memref<10000xi32, #tpu.memory_space<vmem>>) target_semaphore(%run_scoped3A : memref<!tpu.dma_semaphore, #tpu.memory_space<semaphore_mem>>)
      %dma_wait3A_137 = tpu.memref_slice %arg3[%multiple_of3A_5] : memref<640000xi32, #tpu.memory_space<hbm>> -> memref<10000xi32, #tpu.memory_space<hbm>>
      %dma_wait3A_138 = tpu.memref_slice %arg3[%multiple_of3A_5] : memref<640000xi32, #tpu.memory_space<hbm>> -> memref<10000xi32, #tpu.memory_space<hbm>>
      tpu.wait_dma2 semaphore(%run_scoped3A : memref<!tpu.dma_semaphore, #tpu.memory_space<semaphore_mem>>) src(%dma_wait3A_138 : memref<10000xi32, #tpu.memory_space<hbm>>) dst(%arg6 : memref<10000xi32, #tpu.memory_space<vmem>>)
      tpu.yield
    }) : () -> ()
    %barrier3A = arith.constant 0 : index
    tpu.barrier barrier_id(%barrier3A)
    %multiple_of3A_6 = arith.constant 0 : i32
    %multiple_of3A_7 = tpu.assume_multiple %multiple_of3A_6, 8 : i32
    %add3A_8 = arith.constant 320000 : i32
    %add3A_9 = arith.addi %add3A_8, %multiple_of3A_5 : i32
    %add3A_10 = arith.addi %add3A_9, %multiple_of3A_7 : i32
    %dma_start3A = tpu.memref_slice %arg3[%add3A_10] : memref<640000xi32, #tpu.memory_space<hbm>> -> memref<64xi32, #tpu.memory_space<hbm>>
    %dma_start3A_11 = tpu.memref_slice %arg3[%add3A_10] : memref<640000xi32, #tpu.memory_space<hbm>> -> memref<64xi32, #tpu.memory_space<hbm>>
    tpu.enqueue_dma source(%dma_start3A_11 : memref<64xi32, #tpu.memory_space<hbm>>) target(%arg7 : memref<64xi32, #tpu.memory_space<vmem>>) target_semaphore(%arg22 : memref<!tpu.dma_semaphore, #tpu.memory_space<semaphore_mem>>)
    %dma_start3A_12 = tpu.memref_slice %arg6[%multiple_of3A_7] : memref<10000xi32, #tpu.memory_space<vmem>> -> memref<64xi32, #tpu.memory_space<vmem>>
    %dma_start3A_13 = arith.constant 0 : i32
    %dma_start3A_14 = arith.constant 0 : i32
    %dma_start3A_15 = tpu.memref_slice %arg2[%dma_start3A_13, %dma_start3A_14] : memref<10000x128xf32, #tpu.memory_space<hbm>> -> memref<10000x128xf32, #tpu.memory_space<hbm>>
    tpu.enqueue_indirect_dma source(%dma_start3A_15 : memref<10000x128xf32, #tpu.memory_space<hbm>>) target(%arg11 : memref<64x128xf32, #tpu.memory_space<vmem>>) offsets(%dma_start3A_12 : memref<64xi32, #tpu.memory_space<vmem>>) semaphore(%arg18 : memref<!tpu.dma_semaphore, #tpu.memory_space<semaphore_mem>>)
    %multiple_of3A_16 = arith.constant 64 : i32
    %multiple_of3A_17 = tpu.assume_multiple %multiple_of3A_16, 8 : i32
    %add3A_18 = arith.constant 320000 : i32
    %add3A_19 = arith.addi %add3A_18, %multiple_of3A_5 : i32
    %add3A_20 = arith.addi %add3A_19, %multiple_of3A_17 : i32
    %dma_start3A_21 = tpu.memref_slice %arg3[%add3A_20] : memref<640000xi32, #tpu.memory_space<hbm>> -> memref<64xi32, #tpu.memory_space<hbm>>
    %dma_start3A_22 = tpu.memref_slice %arg3[%add3A_20] : memref<640000xi32, #tpu.memory_space<hbm>> -> memref<64xi32, #tpu.memory_space<hbm>>
    tpu.enqueue_dma source(%dma_start3A_22 : memref<64xi32, #tpu.memory_space<hbm>>) target(%arg8 : memref<64xi32, #tpu.memory_space<vmem>>) target_semaphore(%arg23 : memref<!tpu.dma_semaphore, #tpu.memory_space<semaphore_mem>>)
    %dma_start3A_23 = tpu.memref_slice %arg6[%multiple_of3A_17] : memref<10000xi32, #tpu.memory_space<vmem>> -> memref<64xi32, #tpu.memory_space<vmem>>
    %dma_start3A_24 = arith.constant 0 : i32
    %dma_start3A_25 = arith.constant 0 : i32
    %dma_start3A_26 = tpu.memref_slice %arg2[%dma_start3A_24, %dma_start3A_25] : memref<10000x128xf32, #tpu.memory_space<hbm>> -> memref<10000x128xf32, #tpu.memory_space<hbm>>
    tpu.enqueue_indirect_dma source(%dma_start3A_26 : memref<10000x128xf32, #tpu.memory_space<hbm>>) target(%arg12 : memref<64x128xf32, #tpu.memory_space<vmem>>) offsets(%dma_start3A_23 : memref<64xi32, #tpu.memory_space<vmem>>) semaphore(%arg19 : memref<!tpu.dma_semaphore, #tpu.memory_space<semaphore_mem>>)
    %multiple_of3A_27 = arith.constant 128 : i32
    %multiple_of3A_28 = tpu.assume_multiple %multiple_of3A_27, 8 : i32
    %add3A_29 = arith.constant 320000 : i32
    %add3A_30 = arith.addi %add3A_29, %multiple_of3A_5 : i32
    %add3A_31 = arith.addi %add3A_30, %multiple_of3A_28 : i32
    %dma_start3A_32 = tpu.memref_slice %arg3[%add3A_31] : memref<640000xi32, #tpu.memory_space<hbm>> -> memref<64xi32, #tpu.memory_space<hbm>>
    %dma_start3A_33 = tpu.memref_slice %arg3[%add3A_31] : memref<640000xi32, #tpu.memory_space<hbm>> -> memref<64xi32, #tpu.memory_space<hbm>>
    tpu.enqueue_dma source(%dma_start3A_33 : memref<64xi32, #tpu.memory_space<hbm>>) target(%arg9 : memref<64xi32, #tpu.memory_space<vmem>>) target_semaphore(%arg24 : memref<!tpu.dma_semaphore, #tpu.memory_space<semaphore_mem>>)
    %dma_start3A_34 = tpu.memref_slice %arg6[%multiple_of3A_28] : memref<10000xi32, #tpu.memory_space<vmem>> -> memref<64xi32, #tpu.memory_space<vmem>>
    %dma_start3A_35 = arith.constant 0 : i32
    %dma_start3A_36 = arith.constant 0 : i32
    %dma_start3A_37 = tpu.memref_slice %arg2[%dma_start3A_35, %dma_start3A_36] : memref<10000x128xf32, #tpu.memory_space<hbm>> -> memref<10000x128xf32, #tpu.memory_space<hbm>>
    tpu.enqueue_indirect_dma source(%dma_start3A_37 : memref<10000x128xf32, #tpu.memory_space<hbm>>) target(%arg13 : memref<64x128xf32, #tpu.memory_space<vmem>>) offsets(%dma_start3A_34 : memref<64xi32, #tpu.memory_space<vmem>>) semaphore(%arg20 : memref<!tpu.dma_semaphore, #tpu.memory_space<semaphore_mem>>)
    %multiple_of3A_38 = arith.constant 192 : i32
    %multiple_of3A_39 = tpu.assume_multiple %multiple_of3A_38, 8 : i32
    %add3A_40 = arith.constant 320000 : i32
    %add3A_41 = arith.addi %add3A_40, %multiple_of3A_5 : i32
    %add3A_42 = arith.addi %add3A_41, %multiple_of3A_39 : i32
    %dma_start3A_43 = tpu.memref_slice %arg3[%add3A_42] : memref<640000xi32, #tpu.memory_space<hbm>> -> memref<64xi32, #tpu.memory_space<hbm>>
    %dma_start3A_44 = tpu.memref_slice %arg3[%add3A_42] : memref<640000xi32, #tpu.memory_space<hbm>> -> memref<64xi32, #tpu.memory_space<hbm>>
    tpu.enqueue_dma source(%dma_start3A_44 : memref<64xi32, #tpu.memory_space<hbm>>) target(%arg10 : memref<64xi32, #tpu.memory_space<vmem>>) target_semaphore(%arg25 : memref<!tpu.dma_semaphore, #tpu.memory_space<semaphore_mem>>)
    %dma_start3A_45 = tpu.memref_slice %arg6[%multiple_of3A_39] : memref<10000xi32, #tpu.memory_space<vmem>> -> memref<64xi32, #tpu.memory_space<vmem>>
    %dma_start3A_46 = arith.constant 0 : i32
    %dma_start3A_47 = arith.constant 0 : i32
    %dma_start3A_48 = tpu.memref_slice %arg2[%dma_start3A_46, %dma_start3A_47] : memref<10000x128xf32, #tpu.memory_space<hbm>> -> memref<10000x128xf32, #tpu.memory_space<hbm>>
    tpu.enqueue_indirect_dma source(%dma_start3A_48 : memref<10000x128xf32, #tpu.memory_space<hbm>>) target(%arg14 : memref<64x128xf32, #tpu.memory_space<vmem>>) offsets(%dma_start3A_45 : memref<64xi32, #tpu.memory_space<vmem>>) semaphore(%arg21 : memref<!tpu.dma_semaphore, #tpu.memory_space<semaphore_mem>>)
    %scan3A = arith.constant 0 : i32
    %scan3A_49 = arith.constant 0 : i32
    %scan3A_50 = arith.constant 38 : i32
    %scan3A_51 = arith.addi %scan3A_49, %scan3A_50 : i32
    %scan3A_52 = arith.constant 1 : i32
    scf.for %scan3A_135 = %scan3A_49 to %scan3A_51 step %scan3A_52  : i32 {
      %mul3A_136 = arith.constant 4 : i32
      %mul3A_137 = arith.muli %mul3A_136, %scan3A_135 : i32
      %add3A_138 = arith.constant 0 : i32
      %add3A_139 = arith.addi %mul3A_137, %add3A_138 : i32
      %mul3A_140 = arith.constant 64 : i32
      %mul3A_141 = arith.muli %add3A_139, %mul3A_140 : i32
      %multiple_of3A_142 = tpu.assume_multiple %mul3A_141, 8 : i32
      %add3A_143 = arith.constant 320000 : i32
      %add3A_144 = arith.addi %add3A_143, %multiple_of3A_5 : i32
      %add3A_145 = arith.addi %add3A_144, %multiple_of3A_142 : i32
      %dma_wait3A_146 = tpu.memref_slice %arg3[%add3A_145] : memref<640000xi32, #tpu.memory_space<hbm>> -> memref<64xi32, #tpu.memory_space<hbm>>
      %dma_wait3A_147 = tpu.memref_slice %arg3[%add3A_145] : memref<640000xi32, #tpu.memory_space<hbm>> -> memref<64xi32, #tpu.memory_space<hbm>>
      tpu.wait_dma2 semaphore(%arg22 : memref<!tpu.dma_semaphore, #tpu.memory_space<semaphore_mem>>) src(%dma_wait3A_147 : memref<64xi32, #tpu.memory_space<hbm>>) dst(%arg7 : memref<64xi32, #tpu.memory_space<vmem>>)
      %dma_wait3A_148 = tpu.memref_slice %arg6[%multiple_of3A_142] : memref<10000xi32, #tpu.memory_space<vmem>> -> memref<64xi32, #tpu.memory_space<vmem>>
      %dma_wait3A_149 = arith.constant 0 : i32
      %dma_wait3A_150 = arith.constant 0 : i32
      %dma_wait3A_151 = tpu.memref_slice %arg2[%dma_wait3A_149, %dma_wait3A_150] : memref<10000x128xf32, #tpu.memory_space<hbm>> -> memref<10000x128xf32, #tpu.memory_space<hbm>>
      tpu.wait_indirect_dma semaphore(%arg18 : memref<!tpu.dma_semaphore, #tpu.memory_space<semaphore_mem>>) src(%dma_wait3A_151 : memref<10000x128xf32, #tpu.memory_space<hbm>>) dst(%arg11 : memref<64x128xf32, #tpu.memory_space<vmem>>)
      %dma_start3A_152 = arith.constant 0 : i32
      %dma_start3A_153 = arith.constant 0 : i32
      %dma_start3A_154 = tpu.memref_slice %arg17[%dma_start3A_152, %dma_start3A_153] : memref<10240x128xf32, #tpu.memory_space<vmem_shared>> -> memref<10240x128xf32, #tpu.memory_space<vmem_shared>>
      tpu.enqueue_indirect_dma source(%arg11 : memref<64x128xf32, #tpu.memory_space<vmem>>) target(%dma_start3A_154 : memref<10240x128xf32, #tpu.memory_space<vmem_shared>>) offsets(%arg7 : memref<64xi32, #tpu.memory_space<vmem>>) semaphore(%arg26 : memref<!tpu.dma_semaphore, #tpu.memory_space<semaphore_mem>>) {add = true}
      %mul3A_155 = arith.constant 4 : i32
      %mul3A_156 = arith.muli %mul3A_155, %scan3A_135 : i32
      %add3A_157 = arith.constant 1 : i32
      %add3A_158 = arith.addi %mul3A_156, %add3A_157 : i32
      %mul3A_159 = arith.constant 64 : i32
      %mul3A_160 = arith.muli %add3A_158, %mul3A_159 : i32
      %multiple_of3A_161 = tpu.assume_multiple %mul3A_160, 8 : i32
      %add3A_162 = arith.constant 320000 : i32
      %add3A_163 = arith.addi %add3A_162, %multiple_of3A_5 : i32
      %add3A_164 = arith.addi %add3A_163, %multiple_of3A_161 : i32
      %dma_wait3A_165 = tpu.memref_slice %arg3[%add3A_164] : memref<640000xi32, #tpu.memory_space<hbm>> -> memref<64xi32, #tpu.memory_space<hbm>>
      %dma_wait3A_166 = tpu.memref_slice %arg3[%add3A_164] : memref<640000xi32, #tpu.memory_space<hbm>> -> memref<64xi32, #tpu.memory_space<hbm>>
      tpu.wait_dma2 semaphore(%arg23 : memref<!tpu.dma_semaphore, #tpu.memory_space<semaphore_mem>>) src(%dma_wait3A_166 : memref<64xi32, #tpu.memory_space<hbm>>) dst(%arg8 : memref<64xi32, #tpu.memory_space<vmem>>)
      %dma_wait3A_167 = tpu.memref_slice %arg6[%multiple_of3A_161] : memref<10000xi32, #tpu.memory_space<vmem>> -> memref<64xi32, #tpu.memory_space<vmem>>
      %dma_wait3A_168 = arith.constant 0 : i32
      %dma_wait3A_169 = arith.constant 0 : i32
      %dma_wait3A_170 = tpu.memref_slice %arg2[%dma_wait3A_168, %dma_wait3A_169] : memref<10000x128xf32, #tpu.memory_space<hbm>> -> memref<10000x128xf32, #tpu.memory_space<hbm>>
      tpu.wait_indirect_dma semaphore(%arg19 : memref<!tpu.dma_semaphore, #tpu.memory_space<semaphore_mem>>) src(%dma_wait3A_170 : memref<10000x128xf32, #tpu.memory_space<hbm>>) dst(%arg12 : memref<64x128xf32, #tpu.memory_space<vmem>>)
      %dma_start3A_171 = arith.constant 0 : i32
      %dma_start3A_172 = arith.constant 0 : i32
      %dma_start3A_173 = tpu.memref_slice %arg17[%dma_start3A_171, %dma_start3A_172] : memref<10240x128xf32, #tpu.memory_space<vmem_shared>> -> memref<10240x128xf32, #tpu.memory_space<vmem_shared>>
      tpu.enqueue_indirect_dma source(%arg12 : memref<64x128xf32, #tpu.memory_space<vmem>>) target(%dma_start3A_173 : memref<10240x128xf32, #tpu.memory_space<vmem_shared>>) offsets(%arg8 : memref<64xi32, #tpu.memory_space<vmem>>) semaphore(%arg27 : memref<!tpu.dma_semaphore, #tpu.memory_space<semaphore_mem>>) {add = true}
      %dma_wait3A_174 = arith.constant 0 : i32
      %dma_wait3A_175 = arith.constant 0 : i32
      %dma_wait3A_176 = tpu.memref_slice %arg17[%dma_wait3A_174, %dma_wait3A_175] : memref<10240x128xf32, #tpu.memory_space<vmem_shared>> -> memref<10240x128xf32, #tpu.memory_space<vmem_shared>>
      tpu.wait_indirect_dma semaphore(%arg26 : memref<!tpu.dma_semaphore, #tpu.memory_space<semaphore_mem>>) src(%arg11 : memref<64x128xf32, #tpu.memory_space<vmem>>) dst(%dma_wait3A_176 : memref<10240x128xf32, #tpu.memory_space<vmem_shared>>)
      %mul3A_177 = arith.constant 4 : i32
      %mul3A_178 = arith.muli %mul3A_177, %scan3A_135 : i32
      %add3A_179 = arith.constant 4 : i32
      %add3A_180 = arith.addi %mul3A_178, %add3A_179 : i32
      %mul3A_181 = arith.constant 64 : i32
      %mul3A_182 = arith.muli %add3A_180, %mul3A_181 : i32
      %multiple_of3A_183 = tpu.assume_multiple %mul3A_182, 8 : i32
      %add3A_184 = arith.constant 320000 : i32
      %add3A_185 = arith.addi %add3A_184, %multiple_of3A_5 : i32
      %add3A_186 = arith.addi %add3A_185, %multiple_of3A_183 : i32
      %dma_start3A_187 = tpu.memref_slice %arg3[%add3A_186] : memref<640000xi32, #tpu.memory_space<hbm>> -> memref<64xi32, #tpu.memory_space<hbm>>
      %dma_start3A_188 = tpu.memref_slice %arg3[%add3A_186] : memref<640000xi32, #tpu.memory_space<hbm>> -> memref<64xi32, #tpu.memory_space<hbm>>
      tpu.enqueue_dma source(%dma_start3A_188 : memref<64xi32, #tpu.memory_space<hbm>>) target(%arg7 : memref<64xi32, #tpu.memory_space<vmem>>) target_semaphore(%arg22 : memref<!tpu.dma_semaphore, #tpu.memory_space<semaphore_mem>>)
      %dma_start3A_189 = tpu.memref_slice %arg6[%multiple_of3A_183] : memref<10000xi32, #tpu.memory_space<vmem>> -> memref<64xi32, #tpu.memory_space<vmem>>
      %dma_start3A_190 = arith.constant 0 : i32
      %dma_start3A_191 = arith.constant 0 : i32
      %dma_start3A_192 = tpu.memref_slice %arg2[%dma_start3A_190, %dma_start3A_191] : memref<10000x128xf32, #tpu.memory_space<hbm>> -> memref<10000x128xf32, #tpu.memory_space<hbm>>
      tpu.enqueue_indirect_dma source(%dma_start3A_192 : memref<10000x128xf32, #tpu.memory_space<hbm>>) target(%arg11 : memref<64x128xf32, #tpu.memory_space<vmem>>) offsets(%dma_start3A_189 : memref<64xi32, #tpu.memory_space<vmem>>) semaphore(%arg18 : memref<!tpu.dma_semaphore, #tpu.memory_space<semaphore_mem>>)
      %mul3A_193 = arith.constant 4 : i32
      %mul3A_194 = arith.muli %mul3A_193, %scan3A_135 : i32
      %add3A_195 = arith.constant 2 : i32
      %add3A_196 = arith.addi %mul3A_194, %add3A_195 : i32
      %mul3A_197 = arith.constant 64 : i32
      %mul3A_198 = arith.muli %add3A_196, %mul3A_197 : i32
      %multiple_of3A_199 = tpu.assume_multiple %mul3A_198, 8 : i32
      %add3A_200 = arith.constant 320000 : i32
      %add3A_201 = arith.addi %add3A_200, %multiple_of3A_5 : i32
      %add3A_202 = arith.addi %add3A_201, %multiple_of3A_199 : i32
      %dma_wait3A_203 = tpu.memref_slice %arg3[%add3A_202] : memref<640000xi32, #tpu.memory_space<hbm>> -> memref<64xi32, #tpu.memory_space<hbm>>
      %dma_wait3A_204 = tpu.memref_slice %arg3[%add3A_202] : memref<640000xi32, #tpu.memory_space<hbm>> -> memref<64xi32, #tpu.memory_space<hbm>>
      tpu.wait_dma2 semaphore(%arg24 : memref<!tpu.dma_semaphore, #tpu.memory_space<semaphore_mem>>) src(%dma_wait3A_204 : memref<64xi32, #tpu.memory_space<hbm>>) dst(%arg9 : memref<64xi32, #tpu.memory_space<vmem>>)
      %dma_wait3A_205 = tpu.memref_slice %arg6[%multiple_of3A_199] : memref<10000xi32, #tpu.memory_space<vmem>> -> memref<64xi32, #tpu.memory_space<vmem>>
      %dma_wait3A_206 = arith.constant 0 : i32
      %dma_wait3A_207 = arith.constant 0 : i32
      %dma_wait3A_208 = tpu.memref_slice %arg2[%dma_wait3A_206, %dma_wait3A_207] : memref<10000x128xf32, #tpu.memory_space<hbm>> -> memref<10000x128xf32, #tpu.memory_space<hbm>>
      tpu.wait_indirect_dma semaphore(%arg20 : memref<!tpu.dma_semaphore, #tpu.memory_space<semaphore_mem>>) src(%dma_wait3A_208 : memref<10000x128xf32, #tpu.memory_space<hbm>>) dst(%arg13 : memref<64x128xf32, #tpu.memory_space<vmem>>)
      %dma_start3A_209 = arith.constant 0 : i32
      %dma_start3A_210 = arith.constant 0 : i32
      %dma_start3A_211 = tpu.memref_slice %arg17[%dma_start3A_209, %dma_start3A_210] : memref<10240x128xf32, #tpu.memory_space<vmem_shared>> -> memref<10240x128xf32, #tpu.memory_space<vmem_shared>>
      tpu.enqueue_indirect_dma source(%arg13 : memref<64x128xf32, #tpu.memory_space<vmem>>) target(%dma_start3A_211 : memref<10240x128xf32, #tpu.memory_space<vmem_shared>>) offsets(%arg9 : memref<64xi32, #tpu.memory_space<vmem>>) semaphore(%arg28 : memref<!tpu.dma_semaphore, #tpu.memory_space<semaphore_mem>>) {add = true}
      %dma_wait3A_212 = arith.constant 0 : i32
      %dma_wait3A_213 = arith.constant 0 : i32
      %dma_wait3A_214 = tpu.memref_slice %arg17[%dma_wait3A_212, %dma_wait3A_213] : memref<10240x128xf32, #tpu.memory_space<vmem_shared>> -> memref<10240x128xf32, #tpu.memory_space<vmem_shared>>
      tpu.wait_indirect_dma semaphore(%arg27 : memref<!tpu.dma_semaphore, #tpu.memory_space<semaphore_mem>>) src(%arg12 : memref<64x128xf32, #tpu.memory_space<vmem>>) dst(%dma_wait3A_214 : memref<10240x128xf32, #tpu.memory_space<vmem_shared>>)
      %mul3A_215 = arith.constant 4 : i32
      %mul3A_216 = arith.muli %mul3A_215, %scan3A_135 : i32
      %add3A_217 = arith.constant 5 : i32
      %add3A_218 = arith.addi %mul3A_216, %add3A_217 : i32
      %mul3A_219 = arith.constant 64 : i32
      %mul3A_220 = arith.muli %add3A_218, %mul3A_219 : i32
      %multiple_of3A_221 = tpu.assume_multiple %mul3A_220, 8 : i32
      %add3A_222 = arith.constant 320000 : i32
      %add3A_223 = arith.addi %add3A_222, %multiple_of3A_5 : i32
      %add3A_224 = arith.addi %add3A_223, %multiple_of3A_221 : i32
      %dma_start3A_225 = tpu.memref_slice %arg3[%add3A_224] : memref<640000xi32, #tpu.memory_space<hbm>> -> memref<64xi32, #tpu.memory_space<hbm>>
      %dma_start3A_226 = tpu.memref_slice %arg3[%add3A_224] : memref<640000xi32, #tpu.memory_space<hbm>> -> memref<64xi32, #tpu.memory_space<hbm>>
      tpu.enqueue_dma source(%dma_start3A_226 : memref<64xi32, #tpu.memory_space<hbm>>) target(%arg8 : memref<64xi32, #tpu.memory_space<vmem>>) target_semaphore(%arg23 : memref<!tpu.dma_semaphore, #tpu.memory_space<semaphore_mem>>)
      %dma_start3A_227 = tpu.memref_slice %arg6[%multiple_of3A_221] : memref<10000xi32, #tpu.memory_space<vmem>> -> memref<64xi32, #tpu.memory_space<vmem>>
      %dma_start3A_228 = arith.constant 0 : i32
      %dma_start3A_229 = arith.constant 0 : i32
      %dma_start3A_230 = tpu.memref_slice %arg2[%dma_start3A_228, %dma_start3A_229] : memref<10000x128xf32, #tpu.memory_space<hbm>> -> memref<10000x128xf32, #tpu.memory_space<hbm>>
      tpu.enqueue_indirect_dma source(%dma_start3A_230 : memref<10000x128xf32, #tpu.memory_space<hbm>>) target(%arg12 : memref<64x128xf32, #tpu.memory_space<vmem>>) offsets(%dma_start3A_227 : memref<64xi32, #tpu.memory_space<vmem>>) semaphore(%arg19 : memref<!tpu.dma_semaphore, #tpu.memory_space<semaphore_mem>>)
      %mul3A_231 = arith.constant 4 : i32
      %mul3A_232 = arith.muli %mul3A_231, %scan3A_135 : i32
      %add3A_233 = arith.constant 3 : i32
      %add3A_234 = arith.addi %mul3A_232, %add3A_233 : i32
      %mul3A_235 = arith.constant 64 : i32
      %mul3A_236 = arith.muli %add3A_234, %mul3A_235 : i32
      %multiple_of3A_237 = tpu.assume_multiple %mul3A_236, 8 : i32
      %add3A_238 = arith.constant 320000 : i32
      %add3A_239 = arith.addi %add3A_238, %multiple_of3A_5 : i32
      %add3A_240 = arith.addi %add3A_239, %multiple_of3A_237 : i32
      %dma_wait3A_241 = tpu.memref_slice %arg3[%add3A_240] : memref<640000xi32, #tpu.memory_space<hbm>> -> memref<64xi32, #tpu.memory_space<hbm>>
      %dma_wait3A_242 = tpu.memref_slice %arg3[%add3A_240] : memref<640000xi32, #tpu.memory_space<hbm>> -> memref<64xi32, #tpu.memory_space<hbm>>
      tpu.wait_dma2 semaphore(%arg25 : memref<!tpu.dma_semaphore, #tpu.memory_space<semaphore_mem>>) src(%dma_wait3A_242 : memref<64xi32, #tpu.memory_space<hbm>>) dst(%arg10 : memref<64xi32, #tpu.memory_space<vmem>>)
      %dma_wait3A_243 = tpu.memref_slice %arg6[%multiple_of3A_237] : memref<10000xi32, #tpu.memory_space<vmem>> -> memref<64xi32, #tpu.memory_space<vmem>>
      %dma_wait3A_244 = arith.constant 0 : i32
      %dma_wait3A_245 = arith.constant 0 : i32
      %dma_wait3A_246 = tpu.memref_slice %arg2[%dma_wait3A_244, %dma_wait3A_245] : memref<10000x128xf32, #tpu.memory_space<hbm>> -> memref<10000x128xf32, #tpu.memory_space<hbm>>
      tpu.wait_indirect_dma semaphore(%arg21 : memref<!tpu.dma_semaphore, #tpu.memory_space<semaphore_mem>>) src(%dma_wait3A_246 : memref<10000x128xf32, #tpu.memory_space<hbm>>) dst(%arg14 : memref<64x128xf32, #tpu.memory_space<vmem>>)
      %dma_start3A_247 = arith.constant 0 : i32
      %dma_start3A_248 = arith.constant 0 : i32
      %dma_start3A_249 = tpu.memref_slice %arg17[%dma_start3A_247, %dma_start3A_248] : memref<10240x128xf32, #tpu.memory_space<vmem_shared>> -> memref<10240x128xf32, #tpu.memory_space<vmem_shared>>
      tpu.enqueue_indirect_dma source(%arg14 : memref<64x128xf32, #tpu.memory_space<vmem>>) target(%dma_start3A_249 : memref<10240x128xf32, #tpu.memory_space<vmem_shared>>) offsets(%arg10 : memref<64xi32, #tpu.memory_space<vmem>>) semaphore(%arg29 : memref<!tpu.dma_semaphore, #tpu.memory_space<semaphore_mem>>) {add = true}
      %dma_wait3A_250 = arith.constant 0 : i32
      %dma_wait3A_251 = arith.constant 0 : i32
      %dma_wait3A_252 = tpu.memref_slice %arg17[%dma_wait3A_250, %dma_wait3A_251] : memref<10240x128xf32, #tpu.memory_space<vmem_shared>> -> memref<10240x128xf32, #tpu.memory_space<vmem_shared>>
      tpu.wait_indirect_dma semaphore(%arg28 : memref<!tpu.dma_semaphore, #tpu.memory_space<semaphore_mem>>) src(%arg13 : memref<64x128xf32, #tpu.memory_space<vmem>>) dst(%dma_wait3A_252 : memref<10240x128xf32, #tpu.memory_space<vmem_shared>>)
      %mul3A_253 = arith.constant 4 : i32
      %mul3A_254 = arith.muli %mul3A_253, %scan3A_135 : i32
      %add3A_255 = arith.constant 6 : i32
      %add3A_256 = arith.addi %mul3A_254, %add3A_255 : i32
      %mul3A_257 = arith.constant 64 : i32
      %mul3A_258 = arith.muli %add3A_256, %mul3A_257 : i32
      %multiple_of3A_259 = tpu.assume_multiple %mul3A_258, 8 : i32
      %add3A_260 = arith.constant 320000 : i32
      %add3A_261 = arith.addi %add3A_260, %multiple_of3A_5 : i32
      %add3A_262 = arith.addi %add3A_261, %multiple_of3A_259 : i32
      %dma_start3A_263 = tpu.memref_slice %arg3[%add3A_262] : memref<640000xi32, #tpu.memory_space<hbm>> -> memref<64xi32, #tpu.memory_space<hbm>>
      %dma_start3A_264 = tpu.memref_slice %arg3[%add3A_262] : memref<640000xi32, #tpu.memory_space<hbm>> -> memref<64xi32, #tpu.memory_space<hbm>>
      tpu.enqueue_dma source(%dma_start3A_264 : memref<64xi32, #tpu.memory_space<hbm>>) target(%arg9 : memref<64xi32, #tpu.memory_space<vmem>>) target_semaphore(%arg24 : memref<!tpu.dma_semaphore, #tpu.memory_space<semaphore_mem>>)
      %dma_start3A_265 = tpu.memref_slice %arg6[%multiple_of3A_259] : memref<10000xi32, #tpu.memory_space<vmem>> -> memref<64xi32, #tpu.memory_space<vmem>>
      %dma_start3A_266 = arith.constant 0 : i32
      %dma_start3A_267 = arith.constant 0 : i32
      %dma_start3A_268 = tpu.memref_slice %arg2[%dma_start3A_266, %dma_start3A_267] : memref<10000x128xf32, #tpu.memory_space<hbm>> -> memref<10000x128xf32, #tpu.memory_space<hbm>>
      tpu.enqueue_indirect_dma source(%dma_start3A_268 : memref<10000x128xf32, #tpu.memory_space<hbm>>) target(%arg13 : memref<64x128xf32, #tpu.memory_space<vmem>>) offsets(%dma_start3A_265 : memref<64xi32, #tpu.memory_space<vmem>>) semaphore(%arg20 : memref<!tpu.dma_semaphore, #tpu.memory_space<semaphore_mem>>)
      %dma_wait3A_269 = arith.constant 0 : i32
      %dma_wait3A_270 = arith.constant 0 : i32
      %dma_wait3A_271 = tpu.memref_slice %arg17[%dma_wait3A_269, %dma_wait3A_270] : memref<10240x128xf32, #tpu.memory_space<vmem_shared>> -> memref<10240x128xf32, #tpu.memory_space<vmem_shared>>
      tpu.wait_indirect_dma semaphore(%arg29 : memref<!tpu.dma_semaphore, #tpu.memory_space<semaphore_mem>>) src(%arg14 : memref<64x128xf32, #tpu.memory_space<vmem>>) dst(%dma_wait3A_271 : memref<10240x128xf32, #tpu.memory_space<vmem_shared>>)
      %mul3A_272 = arith.constant 4 : i32
      %mul3A_273 = arith.muli %mul3A_272, %scan3A_135 : i32
      %add3A_274 = arith.constant 7 : i32
      %add3A_275 = arith.addi %mul3A_273, %add3A_274 : i32
      %mul3A_276 = arith.constant 64 : i32
      %mul3A_277 = arith.muli %add3A_275, %mul3A_276 : i32
      %multiple_of3A_278 = tpu.assume_multiple %mul3A_277, 8 : i32
      %add3A_279 = arith.constant 320000 : i32
      %add3A_280 = arith.addi %add3A_279, %multiple_of3A_5 : i32
      %add3A_281 = arith.addi %add3A_280, %multiple_of3A_278 : i32
      %dma_start3A_282 = tpu.memref_slice %arg3[%add3A_281] : memref<640000xi32, #tpu.memory_space<hbm>> -> memref<64xi32, #tpu.memory_space<hbm>>
      %dma_start3A_283 = tpu.memref_slice %arg3[%add3A_281] : memref<640000xi32, #tpu.memory_space<hbm>> -> memref<64xi32, #tpu.memory_space<hbm>>
      tpu.enqueue_dma source(%dma_start3A_283 : memref<64xi32, #tpu.memory_space<hbm>>) target(%arg10 : memref<64xi32, #tpu.memory_space<vmem>>) target_semaphore(%arg25 : memref<!tpu.dma_semaphore, #tpu.memory_space<semaphore_mem>>)
      %dma_start3A_284 = tpu.memref_slice %arg6[%multiple_of3A_278] : memref<10000xi32, #tpu.memory_space<vmem>> -> memref<64xi32, #tpu.memory_space<vmem>>
      %dma_start3A_285 = arith.constant 0 : i32
      %dma_start3A_286 = arith.constant 0 : i32
      %dma_start3A_287 = tpu.memref_slice %arg2[%dma_start3A_285, %dma_start3A_286] : memref<10000x128xf32, #tpu.memory_space<hbm>> -> memref<10000x128xf32, #tpu.memory_space<hbm>>
      tpu.enqueue_indirect_dma source(%dma_start3A_287 : memref<10000x128xf32, #tpu.memory_space<hbm>>) target(%arg14 : memref<64x128xf32, #tpu.memory_space<vmem>>) offsets(%dma_start3A_284 : memref<64xi32, #tpu.memory_space<vmem>>) semaphore(%arg21 : memref<!tpu.dma_semaphore, #tpu.memory_space<semaphore_mem>>)
    }
    %scan3A_53 = arith.constant 38 : i32
    %multiple_of3A_54 = arith.constant 9728 : i32
    %multiple_of3A_55 = tpu.assume_multiple %multiple_of3A_54, 8 : i32
    %add3A_56 = arith.constant 320000 : i32
    %add3A_57 = arith.addi %add3A_56, %multiple_of3A_5 : i32
    %add3A_58 = arith.addi %add3A_57, %multiple_of3A_55 : i32
    %dma_wait3A = tpu.memref_slice %arg3[%add3A_58] : memref<640000xi32, #tpu.memory_space<hbm>> -> memref<64xi32, #tpu.memory_space<hbm>>
    %dma_wait3A_59 = tpu.memref_slice %arg3[%add3A_58] : memref<640000xi32, #tpu.memory_space<hbm>> -> memref<64xi32, #tpu.memory_space<hbm>>
    tpu.wait_dma2 semaphore(%arg22 : memref<!tpu.dma_semaphore, #tpu.memory_space<semaphore_mem>>) src(%dma_wait3A_59 : memref<64xi32, #tpu.memory_space<hbm>>) dst(%arg7 : memref<64xi32, #tpu.memory_space<vmem>>)
    %dma_wait3A_60 = tpu.memref_slice %arg6[%multiple_of3A_55] : memref<10000xi32, #tpu.memory_space<vmem>> -> memref<64xi32, #tpu.memory_space<vmem>>
    %dma_wait3A_61 = arith.constant 0 : i32
    %dma_wait3A_62 = arith.constant 0 : i32
    %dma_wait3A_63 = tpu.memref_slice %arg2[%dma_wait3A_61, %dma_wait3A_62] : memref<10000x128xf32, #tpu.memory_space<hbm>> -> memref<10000x128xf32, #tpu.memory_space<hbm>>
    tpu.wait_indirect_dma semaphore(%arg18 : memref<!tpu.dma_semaphore, #tpu.memory_space<semaphore_mem>>) src(%dma_wait3A_63 : memref<10000x128xf32, #tpu.memory_space<hbm>>) dst(%arg11 : memref<64x128xf32, #tpu.memory_space<vmem>>)
    %dma_start3A_64 = arith.constant 0 : i32
    %dma_start3A_65 = arith.constant 0 : i32
    %dma_start3A_66 = tpu.memref_slice %arg17[%dma_start3A_64, %dma_start3A_65] : memref<10240x128xf32, #tpu.memory_space<vmem_shared>> -> memref<10240x128xf32, #tpu.memory_space<vmem_shared>>
    tpu.enqueue_indirect_dma source(%arg11 : memref<64x128xf32, #tpu.memory_space<vmem>>) target(%dma_start3A_66 : memref<10240x128xf32, #tpu.memory_space<vmem_shared>>) offsets(%arg7 : memref<64xi32, #tpu.memory_space<vmem>>) semaphore(%arg26 : memref<!tpu.dma_semaphore, #tpu.memory_space<semaphore_mem>>) {add = true}
    %multiple_of3A_67 = arith.constant 9792 : i32
    %multiple_of3A_68 = tpu.assume_multiple %multiple_of3A_67, 8 : i32
    %add3A_69 = arith.constant 320000 : i32
    %add3A_70 = arith.addi %add3A_69, %multiple_of3A_5 : i32
    %add3A_71 = arith.addi %add3A_70, %multiple_of3A_68 : i32
    %dma_wait3A_72 = tpu.memref_slice %arg3[%add3A_71] : memref<640000xi32, #tpu.memory_space<hbm>> -> memref<64xi32, #tpu.memory_space<hbm>>
    %dma_wait3A_73 = tpu.memref_slice %arg3[%add3A_71] : memref<640000xi32, #tpu.memory_space<hbm>> -> memref<64xi32, #tpu.memory_space<hbm>>
    tpu.wait_dma2 semaphore(%arg23 : memref<!tpu.dma_semaphore, #tpu.memory_space<semaphore_mem>>) src(%dma_wait3A_73 : memref<64xi32, #tpu.memory_space<hbm>>) dst(%arg8 : memref<64xi32, #tpu.memory_space<vmem>>)
    %dma_wait3A_74 = tpu.memref_slice %arg6[%multiple_of3A_68] : memref<10000xi32, #tpu.memory_space<vmem>> -> memref<64xi32, #tpu.memory_space<vmem>>
    %dma_wait3A_75 = arith.constant 0 : i32
    %dma_wait3A_76 = arith.constant 0 : i32
    %dma_wait3A_77 = tpu.memref_slice %arg2[%dma_wait3A_75, %dma_wait3A_76] : memref<10000x128xf32, #tpu.memory_space<hbm>> -> memref<10000x128xf32, #tpu.memory_space<hbm>>
    tpu.wait_indirect_dma semaphore(%arg19 : memref<!tpu.dma_semaphore, #tpu.memory_space<semaphore_mem>>) src(%dma_wait3A_77 : memref<10000x128xf32, #tpu.memory_space<hbm>>) dst(%arg12 : memref<64x128xf32, #tpu.memory_space<vmem>>)
    %dma_start3A_78 = arith.constant 0 : i32
    %dma_start3A_79 = arith.constant 0 : i32
    %dma_start3A_80 = tpu.memref_slice %arg17[%dma_start3A_78, %dma_start3A_79] : memref<10240x128xf32, #tpu.memory_space<vmem_shared>> -> memref<10240x128xf32, #tpu.memory_space<vmem_shared>>
    tpu.enqueue_indirect_dma source(%arg12 : memref<64x128xf32, #tpu.memory_space<vmem>>) target(%dma_start3A_80 : memref<10240x128xf32, #tpu.memory_space<vmem_shared>>) offsets(%arg8 : memref<64xi32, #tpu.memory_space<vmem>>) semaphore(%arg27 : memref<!tpu.dma_semaphore, #tpu.memory_space<semaphore_mem>>) {add = true}
    %dma_wait3A_81 = arith.constant 0 : i32
    %dma_wait3A_82 = arith.constant 0 : i32
    %dma_wait3A_83 = tpu.memref_slice %arg17[%dma_wait3A_81, %dma_wait3A_82] : memref<10240x128xf32, #tpu.memory_space<vmem_shared>> -> memref<10240x128xf32, #tpu.memory_space<vmem_shared>>
    tpu.wait_indirect_dma semaphore(%arg26 : memref<!tpu.dma_semaphore, #tpu.memory_space<semaphore_mem>>) src(%arg11 : memref<64x128xf32, #tpu.memory_space<vmem>>) dst(%dma_wait3A_83 : memref<10240x128xf32, #tpu.memory_space<vmem_shared>>)
    %multiple_of3A_84 = arith.constant 9856 : i32
    %multiple_of3A_85 = tpu.assume_multiple %multiple_of3A_84, 8 : i32
    %add3A_86 = arith.constant 320000 : i32
    %add3A_87 = arith.addi %add3A_86, %multiple_of3A_5 : i32
    %add3A_88 = arith.addi %add3A_87, %multiple_of3A_85 : i32
    %dma_wait3A_89 = tpu.memref_slice %arg3[%add3A_88] : memref<640000xi32, #tpu.memory_space<hbm>> -> memref<64xi32, #tpu.memory_space<hbm>>
    %dma_wait3A_90 = tpu.memref_slice %arg3[%add3A_88] : memref<640000xi32, #tpu.memory_space<hbm>> -> memref<64xi32, #tpu.memory_space<hbm>>
    tpu.wait_dma2 semaphore(%arg24 : memref<!tpu.dma_semaphore, #tpu.memory_space<semaphore_mem>>) src(%dma_wait3A_90 : memref<64xi32, #tpu.memory_space<hbm>>) dst(%arg9 : memref<64xi32, #tpu.memory_space<vmem>>)
    %dma_wait3A_91 = tpu.memref_slice %arg6[%multiple_of3A_85] : memref<10000xi32, #tpu.memory_space<vmem>> -> memref<64xi32, #tpu.memory_space<vmem>>
    %dma_wait3A_92 = arith.constant 0 : i32
    %dma_wait3A_93 = arith.constant 0 : i32
    %dma_wait3A_94 = tpu.memref_slice %arg2[%dma_wait3A_92, %dma_wait3A_93] : memref<10000x128xf32, #tpu.memory_space<hbm>> -> memref<10000x128xf32, #tpu.memory_space<hbm>>
    tpu.wait_indirect_dma semaphore(%arg20 : memref<!tpu.dma_semaphore, #tpu.memory_space<semaphore_mem>>) src(%dma_wait3A_94 : memref<10000x128xf32, #tpu.memory_space<hbm>>) dst(%arg13 : memref<64x128xf32, #tpu.memory_space<vmem>>)
    %dma_start3A_95 = arith.constant 0 : i32
    %dma_start3A_96 = arith.constant 0 : i32
    %dma_start3A_97 = tpu.memref_slice %arg17[%dma_start3A_95, %dma_start3A_96] : memref<10240x128xf32, #tpu.memory_space<vmem_shared>> -> memref<10240x128xf32, #tpu.memory_space<vmem_shared>>
    tpu.enqueue_indirect_dma source(%arg13 : memref<64x128xf32, #tpu.memory_space<vmem>>) target(%dma_start3A_97 : memref<10240x128xf32, #tpu.memory_space<vmem_shared>>) offsets(%arg9 : memref<64xi32, #tpu.memory_space<vmem>>) semaphore(%arg28 : memref<!tpu.dma_semaphore, #tpu.memory_space<semaphore_mem>>) {add = true}
    %dma_wait3A_98 = arith.constant 0 : i32
    %dma_wait3A_99 = arith.constant 0 : i32
    %dma_wait3A_100 = tpu.memref_slice %arg17[%dma_wait3A_98, %dma_wait3A_99] : memref<10240x128xf32, #tpu.memory_space<vmem_shared>> -> memref<10240x128xf32, #tpu.memory_space<vmem_shared>>
    tpu.wait_indirect_dma semaphore(%arg27 : memref<!tpu.dma_semaphore, #tpu.memory_space<semaphore_mem>>) src(%arg12 : memref<64x128xf32, #tpu.memory_space<vmem>>) dst(%dma_wait3A_100 : memref<10240x128xf32, #tpu.memory_space<vmem_shared>>)
    %multiple_of3A_101 = arith.constant 9920 : i32
    %multiple_of3A_102 = tpu.assume_multiple %multiple_of3A_101, 8 : i32
    %add3A_103 = arith.constant 320000 : i32
    %add3A_104 = arith.addi %add3A_103, %multiple_of3A_5 : i32
    %add3A_105 = arith.addi %add3A_104, %multiple_of3A_102 : i32
    %dma_wait3A_106 = tpu.memref_slice %arg3[%add3A_105] : memref<640000xi32, #tpu.memory_space<hbm>> -> memref<64xi32, #tpu.memory_space<hbm>>
    %dma_wait3A_107 = tpu.memref_slice %arg3[%add3A_105] : memref<640000xi32, #tpu.memory_space<hbm>> -> memref<64xi32, #tpu.memory_space<hbm>>
    tpu.wait_dma2 semaphore(%arg25 : memref<!tpu.dma_semaphore, #tpu.memory_space<semaphore_mem>>) src(%dma_wait3A_107 : memref<64xi32, #tpu.memory_space<hbm>>) dst(%arg10 : memref<64xi32, #tpu.memory_space<vmem>>)
    %dma_wait3A_108 = tpu.memref_slice %arg6[%multiple_of3A_102] : memref<10000xi32, #tpu.memory_space<vmem>> -> memref<64xi32, #tpu.memory_space<vmem>>
    %dma_wait3A_109 = arith.constant 0 : i32
    %dma_wait3A_110 = arith.constant 0 : i32
    %dma_wait3A_111 = tpu.memref_slice %arg2[%dma_wait3A_109, %dma_wait3A_110] : memref<10000x128xf32, #tpu.memory_space<hbm>> -> memref<10000x128xf32, #tpu.memory_space<hbm>>
    tpu.wait_indirect_dma semaphore(%arg21 : memref<!tpu.dma_semaphore, #tpu.memory_space<semaphore_mem>>) src(%dma_wait3A_111 : memref<10000x128xf32, #tpu.memory_space<hbm>>) dst(%arg14 : memref<64x128xf32, #tpu.memory_space<vmem>>)
    %dma_start3A_112 = arith.constant 0 : i32
    %dma_start3A_113 = arith.constant 0 : i32
    %dma_start3A_114 = tpu.memref_slice %arg17[%dma_start3A_112, %dma_start3A_113] : memref<10240x128xf32, #tpu.memory_space<vmem_shared>> -> memref<10240x128xf32, #tpu.memory_space<vmem_shared>>
    tpu.enqueue_indirect_dma source(%arg14 : memref<64x128xf32, #tpu.memory_space<vmem>>) target(%dma_start3A_114 : memref<10240x128xf32, #tpu.memory_space<vmem_shared>>) offsets(%arg10 : memref<64xi32, #tpu.memory_space<vmem>>) semaphore(%arg29 : memref<!tpu.dma_semaphore, #tpu.memory_space<semaphore_mem>>) {add = true}
    %dma_wait3A_115 = arith.constant 0 : i32
    %dma_wait3A_116 = arith.constant 0 : i32
    %dma_wait3A_117 = tpu.memref_slice %arg17[%dma_wait3A_115, %dma_wait3A_116] : memref<10240x128xf32, #tpu.memory_space<vmem_shared>> -> memref<10240x128xf32, #tpu.memory_space<vmem_shared>>
    tpu.wait_indirect_dma semaphore(%arg28 : memref<!tpu.dma_semaphore, #tpu.memory_space<semaphore_mem>>) src(%arg13 : memref<64x128xf32, #tpu.memory_space<vmem>>) dst(%dma_wait3A_117 : memref<10240x128xf32, #tpu.memory_space<vmem_shared>>)
    %dma_wait3A_118 = arith.constant 0 : i32
    %dma_wait3A_119 = arith.constant 0 : i32
    %dma_wait3A_120 = tpu.memref_slice %arg17[%dma_wait3A_118, %dma_wait3A_119] : memref<10240x128xf32, #tpu.memory_space<vmem_shared>> -> memref<10240x128xf32, #tpu.memory_space<vmem_shared>>
    tpu.wait_indirect_dma semaphore(%arg29 : memref<!tpu.dma_semaphore, #tpu.memory_space<semaphore_mem>>) src(%arg14 : memref<64x128xf32, #tpu.memory_space<vmem>>) dst(%dma_wait3A_120 : memref<10240x128xf32, #tpu.memory_space<vmem_shared>>)
    %multiple_of3A_121 = arith.constant 9984 : i32
    %multiple_of3A_122 = tpu.assume_multiple %multiple_of3A_121, 8 : i32
    %add3A_123 = arith.constant 320000 : i32
    %add3A_124 = arith.addi %add3A_123, %multiple_of3A_5 : i32
    %add3A_125 = arith.addi %add3A_124, %multiple_of3A_122 : i32
    "tpu.region"() ({
      %run_scoped3A = tpu.sem_alloc : memref<!tpu.dma_semaphore, #tpu.memory_space<semaphore_mem>>
      %dma_start3A_135 = tpu.memref_slice %arg3[%add3A_125] : memref<640000xi32, #tpu.memory_space<hbm>> -> memref<16xi32, #tpu.memory_space<hbm>>
      %dma_start3A_136 = tpu.memref_slice %arg3[%add3A_125] : memref<640000xi32, #tpu.memory_space<hbm>> -> memref<16xi32, #tpu.memory_space<hbm>>
      tpu.enqueue_dma source(%dma_start3A_136 : memref<16xi32, #tpu.memory_space<hbm>>) target(%arg16 : memref<16xi32, #tpu.memory_space<vmem>>) target_semaphore(%run_scoped3A : memref<!tpu.dma_semaphore, #tpu.memory_space<semaphore_mem>>)
      %dma_wait3A_137 = tpu.memref_slice %arg3[%add3A_125] : memref<640000xi32, #tpu.memory_space<hbm>> -> memref<16xi32, #tpu.memory_space<hbm>>
      %dma_wait3A_138 = tpu.memref_slice %arg3[%add3A_125] : memref<640000xi32, #tpu.memory_space<hbm>> -> memref<16xi32, #tpu.memory_space<hbm>>
      tpu.wait_dma2 semaphore(%run_scoped3A : memref<!tpu.dma_semaphore, #tpu.memory_space<semaphore_mem>>) src(%dma_wait3A_138 : memref<16xi32, #tpu.memory_space<hbm>>) dst(%arg16 : memref<16xi32, #tpu.memory_space<vmem>>)
      tpu.yield
    }) : () -> ()
    %dma_start3A_126 = tpu.memref_slice %arg6[%multiple_of3A_122] : memref<10000xi32, #tpu.memory_space<vmem>> -> memref<16xi32, #tpu.memory_space<vmem>>
    %dma_start3A_127 = arith.constant 0 : i32
    %dma_start3A_128 = arith.constant 0 : i32
    %dma_start3A_129 = tpu.memref_slice %arg2[%dma_start3A_127, %dma_start3A_128] : memref<10000x128xf32, #tpu.memory_space<hbm>> -> memref<10000x128xf32, #tpu.memory_space<hbm>>
    tpu.enqueue_indirect_dma source(%dma_start3A_129 : memref<10000x128xf32, #tpu.memory_space<hbm>>) target(%arg15 : memref<16x128xf32, #tpu.memory_space<vmem>>) offsets(%dma_start3A_126 : memref<16xi32, #tpu.memory_space<vmem>>) semaphore(%arg18 : memref<!tpu.dma_semaphore, #tpu.memory_space<semaphore_mem>>)
    %dma_wait3A_130 = tpu.memref_slice %arg6[%multiple_of3A_122] : memref<10000xi32, #tpu.memory_space<vmem>> -> memref<16xi32, #tpu.memory_space<vmem>>
    %dma_wait3A_131 = arith.constant 0 : i32
    %dma_wait3A_132 = arith.constant 0 : i32
    %dma_wait3A_133 = tpu.memref_slice %arg2[%dma_wait3A_131, %dma_wait3A_132] : memref<10000x128xf32, #tpu.memory_space<hbm>> -> memref<10000x128xf32, #tpu.memory_space<hbm>>
    tpu.wait_indirect_dma semaphore(%arg18 : memref<!tpu.dma_semaphore, #tpu.memory_space<semaphore_mem>>) src(%dma_wait3A_133 : memref<10000x128xf32, #tpu.memory_space<hbm>>) dst(%arg15 : memref<16x128xf32, #tpu.memory_space<vmem>>)
    "tpu.region"() ({
      %run_scoped3A = tpu.sem_alloc : memref<!tpu.dma_semaphore, #tpu.memory_space<semaphore_mem>>
      %dma_start3A_135 = arith.constant 0 : i32
      %dma_start3A_136 = arith.constant 0 : i32
      %dma_start3A_137 = tpu.memref_slice %arg17[%dma_start3A_135, %dma_start3A_136] : memref<10240x128xf32, #tpu.memory_space<vmem_shared>> -> memref<10240x128xf32, #tpu.memory_space<vmem_shared>>
      tpu.enqueue_indirect_dma source(%arg15 : memref<16x128xf32, #tpu.memory_space<vmem>>) target(%dma_start3A_137 : memref<10240x128xf32, #tpu.memory_space<vmem_shared>>) offsets(%arg16 : memref<16xi32, #tpu.memory_space<vmem>>) semaphore(%run_scoped3A : memref<!tpu.dma_semaphore, #tpu.memory_space<semaphore_mem>>) {add = true}
      %dma_wait3A_138 = arith.constant 0 : i32
      %dma_wait3A_139 = arith.constant 0 : i32
      %dma_wait3A_140 = tpu.memref_slice %arg17[%dma_wait3A_138, %dma_wait3A_139] : memref<10240x128xf32, #tpu.memory_space<vmem_shared>> -> memref<10240x128xf32, #tpu.memory_space<vmem_shared>>
      tpu.wait_indirect_dma semaphore(%run_scoped3A : memref<!tpu.dma_semaphore, #tpu.memory_space<semaphore_mem>>) src(%arg15 : memref<16x128xf32, #tpu.memory_space<vmem>>) dst(%dma_wait3A_140 : memref<10240x128xf32, #tpu.memory_space<vmem_shared>>)
      tpu.yield
    }) : () -> ()
    %barrier3A_134 = arith.constant 0 : index
    tpu.barrier barrier_id(%barrier3A_134)
    "tpu.region"() ({
      %run_scoped3A = tpu.sem_alloc : memref<!tpu.dma_semaphore, #tpu.memory_space<semaphore_mem>>
      %dma_start3A_135 = arith.constant 0 : i32
      %dma_start3A_136 = tpu.memref_slice %arg5[%arg0, %multiple_of3A, %dma_start3A_135] : memref<2x10240x128xf32, #tpu.memory_space<hbm>> -> memref<1x640x128xf32, #tpu.memory_space<hbm>>
      %dma_start3A_137 = tpu.memref_squeeze %dma_start3A_136 : memref<1x640x128xf32, #tpu.memory_space<hbm>> -> memref<640x128xf32, #tpu.memory_space<hbm>>
      %dma_start3A_138 = arith.constant 0 : i32
      %dma_start3A_139 = tpu.memref_slice %arg17[%multiple_of3A, %dma_start3A_138] : memref<10240x128xf32, #tpu.memory_space<vmem_shared>> -> memref<640x128xf32, #tpu.memory_space<vmem_shared>>
      tpu.enqueue_dma source(%dma_start3A_139 : memref<640x128xf32, #tpu.memory_space<vmem_shared>>) target(%dma_start3A_137 : memref<640x128xf32, #tpu.memory_space<hbm>>) target_semaphore(%run_scoped3A : memref<!tpu.dma_semaphore, #tpu.memory_space<semaphore_mem>>)
      %dma_wait3A_140 = arith.constant 0 : i32
      %dma_wait3A_141 = tpu.memref_slice %arg5[%arg0, %multiple_of3A, %dma_wait3A_140] : memref<2x10240x128xf32, #tpu.memory_space<hbm>> -> memref<1x640x128xf32, #tpu.memory_space<hbm>>
      %dma_wait3A_142 = tpu.memref_squeeze %dma_wait3A_141 : memref<1x640x128xf32, #tpu.memory_space<hbm>> -> memref<640x128xf32, #tpu.memory_space<hbm>>
      %dma_wait3A_143 = arith.constant 0 : i32
      %dma_wait3A_144 = tpu.memref_slice %arg17[%multiple_of3A, %dma_wait3A_143] : memref<10240x128xf32, #tpu.memory_space<vmem_shared>> -> memref<640x128xf32, #tpu.memory_space<vmem_shared>>
      tpu.wait_dma2 semaphore(%run_scoped3A : memref<!tpu.dma_semaphore, #tpu.memory_space<semaphore_mem>>) src(%dma_wait3A_144 : memref<640x128xf32, #tpu.memory_space<vmem_shared>>) dst(%dma_wait3A_142 : memref<640x128xf32, #tpu.memory_space<hbm>>)
      tpu.yield
    }) : () -> ()
    return
  }
}

#map = affine_map<(d0, d1) -> (0, 0)>
#map1 = affine_map<(d0, d1) -> (0)>
module attributes {stable_mosaic.version = 14 : i64} {
  func.func @_sc_gath_body(%arg0: i32, %arg1: i32, %arg2: memref<2000x128xf32, #tpu.memory_space<hbm>>, %arg3: memref<2000x128xf32, #tpu.memory_space<hbm>>, %arg4: memref<10240xi32, #tpu.memory_space<hbm>>, %arg5: memref<10240x128xf32, #tpu.memory_space<hbm>>, %arg6: memref<10240x128xf32, #tpu.memory_space<hbm>>, %arg7: memref<64xi32, #tpu.memory_space<vmem>>, %arg8: memref<64x128xf32, #tpu.memory_space<vmem>>, %arg9: memref<64x128xf32, #tpu.memory_space<vmem>>, %arg10: memref<!tpu.dma_semaphore, #tpu.memory_space<semaphore_mem>>, %arg11: memref<!tpu.dma_semaphore, #tpu.memory_space<semaphore_mem>>) attributes {dimension_semantics = [#tpu.dimension_semantics<core_parallel>, #tpu.dimension_semantics<subcore_parallel>], iteration_bounds = array<i64: 2, 16>, scalar_prefetch = 0 : i64, scratch_operands = 5 : i64, tpu.core_type = #tpu.core_type<sc_vector_subcore>, window_params = [{transform_indices = #map}, {transform_indices = #map}, {transform_indices = #map1}, {transform_indices = #map}, {transform_indices = #map}]} {
    %mul3A = arith.constant 2 : i32
    %mul3A_0 = arith.muli %arg1, %mul3A : i32
    %add3A = arith.addi %mul3A_0, %arg0 : i32
    %mul3A_1 = arith.constant 320 : i32
    %mul3A_2 = arith.muli %add3A, %mul3A_1 : i32
    %scan3A = arith.constant 0 : i32
    %scan3A_3 = arith.constant 0 : i32
    %scan3A_4 = arith.constant 5 : i32
    %scan3A_5 = arith.addi %scan3A_3, %scan3A_4 : i32
    %scan3A_6 = arith.constant 1 : i32
    scf.for %scan3A_8 = %scan3A_3 to %scan3A_5 step %scan3A_6  : i32 {
      %mul3A_9 = arith.constant 64 : i32
      %mul3A_10 = arith.muli %scan3A_8, %mul3A_9 : i32
      %add3A_11 = arith.addi %mul3A_2, %mul3A_10 : i32
      %multiple_of3A = tpu.assume_multiple %add3A_11, 8 : i32
      "tpu.region"() ({
        %run_scoped3A = tpu.sem_alloc : memref<!tpu.dma_semaphore, #tpu.memory_space<semaphore_mem>>
        %dma_start3A_22 = tpu.memref_slice %arg4[%multiple_of3A] : memref<10240xi32, #tpu.memory_space<hbm>> -> memref<64xi32, #tpu.memory_space<hbm>>
        %dma_start3A_23 = tpu.memref_slice %arg4[%multiple_of3A] : memref<10240xi32, #tpu.memory_space<hbm>> -> memref<64xi32, #tpu.memory_space<hbm>>
        tpu.enqueue_dma source(%dma_start3A_23 : memref<64xi32, #tpu.memory_space<hbm>>) target(%arg7 : memref<64xi32, #tpu.memory_space<vmem>>) target_semaphore(%run_scoped3A : memref<!tpu.dma_semaphore, #tpu.memory_space<semaphore_mem>>)
        %dma_wait3A_24 = tpu.memref_slice %arg4[%multiple_of3A] : memref<10240xi32, #tpu.memory_space<hbm>> -> memref<64xi32, #tpu.memory_space<hbm>>
        %dma_wait3A_25 = tpu.memref_slice %arg4[%multiple_of3A] : memref<10240xi32, #tpu.memory_space<hbm>> -> memref<64xi32, #tpu.memory_space<hbm>>
        tpu.wait_dma2 semaphore(%run_scoped3A : memref<!tpu.dma_semaphore, #tpu.memory_space<semaphore_mem>>) src(%dma_wait3A_25 : memref<64xi32, #tpu.memory_space<hbm>>) dst(%arg7 : memref<64xi32, #tpu.memory_space<vmem>>)
        tpu.yield
      }) : () -> ()
      %dma_start3A = arith.constant 0 : i32
      %dma_start3A_12 = arith.constant 0 : i32
      %dma_start3A_13 = tpu.memref_slice %arg2[%dma_start3A, %dma_start3A_12] : memref<2000x128xf32, #tpu.memory_space<hbm>> -> memref<2000x128xf32, #tpu.memory_space<hbm>>
      tpu.enqueue_indirect_dma source(%dma_start3A_13 : memref<2000x128xf32, #tpu.memory_space<hbm>>) target(%arg8 : memref<64x128xf32, #tpu.memory_space<vmem>>) offsets(%arg7 : memref<64xi32, #tpu.memory_space<vmem>>) semaphore(%arg10 : memref<!tpu.dma_semaphore, #tpu.memory_space<semaphore_mem>>)
      %dma_wait3A = arith.constant 0 : i32
      %dma_wait3A_14 = arith.constant 0 : i32
      %dma_wait3A_15 = tpu.memref_slice %arg2[%dma_wait3A, %dma_wait3A_14] : memref<2000x128xf32, #tpu.memory_space<hbm>> -> memref<2000x128xf32, #tpu.memory_space<hbm>>
      tpu.wait_indirect_dma semaphore(%arg10 : memref<!tpu.dma_semaphore, #tpu.memory_space<semaphore_mem>>) src(%dma_wait3A_15 : memref<2000x128xf32, #tpu.memory_space<hbm>>) dst(%arg8 : memref<64x128xf32, #tpu.memory_space<vmem>>)
      %dma_start3A_16 = arith.constant 0 : i32
      %dma_start3A_17 = arith.constant 0 : i32
      %dma_start3A_18 = tpu.memref_slice %arg3[%dma_start3A_16, %dma_start3A_17] : memref<2000x128xf32, #tpu.memory_space<hbm>> -> memref<2000x128xf32, #tpu.memory_space<hbm>>
      tpu.enqueue_indirect_dma source(%dma_start3A_18 : memref<2000x128xf32, #tpu.memory_space<hbm>>) target(%arg9 : memref<64x128xf32, #tpu.memory_space<vmem>>) offsets(%arg7 : memref<64xi32, #tpu.memory_space<vmem>>) semaphore(%arg11 : memref<!tpu.dma_semaphore, #tpu.memory_space<semaphore_mem>>)
      %dma_wait3A_19 = arith.constant 0 : i32
      %dma_wait3A_20 = arith.constant 0 : i32
      %dma_wait3A_21 = tpu.memref_slice %arg3[%dma_wait3A_19, %dma_wait3A_20] : memref<2000x128xf32, #tpu.memory_space<hbm>> -> memref<2000x128xf32, #tpu.memory_space<hbm>>
      tpu.wait_indirect_dma semaphore(%arg11 : memref<!tpu.dma_semaphore, #tpu.memory_space<semaphore_mem>>) src(%dma_wait3A_21 : memref<2000x128xf32, #tpu.memory_space<hbm>>) dst(%arg9 : memref<64x128xf32, #tpu.memory_space<vmem>>)
      "tpu.region"() ({
        %run_scoped3A = tpu.sem_alloc : memref<!tpu.dma_semaphore, #tpu.memory_space<semaphore_mem>>
        %dma_start3A_22 = arith.constant 0 : i32
        %dma_start3A_23 = tpu.memref_slice %arg5[%multiple_of3A, %dma_start3A_22] : memref<10240x128xf32, #tpu.memory_space<hbm>> -> memref<64x128xf32, #tpu.memory_space<hbm>>
        %dma_start3A_24 = arith.constant 0 : i32
        %dma_start3A_25 = tpu.memref_slice %arg5[%multiple_of3A, %dma_start3A_24] : memref<10240x128xf32, #tpu.memory_space<hbm>> -> memref<64x128xf32, #tpu.memory_space<hbm>>
        tpu.enqueue_dma source(%arg8 : memref<64x128xf32, #tpu.memory_space<vmem>>) target(%dma_start3A_25 : memref<64x128xf32, #tpu.memory_space<hbm>>) target_semaphore(%run_scoped3A : memref<!tpu.dma_semaphore, #tpu.memory_space<semaphore_mem>>)
        %dma_wait3A_26 = arith.constant 0 : i32
        %dma_wait3A_27 = tpu.memref_slice %arg5[%multiple_of3A, %dma_wait3A_26] : memref<10240x128xf32, #tpu.memory_space<hbm>> -> memref<64x128xf32, #tpu.memory_space<hbm>>
        %dma_wait3A_28 = arith.constant 0 : i32
        %dma_wait3A_29 = tpu.memref_slice %arg5[%multiple_of3A, %dma_wait3A_28] : memref<10240x128xf32, #tpu.memory_space<hbm>> -> memref<64x128xf32, #tpu.memory_space<hbm>>
        tpu.wait_dma2 semaphore(%run_scoped3A : memref<!tpu.dma_semaphore, #tpu.memory_space<semaphore_mem>>) src(%arg8 : memref<64x128xf32, #tpu.memory_space<vmem>>) dst(%dma_wait3A_29 : memref<64x128xf32, #tpu.memory_space<hbm>>)
        tpu.yield
      }) : () -> ()
      "tpu.region"() ({
        %run_scoped3A = tpu.sem_alloc : memref<!tpu.dma_semaphore, #tpu.memory_space<semaphore_mem>>
        %dma_start3A_22 = arith.constant 0 : i32
        %dma_start3A_23 = tpu.memref_slice %arg6[%multiple_of3A, %dma_start3A_22] : memref<10240x128xf32, #tpu.memory_space<hbm>> -> memref<64x128xf32, #tpu.memory_space<hbm>>
        %dma_start3A_24 = arith.constant 0 : i32
        %dma_start3A_25 = tpu.memref_slice %arg6[%multiple_of3A, %dma_start3A_24] : memref<10240x128xf32, #tpu.memory_space<hbm>> -> memref<64x128xf32, #tpu.memory_space<hbm>>
        tpu.enqueue_dma source(%arg9 : memref<64x128xf32, #tpu.memory_space<vmem>>) target(%dma_start3A_25 : memref<64x128xf32, #tpu.memory_space<hbm>>) target_semaphore(%run_scoped3A : memref<!tpu.dma_semaphore, #tpu.memory_space<semaphore_mem>>)
        %dma_wait3A_26 = arith.constant 0 : i32
        %dma_wait3A_27 = tpu.memref_slice %arg6[%multiple_of3A, %dma_wait3A_26] : memref<10240x128xf32, #tpu.memory_space<hbm>> -> memref<64x128xf32, #tpu.memory_space<hbm>>
        %dma_wait3A_28 = arith.constant 0 : i32
        %dma_wait3A_29 = tpu.memref_slice %arg6[%multiple_of3A, %dma_wait3A_28] : memref<10240x128xf32, #tpu.memory_space<hbm>> -> memref<64x128xf32, #tpu.memory_space<hbm>>
        tpu.wait_dma2 semaphore(%run_scoped3A : memref<!tpu.dma_semaphore, #tpu.memory_space<semaphore_mem>>) src(%arg9 : memref<64x128xf32, #tpu.memory_space<vmem>>) dst(%dma_wait3A_29 : memref<64x128xf32, #tpu.memory_space<hbm>>)
        tpu.yield
      }) : () -> ()
    }
    %scan3A_7 = arith.constant 5 : i32
    return
  }
}

#map = affine_map<(d0, d1) -> (0, 0)>
#map1 = affine_map<(d0, d1) -> (0)>
#map2 = affine_map<(d0, d1) -> (0, 0, 0)>
module attributes {stable_mosaic.version = 14 : i64} {
  func.func @_sc_agg_body(%arg0: i32, %arg1: i32, %arg2: memref<10000x128xf32, #tpu.memory_space<hbm>>, %arg3: memref<640000xi32, #tpu.memory_space<hbm>>, %arg4: memref<10240x128xf32, #tpu.memory_space<hbm>>, %arg5: memref<2x10240x128xf32, #tpu.memory_space<hbm>>, %arg6: memref<10000xi32, #tpu.memory_space<vmem>>, %arg7: memref<64xi32, #tpu.memory_space<vmem>>, %arg8: memref<64xi32, #tpu.memory_space<vmem>>, %arg9: memref<64xi32, #tpu.memory_space<vmem>>, %arg10: memref<64xi32, #tpu.memory_space<vmem>>, %arg11: memref<64x128xf32, #tpu.memory_space<vmem>>, %arg12: memref<64x128xf32, #tpu.memory_space<vmem>>, %arg13: memref<64x128xf32, #tpu.memory_space<vmem>>, %arg14: memref<64x128xf32, #tpu.memory_space<vmem>>, %arg15: memref<16x128xf32, #tpu.memory_space<vmem>>, %arg16: memref<16xi32, #tpu.memory_space<vmem>>, %arg17: memref<10240x128xf32, #tpu.memory_space<vmem_shared>>, %arg18: memref<!tpu.dma_semaphore, #tpu.memory_space<semaphore_mem>>, %arg19: memref<!tpu.dma_semaphore, #tpu.memory_space<semaphore_mem>>, %arg20: memref<!tpu.dma_semaphore, #tpu.memory_space<semaphore_mem>>, %arg21: memref<!tpu.dma_semaphore, #tpu.memory_space<semaphore_mem>>, %arg22: memref<!tpu.dma_semaphore, #tpu.memory_space<semaphore_mem>>, %arg23: memref<!tpu.dma_semaphore, #tpu.memory_space<semaphore_mem>>, %arg24: memref<!tpu.dma_semaphore, #tpu.memory_space<semaphore_mem>>, %arg25: memref<!tpu.dma_semaphore, #tpu.memory_space<semaphore_mem>>, %arg26: memref<!tpu.dma_semaphore, #tpu.memory_space<semaphore_mem>>, %arg27: memref<!tpu.dma_semaphore, #tpu.memory_space<semaphore_mem>>, %arg28: memref<!tpu.dma_semaphore, #tpu.memory_space<semaphore_mem>>, %arg29: memref<!tpu.dma_semaphore, #tpu.memory_space<semaphore_mem>>) attributes {dimension_semantics = [#tpu.dimension_semantics<core_parallel>, #tpu.dimension_semantics<subcore_parallel>], iteration_bounds = array<i64: 2, 16>, scalar_prefetch = 0 : i64, scratch_operands = 24 : i64, tpu.core_type = #tpu.core_type<sc_vector_subcore>, window_params = [{transform_indices = #map}, {transform_indices = #map1}, {transform_indices = #map}, {transform_indices = #map2}]} {
    %mul3A = arith.constant 640 : i32
    %mul3A_0 = arith.muli %arg1, %mul3A : i32
    %multiple_of3A = tpu.assume_multiple %mul3A_0, 8 : i32
    "tpu.region"() ({
      %run_scoped3A = tpu.sem_alloc : memref<!tpu.dma_semaphore, #tpu.memory_space<semaphore_mem>>
      %dma_start3A_135 = arith.constant 0 : i32
      %dma_start3A_136 = tpu.memref_slice %arg17[%multiple_of3A, %dma_start3A_135] : memref<10240x128xf32, #tpu.memory_space<vmem_shared>> -> memref<640x128xf32, #tpu.memory_space<vmem_shared>>
      %dma_start3A_137 = arith.constant 0 : i32
      %dma_start3A_138 = tpu.memref_slice %arg4[%multiple_of3A, %dma_start3A_137] : memref<10240x128xf32, #tpu.memory_space<hbm>> -> memref<640x128xf32, #tpu.memory_space<hbm>>
      tpu.enqueue_dma source(%dma_start3A_138 : memref<640x128xf32, #tpu.memory_space<hbm>>) target(%dma_start3A_136 : memref<640x128xf32, #tpu.memory_space<vmem_shared>>) target_semaphore(%run_scoped3A : memref<!tpu.dma_semaphore, #tpu.memory_space<semaphore_mem>>)
      %dma_wait3A_139 = arith.constant 0 : i32
      %dma_wait3A_140 = tpu.memref_slice %arg17[%multiple_of3A, %dma_wait3A_139] : memref<10240x128xf32, #tpu.memory_space<vmem_shared>> -> memref<640x128xf32, #tpu.memory_space<vmem_shared>>
      %dma_wait3A_141 = arith.constant 0 : i32
      %dma_wait3A_142 = tpu.memref_slice %arg4[%multiple_of3A, %dma_wait3A_141] : memref<10240x128xf32, #tpu.memory_space<hbm>> -> memref<640x128xf32, #tpu.memory_space<hbm>>
      tpu.wait_dma2 semaphore(%run_scoped3A : memref<!tpu.dma_semaphore, #tpu.memory_space<semaphore_mem>>) src(%dma_wait3A_142 : memref<640x128xf32, #tpu.memory_space<hbm>>) dst(%dma_wait3A_140 : memref<640x128xf32, #tpu.memory_space<vmem_shared>>)
      tpu.yield
    }) : () -> ()
    %mul3A_1 = arith.constant 16 : i32
    %mul3A_2 = arith.muli %arg0, %mul3A_1 : i32
    %add3A = arith.addi %mul3A_2, %arg1 : i32
    %mul3A_3 = arith.constant 10000 : i32
    %mul3A_4 = arith.muli %add3A, %mul3A_3 : i32
    %multiple_of3A_5 = tpu.assume_multiple %mul3A_4, 8 : i32
    "tpu.region"() ({
      %run_scoped3A = tpu.sem_alloc : memref<!tpu.dma_semaphore, #tpu.memory_space<semaphore_mem>>
      %dma_start3A_135 = tpu.memref_slice %arg3[%multiple_of3A_5] : memref<640000xi32, #tpu.memory_space<hbm>> -> memref<10000xi32, #tpu.memory_space<hbm>>
      %dma_start3A_136 = tpu.memref_slice %arg3[%multiple_of3A_5] : memref<640000xi32, #tpu.memory_space<hbm>> -> memref<10000xi32, #tpu.memory_space<hbm>>
      tpu.enqueue_dma source(%dma_start3A_136 : memref<10000xi32, #tpu.memory_space<hbm>>) target(%arg6 : memref<10000xi32, #tpu.memory_space<vmem>>) target_semaphore(%run_scoped3A : memref<!tpu.dma_semaphore, #tpu.memory_space<semaphore_mem>>)
      %dma_wait3A_137 = tpu.memref_slice %arg3[%multiple_of3A_5] : memref<640000xi32, #tpu.memory_space<hbm>> -> memref<10000xi32, #tpu.memory_space<hbm>>
      %dma_wait3A_138 = tpu.memref_slice %arg3[%multiple_of3A_5] : memref<640000xi32, #tpu.memory_space<hbm>> -> memref<10000xi32, #tpu.memory_space<hbm>>
      tpu.wait_dma2 semaphore(%run_scoped3A : memref<!tpu.dma_semaphore, #tpu.memory_space<semaphore_mem>>) src(%dma_wait3A_138 : memref<10000xi32, #tpu.memory_space<hbm>>) dst(%arg6 : memref<10000xi32, #tpu.memory_space<vmem>>)
      tpu.yield
    }) : () -> ()
    %barrier3A = arith.constant 0 : index
    tpu.barrier barrier_id(%barrier3A)
    %multiple_of3A_6 = arith.constant 0 : i32
    %multiple_of3A_7 = tpu.assume_multiple %multiple_of3A_6, 8 : i32
    %add3A_8 = arith.constant 320000 : i32
    %add3A_9 = arith.addi %add3A_8, %multiple_of3A_5 : i32
    %add3A_10 = arith.addi %add3A_9, %multiple_of3A_7 : i32
    %dma_start3A = tpu.memref_slice %arg3[%add3A_10] : memref<640000xi32, #tpu.memory_space<hbm>> -> memref<64xi32, #tpu.memory_space<hbm>>
    %dma_start3A_11 = tpu.memref_slice %arg3[%add3A_10] : memref<640000xi32, #tpu.memory_space<hbm>> -> memref<64xi32, #tpu.memory_space<hbm>>
    tpu.enqueue_dma source(%dma_start3A_11 : memref<64xi32, #tpu.memory_space<hbm>>) target(%arg7 : memref<64xi32, #tpu.memory_space<vmem>>) target_semaphore(%arg22 : memref<!tpu.dma_semaphore, #tpu.memory_space<semaphore_mem>>)
    %dma_start3A_12 = tpu.memref_slice %arg6[%multiple_of3A_7] : memref<10000xi32, #tpu.memory_space<vmem>> -> memref<64xi32, #tpu.memory_space<vmem>>
    %dma_start3A_13 = arith.constant 0 : i32
    %dma_start3A_14 = arith.constant 0 : i32
    %dma_start3A_15 = tpu.memref_slice %arg2[%dma_start3A_13, %dma_start3A_14] : memref<10000x128xf32, #tpu.memory_space<hbm>> -> memref<10000x128xf32, #tpu.memory_space<hbm>>
    tpu.enqueue_indirect_dma source(%dma_start3A_15 : memref<10000x128xf32, #tpu.memory_space<hbm>>) target(%arg11 : memref<64x128xf32, #tpu.memory_space<vmem>>) offsets(%dma_start3A_12 : memref<64xi32, #tpu.memory_space<vmem>>) semaphore(%arg18 : memref<!tpu.dma_semaphore, #tpu.memory_space<semaphore_mem>>)
    %multiple_of3A_16 = arith.constant 64 : i32
    %multiple_of3A_17 = tpu.assume_multiple %multiple_of3A_16, 8 : i32
    %add3A_18 = arith.constant 320000 : i32
    %add3A_19 = arith.addi %add3A_18, %multiple_of3A_5 : i32
    %add3A_20 = arith.addi %add3A_19, %multiple_of3A_17 : i32
    %dma_start3A_21 = tpu.memref_slice %arg3[%add3A_20] : memref<640000xi32, #tpu.memory_space<hbm>> -> memref<64xi32, #tpu.memory_space<hbm>>
    %dma_start3A_22 = tpu.memref_slice %arg3[%add3A_20] : memref<640000xi32, #tpu.memory_space<hbm>> -> memref<64xi32, #tpu.memory_space<hbm>>
    tpu.enqueue_dma source(%dma_start3A_22 : memref<64xi32, #tpu.memory_space<hbm>>) target(%arg8 : memref<64xi32, #tpu.memory_space<vmem>>) target_semaphore(%arg23 : memref<!tpu.dma_semaphore, #tpu.memory_space<semaphore_mem>>)
    %dma_start3A_23 = tpu.memref_slice %arg6[%multiple_of3A_17] : memref<10000xi32, #tpu.memory_space<vmem>> -> memref<64xi32, #tpu.memory_space<vmem>>
    %dma_start3A_24 = arith.constant 0 : i32
    %dma_start3A_25 = arith.constant 0 : i32
    %dma_start3A_26 = tpu.memref_slice %arg2[%dma_start3A_24, %dma_start3A_25] : memref<10000x128xf32, #tpu.memory_space<hbm>> -> memref<10000x128xf32, #tpu.memory_space<hbm>>
    tpu.enqueue_indirect_dma source(%dma_start3A_26 : memref<10000x128xf32, #tpu.memory_space<hbm>>) target(%arg12 : memref<64x128xf32, #tpu.memory_space<vmem>>) offsets(%dma_start3A_23 : memref<64xi32, #tpu.memory_space<vmem>>) semaphore(%arg19 : memref<!tpu.dma_semaphore, #tpu.memory_space<semaphore_mem>>)
    %multiple_of3A_27 = arith.constant 128 : i32
    %multiple_of3A_28 = tpu.assume_multiple %multiple_of3A_27, 8 : i32
    %add3A_29 = arith.constant 320000 : i32
    %add3A_30 = arith.addi %add3A_29, %multiple_of3A_5 : i32
    %add3A_31 = arith.addi %add3A_30, %multiple_of3A_28 : i32
    %dma_start3A_32 = tpu.memref_slice %arg3[%add3A_31] : memref<640000xi32, #tpu.memory_space<hbm>> -> memref<64xi32, #tpu.memory_space<hbm>>
    %dma_start3A_33 = tpu.memref_slice %arg3[%add3A_31] : memref<640000xi32, #tpu.memory_space<hbm>> -> memref<64xi32, #tpu.memory_space<hbm>>
    tpu.enqueue_dma source(%dma_start3A_33 : memref<64xi32, #tpu.memory_space<hbm>>) target(%arg9 : memref<64xi32, #tpu.memory_space<vmem>>) target_semaphore(%arg24 : memref<!tpu.dma_semaphore, #tpu.memory_space<semaphore_mem>>)
    %dma_start3A_34 = tpu.memref_slice %arg6[%multiple_of3A_28] : memref<10000xi32, #tpu.memory_space<vmem>> -> memref<64xi32, #tpu.memory_space<vmem>>
    %dma_start3A_35 = arith.constant 0 : i32
    %dma_start3A_36 = arith.constant 0 : i32
    %dma_start3A_37 = tpu.memref_slice %arg2[%dma_start3A_35, %dma_start3A_36] : memref<10000x128xf32, #tpu.memory_space<hbm>> -> memref<10000x128xf32, #tpu.memory_space<hbm>>
    tpu.enqueue_indirect_dma source(%dma_start3A_37 : memref<10000x128xf32, #tpu.memory_space<hbm>>) target(%arg13 : memref<64x128xf32, #tpu.memory_space<vmem>>) offsets(%dma_start3A_34 : memref<64xi32, #tpu.memory_space<vmem>>) semaphore(%arg20 : memref<!tpu.dma_semaphore, #tpu.memory_space<semaphore_mem>>)
    %multiple_of3A_38 = arith.constant 192 : i32
    %multiple_of3A_39 = tpu.assume_multiple %multiple_of3A_38, 8 : i32
    %add3A_40 = arith.constant 320000 : i32
    %add3A_41 = arith.addi %add3A_40, %multiple_of3A_5 : i32
    %add3A_42 = arith.addi %add3A_41, %multiple_of3A_39 : i32
    %dma_start3A_43 = tpu.memref_slice %arg3[%add3A_42] : memref<640000xi32, #tpu.memory_space<hbm>> -> memref<64xi32, #tpu.memory_space<hbm>>
    %dma_start3A_44 = tpu.memref_slice %arg3[%add3A_42] : memref<640000xi32, #tpu.memory_space<hbm>> -> memref<64xi32, #tpu.memory_space<hbm>>
    tpu.enqueue_dma source(%dma_start3A_44 : memref<64xi32, #tpu.memory_space<hbm>>) target(%arg10 : memref<64xi32, #tpu.memory_space<vmem>>) target_semaphore(%arg25 : memref<!tpu.dma_semaphore, #tpu.memory_space<semaphore_mem>>)
    %dma_start3A_45 = tpu.memref_slice %arg6[%multiple_of3A_39] : memref<10000xi32, #tpu.memory_space<vmem>> -> memref<64xi32, #tpu.memory_space<vmem>>
    %dma_start3A_46 = arith.constant 0 : i32
    %dma_start3A_47 = arith.constant 0 : i32
    %dma_start3A_48 = tpu.memref_slice %arg2[%dma_start3A_46, %dma_start3A_47] : memref<10000x128xf32, #tpu.memory_space<hbm>> -> memref<10000x128xf32, #tpu.memory_space<hbm>>
    tpu.enqueue_indirect_dma source(%dma_start3A_48 : memref<10000x128xf32, #tpu.memory_space<hbm>>) target(%arg14 : memref<64x128xf32, #tpu.memory_space<vmem>>) offsets(%dma_start3A_45 : memref<64xi32, #tpu.memory_space<vmem>>) semaphore(%arg21 : memref<!tpu.dma_semaphore, #tpu.memory_space<semaphore_mem>>)
    %scan3A = arith.constant 0 : i32
    %scan3A_49 = arith.constant 0 : i32
    %scan3A_50 = arith.constant 38 : i32
    %scan3A_51 = arith.addi %scan3A_49, %scan3A_50 : i32
    %scan3A_52 = arith.constant 1 : i32
    scf.for %scan3A_135 = %scan3A_49 to %scan3A_51 step %scan3A_52  : i32 {
      %mul3A_136 = arith.constant 4 : i32
      %mul3A_137 = arith.muli %mul3A_136, %scan3A_135 : i32
      %add3A_138 = arith.constant 0 : i32
      %add3A_139 = arith.addi %mul3A_137, %add3A_138 : i32
      %mul3A_140 = arith.constant 64 : i32
      %mul3A_141 = arith.muli %add3A_139, %mul3A_140 : i32
      %multiple_of3A_142 = tpu.assume_multiple %mul3A_141, 8 : i32
      %add3A_143 = arith.constant 320000 : i32
      %add3A_144 = arith.addi %add3A_143, %multiple_of3A_5 : i32
      %add3A_145 = arith.addi %add3A_144, %multiple_of3A_142 : i32
      %dma_wait3A_146 = tpu.memref_slice %arg3[%add3A_145] : memref<640000xi32, #tpu.memory_space<hbm>> -> memref<64xi32, #tpu.memory_space<hbm>>
      %dma_wait3A_147 = tpu.memref_slice %arg3[%add3A_145] : memref<640000xi32, #tpu.memory_space<hbm>> -> memref<64xi32, #tpu.memory_space<hbm>>
      tpu.wait_dma2 semaphore(%arg22 : memref<!tpu.dma_semaphore, #tpu.memory_space<semaphore_mem>>) src(%dma_wait3A_147 : memref<64xi32, #tpu.memory_space<hbm>>) dst(%arg7 : memref<64xi32, #tpu.memory_space<vmem>>)
      %dma_wait3A_148 = tpu.memref_slice %arg6[%multiple_of3A_142] : memref<10000xi32, #tpu.memory_space<vmem>> -> memref<64xi32, #tpu.memory_space<vmem>>
      %dma_wait3A_149 = arith.constant 0 : i32
      %dma_wait3A_150 = arith.constant 0 : i32
      %dma_wait3A_151 = tpu.memref_slice %arg2[%dma_wait3A_149, %dma_wait3A_150] : memref<10000x128xf32, #tpu.memory_space<hbm>> -> memref<10000x128xf32, #tpu.memory_space<hbm>>
      tpu.wait_indirect_dma semaphore(%arg18 : memref<!tpu.dma_semaphore, #tpu.memory_space<semaphore_mem>>) src(%dma_wait3A_151 : memref<10000x128xf32, #tpu.memory_space<hbm>>) dst(%arg11 : memref<64x128xf32, #tpu.memory_space<vmem>>)
      %dma_start3A_152 = arith.constant 0 : i32
      %dma_start3A_153 = arith.constant 0 : i32
      %dma_start3A_154 = tpu.memref_slice %arg17[%dma_start3A_152, %dma_start3A_153] : memref<10240x128xf32, #tpu.memory_space<vmem_shared>> -> memref<10240x128xf32, #tpu.memory_space<vmem_shared>>
      tpu.enqueue_indirect_dma source(%arg11 : memref<64x128xf32, #tpu.memory_space<vmem>>) target(%dma_start3A_154 : memref<10240x128xf32, #tpu.memory_space<vmem_shared>>) offsets(%arg7 : memref<64xi32, #tpu.memory_space<vmem>>) semaphore(%arg26 : memref<!tpu.dma_semaphore, #tpu.memory_space<semaphore_mem>>) {add = true}
      %mul3A_155 = arith.constant 4 : i32
      %mul3A_156 = arith.muli %mul3A_155, %scan3A_135 : i32
      %add3A_157 = arith.constant 1 : i32
      %add3A_158 = arith.addi %mul3A_156, %add3A_157 : i32
      %mul3A_159 = arith.constant 64 : i32
      %mul3A_160 = arith.muli %add3A_158, %mul3A_159 : i32
      %multiple_of3A_161 = tpu.assume_multiple %mul3A_160, 8 : i32
      %add3A_162 = arith.constant 320000 : i32
      %add3A_163 = arith.addi %add3A_162, %multiple_of3A_5 : i32
      %add3A_164 = arith.addi %add3A_163, %multiple_of3A_161 : i32
      %dma_wait3A_165 = tpu.memref_slice %arg3[%add3A_164] : memref<640000xi32, #tpu.memory_space<hbm>> -> memref<64xi32, #tpu.memory_space<hbm>>
      %dma_wait3A_166 = tpu.memref_slice %arg3[%add3A_164] : memref<640000xi32, #tpu.memory_space<hbm>> -> memref<64xi32, #tpu.memory_space<hbm>>
      tpu.wait_dma2 semaphore(%arg23 : memref<!tpu.dma_semaphore, #tpu.memory_space<semaphore_mem>>) src(%dma_wait3A_166 : memref<64xi32, #tpu.memory_space<hbm>>) dst(%arg8 : memref<64xi32, #tpu.memory_space<vmem>>)
      %dma_wait3A_167 = tpu.memref_slice %arg6[%multiple_of3A_161] : memref<10000xi32, #tpu.memory_space<vmem>> -> memref<64xi32, #tpu.memory_space<vmem>>
      %dma_wait3A_168 = arith.constant 0 : i32
      %dma_wait3A_169 = arith.constant 0 : i32
      %dma_wait3A_170 = tpu.memref_slice %arg2[%dma_wait3A_168, %dma_wait3A_169] : memref<10000x128xf32, #tpu.memory_space<hbm>> -> memref<10000x128xf32, #tpu.memory_space<hbm>>
      tpu.wait_indirect_dma semaphore(%arg19 : memref<!tpu.dma_semaphore, #tpu.memory_space<semaphore_mem>>) src(%dma_wait3A_170 : memref<10000x128xf32, #tpu.memory_space<hbm>>) dst(%arg12 : memref<64x128xf32, #tpu.memory_space<vmem>>)
      %dma_start3A_171 = arith.constant 0 : i32
      %dma_start3A_172 = arith.constant 0 : i32
      %dma_start3A_173 = tpu.memref_slice %arg17[%dma_start3A_171, %dma_start3A_172] : memref<10240x128xf32, #tpu.memory_space<vmem_shared>> -> memref<10240x128xf32, #tpu.memory_space<vmem_shared>>
      tpu.enqueue_indirect_dma source(%arg12 : memref<64x128xf32, #tpu.memory_space<vmem>>) target(%dma_start3A_173 : memref<10240x128xf32, #tpu.memory_space<vmem_shared>>) offsets(%arg8 : memref<64xi32, #tpu.memory_space<vmem>>) semaphore(%arg27 : memref<!tpu.dma_semaphore, #tpu.memory_space<semaphore_mem>>) {add = true}
      %dma_wait3A_174 = arith.constant 0 : i32
      %dma_wait3A_175 = arith.constant 0 : i32
      %dma_wait3A_176 = tpu.memref_slice %arg17[%dma_wait3A_174, %dma_wait3A_175] : memref<10240x128xf32, #tpu.memory_space<vmem_shared>> -> memref<10240x128xf32, #tpu.memory_space<vmem_shared>>
      tpu.wait_indirect_dma semaphore(%arg26 : memref<!tpu.dma_semaphore, #tpu.memory_space<semaphore_mem>>) src(%arg11 : memref<64x128xf32, #tpu.memory_space<vmem>>) dst(%dma_wait3A_176 : memref<10240x128xf32, #tpu.memory_space<vmem_shared>>)
      %mul3A_177 = arith.constant 4 : i32
      %mul3A_178 = arith.muli %mul3A_177, %scan3A_135 : i32
      %add3A_179 = arith.constant 4 : i32
      %add3A_180 = arith.addi %mul3A_178, %add3A_179 : i32
      %mul3A_181 = arith.constant 64 : i32
      %mul3A_182 = arith.muli %add3A_180, %mul3A_181 : i32
      %multiple_of3A_183 = tpu.assume_multiple %mul3A_182, 8 : i32
      %add3A_184 = arith.constant 320000 : i32
      %add3A_185 = arith.addi %add3A_184, %multiple_of3A_5 : i32
      %add3A_186 = arith.addi %add3A_185, %multiple_of3A_183 : i32
      %dma_start3A_187 = tpu.memref_slice %arg3[%add3A_186] : memref<640000xi32, #tpu.memory_space<hbm>> -> memref<64xi32, #tpu.memory_space<hbm>>
      %dma_start3A_188 = tpu.memref_slice %arg3[%add3A_186] : memref<640000xi32, #tpu.memory_space<hbm>> -> memref<64xi32, #tpu.memory_space<hbm>>
      tpu.enqueue_dma source(%dma_start3A_188 : memref<64xi32, #tpu.memory_space<hbm>>) target(%arg7 : memref<64xi32, #tpu.memory_space<vmem>>) target_semaphore(%arg22 : memref<!tpu.dma_semaphore, #tpu.memory_space<semaphore_mem>>)
      %dma_start3A_189 = tpu.memref_slice %arg6[%multiple_of3A_183] : memref<10000xi32, #tpu.memory_space<vmem>> -> memref<64xi32, #tpu.memory_space<vmem>>
      %dma_start3A_190 = arith.constant 0 : i32
      %dma_start3A_191 = arith.constant 0 : i32
      %dma_start3A_192 = tpu.memref_slice %arg2[%dma_start3A_190, %dma_start3A_191] : memref<10000x128xf32, #tpu.memory_space<hbm>> -> memref<10000x128xf32, #tpu.memory_space<hbm>>
      tpu.enqueue_indirect_dma source(%dma_start3A_192 : memref<10000x128xf32, #tpu.memory_space<hbm>>) target(%arg11 : memref<64x128xf32, #tpu.memory_space<vmem>>) offsets(%dma_start3A_189 : memref<64xi32, #tpu.memory_space<vmem>>) semaphore(%arg18 : memref<!tpu.dma_semaphore, #tpu.memory_space<semaphore_mem>>)
      %mul3A_193 = arith.constant 4 : i32
      %mul3A_194 = arith.muli %mul3A_193, %scan3A_135 : i32
      %add3A_195 = arith.constant 2 : i32
      %add3A_196 = arith.addi %mul3A_194, %add3A_195 : i32
      %mul3A_197 = arith.constant 64 : i32
      %mul3A_198 = arith.muli %add3A_196, %mul3A_197 : i32
      %multiple_of3A_199 = tpu.assume_multiple %mul3A_198, 8 : i32
      %add3A_200 = arith.constant 320000 : i32
      %add3A_201 = arith.addi %add3A_200, %multiple_of3A_5 : i32
      %add3A_202 = arith.addi %add3A_201, %multiple_of3A_199 : i32
      %dma_wait3A_203 = tpu.memref_slice %arg3[%add3A_202] : memref<640000xi32, #tpu.memory_space<hbm>> -> memref<64xi32, #tpu.memory_space<hbm>>
      %dma_wait3A_204 = tpu.memref_slice %arg3[%add3A_202] : memref<640000xi32, #tpu.memory_space<hbm>> -> memref<64xi32, #tpu.memory_space<hbm>>
      tpu.wait_dma2 semaphore(%arg24 : memref<!tpu.dma_semaphore, #tpu.memory_space<semaphore_mem>>) src(%dma_wait3A_204 : memref<64xi32, #tpu.memory_space<hbm>>) dst(%arg9 : memref<64xi32, #tpu.memory_space<vmem>>)
      %dma_wait3A_205 = tpu.memref_slice %arg6[%multiple_of3A_199] : memref<10000xi32, #tpu.memory_space<vmem>> -> memref<64xi32, #tpu.memory_space<vmem>>
      %dma_wait3A_206 = arith.constant 0 : i32
      %dma_wait3A_207 = arith.constant 0 : i32
      %dma_wait3A_208 = tpu.memref_slice %arg2[%dma_wait3A_206, %dma_wait3A_207] : memref<10000x128xf32, #tpu.memory_space<hbm>> -> memref<10000x128xf32, #tpu.memory_space<hbm>>
      tpu.wait_indirect_dma semaphore(%arg20 : memref<!tpu.dma_semaphore, #tpu.memory_space<semaphore_mem>>) src(%dma_wait3A_208 : memref<10000x128xf32, #tpu.memory_space<hbm>>) dst(%arg13 : memref<64x128xf32, #tpu.memory_space<vmem>>)
      %dma_start3A_209 = arith.constant 0 : i32
      %dma_start3A_210 = arith.constant 0 : i32
      %dma_start3A_211 = tpu.memref_slice %arg17[%dma_start3A_209, %dma_start3A_210] : memref<10240x128xf32, #tpu.memory_space<vmem_shared>> -> memref<10240x128xf32, #tpu.memory_space<vmem_shared>>
      tpu.enqueue_indirect_dma source(%arg13 : memref<64x128xf32, #tpu.memory_space<vmem>>) target(%dma_start3A_211 : memref<10240x128xf32, #tpu.memory_space<vmem_shared>>) offsets(%arg9 : memref<64xi32, #tpu.memory_space<vmem>>) semaphore(%arg28 : memref<!tpu.dma_semaphore, #tpu.memory_space<semaphore_mem>>) {add = true}
      %dma_wait3A_212 = arith.constant 0 : i32
      %dma_wait3A_213 = arith.constant 0 : i32
      %dma_wait3A_214 = tpu.memref_slice %arg17[%dma_wait3A_212, %dma_wait3A_213] : memref<10240x128xf32, #tpu.memory_space<vmem_shared>> -> memref<10240x128xf32, #tpu.memory_space<vmem_shared>>
      tpu.wait_indirect_dma semaphore(%arg27 : memref<!tpu.dma_semaphore, #tpu.memory_space<semaphore_mem>>) src(%arg12 : memref<64x128xf32, #tpu.memory_space<vmem>>) dst(%dma_wait3A_214 : memref<10240x128xf32, #tpu.memory_space<vmem_shared>>)
      %mul3A_215 = arith.constant 4 : i32
      %mul3A_216 = arith.muli %mul3A_215, %scan3A_135 : i32
      %add3A_217 = arith.constant 5 : i32
      %add3A_218 = arith.addi %mul3A_216, %add3A_217 : i32
      %mul3A_219 = arith.constant 64 : i32
      %mul3A_220 = arith.muli %add3A_218, %mul3A_219 : i32
      %multiple_of3A_221 = tpu.assume_multiple %mul3A_220, 8 : i32
      %add3A_222 = arith.constant 320000 : i32
      %add3A_223 = arith.addi %add3A_222, %multiple_of3A_5 : i32
      %add3A_224 = arith.addi %add3A_223, %multiple_of3A_221 : i32
      %dma_start3A_225 = tpu.memref_slice %arg3[%add3A_224] : memref<640000xi32, #tpu.memory_space<hbm>> -> memref<64xi32, #tpu.memory_space<hbm>>
      %dma_start3A_226 = tpu.memref_slice %arg3[%add3A_224] : memref<640000xi32, #tpu.memory_space<hbm>> -> memref<64xi32, #tpu.memory_space<hbm>>
      tpu.enqueue_dma source(%dma_start3A_226 : memref<64xi32, #tpu.memory_space<hbm>>) target(%arg8 : memref<64xi32, #tpu.memory_space<vmem>>) target_semaphore(%arg23 : memref<!tpu.dma_semaphore, #tpu.memory_space<semaphore_mem>>)
      %dma_start3A_227 = tpu.memref_slice %arg6[%multiple_of3A_221] : memref<10000xi32, #tpu.memory_space<vmem>> -> memref<64xi32, #tpu.memory_space<vmem>>
      %dma_start3A_228 = arith.constant 0 : i32
      %dma_start3A_229 = arith.constant 0 : i32
      %dma_start3A_230 = tpu.memref_slice %arg2[%dma_start3A_228, %dma_start3A_229] : memref<10000x128xf32, #tpu.memory_space<hbm>> -> memref<10000x128xf32, #tpu.memory_space<hbm>>
      tpu.enqueue_indirect_dma source(%dma_start3A_230 : memref<10000x128xf32, #tpu.memory_space<hbm>>) target(%arg12 : memref<64x128xf32, #tpu.memory_space<vmem>>) offsets(%dma_start3A_227 : memref<64xi32, #tpu.memory_space<vmem>>) semaphore(%arg19 : memref<!tpu.dma_semaphore, #tpu.memory_space<semaphore_mem>>)
      %mul3A_231 = arith.constant 4 : i32
      %mul3A_232 = arith.muli %mul3A_231, %scan3A_135 : i32
      %add3A_233 = arith.constant 3 : i32
      %add3A_234 = arith.addi %mul3A_232, %add3A_233 : i32
      %mul3A_235 = arith.constant 64 : i32
      %mul3A_236 = arith.muli %add3A_234, %mul3A_235 : i32
      %multiple_of3A_237 = tpu.assume_multiple %mul3A_236, 8 : i32
      %add3A_238 = arith.constant 320000 : i32
      %add3A_239 = arith.addi %add3A_238, %multiple_of3A_5 : i32
      %add3A_240 = arith.addi %add3A_239, %multiple_of3A_237 : i32
      %dma_wait3A_241 = tpu.memref_slice %arg3[%add3A_240] : memref<640000xi32, #tpu.memory_space<hbm>> -> memref<64xi32, #tpu.memory_space<hbm>>
      %dma_wait3A_242 = tpu.memref_slice %arg3[%add3A_240] : memref<640000xi32, #tpu.memory_space<hbm>> -> memref<64xi32, #tpu.memory_space<hbm>>
      tpu.wait_dma2 semaphore(%arg25 : memref<!tpu.dma_semaphore, #tpu.memory_space<semaphore_mem>>) src(%dma_wait3A_242 : memref<64xi32, #tpu.memory_space<hbm>>) dst(%arg10 : memref<64xi32, #tpu.memory_space<vmem>>)
      %dma_wait3A_243 = tpu.memref_slice %arg6[%multiple_of3A_237] : memref<10000xi32, #tpu.memory_space<vmem>> -> memref<64xi32, #tpu.memory_space<vmem>>
      %dma_wait3A_244 = arith.constant 0 : i32
      %dma_wait3A_245 = arith.constant 0 : i32
      %dma_wait3A_246 = tpu.memref_slice %arg2[%dma_wait3A_244, %dma_wait3A_245] : memref<10000x128xf32, #tpu.memory_space<hbm>> -> memref<10000x128xf32, #tpu.memory_space<hbm>>
      tpu.wait_indirect_dma semaphore(%arg21 : memref<!tpu.dma_semaphore, #tpu.memory_space<semaphore_mem>>) src(%dma_wait3A_246 : memref<10000x128xf32, #tpu.memory_space<hbm>>) dst(%arg14 : memref<64x128xf32, #tpu.memory_space<vmem>>)
      %dma_start3A_247 = arith.constant 0 : i32
      %dma_start3A_248 = arith.constant 0 : i32
      %dma_start3A_249 = tpu.memref_slice %arg17[%dma_start3A_247, %dma_start3A_248] : memref<10240x128xf32, #tpu.memory_space<vmem_shared>> -> memref<10240x128xf32, #tpu.memory_space<vmem_shared>>
      tpu.enqueue_indirect_dma source(%arg14 : memref<64x128xf32, #tpu.memory_space<vmem>>) target(%dma_start3A_249 : memref<10240x128xf32, #tpu.memory_space<vmem_shared>>) offsets(%arg10 : memref<64xi32, #tpu.memory_space<vmem>>) semaphore(%arg29 : memref<!tpu.dma_semaphore, #tpu.memory_space<semaphore_mem>>) {add = true}
      %dma_wait3A_250 = arith.constant 0 : i32
      %dma_wait3A_251 = arith.constant 0 : i32
      %dma_wait3A_252 = tpu.memref_slice %arg17[%dma_wait3A_250, %dma_wait3A_251] : memref<10240x128xf32, #tpu.memory_space<vmem_shared>> -> memref<10240x128xf32, #tpu.memory_space<vmem_shared>>
      tpu.wait_indirect_dma semaphore(%arg28 : memref<!tpu.dma_semaphore, #tpu.memory_space<semaphore_mem>>) src(%arg13 : memref<64x128xf32, #tpu.memory_space<vmem>>) dst(%dma_wait3A_252 : memref<10240x128xf32, #tpu.memory_space<vmem_shared>>)
      %mul3A_253 = arith.constant 4 : i32
      %mul3A_254 = arith.muli %mul3A_253, %scan3A_135 : i32
      %add3A_255 = arith.constant 6 : i32
      %add3A_256 = arith.addi %mul3A_254, %add3A_255 : i32
      %mul3A_257 = arith.constant 64 : i32
      %mul3A_258 = arith.muli %add3A_256, %mul3A_257 : i32
      %multiple_of3A_259 = tpu.assume_multiple %mul3A_258, 8 : i32
      %add3A_260 = arith.constant 320000 : i32
      %add3A_261 = arith.addi %add3A_260, %multiple_of3A_5 : i32
      %add3A_262 = arith.addi %add3A_261, %multiple_of3A_259 : i32
      %dma_start3A_263 = tpu.memref_slice %arg3[%add3A_262] : memref<640000xi32, #tpu.memory_space<hbm>> -> memref<64xi32, #tpu.memory_space<hbm>>
      %dma_start3A_264 = tpu.memref_slice %arg3[%add3A_262] : memref<640000xi32, #tpu.memory_space<hbm>> -> memref<64xi32, #tpu.memory_space<hbm>>
      tpu.enqueue_dma source(%dma_start3A_264 : memref<64xi32, #tpu.memory_space<hbm>>) target(%arg9 : memref<64xi32, #tpu.memory_space<vmem>>) target_semaphore(%arg24 : memref<!tpu.dma_semaphore, #tpu.memory_space<semaphore_mem>>)
      %dma_start3A_265 = tpu.memref_slice %arg6[%multiple_of3A_259] : memref<10000xi32, #tpu.memory_space<vmem>> -> memref<64xi32, #tpu.memory_space<vmem>>
      %dma_start3A_266 = arith.constant 0 : i32
      %dma_start3A_267 = arith.constant 0 : i32
      %dma_start3A_268 = tpu.memref_slice %arg2[%dma_start3A_266, %dma_start3A_267] : memref<10000x128xf32, #tpu.memory_space<hbm>> -> memref<10000x128xf32, #tpu.memory_space<hbm>>
      tpu.enqueue_indirect_dma source(%dma_start3A_268 : memref<10000x128xf32, #tpu.memory_space<hbm>>) target(%arg13 : memref<64x128xf32, #tpu.memory_space<vmem>>) offsets(%dma_start3A_265 : memref<64xi32, #tpu.memory_space<vmem>>) semaphore(%arg20 : memref<!tpu.dma_semaphore, #tpu.memory_space<semaphore_mem>>)
      %dma_wait3A_269 = arith.constant 0 : i32
      %dma_wait3A_270 = arith.constant 0 : i32
      %dma_wait3A_271 = tpu.memref_slice %arg17[%dma_wait3A_269, %dma_wait3A_270] : memref<10240x128xf32, #tpu.memory_space<vmem_shared>> -> memref<10240x128xf32, #tpu.memory_space<vmem_shared>>
      tpu.wait_indirect_dma semaphore(%arg29 : memref<!tpu.dma_semaphore, #tpu.memory_space<semaphore_mem>>) src(%arg14 : memref<64x128xf32, #tpu.memory_space<vmem>>) dst(%dma_wait3A_271 : memref<10240x128xf32, #tpu.memory_space<vmem_shared>>)
      %mul3A_272 = arith.constant 4 : i32
      %mul3A_273 = arith.muli %mul3A_272, %scan3A_135 : i32
      %add3A_274 = arith.constant 7 : i32
      %add3A_275 = arith.addi %mul3A_273, %add3A_274 : i32
      %mul3A_276 = arith.constant 64 : i32
      %mul3A_277 = arith.muli %add3A_275, %mul3A_276 : i32
      %multiple_of3A_278 = tpu.assume_multiple %mul3A_277, 8 : i32
      %add3A_279 = arith.constant 320000 : i32
      %add3A_280 = arith.addi %add3A_279, %multiple_of3A_5 : i32
      %add3A_281 = arith.addi %add3A_280, %multiple_of3A_278 : i32
      %dma_start3A_282 = tpu.memref_slice %arg3[%add3A_281] : memref<640000xi32, #tpu.memory_space<hbm>> -> memref<64xi32, #tpu.memory_space<hbm>>
      %dma_start3A_283 = tpu.memref_slice %arg3[%add3A_281] : memref<640000xi32, #tpu.memory_space<hbm>> -> memref<64xi32, #tpu.memory_space<hbm>>
      tpu.enqueue_dma source(%dma_start3A_283 : memref<64xi32, #tpu.memory_space<hbm>>) target(%arg10 : memref<64xi32, #tpu.memory_space<vmem>>) target_semaphore(%arg25 : memref<!tpu.dma_semaphore, #tpu.memory_space<semaphore_mem>>)
      %dma_start3A_284 = tpu.memref_slice %arg6[%multiple_of3A_278] : memref<10000xi32, #tpu.memory_space<vmem>> -> memref<64xi32, #tpu.memory_space<vmem>>
      %dma_start3A_285 = arith.constant 0 : i32
      %dma_start3A_286 = arith.constant 0 : i32
      %dma_start3A_287 = tpu.memref_slice %arg2[%dma_start3A_285, %dma_start3A_286] : memref<10000x128xf32, #tpu.memory_space<hbm>> -> memref<10000x128xf32, #tpu.memory_space<hbm>>
      tpu.enqueue_indirect_dma source(%dma_start3A_287 : memref<10000x128xf32, #tpu.memory_space<hbm>>) target(%arg14 : memref<64x128xf32, #tpu.memory_space<vmem>>) offsets(%dma_start3A_284 : memref<64xi32, #tpu.memory_space<vmem>>) semaphore(%arg21 : memref<!tpu.dma_semaphore, #tpu.memory_space<semaphore_mem>>)
    }
    %scan3A_53 = arith.constant 38 : i32
    %multiple_of3A_54 = arith.constant 9728 : i32
    %multiple_of3A_55 = tpu.assume_multiple %multiple_of3A_54, 8 : i32
    %add3A_56 = arith.constant 320000 : i32
    %add3A_57 = arith.addi %add3A_56, %multiple_of3A_5 : i32
    %add3A_58 = arith.addi %add3A_57, %multiple_of3A_55 : i32
    %dma_wait3A = tpu.memref_slice %arg3[%add3A_58] : memref<640000xi32, #tpu.memory_space<hbm>> -> memref<64xi32, #tpu.memory_space<hbm>>
    %dma_wait3A_59 = tpu.memref_slice %arg3[%add3A_58] : memref<640000xi32, #tpu.memory_space<hbm>> -> memref<64xi32, #tpu.memory_space<hbm>>
    tpu.wait_dma2 semaphore(%arg22 : memref<!tpu.dma_semaphore, #tpu.memory_space<semaphore_mem>>) src(%dma_wait3A_59 : memref<64xi32, #tpu.memory_space<hbm>>) dst(%arg7 : memref<64xi32, #tpu.memory_space<vmem>>)
    %dma_wait3A_60 = tpu.memref_slice %arg6[%multiple_of3A_55] : memref<10000xi32, #tpu.memory_space<vmem>> -> memref<64xi32, #tpu.memory_space<vmem>>
    %dma_wait3A_61 = arith.constant 0 : i32
    %dma_wait3A_62 = arith.constant 0 : i32
    %dma_wait3A_63 = tpu.memref_slice %arg2[%dma_wait3A_61, %dma_wait3A_62] : memref<10000x128xf32, #tpu.memory_space<hbm>> -> memref<10000x128xf32, #tpu.memory_space<hbm>>
    tpu.wait_indirect_dma semaphore(%arg18 : memref<!tpu.dma_semaphore, #tpu.memory_space<semaphore_mem>>) src(%dma_wait3A_63 : memref<10000x128xf32, #tpu.memory_space<hbm>>) dst(%arg11 : memref<64x128xf32, #tpu.memory_space<vmem>>)
    %dma_start3A_64 = arith.constant 0 : i32
    %dma_start3A_65 = arith.constant 0 : i32
    %dma_start3A_66 = tpu.memref_slice %arg17[%dma_start3A_64, %dma_start3A_65] : memref<10240x128xf32, #tpu.memory_space<vmem_shared>> -> memref<10240x128xf32, #tpu.memory_space<vmem_shared>>
    tpu.enqueue_indirect_dma source(%arg11 : memref<64x128xf32, #tpu.memory_space<vmem>>) target(%dma_start3A_66 : memref<10240x128xf32, #tpu.memory_space<vmem_shared>>) offsets(%arg7 : memref<64xi32, #tpu.memory_space<vmem>>) semaphore(%arg26 : memref<!tpu.dma_semaphore, #tpu.memory_space<semaphore_mem>>) {add = true}
    %multiple_of3A_67 = arith.constant 9792 : i32
    %multiple_of3A_68 = tpu.assume_multiple %multiple_of3A_67, 8 : i32
    %add3A_69 = arith.constant 320000 : i32
    %add3A_70 = arith.addi %add3A_69, %multiple_of3A_5 : i32
    %add3A_71 = arith.addi %add3A_70, %multiple_of3A_68 : i32
    %dma_wait3A_72 = tpu.memref_slice %arg3[%add3A_71] : memref<640000xi32, #tpu.memory_space<hbm>> -> memref<64xi32, #tpu.memory_space<hbm>>
    %dma_wait3A_73 = tpu.memref_slice %arg3[%add3A_71] : memref<640000xi32, #tpu.memory_space<hbm>> -> memref<64xi32, #tpu.memory_space<hbm>>
    tpu.wait_dma2 semaphore(%arg23 : memref<!tpu.dma_semaphore, #tpu.memory_space<semaphore_mem>>) src(%dma_wait3A_73 : memref<64xi32, #tpu.memory_space<hbm>>) dst(%arg8 : memref<64xi32, #tpu.memory_space<vmem>>)
    %dma_wait3A_74 = tpu.memref_slice %arg6[%multiple_of3A_68] : memref<10000xi32, #tpu.memory_space<vmem>> -> memref<64xi32, #tpu.memory_space<vmem>>
    %dma_wait3A_75 = arith.constant 0 : i32
    %dma_wait3A_76 = arith.constant 0 : i32
    %dma_wait3A_77 = tpu.memref_slice %arg2[%dma_wait3A_75, %dma_wait3A_76] : memref<10000x128xf32, #tpu.memory_space<hbm>> -> memref<10000x128xf32, #tpu.memory_space<hbm>>
    tpu.wait_indirect_dma semaphore(%arg19 : memref<!tpu.dma_semaphore, #tpu.memory_space<semaphore_mem>>) src(%dma_wait3A_77 : memref<10000x128xf32, #tpu.memory_space<hbm>>) dst(%arg12 : memref<64x128xf32, #tpu.memory_space<vmem>>)
    %dma_start3A_78 = arith.constant 0 : i32
    %dma_start3A_79 = arith.constant 0 : i32
    %dma_start3A_80 = tpu.memref_slice %arg17[%dma_start3A_78, %dma_start3A_79] : memref<10240x128xf32, #tpu.memory_space<vmem_shared>> -> memref<10240x128xf32, #tpu.memory_space<vmem_shared>>
    tpu.enqueue_indirect_dma source(%arg12 : memref<64x128xf32, #tpu.memory_space<vmem>>) target(%dma_start3A_80 : memref<10240x128xf32, #tpu.memory_space<vmem_shared>>) offsets(%arg8 : memref<64xi32, #tpu.memory_space<vmem>>) semaphore(%arg27 : memref<!tpu.dma_semaphore, #tpu.memory_space<semaphore_mem>>) {add = true}
    %dma_wait3A_81 = arith.constant 0 : i32
    %dma_wait3A_82 = arith.constant 0 : i32
    %dma_wait3A_83 = tpu.memref_slice %arg17[%dma_wait3A_81, %dma_wait3A_82] : memref<10240x128xf32, #tpu.memory_space<vmem_shared>> -> memref<10240x128xf32, #tpu.memory_space<vmem_shared>>
    tpu.wait_indirect_dma semaphore(%arg26 : memref<!tpu.dma_semaphore, #tpu.memory_space<semaphore_mem>>) src(%arg11 : memref<64x128xf32, #tpu.memory_space<vmem>>) dst(%dma_wait3A_83 : memref<10240x128xf32, #tpu.memory_space<vmem_shared>>)
    %multiple_of3A_84 = arith.constant 9856 : i32
    %multiple_of3A_85 = tpu.assume_multiple %multiple_of3A_84, 8 : i32
    %add3A_86 = arith.constant 320000 : i32
    %add3A_87 = arith.addi %add3A_86, %multiple_of3A_5 : i32
    %add3A_88 = arith.addi %add3A_87, %multiple_of3A_85 : i32
    %dma_wait3A_89 = tpu.memref_slice %arg3[%add3A_88] : memref<640000xi32, #tpu.memory_space<hbm>> -> memref<64xi32, #tpu.memory_space<hbm>>
    %dma_wait3A_90 = tpu.memref_slice %arg3[%add3A_88] : memref<640000xi32, #tpu.memory_space<hbm>> -> memref<64xi32, #tpu.memory_space<hbm>>
    tpu.wait_dma2 semaphore(%arg24 : memref<!tpu.dma_semaphore, #tpu.memory_space<semaphore_mem>>) src(%dma_wait3A_90 : memref<64xi32, #tpu.memory_space<hbm>>) dst(%arg9 : memref<64xi32, #tpu.memory_space<vmem>>)
    %dma_wait3A_91 = tpu.memref_slice %arg6[%multiple_of3A_85] : memref<10000xi32, #tpu.memory_space<vmem>> -> memref<64xi32, #tpu.memory_space<vmem>>
    %dma_wait3A_92 = arith.constant 0 : i32
    %dma_wait3A_93 = arith.constant 0 : i32
    %dma_wait3A_94 = tpu.memref_slice %arg2[%dma_wait3A_92, %dma_wait3A_93] : memref<10000x128xf32, #tpu.memory_space<hbm>> -> memref<10000x128xf32, #tpu.memory_space<hbm>>
    tpu.wait_indirect_dma semaphore(%arg20 : memref<!tpu.dma_semaphore, #tpu.memory_space<semaphore_mem>>) src(%dma_wait3A_94 : memref<10000x128xf32, #tpu.memory_space<hbm>>) dst(%arg13 : memref<64x128xf32, #tpu.memory_space<vmem>>)
    %dma_start3A_95 = arith.constant 0 : i32
    %dma_start3A_96 = arith.constant 0 : i32
    %dma_start3A_97 = tpu.memref_slice %arg17[%dma_start3A_95, %dma_start3A_96] : memref<10240x128xf32, #tpu.memory_space<vmem_shared>> -> memref<10240x128xf32, #tpu.memory_space<vmem_shared>>
    tpu.enqueue_indirect_dma source(%arg13 : memref<64x128xf32, #tpu.memory_space<vmem>>) target(%dma_start3A_97 : memref<10240x128xf32, #tpu.memory_space<vmem_shared>>) offsets(%arg9 : memref<64xi32, #tpu.memory_space<vmem>>) semaphore(%arg28 : memref<!tpu.dma_semaphore, #tpu.memory_space<semaphore_mem>>) {add = true}
    %dma_wait3A_98 = arith.constant 0 : i32
    %dma_wait3A_99 = arith.constant 0 : i32
    %dma_wait3A_100 = tpu.memref_slice %arg17[%dma_wait3A_98, %dma_wait3A_99] : memref<10240x128xf32, #tpu.memory_space<vmem_shared>> -> memref<10240x128xf32, #tpu.memory_space<vmem_shared>>
    tpu.wait_indirect_dma semaphore(%arg27 : memref<!tpu.dma_semaphore, #tpu.memory_space<semaphore_mem>>) src(%arg12 : memref<64x128xf32, #tpu.memory_space<vmem>>) dst(%dma_wait3A_100 : memref<10240x128xf32, #tpu.memory_space<vmem_shared>>)
    %multiple_of3A_101 = arith.constant 9920 : i32
    %multiple_of3A_102 = tpu.assume_multiple %multiple_of3A_101, 8 : i32
    %add3A_103 = arith.constant 320000 : i32
    %add3A_104 = arith.addi %add3A_103, %multiple_of3A_5 : i32
    %add3A_105 = arith.addi %add3A_104, %multiple_of3A_102 : i32
    %dma_wait3A_106 = tpu.memref_slice %arg3[%add3A_105] : memref<640000xi32, #tpu.memory_space<hbm>> -> memref<64xi32, #tpu.memory_space<hbm>>
    %dma_wait3A_107 = tpu.memref_slice %arg3[%add3A_105] : memref<640000xi32, #tpu.memory_space<hbm>> -> memref<64xi32, #tpu.memory_space<hbm>>
    tpu.wait_dma2 semaphore(%arg25 : memref<!tpu.dma_semaphore, #tpu.memory_space<semaphore_mem>>) src(%dma_wait3A_107 : memref<64xi32, #tpu.memory_space<hbm>>) dst(%arg10 : memref<64xi32, #tpu.memory_space<vmem>>)
    %dma_wait3A_108 = tpu.memref_slice %arg6[%multiple_of3A_102] : memref<10000xi32, #tpu.memory_space<vmem>> -> memref<64xi32, #tpu.memory_space<vmem>>
    %dma_wait3A_109 = arith.constant 0 : i32
    %dma_wait3A_110 = arith.constant 0 : i32
    %dma_wait3A_111 = tpu.memref_slice %arg2[%dma_wait3A_109, %dma_wait3A_110] : memref<10000x128xf32, #tpu.memory_space<hbm>> -> memref<10000x128xf32, #tpu.memory_space<hbm>>
    tpu.wait_indirect_dma semaphore(%arg21 : memref<!tpu.dma_semaphore, #tpu.memory_space<semaphore_mem>>) src(%dma_wait3A_111 : memref<10000x128xf32, #tpu.memory_space<hbm>>) dst(%arg14 : memref<64x128xf32, #tpu.memory_space<vmem>>)
    %dma_start3A_112 = arith.constant 0 : i32
    %dma_start3A_113 = arith.constant 0 : i32
    %dma_start3A_114 = tpu.memref_slice %arg17[%dma_start3A_112, %dma_start3A_113] : memref<10240x128xf32, #tpu.memory_space<vmem_shared>> -> memref<10240x128xf32, #tpu.memory_space<vmem_shared>>
    tpu.enqueue_indirect_dma source(%arg14 : memref<64x128xf32, #tpu.memory_space<vmem>>) target(%dma_start3A_114 : memref<10240x128xf32, #tpu.memory_space<vmem_shared>>) offsets(%arg10 : memref<64xi32, #tpu.memory_space<vmem>>) semaphore(%arg29 : memref<!tpu.dma_semaphore, #tpu.memory_space<semaphore_mem>>) {add = true}
    %dma_wait3A_115 = arith.constant 0 : i32
    %dma_wait3A_116 = arith.constant 0 : i32
    %dma_wait3A_117 = tpu.memref_slice %arg17[%dma_wait3A_115, %dma_wait3A_116] : memref<10240x128xf32, #tpu.memory_space<vmem_shared>> -> memref<10240x128xf32, #tpu.memory_space<vmem_shared>>
    tpu.wait_indirect_dma semaphore(%arg28 : memref<!tpu.dma_semaphore, #tpu.memory_space<semaphore_mem>>) src(%arg13 : memref<64x128xf32, #tpu.memory_space<vmem>>) dst(%dma_wait3A_117 : memref<10240x128xf32, #tpu.memory_space<vmem_shared>>)
    %dma_wait3A_118 = arith.constant 0 : i32
    %dma_wait3A_119 = arith.constant 0 : i32
    %dma_wait3A_120 = tpu.memref_slice %arg17[%dma_wait3A_118, %dma_wait3A_119] : memref<10240x128xf32, #tpu.memory_space<vmem_shared>> -> memref<10240x128xf32, #tpu.memory_space<vmem_shared>>
    tpu.wait_indirect_dma semaphore(%arg29 : memref<!tpu.dma_semaphore, #tpu.memory_space<semaphore_mem>>) src(%arg14 : memref<64x128xf32, #tpu.memory_space<vmem>>) dst(%dma_wait3A_120 : memref<10240x128xf32, #tpu.memory_space<vmem_shared>>)
    %multiple_of3A_121 = arith.constant 9984 : i32
    %multiple_of3A_122 = tpu.assume_multiple %multiple_of3A_121, 8 : i32
    %add3A_123 = arith.constant 320000 : i32
    %add3A_124 = arith.addi %add3A_123, %multiple_of3A_5 : i32
    %add3A_125 = arith.addi %add3A_124, %multiple_of3A_122 : i32
    "tpu.region"() ({
      %run_scoped3A = tpu.sem_alloc : memref<!tpu.dma_semaphore, #tpu.memory_space<semaphore_mem>>
      %dma_start3A_135 = tpu.memref_slice %arg3[%add3A_125] : memref<640000xi32, #tpu.memory_space<hbm>> -> memref<16xi32, #tpu.memory_space<hbm>>
      %dma_start3A_136 = tpu.memref_slice %arg3[%add3A_125] : memref<640000xi32, #tpu.memory_space<hbm>> -> memref<16xi32, #tpu.memory_space<hbm>>
      tpu.enqueue_dma source(%dma_start3A_136 : memref<16xi32, #tpu.memory_space<hbm>>) target(%arg16 : memref<16xi32, #tpu.memory_space<vmem>>) target_semaphore(%run_scoped3A : memref<!tpu.dma_semaphore, #tpu.memory_space<semaphore_mem>>)
      %dma_wait3A_137 = tpu.memref_slice %arg3[%add3A_125] : memref<640000xi32, #tpu.memory_space<hbm>> -> memref<16xi32, #tpu.memory_space<hbm>>
      %dma_wait3A_138 = tpu.memref_slice %arg3[%add3A_125] : memref<640000xi32, #tpu.memory_space<hbm>> -> memref<16xi32, #tpu.memory_space<hbm>>
      tpu.wait_dma2 semaphore(%run_scoped3A : memref<!tpu.dma_semaphore, #tpu.memory_space<semaphore_mem>>) src(%dma_wait3A_138 : memref<16xi32, #tpu.memory_space<hbm>>) dst(%arg16 : memref<16xi32, #tpu.memory_space<vmem>>)
      tpu.yield
    }) : () -> ()
    %dma_start3A_126 = tpu.memref_slice %arg6[%multiple_of3A_122] : memref<10000xi32, #tpu.memory_space<vmem>> -> memref<16xi32, #tpu.memory_space<vmem>>
    %dma_start3A_127 = arith.constant 0 : i32
    %dma_start3A_128 = arith.constant 0 : i32
    %dma_start3A_129 = tpu.memref_slice %arg2[%dma_start3A_127, %dma_start3A_128] : memref<10000x128xf32, #tpu.memory_space<hbm>> -> memref<10000x128xf32, #tpu.memory_space<hbm>>
    tpu.enqueue_indirect_dma source(%dma_start3A_129 : memref<10000x128xf32, #tpu.memory_space<hbm>>) target(%arg15 : memref<16x128xf32, #tpu.memory_space<vmem>>) offsets(%dma_start3A_126 : memref<16xi32, #tpu.memory_space<vmem>>) semaphore(%arg18 : memref<!tpu.dma_semaphore, #tpu.memory_space<semaphore_mem>>)
    %dma_wait3A_130 = tpu.memref_slice %arg6[%multiple_of3A_122] : memref<10000xi32, #tpu.memory_space<vmem>> -> memref<16xi32, #tpu.memory_space<vmem>>
    %dma_wait3A_131 = arith.constant 0 : i32
    %dma_wait3A_132 = arith.constant 0 : i32
    %dma_wait3A_133 = tpu.memref_slice %arg2[%dma_wait3A_131, %dma_wait3A_132] : memref<10000x128xf32, #tpu.memory_space<hbm>> -> memref<10000x128xf32, #tpu.memory_space<hbm>>
    tpu.wait_indirect_dma semaphore(%arg18 : memref<!tpu.dma_semaphore, #tpu.memory_space<semaphore_mem>>) src(%dma_wait3A_133 : memref<10000x128xf32, #tpu.memory_space<hbm>>) dst(%arg15 : memref<16x128xf32, #tpu.memory_space<vmem>>)
    "tpu.region"() ({
      %run_scoped3A = tpu.sem_alloc : memref<!tpu.dma_semaphore, #tpu.memory_space<semaphore_mem>>
      %dma_start3A_135 = arith.constant 0 : i32
      %dma_start3A_136 = arith.constant 0 : i32
      %dma_start3A_137 = tpu.memref_slice %arg17[%dma_start3A_135, %dma_start3A_136] : memref<10240x128xf32, #tpu.memory_space<vmem_shared>> -> memref<10240x128xf32, #tpu.memory_space<vmem_shared>>
      tpu.enqueue_indirect_dma source(%arg15 : memref<16x128xf32, #tpu.memory_space<vmem>>) target(%dma_start3A_137 : memref<10240x128xf32, #tpu.memory_space<vmem_shared>>) offsets(%arg16 : memref<16xi32, #tpu.memory_space<vmem>>) semaphore(%run_scoped3A : memref<!tpu.dma_semaphore, #tpu.memory_space<semaphore_mem>>) {add = true}
      %dma_wait3A_138 = arith.constant 0 : i32
      %dma_wait3A_139 = arith.constant 0 : i32
      %dma_wait3A_140 = tpu.memref_slice %arg17[%dma_wait3A_138, %dma_wait3A_139] : memref<10240x128xf32, #tpu.memory_space<vmem_shared>> -> memref<10240x128xf32, #tpu.memory_space<vmem_shared>>
      tpu.wait_indirect_dma semaphore(%run_scoped3A : memref<!tpu.dma_semaphore, #tpu.memory_space<semaphore_mem>>) src(%arg15 : memref<16x128xf32, #tpu.memory_space<vmem>>) dst(%dma_wait3A_140 : memref<10240x128xf32, #tpu.memory_space<vmem_shared>>)
      tpu.yield
    }) : () -> ()
    %barrier3A_134 = arith.constant 0 : index
    tpu.barrier barrier_id(%barrier3A_134)
    "tpu.region"() ({
      %run_scoped3A = tpu.sem_alloc : memref<!tpu.dma_semaphore, #tpu.memory_space<semaphore_mem>>
      %dma_start3A_135 = arith.constant 0 : i32
      %dma_start3A_136 = tpu.memref_slice %arg5[%arg0, %multiple_of3A, %dma_start3A_135] : memref<2x10240x128xf32, #tpu.memory_space<hbm>> -> memref<1x640x128xf32, #tpu.memory_space<hbm>>
      %dma_start3A_137 = tpu.memref_squeeze %dma_start3A_136 : memref<1x640x128xf32, #tpu.memory_space<hbm>> -> memref<640x128xf32, #tpu.memory_space<hbm>>
      %dma_start3A_138 = arith.constant 0 : i32
      %dma_start3A_139 = tpu.memref_slice %arg17[%multiple_of3A, %dma_start3A_138] : memref<10240x128xf32, #tpu.memory_space<vmem_shared>> -> memref<640x128xf32, #tpu.memory_space<vmem_shared>>
      tpu.enqueue_dma source(%dma_start3A_139 : memref<640x128xf32, #tpu.memory_space<vmem_shared>>) target(%dma_start3A_137 : memref<640x128xf32, #tpu.memory_space<hbm>>) target_semaphore(%run_scoped3A : memref<!tpu.dma_semaphore, #tpu.memory_space<semaphore_mem>>)
      %dma_wait3A_140 = arith.constant 0 : i32
      %dma_wait3A_141 = tpu.memref_slice %arg5[%arg0, %multiple_of3A, %dma_wait3A_140] : memref<2x10240x128xf32, #tpu.memory_space<hbm>> -> memref<1x640x128xf32, #tpu.memory_space<hbm>>
      %dma_wait3A_142 = tpu.memref_squeeze %dma_wait3A_141 : memref<1x640x128xf32, #tpu.memory_space<hbm>> -> memref<640x128xf32, #tpu.memory_space<hbm>>
      %dma_wait3A_143 = arith.constant 0 : i32
      %dma_wait3A_144 = tpu.memref_slice %arg17[%multiple_of3A, %dma_wait3A_143] : memref<10240x128xf32, #tpu.memory_space<vmem_shared>> -> memref<640x128xf32, #tpu.memory_space<vmem_shared>>
      tpu.wait_dma2 semaphore(%run_scoped3A : memref<!tpu.dma_semaphore, #tpu.memory_space<semaphore_mem>>) src(%dma_wait3A_144 : memref<640x128xf32, #tpu.memory_space<vmem_shared>>) dst(%dma_wait3A_142 : memref<640x128xf32, #tpu.memory_space<hbm>>)
      tpu.yield
    }) : () -> ()
    return
  }
}

#map = affine_map<(d0, d1) -> (0)>
#map1 = affine_map<(d0, d1) -> (0, 0)>
#map2 = affine_map<(d0, d1) -> (0, 0, 0)>
module attributes {stable_mosaic.version = 14 : i64} {
  func.func @_sc_deg_body(%arg0: i32, %arg1: i32, %arg2: memref<640000xi32, #tpu.memory_space<hbm>>, %arg3: memref<128x128xf32, #tpu.memory_space<hbm>>, %arg4: memref<10240x128xf32, #tpu.memory_space<hbm>>, %arg5: memref<2x10240x128xf32, #tpu.memory_space<hbm>>, %arg6: memref<128xi32, #tpu.memory_space<vmem>>, %arg7: memref<128xi32, #tpu.memory_space<vmem>>, %arg8: memref<16xi32, #tpu.memory_space<vmem>>, %arg9: memref<128x128xf32, #tpu.memory_space<vmem>>, %arg10: memref<10240x128xf32, #tpu.memory_space<vmem_shared>>, %arg11: memref<!tpu.dma_semaphore, #tpu.memory_space<semaphore_mem>>, %arg12: memref<!tpu.dma_semaphore, #tpu.memory_space<semaphore_mem>>) attributes {dimension_semantics = [#tpu.dimension_semantics<core_parallel>, #tpu.dimension_semantics<subcore_parallel>], iteration_bounds = array<i64: 2, 16>, scalar_prefetch = 0 : i64, scratch_operands = 7 : i64, tpu.core_type = #tpu.core_type<sc_vector_subcore>, window_params = [{transform_indices = #map}, {transform_indices = #map1}, {transform_indices = #map1}, {transform_indices = #map2}]} {
    %mul3A = arith.constant 640 : i32
    %mul3A_0 = arith.muli %arg1, %mul3A : i32
    %multiple_of3A = tpu.assume_multiple %mul3A_0, 8 : i32
    "tpu.region"() ({
      %run_scoped3A = tpu.sem_alloc : memref<!tpu.dma_semaphore, #tpu.memory_space<semaphore_mem>>
      %dma_start3A_23 = arith.constant 0 : i32
      %dma_start3A_24 = tpu.memref_slice %arg10[%multiple_of3A, %dma_start3A_23] : memref<10240x128xf32, #tpu.memory_space<vmem_shared>> -> memref<640x128xf32, #tpu.memory_space<vmem_shared>>
      %dma_start3A_25 = arith.constant 0 : i32
      %dma_start3A_26 = tpu.memref_slice %arg4[%multiple_of3A, %dma_start3A_25] : memref<10240x128xf32, #tpu.memory_space<hbm>> -> memref<640x128xf32, #tpu.memory_space<hbm>>
      tpu.enqueue_dma source(%dma_start3A_26 : memref<640x128xf32, #tpu.memory_space<hbm>>) target(%dma_start3A_24 : memref<640x128xf32, #tpu.memory_space<vmem_shared>>) target_semaphore(%run_scoped3A : memref<!tpu.dma_semaphore, #tpu.memory_space<semaphore_mem>>)
      %dma_wait3A = arith.constant 0 : i32
      %dma_wait3A_27 = tpu.memref_slice %arg10[%multiple_of3A, %dma_wait3A] : memref<10240x128xf32, #tpu.memory_space<vmem_shared>> -> memref<640x128xf32, #tpu.memory_space<vmem_shared>>
      %dma_wait3A_28 = arith.constant 0 : i32
      %dma_wait3A_29 = tpu.memref_slice %arg4[%multiple_of3A, %dma_wait3A_28] : memref<10240x128xf32, #tpu.memory_space<hbm>> -> memref<640x128xf32, #tpu.memory_space<hbm>>
      tpu.wait_dma2 semaphore(%run_scoped3A : memref<!tpu.dma_semaphore, #tpu.memory_space<semaphore_mem>>) src(%dma_wait3A_29 : memref<640x128xf32, #tpu.memory_space<hbm>>) dst(%dma_wait3A_27 : memref<640x128xf32, #tpu.memory_space<vmem_shared>>)
      tpu.yield
    }) : () -> ()
    "tpu.region"() ({
      %run_scoped3A = tpu.sem_alloc : memref<!tpu.dma_semaphore, #tpu.memory_space<semaphore_mem>>
      tpu.enqueue_dma source(%arg3 : memref<128x128xf32, #tpu.memory_space<hbm>>) target(%arg9 : memref<128x128xf32, #tpu.memory_space<vmem>>) target_semaphore(%run_scoped3A : memref<!tpu.dma_semaphore, #tpu.memory_space<semaphore_mem>>)
      tpu.wait_dma2 semaphore(%run_scoped3A : memref<!tpu.dma_semaphore, #tpu.memory_space<semaphore_mem>>) src(%arg3 : memref<128x128xf32, #tpu.memory_space<hbm>>) dst(%arg9 : memref<128x128xf32, #tpu.memory_space<vmem>>)
      tpu.yield
    }) : () -> ()
    %mul3A_1 = arith.constant 16 : i32
    %mul3A_2 = arith.muli %arg0, %mul3A_1 : i32
    %add3A = arith.addi %mul3A_2, %arg1 : i32
    %mul3A_3 = arith.constant 10000 : i32
    %mul3A_4 = arith.muli %add3A, %mul3A_3 : i32
    %multiple_of3A_5 = tpu.assume_multiple %mul3A_4, 8 : i32
    %barrier3A = arith.constant 0 : index
    tpu.barrier barrier_id(%barrier3A)
    %multiple_of3A_6 = arith.constant 0 : i32
    %multiple_of3A_7 = tpu.assume_multiple %multiple_of3A_6, 8 : i32
    %add3A_8 = arith.constant 320000 : i32
    %add3A_9 = arith.addi %add3A_8, %multiple_of3A_5 : i32
    %add3A_10 = arith.addi %add3A_9, %multiple_of3A_7 : i32
    %dma_start3A = tpu.memref_slice %arg2[%add3A_10] : memref<640000xi32, #tpu.memory_space<hbm>> -> memref<128xi32, #tpu.memory_space<hbm>>
    %dma_start3A_11 = tpu.memref_slice %arg2[%add3A_10] : memref<640000xi32, #tpu.memory_space<hbm>> -> memref<128xi32, #tpu.memory_space<hbm>>
    tpu.enqueue_dma source(%dma_start3A_11 : memref<128xi32, #tpu.memory_space<hbm>>) target(%arg6 : memref<128xi32, #tpu.memory_space<vmem>>) target_semaphore(%arg11 : memref<!tpu.dma_semaphore, #tpu.memory_space<semaphore_mem>>)
    %scan3A = arith.constant 0 : i32
    %scan3A_12 = arith.constant 0 : i32
    %scan3A_13 = arith.constant 39 : i32
    %scan3A_14 = arith.addi %scan3A_12, %scan3A_13 : i32
    %scan3A_15 = arith.constant 1 : i32
    scf.for %scan3A_23 = %scan3A_12 to %scan3A_14 step %scan3A_15  : i32 {
      %mul3A_24 = arith.constant 2 : i32
      %mul3A_25 = arith.muli %mul3A_24, %scan3A_23 : i32
      %add3A_26 = arith.constant 1 : i32
      %add3A_27 = arith.addi %mul3A_25, %add3A_26 : i32
      %mul3A_28 = arith.constant 128 : i32
      %mul3A_29 = arith.muli %add3A_27, %mul3A_28 : i32
      %multiple_of3A_30 = tpu.assume_multiple %mul3A_29, 8 : i32
      %add3A_31 = arith.constant 320000 : i32
      %add3A_32 = arith.addi %add3A_31, %multiple_of3A_5 : i32
      %add3A_33 = arith.addi %add3A_32, %multiple_of3A_30 : i32
      %dma_start3A_34 = tpu.memref_slice %arg2[%add3A_33] : memref<640000xi32, #tpu.memory_space<hbm>> -> memref<128xi32, #tpu.memory_space<hbm>>
      %dma_start3A_35 = tpu.memref_slice %arg2[%add3A_33] : memref<640000xi32, #tpu.memory_space<hbm>> -> memref<128xi32, #tpu.memory_space<hbm>>
      tpu.enqueue_dma source(%dma_start3A_35 : memref<128xi32, #tpu.memory_space<hbm>>) target(%arg7 : memref<128xi32, #tpu.memory_space<vmem>>) target_semaphore(%arg12 : memref<!tpu.dma_semaphore, #tpu.memory_space<semaphore_mem>>)
      %mul3A_36 = arith.constant 2 : i32
      %mul3A_37 = arith.muli %mul3A_36, %scan3A_23 : i32
      %mul3A_38 = arith.constant 128 : i32
      %mul3A_39 = arith.muli %mul3A_37, %mul3A_38 : i32
      %multiple_of3A_40 = tpu.assume_multiple %mul3A_39, 8 : i32
      %add3A_41 = arith.constant 320000 : i32
      %add3A_42 = arith.addi %add3A_41, %multiple_of3A_5 : i32
      %add3A_43 = arith.addi %add3A_42, %multiple_of3A_40 : i32
      %dma_wait3A = tpu.memref_slice %arg2[%add3A_43] : memref<640000xi32, #tpu.memory_space<hbm>> -> memref<128xi32, #tpu.memory_space<hbm>>
      %dma_wait3A_44 = tpu.memref_slice %arg2[%add3A_43] : memref<640000xi32, #tpu.memory_space<hbm>> -> memref<128xi32, #tpu.memory_space<hbm>>
      tpu.wait_dma2 semaphore(%arg11 : memref<!tpu.dma_semaphore, #tpu.memory_space<semaphore_mem>>) src(%dma_wait3A_44 : memref<128xi32, #tpu.memory_space<hbm>>) dst(%arg6 : memref<128xi32, #tpu.memory_space<vmem>>)
      "tpu.region"() ({
        %run_scoped3A = tpu.sem_alloc : memref<!tpu.dma_semaphore, #tpu.memory_space<semaphore_mem>>
        %dma_start3A_59 = arith.constant 0 : i32
        %dma_start3A_60 = arith.constant 0 : i32
        %dma_start3A_61 = tpu.memref_slice %arg10[%dma_start3A_59, %dma_start3A_60] : memref<10240x128xf32, #tpu.memory_space<vmem_shared>> -> memref<10240x128xf32, #tpu.memory_space<vmem_shared>>
        tpu.enqueue_indirect_dma source(%arg9 : memref<128x128xf32, #tpu.memory_space<vmem>>) target(%dma_start3A_61 : memref<10240x128xf32, #tpu.memory_space<vmem_shared>>) offsets(%arg6 : memref<128xi32, #tpu.memory_space<vmem>>) semaphore(%run_scoped3A : memref<!tpu.dma_semaphore, #tpu.memory_space<semaphore_mem>>) {add = true}
        %dma_wait3A_62 = arith.constant 0 : i32
        %dma_wait3A_63 = arith.constant 0 : i32
        %dma_wait3A_64 = tpu.memref_slice %arg10[%dma_wait3A_62, %dma_wait3A_63] : memref<10240x128xf32, #tpu.memory_space<vmem_shared>> -> memref<10240x128xf32, #tpu.memory_space<vmem_shared>>
        tpu.wait_indirect_dma semaphore(%run_scoped3A : memref<!tpu.dma_semaphore, #tpu.memory_space<semaphore_mem>>) src(%arg9 : memref<128x128xf32, #tpu.memory_space<vmem>>) dst(%dma_wait3A_64 : memref<10240x128xf32, #tpu.memory_space<vmem_shared>>)
        tpu.yield
      }) : () -> ()
      %lt3A = arith.constant 38 : i32
      %lt3A_45 = arith.cmpi slt, %scan3A_23, %lt3A : i32
      %convert_element_type3A = arith.extui %lt3A_45 : i1 to i32
      %cond3A = arith.constant 0 : i32
      %cond3A_46 = arith.cmpi ne, %convert_element_type3A, %cond3A : i32
      scf.if %cond3A_46 {
        %mul3A_59 = arith.constant 2 : i32
        %mul3A_60 = arith.muli %mul3A_59, %scan3A_23 : i32
        %add3A_61 = arith.constant 2 : i32
        %add3A_62 = arith.addi %mul3A_60, %add3A_61 : i32
        %mul3A_63 = arith.constant 128 : i32
        %mul3A_64 = arith.muli %add3A_62, %mul3A_63 : i32
        %multiple_of3A_65 = tpu.assume_multiple %mul3A_64, 8 : i32
        %add3A_66 = arith.constant 320000 : i32
        %add3A_67 = arith.addi %add3A_66, %multiple_of3A_5 : i32
        %add3A_68 = arith.addi %add3A_67, %multiple_of3A_65 : i32
        %dma_start3A_69 = tpu.memref_slice %arg2[%add3A_68] : memref<640000xi32, #tpu.memory_space<hbm>> -> memref<128xi32, #tpu.memory_space<hbm>>
        %dma_start3A_70 = tpu.memref_slice %arg2[%add3A_68] : memref<640000xi32, #tpu.memory_space<hbm>> -> memref<128xi32, #tpu.memory_space<hbm>>
        tpu.enqueue_dma source(%dma_start3A_70 : memref<128xi32, #tpu.memory_space<hbm>>) target(%arg6 : memref<128xi32, #tpu.memory_space<vmem>>) target_semaphore(%arg11 : memref<!tpu.dma_semaphore, #tpu.memory_space<semaphore_mem>>)
      } else {
      }
      %mul3A_47 = arith.constant 2 : i32
      %mul3A_48 = arith.muli %mul3A_47, %scan3A_23 : i32
      %add3A_49 = arith.constant 1 : i32
      %add3A_50 = arith.addi %mul3A_48, %add3A_49 : i32
      %mul3A_51 = arith.constant 128 : i32
      %mul3A_52 = arith.muli %add3A_50, %mul3A_51 : i32
      %multiple_of3A_53 = tpu.assume_multiple %mul3A_52, 8 : i32
      %add3A_54 = arith.constant 320000 : i32
      %add3A_55 = arith.addi %add3A_54, %multiple_of3A_5 : i32
      %add3A_56 = arith.addi %add3A_55, %multiple_of3A_53 : i32
      %dma_wait3A_57 = tpu.memref_slice %arg2[%add3A_56] : memref<640000xi32, #tpu.memory_space<hbm>> -> memref<128xi32, #tpu.memory_space<hbm>>
      %dma_wait3A_58 = tpu.memref_slice %arg2[%add3A_56] : memref<640000xi32, #tpu.memory_space<hbm>> -> memref<128xi32, #tpu.memory_space<hbm>>
      tpu.wait_dma2 semaphore(%arg12 : memref<!tpu.dma_semaphore, #tpu.memory_space<semaphore_mem>>) src(%dma_wait3A_58 : memref<128xi32, #tpu.memory_space<hbm>>) dst(%arg7 : memref<128xi32, #tpu.memory_space<vmem>>)
      "tpu.region"() ({
        %run_scoped3A = tpu.sem_alloc : memref<!tpu.dma_semaphore, #tpu.memory_space<semaphore_mem>>
        %dma_start3A_59 = arith.constant 0 : i32
        %dma_start3A_60 = arith.constant 0 : i32
        %dma_start3A_61 = tpu.memref_slice %arg10[%dma_start3A_59, %dma_start3A_60] : memref<10240x128xf32, #tpu.memory_space<vmem_shared>> -> memref<10240x128xf32, #tpu.memory_space<vmem_shared>>
        tpu.enqueue_indirect_dma source(%arg9 : memref<128x128xf32, #tpu.memory_space<vmem>>) target(%dma_start3A_61 : memref<10240x128xf32, #tpu.memory_space<vmem_shared>>) offsets(%arg7 : memref<128xi32, #tpu.memory_space<vmem>>) semaphore(%run_scoped3A : memref<!tpu.dma_semaphore, #tpu.memory_space<semaphore_mem>>) {add = true}
        %dma_wait3A_62 = arith.constant 0 : i32
        %dma_wait3A_63 = arith.constant 0 : i32
        %dma_wait3A_64 = tpu.memref_slice %arg10[%dma_wait3A_62, %dma_wait3A_63] : memref<10240x128xf32, #tpu.memory_space<vmem_shared>> -> memref<10240x128xf32, #tpu.memory_space<vmem_shared>>
        tpu.wait_indirect_dma semaphore(%run_scoped3A : memref<!tpu.dma_semaphore, #tpu.memory_space<semaphore_mem>>) src(%arg9 : memref<128x128xf32, #tpu.memory_space<vmem>>) dst(%dma_wait3A_64 : memref<10240x128xf32, #tpu.memory_space<vmem_shared>>)
        tpu.yield
      }) : () -> ()
    }
    %scan3A_16 = arith.constant 39 : i32
    %multiple_of3A_17 = arith.constant 9984 : i32
    %multiple_of3A_18 = tpu.assume_multiple %multiple_of3A_17, 8 : i32
    %add3A_19 = arith.constant 320000 : i32
    %add3A_20 = arith.addi %add3A_19, %multiple_of3A_5 : i32
    %add3A_21 = arith.addi %add3A_20, %multiple_of3A_18 : i32
    "tpu.region"() ({
      %run_scoped3A = tpu.sem_alloc : memref<!tpu.dma_semaphore, #tpu.memory_space<semaphore_mem>>
      %dma_start3A_23 = tpu.memref_slice %arg2[%add3A_21] : memref<640000xi32, #tpu.memory_space<hbm>> -> memref<16xi32, #tpu.memory_space<hbm>>
      %dma_start3A_24 = tpu.memref_slice %arg2[%add3A_21] : memref<640000xi32, #tpu.memory_space<hbm>> -> memref<16xi32, #tpu.memory_space<hbm>>
      tpu.enqueue_dma source(%dma_start3A_24 : memref<16xi32, #tpu.memory_space<hbm>>) target(%arg8 : memref<16xi32, #tpu.memory_space<vmem>>) target_semaphore(%run_scoped3A : memref<!tpu.dma_semaphore, #tpu.memory_space<semaphore_mem>>)
      %dma_wait3A = tpu.memref_slice %arg2[%add3A_21] : memref<640000xi32, #tpu.memory_space<hbm>> -> memref<16xi32, #tpu.memory_space<hbm>>
      %dma_wait3A_25 = tpu.memref_slice %arg2[%add3A_21] : memref<640000xi32, #tpu.memory_space<hbm>> -> memref<16xi32, #tpu.memory_space<hbm>>
      tpu.wait_dma2 semaphore(%run_scoped3A : memref<!tpu.dma_semaphore, #tpu.memory_space<semaphore_mem>>) src(%dma_wait3A_25 : memref<16xi32, #tpu.memory_space<hbm>>) dst(%arg8 : memref<16xi32, #tpu.memory_space<vmem>>)
      tpu.yield
    }) : () -> ()
    "tpu.region"() ({
      %run_scoped3A = tpu.sem_alloc : memref<!tpu.dma_semaphore, #tpu.memory_space<semaphore_mem>>
      %dma_start3A_23 = arith.constant 0 : i32
      %dma_start3A_24 = arith.constant 0 : i32
      %dma_start3A_25 = tpu.memref_slice %arg9[%dma_start3A_23, %dma_start3A_24] : memref<128x128xf32, #tpu.memory_space<vmem>> -> memref<16x128xf32, #tpu.memory_space<vmem>>
      %dma_start3A_26 = arith.constant 0 : i32
      %dma_start3A_27 = arith.constant 0 : i32
      %dma_start3A_28 = tpu.memref_slice %arg10[%dma_start3A_26, %dma_start3A_27] : memref<10240x128xf32, #tpu.memory_space<vmem_shared>> -> memref<10240x128xf32, #tpu.memory_space<vmem_shared>>
      tpu.enqueue_indirect_dma source(%dma_start3A_25 : memref<16x128xf32, #tpu.memory_space<vmem>>) target(%dma_start3A_28 : memref<10240x128xf32, #tpu.memory_space<vmem_shared>>) offsets(%arg8 : memref<16xi32, #tpu.memory_space<vmem>>) semaphore(%run_scoped3A : memref<!tpu.dma_semaphore, #tpu.memory_space<semaphore_mem>>) {add = true}
      %dma_wait3A = arith.constant 0 : i32
      %dma_wait3A_29 = arith.constant 0 : i32
      %dma_wait3A_30 = tpu.memref_slice %arg9[%dma_wait3A, %dma_wait3A_29] : memref<128x128xf32, #tpu.memory_space<vmem>> -> memref<16x128xf32, #tpu.memory_space<vmem>>
      %dma_wait3A_31 = arith.constant 0 : i32
      %dma_wait3A_32 = arith.constant 0 : i32
      %dma_wait3A_33 = tpu.memref_slice %arg10[%dma_wait3A_31, %dma_wait3A_32] : memref<10240x128xf32, #tpu.memory_space<vmem_shared>> -> memref<10240x128xf32, #tpu.memory_space<vmem_shared>>
      tpu.wait_indirect_dma semaphore(%run_scoped3A : memref<!tpu.dma_semaphore, #tpu.memory_space<semaphore_mem>>) src(%dma_wait3A_30 : memref<16x128xf32, #tpu.memory_space<vmem>>) dst(%dma_wait3A_33 : memref<10240x128xf32, #tpu.memory_space<vmem_shared>>)
      tpu.yield
    }) : () -> ()
    %barrier3A_22 = arith.constant 0 : index
    tpu.barrier barrier_id(%barrier3A_22)
    "tpu.region"() ({
      %run_scoped3A = tpu.sem_alloc : memref<!tpu.dma_semaphore, #tpu.memory_space<semaphore_mem>>
      %dma_start3A_23 = arith.constant 0 : i32
      %dma_start3A_24 = tpu.memref_slice %arg5[%arg0, %multiple_of3A, %dma_start3A_23] : memref<2x10240x128xf32, #tpu.memory_space<hbm>> -> memref<1x640x128xf32, #tpu.memory_space<hbm>>
      %dma_start3A_25 = tpu.memref_squeeze %dma_start3A_24 : memref<1x640x128xf32, #tpu.memory_space<hbm>> -> memref<640x128xf32, #tpu.memory_space<hbm>>
      %dma_start3A_26 = arith.constant 0 : i32
      %dma_start3A_27 = tpu.memref_slice %arg10[%multiple_of3A, %dma_start3A_26] : memref<10240x128xf32, #tpu.memory_space<vmem_shared>> -> memref<640x128xf32, #tpu.memory_space<vmem_shared>>
      tpu.enqueue_dma source(%dma_start3A_27 : memref<640x128xf32, #tpu.memory_space<vmem_shared>>) target(%dma_start3A_25 : memref<640x128xf32, #tpu.memory_space<hbm>>) target_semaphore(%run_scoped3A : memref<!tpu.dma_semaphore, #tpu.memory_space<semaphore_mem>>)
      %dma_wait3A = arith.constant 0 : i32
      %dma_wait3A_28 = tpu.memref_slice %arg5[%arg0, %multiple_of3A, %dma_wait3A] : memref<2x10240x128xf32, #tpu.memory_space<hbm>> -> memref<1x640x128xf32, #tpu.memory_space<hbm>>
      %dma_wait3A_29 = tpu.memref_squeeze %dma_wait3A_28 : memref<1x640x128xf32, #tpu.memory_space<hbm>> -> memref<640x128xf32, #tpu.memory_space<hbm>>
      %dma_wait3A_30 = arith.constant 0 : i32
      %dma_wait3A_31 = tpu.memref_slice %arg10[%multiple_of3A, %dma_wait3A_30] : memref<10240x128xf32, #tpu.memory_space<vmem_shared>> -> memref<640x128xf32, #tpu.memory_space<vmem_shared>>
      tpu.wait_dma2 semaphore(%run_scoped3A : memref<!tpu.dma_semaphore, #tpu.memory_space<semaphore_mem>>) src(%dma_wait3A_31 : memref<640x128xf32, #tpu.memory_space<vmem_shared>>) dst(%dma_wait3A_29 : memref<640x128xf32, #tpu.memory_space<hbm>>)
      tpu.yield
    }) : () -> ()
    return
  }
}

#map = affine_map<(d0, d1) -> (0, 0)>
#map1 = affine_map<(d0, d1) -> (0)>
#map2 = affine_map<(d0, d1) -> (0, 0, 0)>
module attributes {stable_mosaic.version = 14 : i64} {
  func.func @_sc_agg_body(%arg0: i32, %arg1: i32, %arg2: memref<10000x128xf32, #tpu.memory_space<hbm>>, %arg3: memref<640000xi32, #tpu.memory_space<hbm>>, %arg4: memref<10240x128xf32, #tpu.memory_space<hbm>>, %arg5: memref<2x10240x128xf32, #tpu.memory_space<hbm>>, %arg6: memref<10000xi32, #tpu.memory_space<vmem>>, %arg7: memref<64xi32, #tpu.memory_space<vmem>>, %arg8: memref<64xi32, #tpu.memory_space<vmem>>, %arg9: memref<64xi32, #tpu.memory_space<vmem>>, %arg10: memref<64xi32, #tpu.memory_space<vmem>>, %arg11: memref<64x128xf32, #tpu.memory_space<vmem>>, %arg12: memref<64x128xf32, #tpu.memory_space<vmem>>, %arg13: memref<64x128xf32, #tpu.memory_space<vmem>>, %arg14: memref<64x128xf32, #tpu.memory_space<vmem>>, %arg15: memref<16x128xf32, #tpu.memory_space<vmem>>, %arg16: memref<16xi32, #tpu.memory_space<vmem>>, %arg17: memref<10240x128xf32, #tpu.memory_space<vmem_shared>>, %arg18: memref<!tpu.dma_semaphore, #tpu.memory_space<semaphore_mem>>, %arg19: memref<!tpu.dma_semaphore, #tpu.memory_space<semaphore_mem>>, %arg20: memref<!tpu.dma_semaphore, #tpu.memory_space<semaphore_mem>>, %arg21: memref<!tpu.dma_semaphore, #tpu.memory_space<semaphore_mem>>, %arg22: memref<!tpu.dma_semaphore, #tpu.memory_space<semaphore_mem>>, %arg23: memref<!tpu.dma_semaphore, #tpu.memory_space<semaphore_mem>>, %arg24: memref<!tpu.dma_semaphore, #tpu.memory_space<semaphore_mem>>, %arg25: memref<!tpu.dma_semaphore, #tpu.memory_space<semaphore_mem>>, %arg26: memref<!tpu.dma_semaphore, #tpu.memory_space<semaphore_mem>>, %arg27: memref<!tpu.dma_semaphore, #tpu.memory_space<semaphore_mem>>, %arg28: memref<!tpu.dma_semaphore, #tpu.memory_space<semaphore_mem>>, %arg29: memref<!tpu.dma_semaphore, #tpu.memory_space<semaphore_mem>>) attributes {dimension_semantics = [#tpu.dimension_semantics<core_parallel>, #tpu.dimension_semantics<subcore_parallel>], iteration_bounds = array<i64: 2, 16>, scalar_prefetch = 0 : i64, scratch_operands = 24 : i64, tpu.core_type = #tpu.core_type<sc_vector_subcore>, window_params = [{transform_indices = #map}, {transform_indices = #map1}, {transform_indices = #map}, {transform_indices = #map2}]} {
    %mul3A = arith.constant 640 : i32
    %mul3A_0 = arith.muli %arg1, %mul3A : i32
    %multiple_of3A = tpu.assume_multiple %mul3A_0, 8 : i32
    "tpu.region"() ({
      %run_scoped3A = tpu.sem_alloc : memref<!tpu.dma_semaphore, #tpu.memory_space<semaphore_mem>>
      %dma_start3A_135 = arith.constant 0 : i32
      %dma_start3A_136 = tpu.memref_slice %arg17[%multiple_of3A, %dma_start3A_135] : memref<10240x128xf32, #tpu.memory_space<vmem_shared>> -> memref<640x128xf32, #tpu.memory_space<vmem_shared>>
      %dma_start3A_137 = arith.constant 0 : i32
      %dma_start3A_138 = tpu.memref_slice %arg4[%multiple_of3A, %dma_start3A_137] : memref<10240x128xf32, #tpu.memory_space<hbm>> -> memref<640x128xf32, #tpu.memory_space<hbm>>
      tpu.enqueue_dma source(%dma_start3A_138 : memref<640x128xf32, #tpu.memory_space<hbm>>) target(%dma_start3A_136 : memref<640x128xf32, #tpu.memory_space<vmem_shared>>) target_semaphore(%run_scoped3A : memref<!tpu.dma_semaphore, #tpu.memory_space<semaphore_mem>>)
      %dma_wait3A_139 = arith.constant 0 : i32
      %dma_wait3A_140 = tpu.memref_slice %arg17[%multiple_of3A, %dma_wait3A_139] : memref<10240x128xf32, #tpu.memory_space<vmem_shared>> -> memref<640x128xf32, #tpu.memory_space<vmem_shared>>
      %dma_wait3A_141 = arith.constant 0 : i32
      %dma_wait3A_142 = tpu.memref_slice %arg4[%multiple_of3A, %dma_wait3A_141] : memref<10240x128xf32, #tpu.memory_space<hbm>> -> memref<640x128xf32, #tpu.memory_space<hbm>>
      tpu.wait_dma2 semaphore(%run_scoped3A : memref<!tpu.dma_semaphore, #tpu.memory_space<semaphore_mem>>) src(%dma_wait3A_142 : memref<640x128xf32, #tpu.memory_space<hbm>>) dst(%dma_wait3A_140 : memref<640x128xf32, #tpu.memory_space<vmem_shared>>)
      tpu.yield
    }) : () -> ()
    %mul3A_1 = arith.constant 16 : i32
    %mul3A_2 = arith.muli %arg0, %mul3A_1 : i32
    %add3A = arith.addi %mul3A_2, %arg1 : i32
    %mul3A_3 = arith.constant 10000 : i32
    %mul3A_4 = arith.muli %add3A, %mul3A_3 : i32
    %multiple_of3A_5 = tpu.assume_multiple %mul3A_4, 8 : i32
    "tpu.region"() ({
      %run_scoped3A = tpu.sem_alloc : memref<!tpu.dma_semaphore, #tpu.memory_space<semaphore_mem>>
      %dma_start3A_135 = tpu.memref_slice %arg3[%multiple_of3A_5] : memref<640000xi32, #tpu.memory_space<hbm>> -> memref<10000xi32, #tpu.memory_space<hbm>>
      %dma_start3A_136 = tpu.memref_slice %arg3[%multiple_of3A_5] : memref<640000xi32, #tpu.memory_space<hbm>> -> memref<10000xi32, #tpu.memory_space<hbm>>
      tpu.enqueue_dma source(%dma_start3A_136 : memref<10000xi32, #tpu.memory_space<hbm>>) target(%arg6 : memref<10000xi32, #tpu.memory_space<vmem>>) target_semaphore(%run_scoped3A : memref<!tpu.dma_semaphore, #tpu.memory_space<semaphore_mem>>)
      %dma_wait3A_137 = tpu.memref_slice %arg3[%multiple_of3A_5] : memref<640000xi32, #tpu.memory_space<hbm>> -> memref<10000xi32, #tpu.memory_space<hbm>>
      %dma_wait3A_138 = tpu.memref_slice %arg3[%multiple_of3A_5] : memref<640000xi32, #tpu.memory_space<hbm>> -> memref<10000xi32, #tpu.memory_space<hbm>>
      tpu.wait_dma2 semaphore(%run_scoped3A : memref<!tpu.dma_semaphore, #tpu.memory_space<semaphore_mem>>) src(%dma_wait3A_138 : memref<10000xi32, #tpu.memory_space<hbm>>) dst(%arg6 : memref<10000xi32, #tpu.memory_space<vmem>>)
      tpu.yield
    }) : () -> ()
    %barrier3A = arith.constant 0 : index
    tpu.barrier barrier_id(%barrier3A)
    %multiple_of3A_6 = arith.constant 0 : i32
    %multiple_of3A_7 = tpu.assume_multiple %multiple_of3A_6, 8 : i32
    %add3A_8 = arith.constant 320000 : i32
    %add3A_9 = arith.addi %add3A_8, %multiple_of3A_5 : i32
    %add3A_10 = arith.addi %add3A_9, %multiple_of3A_7 : i32
    %dma_start3A = tpu.memref_slice %arg3[%add3A_10] : memref<640000xi32, #tpu.memory_space<hbm>> -> memref<64xi32, #tpu.memory_space<hbm>>
    %dma_start3A_11 = tpu.memref_slice %arg3[%add3A_10] : memref<640000xi32, #tpu.memory_space<hbm>> -> memref<64xi32, #tpu.memory_space<hbm>>
    tpu.enqueue_dma source(%dma_start3A_11 : memref<64xi32, #tpu.memory_space<hbm>>) target(%arg7 : memref<64xi32, #tpu.memory_space<vmem>>) target_semaphore(%arg22 : memref<!tpu.dma_semaphore, #tpu.memory_space<semaphore_mem>>)
    %dma_start3A_12 = tpu.memref_slice %arg6[%multiple_of3A_7] : memref<10000xi32, #tpu.memory_space<vmem>> -> memref<64xi32, #tpu.memory_space<vmem>>
    %dma_start3A_13 = arith.constant 0 : i32
    %dma_start3A_14 = arith.constant 0 : i32
    %dma_start3A_15 = tpu.memref_slice %arg2[%dma_start3A_13, %dma_start3A_14] : memref<10000x128xf32, #tpu.memory_space<hbm>> -> memref<10000x128xf32, #tpu.memory_space<hbm>>
    tpu.enqueue_indirect_dma source(%dma_start3A_15 : memref<10000x128xf32, #tpu.memory_space<hbm>>) target(%arg11 : memref<64x128xf32, #tpu.memory_space<vmem>>) offsets(%dma_start3A_12 : memref<64xi32, #tpu.memory_space<vmem>>) semaphore(%arg18 : memref<!tpu.dma_semaphore, #tpu.memory_space<semaphore_mem>>)
    %multiple_of3A_16 = arith.constant 64 : i32
    %multiple_of3A_17 = tpu.assume_multiple %multiple_of3A_16, 8 : i32
    %add3A_18 = arith.constant 320000 : i32
    %add3A_19 = arith.addi %add3A_18, %multiple_of3A_5 : i32
    %add3A_20 = arith.addi %add3A_19, %multiple_of3A_17 : i32
    %dma_start3A_21 = tpu.memref_slice %arg3[%add3A_20] : memref<640000xi32, #tpu.memory_space<hbm>> -> memref<64xi32, #tpu.memory_space<hbm>>
    %dma_start3A_22 = tpu.memref_slice %arg3[%add3A_20] : memref<640000xi32, #tpu.memory_space<hbm>> -> memref<64xi32, #tpu.memory_space<hbm>>
    tpu.enqueue_dma source(%dma_start3A_22 : memref<64xi32, #tpu.memory_space<hbm>>) target(%arg8 : memref<64xi32, #tpu.memory_space<vmem>>) target_semaphore(%arg23 : memref<!tpu.dma_semaphore, #tpu.memory_space<semaphore_mem>>)
    %dma_start3A_23 = tpu.memref_slice %arg6[%multiple_of3A_17] : memref<10000xi32, #tpu.memory_space<vmem>> -> memref<64xi32, #tpu.memory_space<vmem>>
    %dma_start3A_24 = arith.constant 0 : i32
    %dma_start3A_25 = arith.constant 0 : i32
    %dma_start3A_26 = tpu.memref_slice %arg2[%dma_start3A_24, %dma_start3A_25] : memref<10000x128xf32, #tpu.memory_space<hbm>> -> memref<10000x128xf32, #tpu.memory_space<hbm>>
    tpu.enqueue_indirect_dma source(%dma_start3A_26 : memref<10000x128xf32, #tpu.memory_space<hbm>>) target(%arg12 : memref<64x128xf32, #tpu.memory_space<vmem>>) offsets(%dma_start3A_23 : memref<64xi32, #tpu.memory_space<vmem>>) semaphore(%arg19 : memref<!tpu.dma_semaphore, #tpu.memory_space<semaphore_mem>>)
    %multiple_of3A_27 = arith.constant 128 : i32
    %multiple_of3A_28 = tpu.assume_multiple %multiple_of3A_27, 8 : i32
    %add3A_29 = arith.constant 320000 : i32
    %add3A_30 = arith.addi %add3A_29, %multiple_of3A_5 : i32
    %add3A_31 = arith.addi %add3A_30, %multiple_of3A_28 : i32
    %dma_start3A_32 = tpu.memref_slice %arg3[%add3A_31] : memref<640000xi32, #tpu.memory_space<hbm>> -> memref<64xi32, #tpu.memory_space<hbm>>
    %dma_start3A_33 = tpu.memref_slice %arg3[%add3A_31] : memref<640000xi32, #tpu.memory_space<hbm>> -> memref<64xi32, #tpu.memory_space<hbm>>
    tpu.enqueue_dma source(%dma_start3A_33 : memref<64xi32, #tpu.memory_space<hbm>>) target(%arg9 : memref<64xi32, #tpu.memory_space<vmem>>) target_semaphore(%arg24 : memref<!tpu.dma_semaphore, #tpu.memory_space<semaphore_mem>>)
    %dma_start3A_34 = tpu.memref_slice %arg6[%multiple_of3A_28] : memref<10000xi32, #tpu.memory_space<vmem>> -> memref<64xi32, #tpu.memory_space<vmem>>
    %dma_start3A_35 = arith.constant 0 : i32
    %dma_start3A_36 = arith.constant 0 : i32
    %dma_start3A_37 = tpu.memref_slice %arg2[%dma_start3A_35, %dma_start3A_36] : memref<10000x128xf32, #tpu.memory_space<hbm>> -> memref<10000x128xf32, #tpu.memory_space<hbm>>
    tpu.enqueue_indirect_dma source(%dma_start3A_37 : memref<10000x128xf32, #tpu.memory_space<hbm>>) target(%arg13 : memref<64x128xf32, #tpu.memory_space<vmem>>) offsets(%dma_start3A_34 : memref<64xi32, #tpu.memory_space<vmem>>) semaphore(%arg20 : memref<!tpu.dma_semaphore, #tpu.memory_space<semaphore_mem>>)
    %multiple_of3A_38 = arith.constant 192 : i32
    %multiple_of3A_39 = tpu.assume_multiple %multiple_of3A_38, 8 : i32
    %add3A_40 = arith.constant 320000 : i32
    %add3A_41 = arith.addi %add3A_40, %multiple_of3A_5 : i32
    %add3A_42 = arith.addi %add3A_41, %multiple_of3A_39 : i32
    %dma_start3A_43 = tpu.memref_slice %arg3[%add3A_42] : memref<640000xi32, #tpu.memory_space<hbm>> -> memref<64xi32, #tpu.memory_space<hbm>>
    %dma_start3A_44 = tpu.memref_slice %arg3[%add3A_42] : memref<640000xi32, #tpu.memory_space<hbm>> -> memref<64xi32, #tpu.memory_space<hbm>>
    tpu.enqueue_dma source(%dma_start3A_44 : memref<64xi32, #tpu.memory_space<hbm>>) target(%arg10 : memref<64xi32, #tpu.memory_space<vmem>>) target_semaphore(%arg25 : memref<!tpu.dma_semaphore, #tpu.memory_space<semaphore_mem>>)
    %dma_start3A_45 = tpu.memref_slice %arg6[%multiple_of3A_39] : memref<10000xi32, #tpu.memory_space<vmem>> -> memref<64xi32, #tpu.memory_space<vmem>>
    %dma_start3A_46 = arith.constant 0 : i32
    %dma_start3A_47 = arith.constant 0 : i32
    %dma_start3A_48 = tpu.memref_slice %arg2[%dma_start3A_46, %dma_start3A_47] : memref<10000x128xf32, #tpu.memory_space<hbm>> -> memref<10000x128xf32, #tpu.memory_space<hbm>>
    tpu.enqueue_indirect_dma source(%dma_start3A_48 : memref<10000x128xf32, #tpu.memory_space<hbm>>) target(%arg14 : memref<64x128xf32, #tpu.memory_space<vmem>>) offsets(%dma_start3A_45 : memref<64xi32, #tpu.memory_space<vmem>>) semaphore(%arg21 : memref<!tpu.dma_semaphore, #tpu.memory_space<semaphore_mem>>)
    %scan3A = arith.constant 0 : i32
    %scan3A_49 = arith.constant 0 : i32
    %scan3A_50 = arith.constant 38 : i32
    %scan3A_51 = arith.addi %scan3A_49, %scan3A_50 : i32
    %scan3A_52 = arith.constant 1 : i32
    scf.for %scan3A_135 = %scan3A_49 to %scan3A_51 step %scan3A_52  : i32 {
      %mul3A_136 = arith.constant 4 : i32
      %mul3A_137 = arith.muli %mul3A_136, %scan3A_135 : i32
      %add3A_138 = arith.constant 0 : i32
      %add3A_139 = arith.addi %mul3A_137, %add3A_138 : i32
      %mul3A_140 = arith.constant 64 : i32
      %mul3A_141 = arith.muli %add3A_139, %mul3A_140 : i32
      %multiple_of3A_142 = tpu.assume_multiple %mul3A_141, 8 : i32
      %add3A_143 = arith.constant 320000 : i32
      %add3A_144 = arith.addi %add3A_143, %multiple_of3A_5 : i32
      %add3A_145 = arith.addi %add3A_144, %multiple_of3A_142 : i32
      %dma_wait3A_146 = tpu.memref_slice %arg3[%add3A_145] : memref<640000xi32, #tpu.memory_space<hbm>> -> memref<64xi32, #tpu.memory_space<hbm>>
      %dma_wait3A_147 = tpu.memref_slice %arg3[%add3A_145] : memref<640000xi32, #tpu.memory_space<hbm>> -> memref<64xi32, #tpu.memory_space<hbm>>
      tpu.wait_dma2 semaphore(%arg22 : memref<!tpu.dma_semaphore, #tpu.memory_space<semaphore_mem>>) src(%dma_wait3A_147 : memref<64xi32, #tpu.memory_space<hbm>>) dst(%arg7 : memref<64xi32, #tpu.memory_space<vmem>>)
      %dma_wait3A_148 = tpu.memref_slice %arg6[%multiple_of3A_142] : memref<10000xi32, #tpu.memory_space<vmem>> -> memref<64xi32, #tpu.memory_space<vmem>>
      %dma_wait3A_149 = arith.constant 0 : i32
      %dma_wait3A_150 = arith.constant 0 : i32
      %dma_wait3A_151 = tpu.memref_slice %arg2[%dma_wait3A_149, %dma_wait3A_150] : memref<10000x128xf32, #tpu.memory_space<hbm>> -> memref<10000x128xf32, #tpu.memory_space<hbm>>
      tpu.wait_indirect_dma semaphore(%arg18 : memref<!tpu.dma_semaphore, #tpu.memory_space<semaphore_mem>>) src(%dma_wait3A_151 : memref<10000x128xf32, #tpu.memory_space<hbm>>) dst(%arg11 : memref<64x128xf32, #tpu.memory_space<vmem>>)
      %dma_start3A_152 = arith.constant 0 : i32
      %dma_start3A_153 = arith.constant 0 : i32
      %dma_start3A_154 = tpu.memref_slice %arg17[%dma_start3A_152, %dma_start3A_153] : memref<10240x128xf32, #tpu.memory_space<vmem_shared>> -> memref<10240x128xf32, #tpu.memory_space<vmem_shared>>
      tpu.enqueue_indirect_dma source(%arg11 : memref<64x128xf32, #tpu.memory_space<vmem>>) target(%dma_start3A_154 : memref<10240x128xf32, #tpu.memory_space<vmem_shared>>) offsets(%arg7 : memref<64xi32, #tpu.memory_space<vmem>>) semaphore(%arg26 : memref<!tpu.dma_semaphore, #tpu.memory_space<semaphore_mem>>) {add = true}
      %mul3A_155 = arith.constant 4 : i32
      %mul3A_156 = arith.muli %mul3A_155, %scan3A_135 : i32
      %add3A_157 = arith.constant 1 : i32
      %add3A_158 = arith.addi %mul3A_156, %add3A_157 : i32
      %mul3A_159 = arith.constant 64 : i32
      %mul3A_160 = arith.muli %add3A_158, %mul3A_159 : i32
      %multiple_of3A_161 = tpu.assume_multiple %mul3A_160, 8 : i32
      %add3A_162 = arith.constant 320000 : i32
      %add3A_163 = arith.addi %add3A_162, %multiple_of3A_5 : i32
      %add3A_164 = arith.addi %add3A_163, %multiple_of3A_161 : i32
      %dma_wait3A_165 = tpu.memref_slice %arg3[%add3A_164] : memref<640000xi32, #tpu.memory_space<hbm>> -> memref<64xi32, #tpu.memory_space<hbm>>
      %dma_wait3A_166 = tpu.memref_slice %arg3[%add3A_164] : memref<640000xi32, #tpu.memory_space<hbm>> -> memref<64xi32, #tpu.memory_space<hbm>>
      tpu.wait_dma2 semaphore(%arg23 : memref<!tpu.dma_semaphore, #tpu.memory_space<semaphore_mem>>) src(%dma_wait3A_166 : memref<64xi32, #tpu.memory_space<hbm>>) dst(%arg8 : memref<64xi32, #tpu.memory_space<vmem>>)
      %dma_wait3A_167 = tpu.memref_slice %arg6[%multiple_of3A_161] : memref<10000xi32, #tpu.memory_space<vmem>> -> memref<64xi32, #tpu.memory_space<vmem>>
      %dma_wait3A_168 = arith.constant 0 : i32
      %dma_wait3A_169 = arith.constant 0 : i32
      %dma_wait3A_170 = tpu.memref_slice %arg2[%dma_wait3A_168, %dma_wait3A_169] : memref<10000x128xf32, #tpu.memory_space<hbm>> -> memref<10000x128xf32, #tpu.memory_space<hbm>>
      tpu.wait_indirect_dma semaphore(%arg19 : memref<!tpu.dma_semaphore, #tpu.memory_space<semaphore_mem>>) src(%dma_wait3A_170 : memref<10000x128xf32, #tpu.memory_space<hbm>>) dst(%arg12 : memref<64x128xf32, #tpu.memory_space<vmem>>)
      %dma_start3A_171 = arith.constant 0 : i32
      %dma_start3A_172 = arith.constant 0 : i32
      %dma_start3A_173 = tpu.memref_slice %arg17[%dma_start3A_171, %dma_start3A_172] : memref<10240x128xf32, #tpu.memory_space<vmem_shared>> -> memref<10240x128xf32, #tpu.memory_space<vmem_shared>>
      tpu.enqueue_indirect_dma source(%arg12 : memref<64x128xf32, #tpu.memory_space<vmem>>) target(%dma_start3A_173 : memref<10240x128xf32, #tpu.memory_space<vmem_shared>>) offsets(%arg8 : memref<64xi32, #tpu.memory_space<vmem>>) semaphore(%arg27 : memref<!tpu.dma_semaphore, #tpu.memory_space<semaphore_mem>>) {add = true}
      %dma_wait3A_174 = arith.constant 0 : i32
      %dma_wait3A_175 = arith.constant 0 : i32
      %dma_wait3A_176 = tpu.memref_slice %arg17[%dma_wait3A_174, %dma_wait3A_175] : memref<10240x128xf32, #tpu.memory_space<vmem_shared>> -> memref<10240x128xf32, #tpu.memory_space<vmem_shared>>
      tpu.wait_indirect_dma semaphore(%arg26 : memref<!tpu.dma_semaphore, #tpu.memory_space<semaphore_mem>>) src(%arg11 : memref<64x128xf32, #tpu.memory_space<vmem>>) dst(%dma_wait3A_176 : memref<10240x128xf32, #tpu.memory_space<vmem_shared>>)
      %mul3A_177 = arith.constant 4 : i32
      %mul3A_178 = arith.muli %mul3A_177, %scan3A_135 : i32
      %add3A_179 = arith.constant 4 : i32
      %add3A_180 = arith.addi %mul3A_178, %add3A_179 : i32
      %mul3A_181 = arith.constant 64 : i32
      %mul3A_182 = arith.muli %add3A_180, %mul3A_181 : i32
      %multiple_of3A_183 = tpu.assume_multiple %mul3A_182, 8 : i32
      %add3A_184 = arith.constant 320000 : i32
      %add3A_185 = arith.addi %add3A_184, %multiple_of3A_5 : i32
      %add3A_186 = arith.addi %add3A_185, %multiple_of3A_183 : i32
      %dma_start3A_187 = tpu.memref_slice %arg3[%add3A_186] : memref<640000xi32, #tpu.memory_space<hbm>> -> memref<64xi32, #tpu.memory_space<hbm>>
      %dma_start3A_188 = tpu.memref_slice %arg3[%add3A_186] : memref<640000xi32, #tpu.memory_space<hbm>> -> memref<64xi32, #tpu.memory_space<hbm>>
      tpu.enqueue_dma source(%dma_start3A_188 : memref<64xi32, #tpu.memory_space<hbm>>) target(%arg7 : memref<64xi32, #tpu.memory_space<vmem>>) target_semaphore(%arg22 : memref<!tpu.dma_semaphore, #tpu.memory_space<semaphore_mem>>)
      %dma_start3A_189 = tpu.memref_slice %arg6[%multiple_of3A_183] : memref<10000xi32, #tpu.memory_space<vmem>> -> memref<64xi32, #tpu.memory_space<vmem>>
      %dma_start3A_190 = arith.constant 0 : i32
      %dma_start3A_191 = arith.constant 0 : i32
      %dma_start3A_192 = tpu.memref_slice %arg2[%dma_start3A_190, %dma_start3A_191] : memref<10000x128xf32, #tpu.memory_space<hbm>> -> memref<10000x128xf32, #tpu.memory_space<hbm>>
      tpu.enqueue_indirect_dma source(%dma_start3A_192 : memref<10000x128xf32, #tpu.memory_space<hbm>>) target(%arg11 : memref<64x128xf32, #tpu.memory_space<vmem>>) offsets(%dma_start3A_189 : memref<64xi32, #tpu.memory_space<vmem>>) semaphore(%arg18 : memref<!tpu.dma_semaphore, #tpu.memory_space<semaphore_mem>>)
      %mul3A_193 = arith.constant 4 : i32
      %mul3A_194 = arith.muli %mul3A_193, %scan3A_135 : i32
      %add3A_195 = arith.constant 2 : i32
      %add3A_196 = arith.addi %mul3A_194, %add3A_195 : i32
      %mul3A_197 = arith.constant 64 : i32
      %mul3A_198 = arith.muli %add3A_196, %mul3A_197 : i32
      %multiple_of3A_199 = tpu.assume_multiple %mul3A_198, 8 : i32
      %add3A_200 = arith.constant 320000 : i32
      %add3A_201 = arith.addi %add3A_200, %multiple_of3A_5 : i32
      %add3A_202 = arith.addi %add3A_201, %multiple_of3A_199 : i32
      %dma_wait3A_203 = tpu.memref_slice %arg3[%add3A_202] : memref<640000xi32, #tpu.memory_space<hbm>> -> memref<64xi32, #tpu.memory_space<hbm>>
      %dma_wait3A_204 = tpu.memref_slice %arg3[%add3A_202] : memref<640000xi32, #tpu.memory_space<hbm>> -> memref<64xi32, #tpu.memory_space<hbm>>
      tpu.wait_dma2 semaphore(%arg24 : memref<!tpu.dma_semaphore, #tpu.memory_space<semaphore_mem>>) src(%dma_wait3A_204 : memref<64xi32, #tpu.memory_space<hbm>>) dst(%arg9 : memref<64xi32, #tpu.memory_space<vmem>>)
      %dma_wait3A_205 = tpu.memref_slice %arg6[%multiple_of3A_199] : memref<10000xi32, #tpu.memory_space<vmem>> -> memref<64xi32, #tpu.memory_space<vmem>>
      %dma_wait3A_206 = arith.constant 0 : i32
      %dma_wait3A_207 = arith.constant 0 : i32
      %dma_wait3A_208 = tpu.memref_slice %arg2[%dma_wait3A_206, %dma_wait3A_207] : memref<10000x128xf32, #tpu.memory_space<hbm>> -> memref<10000x128xf32, #tpu.memory_space<hbm>>
      tpu.wait_indirect_dma semaphore(%arg20 : memref<!tpu.dma_semaphore, #tpu.memory_space<semaphore_mem>>) src(%dma_wait3A_208 : memref<10000x128xf32, #tpu.memory_space<hbm>>) dst(%arg13 : memref<64x128xf32, #tpu.memory_space<vmem>>)
      %dma_start3A_209 = arith.constant 0 : i32
      %dma_start3A_210 = arith.constant 0 : i32
      %dma_start3A_211 = tpu.memref_slice %arg17[%dma_start3A_209, %dma_start3A_210] : memref<10240x128xf32, #tpu.memory_space<vmem_shared>> -> memref<10240x128xf32, #tpu.memory_space<vmem_shared>>
      tpu.enqueue_indirect_dma source(%arg13 : memref<64x128xf32, #tpu.memory_space<vmem>>) target(%dma_start3A_211 : memref<10240x128xf32, #tpu.memory_space<vmem_shared>>) offsets(%arg9 : memref<64xi32, #tpu.memory_space<vmem>>) semaphore(%arg28 : memref<!tpu.dma_semaphore, #tpu.memory_space<semaphore_mem>>) {add = true}
      %dma_wait3A_212 = arith.constant 0 : i32
      %dma_wait3A_213 = arith.constant 0 : i32
      %dma_wait3A_214 = tpu.memref_slice %arg17[%dma_wait3A_212, %dma_wait3A_213] : memref<10240x128xf32, #tpu.memory_space<vmem_shared>> -> memref<10240x128xf32, #tpu.memory_space<vmem_shared>>
      tpu.wait_indirect_dma semaphore(%arg27 : memref<!tpu.dma_semaphore, #tpu.memory_space<semaphore_mem>>) src(%arg12 : memref<64x128xf32, #tpu.memory_space<vmem>>) dst(%dma_wait3A_214 : memref<10240x128xf32, #tpu.memory_space<vmem_shared>>)
      %mul3A_215 = arith.constant 4 : i32
      %mul3A_216 = arith.muli %mul3A_215, %scan3A_135 : i32
      %add3A_217 = arith.constant 5 : i32
      %add3A_218 = arith.addi %mul3A_216, %add3A_217 : i32
      %mul3A_219 = arith.constant 64 : i32
      %mul3A_220 = arith.muli %add3A_218, %mul3A_219 : i32
      %multiple_of3A_221 = tpu.assume_multiple %mul3A_220, 8 : i32
      %add3A_222 = arith.constant 320000 : i32
      %add3A_223 = arith.addi %add3A_222, %multiple_of3A_5 : i32
      %add3A_224 = arith.addi %add3A_223, %multiple_of3A_221 : i32
      %dma_start3A_225 = tpu.memref_slice %arg3[%add3A_224] : memref<640000xi32, #tpu.memory_space<hbm>> -> memref<64xi32, #tpu.memory_space<hbm>>
      %dma_start3A_226 = tpu.memref_slice %arg3[%add3A_224] : memref<640000xi32, #tpu.memory_space<hbm>> -> memref<64xi32, #tpu.memory_space<hbm>>
      tpu.enqueue_dma source(%dma_start3A_226 : memref<64xi32, #tpu.memory_space<hbm>>) target(%arg8 : memref<64xi32, #tpu.memory_space<vmem>>) target_semaphore(%arg23 : memref<!tpu.dma_semaphore, #tpu.memory_space<semaphore_mem>>)
      %dma_start3A_227 = tpu.memref_slice %arg6[%multiple_of3A_221] : memref<10000xi32, #tpu.memory_space<vmem>> -> memref<64xi32, #tpu.memory_space<vmem>>
      %dma_start3A_228 = arith.constant 0 : i32
      %dma_start3A_229 = arith.constant 0 : i32
      %dma_start3A_230 = tpu.memref_slice %arg2[%dma_start3A_228, %dma_start3A_229] : memref<10000x128xf32, #tpu.memory_space<hbm>> -> memref<10000x128xf32, #tpu.memory_space<hbm>>
      tpu.enqueue_indirect_dma source(%dma_start3A_230 : memref<10000x128xf32, #tpu.memory_space<hbm>>) target(%arg12 : memref<64x128xf32, #tpu.memory_space<vmem>>) offsets(%dma_start3A_227 : memref<64xi32, #tpu.memory_space<vmem>>) semaphore(%arg19 : memref<!tpu.dma_semaphore, #tpu.memory_space<semaphore_mem>>)
      %mul3A_231 = arith.constant 4 : i32
      %mul3A_232 = arith.muli %mul3A_231, %scan3A_135 : i32
      %add3A_233 = arith.constant 3 : i32
      %add3A_234 = arith.addi %mul3A_232, %add3A_233 : i32
      %mul3A_235 = arith.constant 64 : i32
      %mul3A_236 = arith.muli %add3A_234, %mul3A_235 : i32
      %multiple_of3A_237 = tpu.assume_multiple %mul3A_236, 8 : i32
      %add3A_238 = arith.constant 320000 : i32
      %add3A_239 = arith.addi %add3A_238, %multiple_of3A_5 : i32
      %add3A_240 = arith.addi %add3A_239, %multiple_of3A_237 : i32
      %dma_wait3A_241 = tpu.memref_slice %arg3[%add3A_240] : memref<640000xi32, #tpu.memory_space<hbm>> -> memref<64xi32, #tpu.memory_space<hbm>>
      %dma_wait3A_242 = tpu.memref_slice %arg3[%add3A_240] : memref<640000xi32, #tpu.memory_space<hbm>> -> memref<64xi32, #tpu.memory_space<hbm>>
      tpu.wait_dma2 semaphore(%arg25 : memref<!tpu.dma_semaphore, #tpu.memory_space<semaphore_mem>>) src(%dma_wait3A_242 : memref<64xi32, #tpu.memory_space<hbm>>) dst(%arg10 : memref<64xi32, #tpu.memory_space<vmem>>)
      %dma_wait3A_243 = tpu.memref_slice %arg6[%multiple_of3A_237] : memref<10000xi32, #tpu.memory_space<vmem>> -> memref<64xi32, #tpu.memory_space<vmem>>
      %dma_wait3A_244 = arith.constant 0 : i32
      %dma_wait3A_245 = arith.constant 0 : i32
      %dma_wait3A_246 = tpu.memref_slice %arg2[%dma_wait3A_244, %dma_wait3A_245] : memref<10000x128xf32, #tpu.memory_space<hbm>> -> memref<10000x128xf32, #tpu.memory_space<hbm>>
      tpu.wait_indirect_dma semaphore(%arg21 : memref<!tpu.dma_semaphore, #tpu.memory_space<semaphore_mem>>) src(%dma_wait3A_246 : memref<10000x128xf32, #tpu.memory_space<hbm>>) dst(%arg14 : memref<64x128xf32, #tpu.memory_space<vmem>>)
      %dma_start3A_247 = arith.constant 0 : i32
      %dma_start3A_248 = arith.constant 0 : i32
      %dma_start3A_249 = tpu.memref_slice %arg17[%dma_start3A_247, %dma_start3A_248] : memref<10240x128xf32, #tpu.memory_space<vmem_shared>> -> memref<10240x128xf32, #tpu.memory_space<vmem_shared>>
      tpu.enqueue_indirect_dma source(%arg14 : memref<64x128xf32, #tpu.memory_space<vmem>>) target(%dma_start3A_249 : memref<10240x128xf32, #tpu.memory_space<vmem_shared>>) offsets(%arg10 : memref<64xi32, #tpu.memory_space<vmem>>) semaphore(%arg29 : memref<!tpu.dma_semaphore, #tpu.memory_space<semaphore_mem>>) {add = true}
      %dma_wait3A_250 = arith.constant 0 : i32
      %dma_wait3A_251 = arith.constant 0 : i32
      %dma_wait3A_252 = tpu.memref_slice %arg17[%dma_wait3A_250, %dma_wait3A_251] : memref<10240x128xf32, #tpu.memory_space<vmem_shared>> -> memref<10240x128xf32, #tpu.memory_space<vmem_shared>>
      tpu.wait_indirect_dma semaphore(%arg28 : memref<!tpu.dma_semaphore, #tpu.memory_space<semaphore_mem>>) src(%arg13 : memref<64x128xf32, #tpu.memory_space<vmem>>) dst(%dma_wait3A_252 : memref<10240x128xf32, #tpu.memory_space<vmem_shared>>)
      %mul3A_253 = arith.constant 4 : i32
      %mul3A_254 = arith.muli %mul3A_253, %scan3A_135 : i32
      %add3A_255 = arith.constant 6 : i32
      %add3A_256 = arith.addi %mul3A_254, %add3A_255 : i32
      %mul3A_257 = arith.constant 64 : i32
      %mul3A_258 = arith.muli %add3A_256, %mul3A_257 : i32
      %multiple_of3A_259 = tpu.assume_multiple %mul3A_258, 8 : i32
      %add3A_260 = arith.constant 320000 : i32
      %add3A_261 = arith.addi %add3A_260, %multiple_of3A_5 : i32
      %add3A_262 = arith.addi %add3A_261, %multiple_of3A_259 : i32
      %dma_start3A_263 = tpu.memref_slice %arg3[%add3A_262] : memref<640000xi32, #tpu.memory_space<hbm>> -> memref<64xi32, #tpu.memory_space<hbm>>
      %dma_start3A_264 = tpu.memref_slice %arg3[%add3A_262] : memref<640000xi32, #tpu.memory_space<hbm>> -> memref<64xi32, #tpu.memory_space<hbm>>
      tpu.enqueue_dma source(%dma_start3A_264 : memref<64xi32, #tpu.memory_space<hbm>>) target(%arg9 : memref<64xi32, #tpu.memory_space<vmem>>) target_semaphore(%arg24 : memref<!tpu.dma_semaphore, #tpu.memory_space<semaphore_mem>>)
      %dma_start3A_265 = tpu.memref_slice %arg6[%multiple_of3A_259] : memref<10000xi32, #tpu.memory_space<vmem>> -> memref<64xi32, #tpu.memory_space<vmem>>
      %dma_start3A_266 = arith.constant 0 : i32
      %dma_start3A_267 = arith.constant 0 : i32
      %dma_start3A_268 = tpu.memref_slice %arg2[%dma_start3A_266, %dma_start3A_267] : memref<10000x128xf32, #tpu.memory_space<hbm>> -> memref<10000x128xf32, #tpu.memory_space<hbm>>
      tpu.enqueue_indirect_dma source(%dma_start3A_268 : memref<10000x128xf32, #tpu.memory_space<hbm>>) target(%arg13 : memref<64x128xf32, #tpu.memory_space<vmem>>) offsets(%dma_start3A_265 : memref<64xi32, #tpu.memory_space<vmem>>) semaphore(%arg20 : memref<!tpu.dma_semaphore, #tpu.memory_space<semaphore_mem>>)
      %dma_wait3A_269 = arith.constant 0 : i32
      %dma_wait3A_270 = arith.constant 0 : i32
      %dma_wait3A_271 = tpu.memref_slice %arg17[%dma_wait3A_269, %dma_wait3A_270] : memref<10240x128xf32, #tpu.memory_space<vmem_shared>> -> memref<10240x128xf32, #tpu.memory_space<vmem_shared>>
      tpu.wait_indirect_dma semaphore(%arg29 : memref<!tpu.dma_semaphore, #tpu.memory_space<semaphore_mem>>) src(%arg14 : memref<64x128xf32, #tpu.memory_space<vmem>>) dst(%dma_wait3A_271 : memref<10240x128xf32, #tpu.memory_space<vmem_shared>>)
      %mul3A_272 = arith.constant 4 : i32
      %mul3A_273 = arith.muli %mul3A_272, %scan3A_135 : i32
      %add3A_274 = arith.constant 7 : i32
      %add3A_275 = arith.addi %mul3A_273, %add3A_274 : i32
      %mul3A_276 = arith.constant 64 : i32
      %mul3A_277 = arith.muli %add3A_275, %mul3A_276 : i32
      %multiple_of3A_278 = tpu.assume_multiple %mul3A_277, 8 : i32
      %add3A_279 = arith.constant 320000 : i32
      %add3A_280 = arith.addi %add3A_279, %multiple_of3A_5 : i32
      %add3A_281 = arith.addi %add3A_280, %multiple_of3A_278 : i32
      %dma_start3A_282 = tpu.memref_slice %arg3[%add3A_281] : memref<640000xi32, #tpu.memory_space<hbm>> -> memref<64xi32, #tpu.memory_space<hbm>>
      %dma_start3A_283 = tpu.memref_slice %arg3[%add3A_281] : memref<640000xi32, #tpu.memory_space<hbm>> -> memref<64xi32, #tpu.memory_space<hbm>>
      tpu.enqueue_dma source(%dma_start3A_283 : memref<64xi32, #tpu.memory_space<hbm>>) target(%arg10 : memref<64xi32, #tpu.memory_space<vmem>>) target_semaphore(%arg25 : memref<!tpu.dma_semaphore, #tpu.memory_space<semaphore_mem>>)
      %dma_start3A_284 = tpu.memref_slice %arg6[%multiple_of3A_278] : memref<10000xi32, #tpu.memory_space<vmem>> -> memref<64xi32, #tpu.memory_space<vmem>>
      %dma_start3A_285 = arith.constant 0 : i32
      %dma_start3A_286 = arith.constant 0 : i32
      %dma_start3A_287 = tpu.memref_slice %arg2[%dma_start3A_285, %dma_start3A_286] : memref<10000x128xf32, #tpu.memory_space<hbm>> -> memref<10000x128xf32, #tpu.memory_space<hbm>>
      tpu.enqueue_indirect_dma source(%dma_start3A_287 : memref<10000x128xf32, #tpu.memory_space<hbm>>) target(%arg14 : memref<64x128xf32, #tpu.memory_space<vmem>>) offsets(%dma_start3A_284 : memref<64xi32, #tpu.memory_space<vmem>>) semaphore(%arg21 : memref<!tpu.dma_semaphore, #tpu.memory_space<semaphore_mem>>)
    }
    %scan3A_53 = arith.constant 38 : i32
    %multiple_of3A_54 = arith.constant 9728 : i32
    %multiple_of3A_55 = tpu.assume_multiple %multiple_of3A_54, 8 : i32
    %add3A_56 = arith.constant 320000 : i32
    %add3A_57 = arith.addi %add3A_56, %multiple_of3A_5 : i32
    %add3A_58 = arith.addi %add3A_57, %multiple_of3A_55 : i32
    %dma_wait3A = tpu.memref_slice %arg3[%add3A_58] : memref<640000xi32, #tpu.memory_space<hbm>> -> memref<64xi32, #tpu.memory_space<hbm>>
    %dma_wait3A_59 = tpu.memref_slice %arg3[%add3A_58] : memref<640000xi32, #tpu.memory_space<hbm>> -> memref<64xi32, #tpu.memory_space<hbm>>
    tpu.wait_dma2 semaphore(%arg22 : memref<!tpu.dma_semaphore, #tpu.memory_space<semaphore_mem>>) src(%dma_wait3A_59 : memref<64xi32, #tpu.memory_space<hbm>>) dst(%arg7 : memref<64xi32, #tpu.memory_space<vmem>>)
    %dma_wait3A_60 = tpu.memref_slice %arg6[%multiple_of3A_55] : memref<10000xi32, #tpu.memory_space<vmem>> -> memref<64xi32, #tpu.memory_space<vmem>>
    %dma_wait3A_61 = arith.constant 0 : i32
    %dma_wait3A_62 = arith.constant 0 : i32
    %dma_wait3A_63 = tpu.memref_slice %arg2[%dma_wait3A_61, %dma_wait3A_62] : memref<10000x128xf32, #tpu.memory_space<hbm>> -> memref<10000x128xf32, #tpu.memory_space<hbm>>
    tpu.wait_indirect_dma semaphore(%arg18 : memref<!tpu.dma_semaphore, #tpu.memory_space<semaphore_mem>>) src(%dma_wait3A_63 : memref<10000x128xf32, #tpu.memory_space<hbm>>) dst(%arg11 : memref<64x128xf32, #tpu.memory_space<vmem>>)
    %dma_start3A_64 = arith.constant 0 : i32
    %dma_start3A_65 = arith.constant 0 : i32
    %dma_start3A_66 = tpu.memref_slice %arg17[%dma_start3A_64, %dma_start3A_65] : memref<10240x128xf32, #tpu.memory_space<vmem_shared>> -> memref<10240x128xf32, #tpu.memory_space<vmem_shared>>
    tpu.enqueue_indirect_dma source(%arg11 : memref<64x128xf32, #tpu.memory_space<vmem>>) target(%dma_start3A_66 : memref<10240x128xf32, #tpu.memory_space<vmem_shared>>) offsets(%arg7 : memref<64xi32, #tpu.memory_space<vmem>>) semaphore(%arg26 : memref<!tpu.dma_semaphore, #tpu.memory_space<semaphore_mem>>) {add = true}
    %multiple_of3A_67 = arith.constant 9792 : i32
    %multiple_of3A_68 = tpu.assume_multiple %multiple_of3A_67, 8 : i32
    %add3A_69 = arith.constant 320000 : i32
    %add3A_70 = arith.addi %add3A_69, %multiple_of3A_5 : i32
    %add3A_71 = arith.addi %add3A_70, %multiple_of3A_68 : i32
    %dma_wait3A_72 = tpu.memref_slice %arg3[%add3A_71] : memref<640000xi32, #tpu.memory_space<hbm>> -> memref<64xi32, #tpu.memory_space<hbm>>
    %dma_wait3A_73 = tpu.memref_slice %arg3[%add3A_71] : memref<640000xi32, #tpu.memory_space<hbm>> -> memref<64xi32, #tpu.memory_space<hbm>>
    tpu.wait_dma2 semaphore(%arg23 : memref<!tpu.dma_semaphore, #tpu.memory_space<semaphore_mem>>) src(%dma_wait3A_73 : memref<64xi32, #tpu.memory_space<hbm>>) dst(%arg8 : memref<64xi32, #tpu.memory_space<vmem>>)
    %dma_wait3A_74 = tpu.memref_slice %arg6[%multiple_of3A_68] : memref<10000xi32, #tpu.memory_space<vmem>> -> memref<64xi32, #tpu.memory_space<vmem>>
    %dma_wait3A_75 = arith.constant 0 : i32
    %dma_wait3A_76 = arith.constant 0 : i32
    %dma_wait3A_77 = tpu.memref_slice %arg2[%dma_wait3A_75, %dma_wait3A_76] : memref<10000x128xf32, #tpu.memory_space<hbm>> -> memref<10000x128xf32, #tpu.memory_space<hbm>>
    tpu.wait_indirect_dma semaphore(%arg19 : memref<!tpu.dma_semaphore, #tpu.memory_space<semaphore_mem>>) src(%dma_wait3A_77 : memref<10000x128xf32, #tpu.memory_space<hbm>>) dst(%arg12 : memref<64x128xf32, #tpu.memory_space<vmem>>)
    %dma_start3A_78 = arith.constant 0 : i32
    %dma_start3A_79 = arith.constant 0 : i32
    %dma_start3A_80 = tpu.memref_slice %arg17[%dma_start3A_78, %dma_start3A_79] : memref<10240x128xf32, #tpu.memory_space<vmem_shared>> -> memref<10240x128xf32, #tpu.memory_space<vmem_shared>>
    tpu.enqueue_indirect_dma source(%arg12 : memref<64x128xf32, #tpu.memory_space<vmem>>) target(%dma_start3A_80 : memref<10240x128xf32, #tpu.memory_space<vmem_shared>>) offsets(%arg8 : memref<64xi32, #tpu.memory_space<vmem>>) semaphore(%arg27 : memref<!tpu.dma_semaphore, #tpu.memory_space<semaphore_mem>>) {add = true}
    %dma_wait3A_81 = arith.constant 0 : i32
    %dma_wait3A_82 = arith.constant 0 : i32
    %dma_wait3A_83 = tpu.memref_slice %arg17[%dma_wait3A_81, %dma_wait3A_82] : memref<10240x128xf32, #tpu.memory_space<vmem_shared>> -> memref<10240x128xf32, #tpu.memory_space<vmem_shared>>
    tpu.wait_indirect_dma semaphore(%arg26 : memref<!tpu.dma_semaphore, #tpu.memory_space<semaphore_mem>>) src(%arg11 : memref<64x128xf32, #tpu.memory_space<vmem>>) dst(%dma_wait3A_83 : memref<10240x128xf32, #tpu.memory_space<vmem_shared>>)
    %multiple_of3A_84 = arith.constant 9856 : i32
    %multiple_of3A_85 = tpu.assume_multiple %multiple_of3A_84, 8 : i32
    %add3A_86 = arith.constant 320000 : i32
    %add3A_87 = arith.addi %add3A_86, %multiple_of3A_5 : i32
    %add3A_88 = arith.addi %add3A_87, %multiple_of3A_85 : i32
    %dma_wait3A_89 = tpu.memref_slice %arg3[%add3A_88] : memref<640000xi32, #tpu.memory_space<hbm>> -> memref<64xi32, #tpu.memory_space<hbm>>
    %dma_wait3A_90 = tpu.memref_slice %arg3[%add3A_88] : memref<640000xi32, #tpu.memory_space<hbm>> -> memref<64xi32, #tpu.memory_space<hbm>>
    tpu.wait_dma2 semaphore(%arg24 : memref<!tpu.dma_semaphore, #tpu.memory_space<semaphore_mem>>) src(%dma_wait3A_90 : memref<64xi32, #tpu.memory_space<hbm>>) dst(%arg9 : memref<64xi32, #tpu.memory_space<vmem>>)
    %dma_wait3A_91 = tpu.memref_slice %arg6[%multiple_of3A_85] : memref<10000xi32, #tpu.memory_space<vmem>> -> memref<64xi32, #tpu.memory_space<vmem>>
    %dma_wait3A_92 = arith.constant 0 : i32
    %dma_wait3A_93 = arith.constant 0 : i32
    %dma_wait3A_94 = tpu.memref_slice %arg2[%dma_wait3A_92, %dma_wait3A_93] : memref<10000x128xf32, #tpu.memory_space<hbm>> -> memref<10000x128xf32, #tpu.memory_space<hbm>>
    tpu.wait_indirect_dma semaphore(%arg20 : memref<!tpu.dma_semaphore, #tpu.memory_space<semaphore_mem>>) src(%dma_wait3A_94 : memref<10000x128xf32, #tpu.memory_space<hbm>>) dst(%arg13 : memref<64x128xf32, #tpu.memory_space<vmem>>)
    %dma_start3A_95 = arith.constant 0 : i32
    %dma_start3A_96 = arith.constant 0 : i32
    %dma_start3A_97 = tpu.memref_slice %arg17[%dma_start3A_95, %dma_start3A_96] : memref<10240x128xf32, #tpu.memory_space<vmem_shared>> -> memref<10240x128xf32, #tpu.memory_space<vmem_shared>>
    tpu.enqueue_indirect_dma source(%arg13 : memref<64x128xf32, #tpu.memory_space<vmem>>) target(%dma_start3A_97 : memref<10240x128xf32, #tpu.memory_space<vmem_shared>>) offsets(%arg9 : memref<64xi32, #tpu.memory_space<vmem>>) semaphore(%arg28 : memref<!tpu.dma_semaphore, #tpu.memory_space<semaphore_mem>>) {add = true}
    %dma_wait3A_98 = arith.constant 0 : i32
    %dma_wait3A_99 = arith.constant 0 : i32
    %dma_wait3A_100 = tpu.memref_slice %arg17[%dma_wait3A_98, %dma_wait3A_99] : memref<10240x128xf32, #tpu.memory_space<vmem_shared>> -> memref<10240x128xf32, #tpu.memory_space<vmem_shared>>
    tpu.wait_indirect_dma semaphore(%arg27 : memref<!tpu.dma_semaphore, #tpu.memory_space<semaphore_mem>>) src(%arg12 : memref<64x128xf32, #tpu.memory_space<vmem>>) dst(%dma_wait3A_100 : memref<10240x128xf32, #tpu.memory_space<vmem_shared>>)
    %multiple_of3A_101 = arith.constant 9920 : i32
    %multiple_of3A_102 = tpu.assume_multiple %multiple_of3A_101, 8 : i32
    %add3A_103 = arith.constant 320000 : i32
    %add3A_104 = arith.addi %add3A_103, %multiple_of3A_5 : i32
    %add3A_105 = arith.addi %add3A_104, %multiple_of3A_102 : i32
    %dma_wait3A_106 = tpu.memref_slice %arg3[%add3A_105] : memref<640000xi32, #tpu.memory_space<hbm>> -> memref<64xi32, #tpu.memory_space<hbm>>
    %dma_wait3A_107 = tpu.memref_slice %arg3[%add3A_105] : memref<640000xi32, #tpu.memory_space<hbm>> -> memref<64xi32, #tpu.memory_space<hbm>>
    tpu.wait_dma2 semaphore(%arg25 : memref<!tpu.dma_semaphore, #tpu.memory_space<semaphore_mem>>) src(%dma_wait3A_107 : memref<64xi32, #tpu.memory_space<hbm>>) dst(%arg10 : memref<64xi32, #tpu.memory_space<vmem>>)
    %dma_wait3A_108 = tpu.memref_slice %arg6[%multiple_of3A_102] : memref<10000xi32, #tpu.memory_space<vmem>> -> memref<64xi32, #tpu.memory_space<vmem>>
    %dma_wait3A_109 = arith.constant 0 : i32
    %dma_wait3A_110 = arith.constant 0 : i32
    %dma_wait3A_111 = tpu.memref_slice %arg2[%dma_wait3A_109, %dma_wait3A_110] : memref<10000x128xf32, #tpu.memory_space<hbm>> -> memref<10000x128xf32, #tpu.memory_space<hbm>>
    tpu.wait_indirect_dma semaphore(%arg21 : memref<!tpu.dma_semaphore, #tpu.memory_space<semaphore_mem>>) src(%dma_wait3A_111 : memref<10000x128xf32, #tpu.memory_space<hbm>>) dst(%arg14 : memref<64x128xf32, #tpu.memory_space<vmem>>)
    %dma_start3A_112 = arith.constant 0 : i32
    %dma_start3A_113 = arith.constant 0 : i32
    %dma_start3A_114 = tpu.memref_slice %arg17[%dma_start3A_112, %dma_start3A_113] : memref<10240x128xf32, #tpu.memory_space<vmem_shared>> -> memref<10240x128xf32, #tpu.memory_space<vmem_shared>>
    tpu.enqueue_indirect_dma source(%arg14 : memref<64x128xf32, #tpu.memory_space<vmem>>) target(%dma_start3A_114 : memref<10240x128xf32, #tpu.memory_space<vmem_shared>>) offsets(%arg10 : memref<64xi32, #tpu.memory_space<vmem>>) semaphore(%arg29 : memref<!tpu.dma_semaphore, #tpu.memory_space<semaphore_mem>>) {add = true}
    %dma_wait3A_115 = arith.constant 0 : i32
    %dma_wait3A_116 = arith.constant 0 : i32
    %dma_wait3A_117 = tpu.memref_slice %arg17[%dma_wait3A_115, %dma_wait3A_116] : memref<10240x128xf32, #tpu.memory_space<vmem_shared>> -> memref<10240x128xf32, #tpu.memory_space<vmem_shared>>
    tpu.wait_indirect_dma semaphore(%arg28 : memref<!tpu.dma_semaphore, #tpu.memory_space<semaphore_mem>>) src(%arg13 : memref<64x128xf32, #tpu.memory_space<vmem>>) dst(%dma_wait3A_117 : memref<10240x128xf32, #tpu.memory_space<vmem_shared>>)
    %dma_wait3A_118 = arith.constant 0 : i32
    %dma_wait3A_119 = arith.constant 0 : i32
    %dma_wait3A_120 = tpu.memref_slice %arg17[%dma_wait3A_118, %dma_wait3A_119] : memref<10240x128xf32, #tpu.memory_space<vmem_shared>> -> memref<10240x128xf32, #tpu.memory_space<vmem_shared>>
    tpu.wait_indirect_dma semaphore(%arg29 : memref<!tpu.dma_semaphore, #tpu.memory_space<semaphore_mem>>) src(%arg14 : memref<64x128xf32, #tpu.memory_space<vmem>>) dst(%dma_wait3A_120 : memref<10240x128xf32, #tpu.memory_space<vmem_shared>>)
    %multiple_of3A_121 = arith.constant 9984 : i32
    %multiple_of3A_122 = tpu.assume_multiple %multiple_of3A_121, 8 : i32
    %add3A_123 = arith.constant 320000 : i32
    %add3A_124 = arith.addi %add3A_123, %multiple_of3A_5 : i32
    %add3A_125 = arith.addi %add3A_124, %multiple_of3A_122 : i32
    "tpu.region"() ({
      %run_scoped3A = tpu.sem_alloc : memref<!tpu.dma_semaphore, #tpu.memory_space<semaphore_mem>>
      %dma_start3A_135 = tpu.memref_slice %arg3[%add3A_125] : memref<640000xi32, #tpu.memory_space<hbm>> -> memref<16xi32, #tpu.memory_space<hbm>>
      %dma_start3A_136 = tpu.memref_slice %arg3[%add3A_125] : memref<640000xi32, #tpu.memory_space<hbm>> -> memref<16xi32, #tpu.memory_space<hbm>>
      tpu.enqueue_dma source(%dma_start3A_136 : memref<16xi32, #tpu.memory_space<hbm>>) target(%arg16 : memref<16xi32, #tpu.memory_space<vmem>>) target_semaphore(%run_scoped3A : memref<!tpu.dma_semaphore, #tpu.memory_space<semaphore_mem>>)
      %dma_wait3A_137 = tpu.memref_slice %arg3[%add3A_125] : memref<640000xi32, #tpu.memory_space<hbm>> -> memref<16xi32, #tpu.memory_space<hbm>>
      %dma_wait3A_138 = tpu.memref_slice %arg3[%add3A_125] : memref<640000xi32, #tpu.memory_space<hbm>> -> memref<16xi32, #tpu.memory_space<hbm>>
      tpu.wait_dma2 semaphore(%run_scoped3A : memref<!tpu.dma_semaphore, #tpu.memory_space<semaphore_mem>>) src(%dma_wait3A_138 : memref<16xi32, #tpu.memory_space<hbm>>) dst(%arg16 : memref<16xi32, #tpu.memory_space<vmem>>)
      tpu.yield
    }) : () -> ()
    %dma_start3A_126 = tpu.memref_slice %arg6[%multiple_of3A_122] : memref<10000xi32, #tpu.memory_space<vmem>> -> memref<16xi32, #tpu.memory_space<vmem>>
    %dma_start3A_127 = arith.constant 0 : i32
    %dma_start3A_128 = arith.constant 0 : i32
    %dma_start3A_129 = tpu.memref_slice %arg2[%dma_start3A_127, %dma_start3A_128] : memref<10000x128xf32, #tpu.memory_space<hbm>> -> memref<10000x128xf32, #tpu.memory_space<hbm>>
    tpu.enqueue_indirect_dma source(%dma_start3A_129 : memref<10000x128xf32, #tpu.memory_space<hbm>>) target(%arg15 : memref<16x128xf32, #tpu.memory_space<vmem>>) offsets(%dma_start3A_126 : memref<16xi32, #tpu.memory_space<vmem>>) semaphore(%arg18 : memref<!tpu.dma_semaphore, #tpu.memory_space<semaphore_mem>>)
    %dma_wait3A_130 = tpu.memref_slice %arg6[%multiple_of3A_122] : memref<10000xi32, #tpu.memory_space<vmem>> -> memref<16xi32, #tpu.memory_space<vmem>>
    %dma_wait3A_131 = arith.constant 0 : i32
    %dma_wait3A_132 = arith.constant 0 : i32
    %dma_wait3A_133 = tpu.memref_slice %arg2[%dma_wait3A_131, %dma_wait3A_132] : memref<10000x128xf32, #tpu.memory_space<hbm>> -> memref<10000x128xf32, #tpu.memory_space<hbm>>
    tpu.wait_indirect_dma semaphore(%arg18 : memref<!tpu.dma_semaphore, #tpu.memory_space<semaphore_mem>>) src(%dma_wait3A_133 : memref<10000x128xf32, #tpu.memory_space<hbm>>) dst(%arg15 : memref<16x128xf32, #tpu.memory_space<vmem>>)
    "tpu.region"() ({
      %run_scoped3A = tpu.sem_alloc : memref<!tpu.dma_semaphore, #tpu.memory_space<semaphore_mem>>
      %dma_start3A_135 = arith.constant 0 : i32
      %dma_start3A_136 = arith.constant 0 : i32
      %dma_start3A_137 = tpu.memref_slice %arg17[%dma_start3A_135, %dma_start3A_136] : memref<10240x128xf32, #tpu.memory_space<vmem_shared>> -> memref<10240x128xf32, #tpu.memory_space<vmem_shared>>
      tpu.enqueue_indirect_dma source(%arg15 : memref<16x128xf32, #tpu.memory_space<vmem>>) target(%dma_start3A_137 : memref<10240x128xf32, #tpu.memory_space<vmem_shared>>) offsets(%arg16 : memref<16xi32, #tpu.memory_space<vmem>>) semaphore(%run_scoped3A : memref<!tpu.dma_semaphore, #tpu.memory_space<semaphore_mem>>) {add = true}
      %dma_wait3A_138 = arith.constant 0 : i32
      %dma_wait3A_139 = arith.constant 0 : i32
      %dma_wait3A_140 = tpu.memref_slice %arg17[%dma_wait3A_138, %dma_wait3A_139] : memref<10240x128xf32, #tpu.memory_space<vmem_shared>> -> memref<10240x128xf32, #tpu.memory_space<vmem_shared>>
      tpu.wait_indirect_dma semaphore(%run_scoped3A : memref<!tpu.dma_semaphore, #tpu.memory_space<semaphore_mem>>) src(%arg15 : memref<16x128xf32, #tpu.memory_space<vmem>>) dst(%dma_wait3A_140 : memref<10240x128xf32, #tpu.memory_space<vmem_shared>>)
      tpu.yield
    }) : () -> ()
    %barrier3A_134 = arith.constant 0 : index
    tpu.barrier barrier_id(%barrier3A_134)
    "tpu.region"() ({
      %run_scoped3A = tpu.sem_alloc : memref<!tpu.dma_semaphore, #tpu.memory_space<semaphore_mem>>
      %dma_start3A_135 = arith.constant 0 : i32
      %dma_start3A_136 = tpu.memref_slice %arg5[%arg0, %multiple_of3A, %dma_start3A_135] : memref<2x10240x128xf32, #tpu.memory_space<hbm>> -> memref<1x640x128xf32, #tpu.memory_space<hbm>>
      %dma_start3A_137 = tpu.memref_squeeze %dma_start3A_136 : memref<1x640x128xf32, #tpu.memory_space<hbm>> -> memref<640x128xf32, #tpu.memory_space<hbm>>
      %dma_start3A_138 = arith.constant 0 : i32
      %dma_start3A_139 = tpu.memref_slice %arg17[%multiple_of3A, %dma_start3A_138] : memref<10240x128xf32, #tpu.memory_space<vmem_shared>> -> memref<640x128xf32, #tpu.memory_space<vmem_shared>>
      tpu.enqueue_dma source(%dma_start3A_139 : memref<640x128xf32, #tpu.memory_space<vmem_shared>>) target(%dma_start3A_137 : memref<640x128xf32, #tpu.memory_space<hbm>>) target_semaphore(%run_scoped3A : memref<!tpu.dma_semaphore, #tpu.memory_space<semaphore_mem>>)
      %dma_wait3A_140 = arith.constant 0 : i32
      %dma_wait3A_141 = tpu.memref_slice %arg5[%arg0, %multiple_of3A, %dma_wait3A_140] : memref<2x10240x128xf32, #tpu.memory_space<hbm>> -> memref<1x640x128xf32, #tpu.memory_space<hbm>>
      %dma_wait3A_142 = tpu.memref_squeeze %dma_wait3A_141 : memref<1x640x128xf32, #tpu.memory_space<hbm>> -> memref<640x128xf32, #tpu.memory_space<hbm>>
      %dma_wait3A_143 = arith.constant 0 : i32
      %dma_wait3A_144 = tpu.memref_slice %arg17[%multiple_of3A, %dma_wait3A_143] : memref<10240x128xf32, #tpu.memory_space<vmem_shared>> -> memref<640x128xf32, #tpu.memory_space<vmem_shared>>
      tpu.wait_dma2 semaphore(%run_scoped3A : memref<!tpu.dma_semaphore, #tpu.memory_space<semaphore_mem>>) src(%dma_wait3A_144 : memref<640x128xf32, #tpu.memory_space<vmem_shared>>) dst(%dma_wait3A_142 : memref<640x128xf32, #tpu.memory_space<hbm>>)
      tpu.yield
    }) : () -> ()
    return
  }
}

module attributes {stable_mosaic.version = 14 : i64} {
  func.func @_tc_prep_body(%arg0: memref<10000x2xf32, #tpu.memory_space<vmem>>, %arg1: memref<2x128xf32, #tpu.memory_space<vmem>>, %arg2: memref<1x128xf32, #tpu.memory_space<vmem>>, %arg3: memref<128x128xf32, #tpu.memory_space<vmem>>, %arg4: memref<1x128xf32, #tpu.memory_space<vmem>>, %arg5: memref<2000x32xf32, #tpu.memory_space<vmem>>, %arg6: memref<10000x128xf32, #tpu.memory_space<vmem>>, %arg7: memref<2000x128xf32, #tpu.memory_space<vmem>>) attributes {dimension_semantics = [], scalar_prefetch = 0 : i64, scratch_operands = 0 : i64, tpu.core_type = #tpu.core_type<tc>} {
    %get3A = arith.constant 0 : index
    %get3A_0 = arith.constant 0 : index
    %get3A_1 = vector.load %arg0[%get3A, %get3A_0] : memref<10000x2xf32, #tpu.memory_space<vmem>>, vector<10000x2xf32>
    %slice3A = vector.extract_strided_slice %get3A_1 {offsets = [0, 0], sizes = [10000, 1], strides = [1, 1]} : vector<10000x2xf32> to vector<10000x1xf32>
    %get3A_2 = arith.constant 0 : index
    %get3A_3 = arith.constant 0 : index
    %get3A_4 = vector.load %arg1[%get3A_2, %get3A_3] : memref<2x128xf32, #tpu.memory_space<vmem>>, vector<1x128xf32>
    %mul3A = vector.broadcast %slice3A : vector<10000x1xf32> to vector<10000x128xf32>
    %mul3A_5 = vector.broadcast %get3A_4 : vector<1x128xf32> to vector<10000x128xf32>
    %mul3A_6 = arith.mulf %mul3A, %mul3A_5 : vector<10000x128xf32>
    %slice3A_7 = vector.extract_strided_slice %get3A_1 {offsets = [0, 1], sizes = [10000, 1], strides = [1, 1]} : vector<10000x2xf32> to vector<10000x1xf32>
    %get3A_8 = arith.constant 1 : index
    %get3A_9 = arith.constant 0 : index
    %get3A_10 = vector.load %arg1[%get3A_8, %get3A_9] : memref<2x128xf32, #tpu.memory_space<vmem>>, vector<1x128xf32>
    %mul3A_11 = vector.broadcast %slice3A_7 : vector<10000x1xf32> to vector<10000x128xf32>
    %mul3A_12 = vector.broadcast %get3A_10 : vector<1x128xf32> to vector<10000x128xf32>
    %mul3A_13 = arith.mulf %mul3A_11, %mul3A_12 : vector<10000x128xf32>
    %add3A = arith.addf %mul3A_6, %mul3A_13 : vector<10000x128xf32>
    %get3A_14 = arith.constant 0 : index
    %get3A_15 = arith.constant 0 : index
    %get3A_16 = vector.load %arg2[%get3A_14, %get3A_15] : memref<1x128xf32, #tpu.memory_space<vmem>>, vector<1x128xf32>
    %add3A_17 = vector.broadcast %get3A_16 : vector<1x128xf32> to vector<10000x128xf32>
    %add3A_18 = arith.addf %add3A, %add3A_17 : vector<10000x128xf32>
    %max3A = arith.constant 0.000000e+00 : f32
    %max3A_19 = vector.broadcast %max3A : f32 to vector<10000x128xf32>
    %max3A_20 = arith.maximumf %add3A_18, %max3A_19 : vector<10000x128xf32>
    %get3A_21 = arith.constant 0 : index
    %get3A_22 = arith.constant 0 : index
    %get3A_23 = vector.load %arg3[%get3A_21, %get3A_22] : memref<128x128xf32, #tpu.memory_space<vmem>>, vector<128x128xf32>
    %dot_general3A = arith.constant dense<0.000000e+00> : vector<10000x128xf32>
    %dot_general3A_24 = tpu.matmul %max3A_20, %get3A_23, %dot_general3A {dimension_numbers = #tpu.dot_dimension_numbers<[1], [0], [0], [1], [0, 0, 1, 1], [], []>, transpose_lhs_hint = false} : vector<10000x128xf32>, vector<128x128xf32>, vector<10000x128xf32> -> vector<10000x128xf32>
    %get3A_25 = arith.constant 0 : index
    %get3A_26 = arith.constant 0 : index
    %get3A_27 = vector.load %arg4[%get3A_25, %get3A_26] : memref<1x128xf32, #tpu.memory_space<vmem>>, vector<1x128xf32>
    %add3A_28 = vector.broadcast %get3A_27 : vector<1x128xf32> to vector<10000x128xf32>
    %add3A_29 = arith.addf %dot_general3A_24, %add3A_28 : vector<10000x128xf32>
    %swap3A = arith.constant 0 : index
    %swap3A_30 = arith.constant 0 : index
    %swap3A_31 = vector.load %arg6[%swap3A, %swap3A_30] : memref<10000x128xf32, #tpu.memory_space<vmem>>, vector<10000x128xf32>
    tpu.vector_store %arg6[%swap3A, %swap3A_30], %add3A_29 {strides = array<i32>} : memref<10000x128xf32, #tpu.memory_space<vmem>>, vector<10000x128xf32>,
    %get3A_32 = arith.constant 0 : index
    %get3A_33 = arith.constant 0 : index
    %get3A_34 = vector.load %arg5[%get3A_32, %get3A_33] : memref<2000x32xf32, #tpu.memory_space<vmem>>, vector<2000x32xf32>
    %reduce_max3A = arith.constant dense<0xFF800000> : vector<32xf32>
    %reduce_max3A_35 = vector.multi_reduction <maximumf>, %get3A_34, %reduce_max3A [0] : vector<2000x32xf32> to vector<32xf32>
    %broadcast_in_dim3A = vector.shape_cast %reduce_max3A_35 : vector<32xf32> to vector<1x32xf32>
    %sub3A = vector.broadcast %broadcast_in_dim3A : vector<1x32xf32> to vector<2000x32xf32>
    %sub3A_36 = arith.subf %get3A_34, %sub3A : vector<2000x32xf32>
    %exp3A = math.exp %sub3A_36 : vector<2000x32xf32>
    %reduce_sum3A = arith.constant dense<0.000000e+00> : vector<32xf32>
    %reduce_sum3A_37 = vector.multi_reduction <add>, %exp3A, %reduce_sum3A [0] : vector<2000x32xf32> to vector<32xf32>
    %broadcast_in_dim3A_38 = vector.shape_cast %reduce_sum3A_37 : vector<32xf32> to vector<1x32xf32>
    %log3A = math.log %broadcast_in_dim3A_38 : vector<1x32xf32>
    %add3A_39 = arith.addf %log3A, %broadcast_in_dim3A : vector<1x32xf32>
    %sub3A_40 = vector.broadcast %add3A_39 : vector<1x32xf32> to vector<2000x32xf32>
    %sub3A_41 = arith.subf %get3A_34, %sub3A_40 : vector<2000x32xf32>
    %broadcast_in_dim3A_42 = arith.constant 0.000000e+00 : f32
    %broadcast_in_dim3A_43 = vector.broadcast %broadcast_in_dim3A_42 : f32 to vector<2000x96xf32>
    %concatenate3A = tpu.concatenate %sub3A_41, %broadcast_in_dim3A_43 in 1 : vector<2000x32xf32>, vector<2000x96xf32> -> vector<2000x128xf32>
    %swap3A_44 = arith.constant 0 : index
    %swap3A_45 = arith.constant 0 : index
    %swap3A_46 = vector.load %arg7[%swap3A_44, %swap3A_45] : memref<2000x128xf32, #tpu.memory_space<vmem>>, vector<2000x128xf32>
    tpu.vector_store %arg7[%swap3A_44, %swap3A_45], %concatenate3A {strides = array<i32>} : memref<2000x128xf32, #tpu.memory_space<vmem>>, vector<2000x128xf32>,
    return
  }
}

module attributes {stable_mosaic.version = 14 : i64} {
  func.func @_tc_add_body(%arg0: i32, %arg1: memref<1000x128xf32, #tpu.memory_space<vmem>>, %arg2: memref<1000x128xf32, #tpu.memory_space<vmem>>, %arg3: memref<1000x128xf32, #tpu.memory_space<vmem>>) attributes {dimension_semantics = [#tpu.dimension_semantics<arbitrary>], iteration_bounds = array<i64: 10>, scalar_prefetch = 0 : i64, scratch_operands = 0 : i64, tpu.core_type = #tpu.core_type<tc>, window_params = [{transform_indices = @transform_0, window_bounds = array<i64: 1000, 128>}, {transform_indices = @transform_1, window_bounds = array<i64: 1000, 128>}, {transform_indices = @transform_2, window_bounds = array<i64: 1000, 128>}]} {
    %get3A = arith.constant 0 : index
    %get3A_0 = arith.constant 0 : index
    %get3A_1 = vector.load %arg1[%get3A, %get3A_0] : memref<1000x128xf32, #tpu.memory_space<vmem>>, vector<1000x128xf32>
    %get3A_2 = arith.constant 0 : index
    %get3A_3 = arith.constant 0 : index
    %get3A_4 = vector.load %arg2[%get3A_2, %get3A_3] : memref<1000x128xf32, #tpu.memory_space<vmem>>, vector<1000x128xf32>
    %add3A = arith.addf %get3A_1, %get3A_4 : vector<1000x128xf32>
    %swap3A = arith.constant 0 : index
    %swap3A_5 = arith.constant 0 : index
    %swap3A_6 = vector.load %arg3[%swap3A, %swap3A_5] : memref<1000x128xf32, #tpu.memory_space<vmem>>, vector<1000x128xf32>
    tpu.vector_store %arg3[%swap3A, %swap3A_5], %add3A {strides = array<i32>} : memref<1000x128xf32, #tpu.memory_space<vmem>>, vector<1000x128xf32>,
    return
  }
  func.func @transform_0(%arg0: i32) -> (i32, i32) {
    %c0_i32 = arith.constant 0 : i32
    %c0_i32_0 = arith.constant 0 : i32
    return %arg0, %c0_i32 : i32, i32
  }
  func.func @transform_1(%arg0: i32) -> (i32, i32) {
    %c0_i32 = arith.constant 0 : i32
    %c0_i32_0 = arith.constant 0 : i32
    return %arg0, %c0_i32 : i32, i32
  }
  func.func @transform_2(%arg0: i32) -> (i32, i32) {
    %c0_i32 = arith.constant 0 : i32
    %c0_i32_0 = arith.constant 0 : i32
    return %arg0, %c0_i32 : i32, i32
  }
}

module attributes {stable_mosaic.version = 14 : i64} {
  func.func @_tc_mlp_body(%arg0: i32, %arg1: memref<1000x128xf32, #tpu.memory_space<vmem>>, %arg2: memref<1x1000x128xf32, #tpu.memory_space<vmem>>, %arg3: memref<1x1000x128xf32, #tpu.memory_space<vmem>>, %arg4: memref<1x1000x128xf32, #tpu.memory_space<vmem>>, %arg5: memref<1x1000x128xf32, #tpu.memory_space<vmem>>, %arg6: memref<256x128xf32, #tpu.memory_space<vmem>>, %arg7: memref<1x128xf32, #tpu.memory_space<vmem>>, %arg8: memref<128x128xf32, #tpu.memory_space<vmem>>, %arg9: memref<1x128xf32, #tpu.memory_space<vmem>>, %arg10: memref<1000x128xf32, #tpu.memory_space<vmem>>) attributes {dimension_semantics = [#tpu.dimension_semantics<arbitrary>], iteration_bounds = array<i64: 10>, scalar_prefetch = 0 : i64, scratch_operands = 0 : i64, tpu.core_type = #tpu.core_type<tc>, window_params = [{transform_indices = @transform_0, window_bounds = array<i64: 1000, 128>}, {transform_indices = @transform_1, window_bounds = array<i64: 1, 1000, 128>}, {transform_indices = @transform_2, window_bounds = array<i64: 1, 1000, 128>}, {transform_indices = @transform_3, window_bounds = array<i64: 1, 1000, 128>}, {transform_indices = @transform_4, window_bounds = array<i64: 1, 1000, 128>}, {pipeline_mode = #tpu.pipeline_mode<synchronous>, transform_indices = @transform_5, window_bounds = array<i64: 256, 128>}, {pipeline_mode = #tpu.pipeline_mode<synchronous>, transform_indices = @transform_6, window_bounds = array<i64: 1, 128>}, {pipeline_mode = #tpu.pipeline_mode<synchronous>, transform_indices = @transform_7, window_bounds = array<i64: 128, 128>}, {pipeline_mode = #tpu.pipeline_mode<synchronous>, transform_indices = @transform_8, window_bounds = array<i64: 1, 128>}, {transform_indices = @transform_9, window_bounds = array<i64: 1000, 128>}]} {
    %get3A = arith.constant 0 : index
    %get3A_0 = arith.constant 0 : index
    %get3A_1 = vector.load %arg1[%get3A, %get3A_0] : memref<1000x128xf32, #tpu.memory_space<vmem>>, vector<1000x128xf32>
    %get3A_2 = arith.constant 0 : index
    %get3A_3 = arith.constant 0 : index
    %get3A_4 = arith.constant 0 : index
    %get3A_5 = vector.load %arg4[%get3A_2, %get3A_3, %get3A_4] : memref<1x1000x128xf32, #tpu.memory_space<vmem>>, vector<1x1000x128xf32>
    %get3A_6 = vector.shape_cast %get3A_5 : vector<1x1000x128xf32> to vector<1000x128xf32>
    %slice3A = vector.extract_strided_slice %get3A_6 {offsets = [0, 0], sizes = [1000, 1], strides = [1, 1]} : vector<1000x128xf32> to vector<1000x1xf32>
    %get3A_7 = arith.constant 0 : index
    %get3A_8 = arith.constant 0 : index
    %get3A_9 = arith.constant 0 : index
    %get3A_10 = vector.load %arg5[%get3A_7, %get3A_8, %get3A_9] : memref<1x1000x128xf32, #tpu.memory_space<vmem>>, vector<1x1000x128xf32>
    %get3A_11 = vector.shape_cast %get3A_10 : vector<1x1000x128xf32> to vector<1000x128xf32>
    %slice3A_12 = vector.extract_strided_slice %get3A_11 {offsets = [0, 0], sizes = [1000, 1], strides = [1, 1]} : vector<1000x128xf32> to vector<1000x1xf32>
    %add3A = arith.addf %slice3A, %slice3A_12 : vector<1000x1xf32>
    %max3A = arith.constant 1.000000e+00 : f32
    %max3A_13 = vector.broadcast %max3A : f32 to vector<1000x1xf32>
    %max3A_14 = arith.maximumf %add3A, %max3A_13 : vector<1000x1xf32>
    %get3A_15 = arith.constant 0 : index
    %get3A_16 = arith.constant 0 : index
    %get3A_17 = arith.constant 0 : index
    %get3A_18 = vector.load %arg2[%get3A_15, %get3A_16, %get3A_17] : memref<1x1000x128xf32, #tpu.memory_space<vmem>>, vector<1x1000x128xf32>
    %get3A_19 = vector.shape_cast %get3A_18 : vector<1x1000x128xf32> to vector<1000x128xf32>
    %get3A_20 = arith.constant 0 : index
    %get3A_21 = arith.constant 0 : index
    %get3A_22 = arith.constant 0 : index
    %get3A_23 = vector.load %arg3[%get3A_20, %get3A_21, %get3A_22] : memref<1x1000x128xf32, #tpu.memory_space<vmem>>, vector<1x1000x128xf32>
    %get3A_24 = vector.shape_cast %get3A_23 : vector<1x1000x128xf32> to vector<1000x128xf32>
    %add3A_25 = arith.addf %get3A_19, %get3A_24 : vector<1000x128xf32>
    %div3A = vector.broadcast %max3A_14 : vector<1000x1xf32> to vector<1000x128xf32>
    %div3A_26 = arith.divf %add3A_25, %div3A : vector<1000x128xf32>
    %get3A_27 = arith.constant 0 : index
    %get3A_28 = arith.constant 0 : index
    %get3A_29 = vector.load %arg6[%get3A_27, %get3A_28] : memref<256x128xf32, #tpu.memory_space<vmem>>, vector<256x128xf32>
    %slice3A_30 = vector.extract_strided_slice %get3A_29 {offsets = [0, 0], sizes = [128, 128], strides = [1, 1]} : vector<256x128xf32> to vector<128x128xf32>
    %dot_general3A = arith.constant dense<0.000000e+00> : vector<1000x128xf32>
    %dot_general3A_31 = tpu.matmul %get3A_1, %slice3A_30, %dot_general3A {dimension_numbers = #tpu.dot_dimension_numbers<[1], [0], [0], [1], [0, 0, 1, 1], [], []>, transpose_lhs_hint = false} : vector<1000x128xf32>, vector<128x128xf32>, vector<1000x128xf32> -> vector<1000x128xf32>
    %slice3A_32 = vector.extract_strided_slice %get3A_29 {offsets = [128, 0], sizes = [128, 128], strides = [1, 1]} : vector<256x128xf32> to vector<128x128xf32>
    %dot_general3A_33 = arith.constant dense<0.000000e+00> : vector<1000x128xf32>
    %dot_general3A_34 = tpu.matmul %div3A_26, %slice3A_32, %dot_general3A_33 {dimension_numbers = #tpu.dot_dimension_numbers<[1], [0], [0], [1], [0, 0, 1, 1], [], []>, transpose_lhs_hint = false} : vector<1000x128xf32>, vector<128x128xf32>, vector<1000x128xf32> -> vector<1000x128xf32>
    %add3A_35 = arith.addf %dot_general3A_31, %dot_general3A_34 : vector<1000x128xf32>
    %get3A_36 = arith.constant 0 : index
    %get3A_37 = arith.constant 0 : index
    %get3A_38 = vector.load %arg7[%get3A_36, %get3A_37] : memref<1x128xf32, #tpu.memory_space<vmem>>, vector<1x128xf32>
    %add3A_39 = vector.broadcast %get3A_38 : vector<1x128xf32> to vector<1000x128xf32>
    %add3A_40 = arith.addf %add3A_35, %add3A_39 : vector<1000x128xf32>
    %max3A_41 = arith.constant 0.000000e+00 : f32
    %max3A_42 = vector.broadcast %max3A_41 : f32 to vector<1000x128xf32>
    %max3A_43 = arith.maximumf %add3A_40, %max3A_42 : vector<1000x128xf32>
    %get3A_44 = arith.constant 0 : index
    %get3A_45 = arith.constant 0 : index
    %get3A_46 = vector.load %arg8[%get3A_44, %get3A_45] : memref<128x128xf32, #tpu.memory_space<vmem>>, vector<128x128xf32>
    %dot_general3A_47 = arith.constant dense<0.000000e+00> : vector<1000x128xf32>
    %dot_general3A_48 = tpu.matmul %max3A_43, %get3A_46, %dot_general3A_47 {dimension_numbers = #tpu.dot_dimension_numbers<[1], [0], [0], [1], [0, 0, 1, 1], [], []>, transpose_lhs_hint = false} : vector<1000x128xf32>, vector<128x128xf32>, vector<1000x128xf32> -> vector<1000x128xf32>
    %get3A_49 = arith.constant 0 : index
    %get3A_50 = arith.constant 0 : index
    %get3A_51 = vector.load %arg9[%get3A_49, %get3A_50] : memref<1x128xf32, #tpu.memory_space<vmem>>, vector<1x128xf32>
    %add3A_52 = vector.broadcast %get3A_51 : vector<1x128xf32> to vector<1000x128xf32>
    %add3A_53 = arith.addf %dot_general3A_48, %add3A_52 : vector<1000x128xf32>
    %max3A_54 = arith.constant 0.000000e+00 : f32
    %max3A_55 = vector.broadcast %max3A_54 : f32 to vector<1000x128xf32>
    %max3A_56 = arith.maximumf %add3A_53, %max3A_55 : vector<1000x128xf32>
    %add3A_57 = arith.addf %get3A_1, %max3A_56 : vector<1000x128xf32>
    %swap3A = arith.constant 0 : index
    %swap3A_58 = arith.constant 0 : index
    %swap3A_59 = vector.load %arg10[%swap3A, %swap3A_58] : memref<1000x128xf32, #tpu.memory_space<vmem>>, vector<1000x128xf32>
    tpu.vector_store %arg10[%swap3A, %swap3A_58], %add3A_57 {strides = array<i32>} : memref<1000x128xf32, #tpu.memory_space<vmem>>, vector<1000x128xf32>,
    return
  }
  func.func @transform_0(%arg0: i32) -> (i32, i32) {
    %c0_i32 = arith.constant 0 : i32
    %c0_i32_0 = arith.constant 0 : i32
    return %arg0, %c0_i32 : i32, i32
  }
  func.func @transform_1(%arg0: i32) -> (i32, i32, i32) {
    %c0_i32 = arith.constant 0 : i32
    %c0_i32_0 = arith.constant 0 : i32
    %c0_i32_1 = arith.constant 0 : i32
    return %c0_i32, %arg0, %c0_i32_0 : i32, i32, i32
  }
  func.func @transform_2(%arg0: i32) -> (i32, i32, i32) {
    %c1_i32 = arith.constant 1 : i32
    %c0_i32 = arith.constant 0 : i32
    %c0_i32_0 = arith.constant 0 : i32
    return %c1_i32, %arg0, %c0_i32 : i32, i32, i32
  }
  func.func @transform_3(%arg0: i32) -> (i32, i32, i32) {
    %c0_i32 = arith.constant 0 : i32
    %c0_i32_0 = arith.constant 0 : i32
    %c0_i32_1 = arith.constant 0 : i32
    return %c0_i32, %arg0, %c0_i32_0 : i32, i32, i32
  }
  func.func @transform_4(%arg0: i32) -> (i32, i32, i32) {
    %c1_i32 = arith.constant 1 : i32
    %c0_i32 = arith.constant 0 : i32
    %c0_i32_0 = arith.constant 0 : i32
    return %c1_i32, %arg0, %c0_i32 : i32, i32, i32
  }
  func.func @transform_5(%arg0: i32) -> (i32, i32) {
    %c0_i32 = arith.constant 0 : i32
    %c0_i32_0 = arith.constant 0 : i32
    %c0_i32_1 = arith.constant 0 : i32
    return %c0_i32, %c0_i32_0 : i32, i32
  }
  func.func @transform_6(%arg0: i32) -> (i32, i32) {
    %c0_i32 = arith.constant 0 : i32
    %c0_i32_0 = arith.constant 0 : i32
    %c0_i32_1 = arith.constant 0 : i32
    return %c0_i32, %c0_i32_0 : i32, i32
  }
  func.func @transform_7(%arg0: i32) -> (i32, i32) {
    %c0_i32 = arith.constant 0 : i32
    %c0_i32_0 = arith.constant 0 : i32
    %c0_i32_1 = arith.constant 0 : i32
    return %c0_i32, %c0_i32_0 : i32, i32
  }
  func.func @transform_8(%arg0: i32) -> (i32, i32) {
    %c0_i32 = arith.constant 0 : i32
    %c0_i32_0 = arith.constant 0 : i32
    %c0_i32_1 = arith.constant 0 : i32
    return %c0_i32, %c0_i32_0 : i32, i32
  }
  func.func @transform_9(%arg0: i32) -> (i32, i32) {
    %c0_i32 = arith.constant 0 : i32
    %c0_i32_0 = arith.constant 0 : i32
    return %arg0, %c0_i32 : i32, i32
  }
}

module attributes {stable_mosaic.version = 14 : i64} {
  func.func @_tc_mlp_body(%arg0: i32, %arg1: memref<1000x128xf32, #tpu.memory_space<vmem>>, %arg2: memref<1x1000x128xf32, #tpu.memory_space<vmem>>, %arg3: memref<1x1000x128xf32, #tpu.memory_space<vmem>>, %arg4: memref<1x1000x128xf32, #tpu.memory_space<vmem>>, %arg5: memref<1x1000x128xf32, #tpu.memory_space<vmem>>, %arg6: memref<256x128xf32, #tpu.memory_space<vmem>>, %arg7: memref<1x128xf32, #tpu.memory_space<vmem>>, %arg8: memref<128x128xf32, #tpu.memory_space<vmem>>, %arg9: memref<1x128xf32, #tpu.memory_space<vmem>>, %arg10: memref<1000x128xf32, #tpu.memory_space<vmem>>) attributes {dimension_semantics = [#tpu.dimension_semantics<arbitrary>], iteration_bounds = array<i64: 10>, scalar_prefetch = 0 : i64, scratch_operands = 0 : i64, tpu.core_type = #tpu.core_type<tc>, window_params = [{transform_indices = @transform_0, window_bounds = array<i64: 1000, 128>}, {transform_indices = @transform_1, window_bounds = array<i64: 1, 1000, 128>}, {transform_indices = @transform_2, window_bounds = array<i64: 1, 1000, 128>}, {transform_indices = @transform_3, window_bounds = array<i64: 1, 1000, 128>}, {transform_indices = @transform_4, window_bounds = array<i64: 1, 1000, 128>}, {pipeline_mode = #tpu.pipeline_mode<synchronous>, transform_indices = @transform_5, window_bounds = array<i64: 256, 128>}, {pipeline_mode = #tpu.pipeline_mode<synchronous>, transform_indices = @transform_6, window_bounds = array<i64: 1, 128>}, {pipeline_mode = #tpu.pipeline_mode<synchronous>, transform_indices = @transform_7, window_bounds = array<i64: 128, 128>}, {pipeline_mode = #tpu.pipeline_mode<synchronous>, transform_indices = @transform_8, window_bounds = array<i64: 1, 128>}, {transform_indices = @transform_9, window_bounds = array<i64: 1000, 128>}]} {
    %get3A = arith.constant 0 : index
    %get3A_0 = arith.constant 0 : index
    %get3A_1 = vector.load %arg1[%get3A, %get3A_0] : memref<1000x128xf32, #tpu.memory_space<vmem>>, vector<1000x128xf32>
    %get3A_2 = arith.constant 0 : index
    %get3A_3 = arith.constant 0 : index
    %get3A_4 = arith.constant 0 : index
    %get3A_5 = vector.load %arg4[%get3A_2, %get3A_3, %get3A_4] : memref<1x1000x128xf32, #tpu.memory_space<vmem>>, vector<1x1000x128xf32>
    %get3A_6 = vector.shape_cast %get3A_5 : vector<1x1000x128xf32> to vector<1000x128xf32>
    %slice3A = vector.extract_strided_slice %get3A_6 {offsets = [0, 0], sizes = [1000, 1], strides = [1, 1]} : vector<1000x128xf32> to vector<1000x1xf32>
    %get3A_7 = arith.constant 0 : index
    %get3A_8 = arith.constant 0 : index
    %get3A_9 = arith.constant 0 : index
    %get3A_10 = vector.load %arg5[%get3A_7, %get3A_8, %get3A_9] : memref<1x1000x128xf32, #tpu.memory_space<vmem>>, vector<1x1000x128xf32>
    %get3A_11 = vector.shape_cast %get3A_10 : vector<1x1000x128xf32> to vector<1000x128xf32>
    %slice3A_12 = vector.extract_strided_slice %get3A_11 {offsets = [0, 0], sizes = [1000, 1], strides = [1, 1]} : vector<1000x128xf32> to vector<1000x1xf32>
    %add3A = arith.addf %slice3A, %slice3A_12 : vector<1000x1xf32>
    %max3A = arith.constant 1.000000e+00 : f32
    %max3A_13 = vector.broadcast %max3A : f32 to vector<1000x1xf32>
    %max3A_14 = arith.maximumf %add3A, %max3A_13 : vector<1000x1xf32>
    %get3A_15 = arith.constant 0 : index
    %get3A_16 = arith.constant 0 : index
    %get3A_17 = arith.constant 0 : index
    %get3A_18 = vector.load %arg2[%get3A_15, %get3A_16, %get3A_17] : memref<1x1000x128xf32, #tpu.memory_space<vmem>>, vector<1x1000x128xf32>
    %get3A_19 = vector.shape_cast %get3A_18 : vector<1x1000x128xf32> to vector<1000x128xf32>
    %get3A_20 = arith.constant 0 : index
    %get3A_21 = arith.constant 0 : index
    %get3A_22 = arith.constant 0 : index
    %get3A_23 = vector.load %arg3[%get3A_20, %get3A_21, %get3A_22] : memref<1x1000x128xf32, #tpu.memory_space<vmem>>, vector<1x1000x128xf32>
    %get3A_24 = vector.shape_cast %get3A_23 : vector<1x1000x128xf32> to vector<1000x128xf32>
    %add3A_25 = arith.addf %get3A_19, %get3A_24 : vector<1000x128xf32>
    %div3A = vector.broadcast %max3A_14 : vector<1000x1xf32> to vector<1000x128xf32>
    %div3A_26 = arith.divf %add3A_25, %div3A : vector<1000x128xf32>
    %get3A_27 = arith.constant 0 : index
    %get3A_28 = arith.constant 0 : index
    %get3A_29 = vector.load %arg6[%get3A_27, %get3A_28] : memref<256x128xf32, #tpu.memory_space<vmem>>, vector<256x128xf32>
    %slice3A_30 = vector.extract_strided_slice %get3A_29 {offsets = [0, 0], sizes = [128, 128], strides = [1, 1]} : vector<256x128xf32> to vector<128x128xf32>
    %dot_general3A = arith.constant dense<0.000000e+00> : vector<1000x128xf32>
    %dot_general3A_31 = tpu.matmul %get3A_1, %slice3A_30, %dot_general3A {dimension_numbers = #tpu.dot_dimension_numbers<[1], [0], [0], [1], [0, 0, 1, 1], [], []>, transpose_lhs_hint = false} : vector<1000x128xf32>, vector<128x128xf32>, vector<1000x128xf32> -> vector<1000x128xf32>
    %slice3A_32 = vector.extract_strided_slice %get3A_29 {offsets = [128, 0], sizes = [128, 128], strides = [1, 1]} : vector<256x128xf32> to vector<128x128xf32>
    %dot_general3A_33 = arith.constant dense<0.000000e+00> : vector<1000x128xf32>
    %dot_general3A_34 = tpu.matmul %div3A_26, %slice3A_32, %dot_general3A_33 {dimension_numbers = #tpu.dot_dimension_numbers<[1], [0], [0], [1], [0, 0, 1, 1], [], []>, transpose_lhs_hint = false} : vector<1000x128xf32>, vector<128x128xf32>, vector<1000x128xf32> -> vector<1000x128xf32>
    %add3A_35 = arith.addf %dot_general3A_31, %dot_general3A_34 : vector<1000x128xf32>
    %get3A_36 = arith.constant 0 : index
    %get3A_37 = arith.constant 0 : index
    %get3A_38 = vector.load %arg7[%get3A_36, %get3A_37] : memref<1x128xf32, #tpu.memory_space<vmem>>, vector<1x128xf32>
    %add3A_39 = vector.broadcast %get3A_38 : vector<1x128xf32> to vector<1000x128xf32>
    %add3A_40 = arith.addf %add3A_35, %add3A_39 : vector<1000x128xf32>
    %max3A_41 = arith.constant 0.000000e+00 : f32
    %max3A_42 = vector.broadcast %max3A_41 : f32 to vector<1000x128xf32>
    %max3A_43 = arith.maximumf %add3A_40, %max3A_42 : vector<1000x128xf32>
    %get3A_44 = arith.constant 0 : index
    %get3A_45 = arith.constant 0 : index
    %get3A_46 = vector.load %arg8[%get3A_44, %get3A_45] : memref<128x128xf32, #tpu.memory_space<vmem>>, vector<128x128xf32>
    %dot_general3A_47 = arith.constant dense<0.000000e+00> : vector<1000x128xf32>
    %dot_general3A_48 = tpu.matmul %max3A_43, %get3A_46, %dot_general3A_47 {dimension_numbers = #tpu.dot_dimension_numbers<[1], [0], [0], [1], [0, 0, 1, 1], [], []>, transpose_lhs_hint = false} : vector<1000x128xf32>, vector<128x128xf32>, vector<1000x128xf32> -> vector<1000x128xf32>
    %get3A_49 = arith.constant 0 : index
    %get3A_50 = arith.constant 0 : index
    %get3A_51 = vector.load %arg9[%get3A_49, %get3A_50] : memref<1x128xf32, #tpu.memory_space<vmem>>, vector<1x128xf32>
    %add3A_52 = vector.broadcast %get3A_51 : vector<1x128xf32> to vector<1000x128xf32>
    %add3A_53 = arith.addf %dot_general3A_48, %add3A_52 : vector<1000x128xf32>
    %max3A_54 = arith.constant 0.000000e+00 : f32
    %max3A_55 = vector.broadcast %max3A_54 : f32 to vector<1000x128xf32>
    %max3A_56 = arith.maximumf %add3A_53, %max3A_55 : vector<1000x128xf32>
    %add3A_57 = arith.addf %get3A_1, %max3A_56 : vector<1000x128xf32>
    %swap3A = arith.constant 0 : index
    %swap3A_58 = arith.constant 0 : index
    %swap3A_59 = vector.load %arg10[%swap3A, %swap3A_58] : memref<1000x128xf32, #tpu.memory_space<vmem>>, vector<1000x128xf32>
    tpu.vector_store %arg10[%swap3A, %swap3A_58], %add3A_57 {strides = array<i32>} : memref<1000x128xf32, #tpu.memory_space<vmem>>, vector<1000x128xf32>,
    return
  }
  func.func @transform_0(%arg0: i32) -> (i32, i32) {
    %c0_i32 = arith.constant 0 : i32
    %c0_i32_0 = arith.constant 0 : i32
    return %arg0, %c0_i32 : i32, i32
  }
  func.func @transform_1(%arg0: i32) -> (i32, i32, i32) {
    %c0_i32 = arith.constant 0 : i32
    %c0_i32_0 = arith.constant 0 : i32
    %c0_i32_1 = arith.constant 0 : i32
    return %c0_i32, %arg0, %c0_i32_0 : i32, i32, i32
  }
  func.func @transform_2(%arg0: i32) -> (i32, i32, i32) {
    %c1_i32 = arith.constant 1 : i32
    %c0_i32 = arith.constant 0 : i32
    %c0_i32_0 = arith.constant 0 : i32
    return %c1_i32, %arg0, %c0_i32 : i32, i32, i32
  }
  func.func @transform_3(%arg0: i32) -> (i32, i32, i32) {
    %c0_i32 = arith.constant 0 : i32
    %c0_i32_0 = arith.constant 0 : i32
    %c0_i32_1 = arith.constant 0 : i32
    return %c0_i32, %arg0, %c0_i32_0 : i32, i32, i32
  }
  func.func @transform_4(%arg0: i32) -> (i32, i32, i32) {
    %c1_i32 = arith.constant 1 : i32
    %c0_i32 = arith.constant 0 : i32
    %c0_i32_0 = arith.constant 0 : i32
    return %c1_i32, %arg0, %c0_i32 : i32, i32, i32
  }
  func.func @transform_5(%arg0: i32) -> (i32, i32) {
    %c0_i32 = arith.constant 0 : i32
    %c0_i32_0 = arith.constant 0 : i32
    %c0_i32_1 = arith.constant 0 : i32
    return %c0_i32, %c0_i32_0 : i32, i32
  }
  func.func @transform_6(%arg0: i32) -> (i32, i32) {
    %c0_i32 = arith.constant 0 : i32
    %c0_i32_0 = arith.constant 0 : i32
    %c0_i32_1 = arith.constant 0 : i32
    return %c0_i32, %c0_i32_0 : i32, i32
  }
  func.func @transform_7(%arg0: i32) -> (i32, i32) {
    %c0_i32 = arith.constant 0 : i32
    %c0_i32_0 = arith.constant 0 : i32
    %c0_i32_1 = arith.constant 0 : i32
    return %c0_i32, %c0_i32_0 : i32, i32
  }
  func.func @transform_8(%arg0: i32) -> (i32, i32) {
    %c0_i32 = arith.constant 0 : i32
    %c0_i32_0 = arith.constant 0 : i32
    %c0_i32_1 = arith.constant 0 : i32
    return %c0_i32, %c0_i32_0 : i32, i32
  }
  func.func @transform_9(%arg0: i32) -> (i32, i32) {
    %c0_i32 = arith.constant 0 : i32
    %c0_i32_0 = arith.constant 0 : i32
    return %arg0, %c0_i32 : i32, i32
  }
}

module attributes {stable_mosaic.version = 14 : i64} {
  func.func @_tc_head_body(%arg0: i32, %arg1: memref<1000x128xf32, #tpu.memory_space<vmem>>, %arg2: memref<1000x128xf32, #tpu.memory_space<vmem>>, %arg3: memref<1000x2xf32, #tpu.memory_space<vmem>>, %arg4: memref<128x32xf32, #tpu.memory_space<vmem>>, %arg5: memref<1x32xf32, #tpu.memory_space<vmem>>, %arg6: memref<32x2000xf32, #tpu.memory_space<vmem>>, %arg7: memref<1x32xf32, #tpu.memory_space<vmem>>, %arg8: memref<2x32xf32, #tpu.memory_space<vmem>>, %arg9: memref<2x32xf32, #tpu.memory_space<vmem>>, %arg10: memref<1000x32xf32, #tpu.memory_space<vmem>>, %arg11: memref<1000x32xf32, #tpu.memory_space<vmem>>, %arg12: memref<32x2000xf32, #tpu.memory_space<vmem>>, %arg13: memref<1000x2000xf32, #tpu.memory_space<vmem>>, %arg14: memref<1000x32xf32, #tpu.memory_space<vmem>>, %arg15: memref<1000x1xf32, #tpu.memory_space<vmem>>) attributes {dimension_semantics = [#tpu.dimension_semantics<arbitrary>], iteration_bounds = array<i64: 10>, scalar_prefetch = 0 : i64, scratch_operands = 0 : i64, tpu.core_type = #tpu.core_type<tc>, window_params = [{transform_indices = @transform_0, window_bounds = array<i64: 1000, 128>}, {transform_indices = @transform_1, window_bounds = array<i64: 1000, 128>}, {transform_indices = @transform_2, window_bounds = array<i64: 1000, 2>}, {pipeline_mode = #tpu.pipeline_mode<synchronous>, transform_indices = @transform_3, window_bounds = array<i64: 128, 32>}, {pipeline_mode = #tpu.pipeline_mode<synchronous>, transform_indices = @transform_4, window_bounds = array<i64: 1, 32>}, {pipeline_mode = #tpu.pipeline_mode<synchronous>, transform_indices = @transform_5, window_bounds = array<i64: 32, 2000>}, {pipeline_mode = #tpu.pipeline_mode<synchronous>, transform_indices = @transform_6, window_bounds = array<i64: 1, 32>}, {pipeline_mode = #tpu.pipeline_mode<synchronous>, transform_indices = @transform_7, window_bounds = array<i64: 2, 32>}, {pipeline_mode = #tpu.pipeline_mode<synchronous>, transform_indices = @transform_8, window_bounds = array<i64: 2, 32>}, {transform_indices = @transform_9, window_bounds = array<i64: 1000, 32>}, {transform_indices = @transform_10, window_bounds = array<i64: 1000, 32>}, {pipeline_mode = #tpu.pipeline_mode<synchronous>, transform_indices = @transform_11, window_bounds = array<i64: 32, 2000>}, {transform_indices = @transform_12, window_bounds = array<i64: 1000, 2000>}, {transform_indices = @transform_13, window_bounds = array<i64: 1000, 32>}, {transform_indices = @transform_14, window_bounds = array<i64: 1000, 1>}]} {
    %get3A = arith.constant 0 : index
    %get3A_0 = arith.constant 0 : index
    %get3A_1 = vector.load %arg6[%get3A, %get3A_0] : memref<32x2000xf32, #tpu.memory_space<vmem>>, vector<32x2000xf32>
    %reduce_max3A = arith.constant dense<0xFF800000> : vector<32xf32>
    %reduce_max3A_2 = vector.multi_reduction <maximumf>, %get3A_1, %reduce_max3A [1] : vector<32x2000xf32> to vector<32xf32>
    %broadcast_in_dim3A = vector.shape_cast %reduce_max3A_2 : vector<32xf32> to vector<32x1xf32>
    %sub3A = vector.broadcast %broadcast_in_dim3A : vector<32x1xf32> to vector<32x2000xf32>
    %sub3A_3 = arith.subf %get3A_1, %sub3A : vector<32x2000xf32>
    %exp3A = math.exp %sub3A_3 : vector<32x2000xf32>
    %reduce_sum3A = arith.constant dense<0.000000e+00> : vector<32xf32>
    %reduce_sum3A_4 = vector.multi_reduction <add>, %exp3A, %reduce_sum3A [1] : vector<32x2000xf32> to vector<32xf32>
    %broadcast_in_dim3A_5 = vector.shape_cast %reduce_sum3A_4 : vector<32xf32> to vector<32x1xf32>
    %log3A = math.log %broadcast_in_dim3A_5 : vector<32x1xf32>
    %add3A = arith.addf %log3A, %broadcast_in_dim3A : vector<32x1xf32>
    %sub3A_6 = vector.broadcast %add3A : vector<32x1xf32> to vector<32x2000xf32>
    %sub3A_7 = arith.subf %get3A_1, %sub3A_6 : vector<32x2000xf32>
    %exp3A_8 = math.exp %sub3A_7 : vector<32x2000xf32>
    %swap3A = arith.constant 0 : index
    %swap3A_9 = arith.constant 0 : index
    %swap3A_10 = vector.load %arg12[%swap3A, %swap3A_9] : memref<32x2000xf32, #tpu.memory_space<vmem>>, vector<32x2000xf32>
    tpu.vector_store %arg12[%swap3A, %swap3A_9], %exp3A_8 {strides = array<i32>} : memref<32x2000xf32, #tpu.memory_space<vmem>>, vector<32x2000xf32>,
    %get3A_11 = arith.constant 0 : index
    %get3A_12 = arith.constant 0 : index
    %get3A_13 = vector.load %arg9[%get3A_11, %get3A_12] : memref<2x32xf32, #tpu.memory_space<vmem>>, vector<2x32xf32>
    %jit3A = arith.constant -4.000000e+00 : f32
    %jit3A_14 = arith.constant 4.000000e+00 : f32
    %max3A = vector.broadcast %jit3A : f32 to vector<2x32xf32>
    %max3A_15 = arith.maximumf %max3A, %get3A_13 : vector<2x32xf32>
    %min3A = vector.broadcast %jit3A_14 : f32 to vector<2x32xf32>
    %min3A_16 = arith.minimumf %min3A, %max3A_15 : vector<2x32xf32>
    %get3A_17 = arith.constant 0 : index
    %get3A_18 = arith.constant 0 : index
    %get3A_19 = vector.load %arg3[%get3A_17, %get3A_18] : memref<1000x2xf32, #tpu.memory_space<vmem>>, vector<1000x2xf32>
    %broadcast_in_dim3A_20 = arith.constant 0.000000e+00 : f32
    %broadcast_in_dim3A_21 = vector.broadcast %broadcast_in_dim3A_20 : f32 to vector<1000x32xf32>
    %slice3A = vector.extract_strided_slice %get3A_19 {offsets = [0, 0], sizes = [1000, 1], strides = [1, 1]} : vector<1000x2xf32> to vector<1000x1xf32>
    %get3A_22 = arith.constant 0 : index
    %get3A_23 = arith.constant 0 : index
    %get3A_24 = vector.load %arg8[%get3A_22, %get3A_23] : memref<2x32xf32, #tpu.memory_space<vmem>>, vector<1x32xf32>
    %sub3A_25 = vector.broadcast %slice3A : vector<1000x1xf32> to vector<1000x32xf32>
    %sub3A_26 = vector.broadcast %get3A_24 : vector<1x32xf32> to vector<1000x32xf32>
    %sub3A_27 = arith.subf %sub3A_25, %sub3A_26 : vector<1000x32xf32>
    %mul3A = arith.mulf %sub3A_27, %sub3A_27 : vector<1000x32xf32>
    %slice3A_28 = vector.extract_strided_slice %min3A_16 {offsets = [0, 0], sizes = [1, 32], strides = [1, 1]} : vector<2x32xf32> to vector<1x32xf32>
    %neg3A = arith.constant 0.000000e+00 : f32
    %neg3A_29 = vector.broadcast %neg3A : f32 to vector<1x32xf32>
    %neg3A_30 = arith.subf %neg3A_29, %slice3A_28 : vector<1x32xf32>
    %exp3A_31 = math.exp %neg3A_30 : vector<1x32xf32>
    %mul3A_32 = vector.broadcast %exp3A_31 : vector<1x32xf32> to vector<1000x32xf32>
    %mul3A_33 = arith.mulf %mul3A, %mul3A_32 : vector<1000x32xf32>
    %add3A_34 = arith.addf %broadcast_in_dim3A_21, %mul3A_33 : vector<1000x32xf32>
    %slice3A_35 = vector.extract_strided_slice %min3A_16 {offsets = [0, 0], sizes = [1, 32], strides = [1, 1]} : vector<2x32xf32> to vector<1x32xf32>
    %add3A_36 = vector.broadcast %slice3A_35 : vector<1x32xf32> to vector<1000x32xf32>
    %add3A_37 = arith.addf %add3A_34, %add3A_36 : vector<1000x32xf32>
    %add3A_38 = arith.constant 1.83787704 : f32
    %add3A_39 = vector.broadcast %add3A_38 : f32 to vector<1000x32xf32>
    %add3A_40 = arith.addf %add3A_37, %add3A_39 : vector<1000x32xf32>
    %slice3A_41 = vector.extract_strided_slice %get3A_19 {offsets = [0, 1], sizes = [1000, 1], strides = [1, 1]} : vector<1000x2xf32> to vector<1000x1xf32>
    %get3A_42 = arith.constant 1 : index
    %get3A_43 = arith.constant 0 : index
    %get3A_44 = vector.load %arg8[%get3A_42, %get3A_43] : memref<2x32xf32, #tpu.memory_space<vmem>>, vector<1x32xf32>
    %sub3A_45 = vector.broadcast %slice3A_41 : vector<1000x1xf32> to vector<1000x32xf32>
    %sub3A_46 = vector.broadcast %get3A_44 : vector<1x32xf32> to vector<1000x32xf32>
    %sub3A_47 = arith.subf %sub3A_45, %sub3A_46 : vector<1000x32xf32>
    %mul3A_48 = arith.mulf %sub3A_47, %sub3A_47 : vector<1000x32xf32>
    %slice3A_49 = vector.extract_strided_slice %min3A_16 {offsets = [1, 0], sizes = [1, 32], strides = [1, 1]} : vector<2x32xf32> to vector<1x32xf32>
    %neg3A_50 = arith.constant 0.000000e+00 : f32
    %neg3A_51 = vector.broadcast %neg3A_50 : f32 to vector<1x32xf32>
    %neg3A_52 = arith.subf %neg3A_51, %slice3A_49 : vector<1x32xf32>
    %exp3A_53 = math.exp %neg3A_52 : vector<1x32xf32>
    %mul3A_54 = vector.broadcast %exp3A_53 : vector<1x32xf32> to vector<1000x32xf32>
    %mul3A_55 = arith.mulf %mul3A_48, %mul3A_54 : vector<1000x32xf32>
    %add3A_56 = arith.addf %add3A_40, %mul3A_55 : vector<1000x32xf32>
    %slice3A_57 = vector.extract_strided_slice %min3A_16 {offsets = [1, 0], sizes = [1, 32], strides = [1, 1]} : vector<2x32xf32> to vector<1x32xf32>
    %add3A_58 = vector.broadcast %slice3A_57 : vector<1x32xf32> to vector<1000x32xf32>
    %add3A_59 = arith.addf %add3A_56, %add3A_58 : vector<1000x32xf32>
    %add3A_60 = arith.constant 1.83787704 : f32
    %add3A_61 = vector.broadcast %add3A_60 : f32 to vector<1000x32xf32>
    %add3A_62 = arith.addf %add3A_59, %add3A_61 : vector<1000x32xf32>
    %mul3A_63 = arith.constant -5.000000e-01 : f32
    %mul3A_64 = vector.broadcast %mul3A_63 : f32 to vector<1000x32xf32>
    %mul3A_65 = arith.mulf %mul3A_64, %add3A_62 : vector<1000x32xf32>
    %swap3A_66 = arith.constant 0 : index
    %swap3A_67 = arith.constant 0 : index
    %swap3A_68 = vector.load %arg14[%swap3A_66, %swap3A_67] : memref<1000x32xf32, #tpu.memory_space<vmem>>, vector<1000x32xf32>
    tpu.vector_store %arg14[%swap3A_66, %swap3A_67], %mul3A_65 {strides = array<i32>} : memref<1000x32xf32, #tpu.memory_space<vmem>>, vector<1000x32xf32>,
    %get3A_69 = arith.constant 0 : index
    %get3A_70 = arith.constant 0 : index
    %get3A_71 = vector.load %arg1[%get3A_69, %get3A_70] : memref<1000x128xf32, #tpu.memory_space<vmem>>, vector<1000x128xf32>
    %get3A_72 = arith.constant 0 : index
    %get3A_73 = arith.constant 0 : index
    %get3A_74 = vector.load %arg4[%get3A_72, %get3A_73] : memref<128x32xf32, #tpu.memory_space<vmem>>, vector<128x32xf32>
    %dot_general3A = arith.constant dense<0.000000e+00> : vector<1000x32xf32>
    %dot_general3A_75 = tpu.matmul %get3A_71, %get3A_74, %dot_general3A {dimension_numbers = #tpu.dot_dimension_numbers<[1], [0], [0], [1], [0, 0, 1, 1], [], []>, transpose_lhs_hint = false} : vector<1000x128xf32>, vector<128x32xf32>, vector<1000x32xf32> -> vector<1000x32xf32>
    %get3A_76 = arith.constant 0 : index
    %get3A_77 = arith.constant 0 : index
    %get3A_78 = vector.load %arg5[%get3A_76, %get3A_77] : memref<1x32xf32, #tpu.memory_space<vmem>>, vector<1x32xf32>
    %add3A_79 = vector.broadcast %get3A_78 : vector<1x32xf32> to vector<1000x32xf32>
    %add3A_80 = arith.addf %dot_general3A_75, %add3A_79 : vector<1000x32xf32>
    %get3A_81 = arith.constant 0 : index
    %get3A_82 = arith.constant 0 : index
    %get3A_83 = vector.load %arg2[%get3A_81, %get3A_82] : memref<1000x128xf32, #tpu.memory_space<vmem>>, vector<1000x128xf32>
    %slice3A_84 = vector.extract_strided_slice %get3A_83 {offsets = [0, 0], sizes = [1000, 32], strides = [1, 1]} : vector<1000x128xf32> to vector<1000x32xf32>
    %add3A_85 = arith.addf %add3A_80, %slice3A_84 : vector<1000x32xf32>
    %add3A_86 = arith.addf %add3A_85, %mul3A_65 : vector<1000x32xf32>
    %get3A_87 = arith.constant 0 : index
    %get3A_88 = arith.constant 0 : index
    %get3A_89 = vector.load %arg7[%get3A_87, %get3A_88] : memref<1x32xf32, #tpu.memory_space<vmem>>, vector<1x32xf32>
    %add3A_90 = vector.broadcast %get3A_89 : vector<1x32xf32> to vector<1000x32xf32>
    %add3A_91 = arith.addf %add3A_86, %add3A_90 : vector<1000x32xf32>
    %swap3A_92 = arith.constant 0 : index
    %swap3A_93 = arith.constant 0 : index
    %swap3A_94 = vector.load %arg10[%swap3A_92, %swap3A_93] : memref<1000x32xf32, #tpu.memory_space<vmem>>, vector<1000x32xf32>
    tpu.vector_store %arg10[%swap3A_92, %swap3A_93], %add3A_91 {strides = array<i32>} : memref<1000x32xf32, #tpu.memory_space<vmem>>, vector<1000x32xf32>,
    %reduce_max3A_95 = arith.constant dense<0xFF800000> : vector<1000xf32>
    %reduce_max3A_96 = vector.multi_reduction <maximumf>, %add3A_91, %reduce_max3A_95 [1] : vector<1000x32xf32> to vector<1000xf32>
    %broadcast_in_dim3A_97 = vector.shape_cast %reduce_max3A_96 : vector<1000xf32> to vector<1000x1xf32>
    %sub3A_98 = vector.broadcast %broadcast_in_dim3A_97 : vector<1000x1xf32> to vector<1000x32xf32>
    %sub3A_99 = arith.subf %add3A_91, %sub3A_98 : vector<1000x32xf32>
    %exp3A_100 = math.exp %sub3A_99 : vector<1000x32xf32>
    %reduce_sum3A_101 = arith.constant dense<0.000000e+00> : vector<1000xf32>
    %reduce_sum3A_102 = vector.multi_reduction <add>, %exp3A_100, %reduce_sum3A_101 [1] : vector<1000x32xf32> to vector<1000xf32>
    %broadcast_in_dim3A_103 = vector.shape_cast %reduce_sum3A_102 : vector<1000xf32> to vector<1000x1xf32>
    %div3A = vector.broadcast %broadcast_in_dim3A_103 : vector<1000x1xf32> to vector<1000x32xf32>
    %div3A_104 = arith.divf %exp3A_100, %div3A : vector<1000x32xf32>
    %swap3A_105 = arith.constant 0 : index
    %swap3A_106 = arith.constant 0 : index
    %swap3A_107 = vector.load %arg11[%swap3A_105, %swap3A_106] : memref<1000x32xf32, #tpu.memory_space<vmem>>, vector<1000x32xf32>
    tpu.vector_store %arg11[%swap3A_105, %swap3A_106], %div3A_104 {strides = array<i32>} : memref<1000x32xf32, #tpu.memory_space<vmem>>, vector<1000x32xf32>,
    %dot_general3A_108 = arith.constant dense<0.000000e+00> : vector<1000x2000xf32>
    %dot_general3A_109 = tpu.matmul %div3A_104, %exp3A_8, %dot_general3A_108 {dimension_numbers = #tpu.dot_dimension_numbers<[1], [0], [0], [1], [0, 0, 1, 1], [], []>, transpose_lhs_hint = false} : vector<1000x32xf32>, vector<32x2000xf32>, vector<1000x2000xf32> -> vector<1000x2000xf32>
    %swap3A_110 = arith.constant 0 : index
    %swap3A_111 = arith.constant 0 : index
    %swap3A_112 = vector.load %arg13[%swap3A_110, %swap3A_111] : memref<1000x2000xf32, #tpu.memory_space<vmem>>, vector<1000x2000xf32>
    tpu.vector_store %arg13[%swap3A_110, %swap3A_111], %dot_general3A_109 {strides = array<i32>} : memref<1000x2000xf32, #tpu.memory_space<vmem>>, vector<1000x2000xf32>,
    %max3A_113 = arith.constant 9.99999971E-10 : f32
    %max3A_114 = vector.broadcast %max3A_113 : f32 to vector<1000x32xf32>
    %max3A_115 = arith.maximumf %div3A_104, %max3A_114 : vector<1000x32xf32>
    %log3A_116 = math.log %max3A_115 : vector<1000x32xf32>
    %add3A_117 = arith.addf %log3A_116, %mul3A_65 : vector<1000x32xf32>
    %reduce_max3A_118 = arith.constant dense<0xFF800000> : vector<1000xf32>
    %reduce_max3A_119 = vector.multi_reduction <maximumf>, %add3A_117, %reduce_max3A_118 [1] : vector<1000x32xf32> to vector<1000xf32>
    %broadcast_in_dim3A_120 = vector.shape_cast %reduce_max3A_119 : vector<1000xf32> to vector<1000x1xf32>
    %sub3A_121 = vector.broadcast %broadcast_in_dim3A_120 : vector<1000x1xf32> to vector<1000x32xf32>
    %sub3A_122 = arith.subf %add3A_117, %sub3A_121 : vector<1000x32xf32>
    %exp3A_123 = math.exp %sub3A_122 : vector<1000x32xf32>
    %reduce_sum3A_124 = arith.constant dense<0.000000e+00> : vector<1000xf32>
    %reduce_sum3A_125 = vector.multi_reduction <add>, %exp3A_123, %reduce_sum3A_124 [1] : vector<1000x32xf32> to vector<1000xf32>
    %broadcast_in_dim3A_126 = vector.shape_cast %reduce_sum3A_125 : vector<1000xf32> to vector<1000x1xf32>
    %log3A_127 = math.log %broadcast_in_dim3A_126 : vector<1000x1xf32>
    %add3A_128 = arith.addf %broadcast_in_dim3A_120, %log3A_127 : vector<1000x1xf32>
    %swap3A_129 = arith.constant 0 : index
    %swap3A_130 = arith.constant 0 : index
    %swap3A_131 = vector.load %arg15[%swap3A_129, %swap3A_130] : memref<1000x1xf32, #tpu.memory_space<vmem>>, vector<1000x1xf32>
    tpu.vector_store %arg15[%swap3A_129, %swap3A_130], %add3A_128 {strides = array<i32>} : memref<1000x1xf32, #tpu.memory_space<vmem>>, vector<1000x1xf32>,
    return
  }
  func.func @transform_0(%arg0: i32) -> (i32, i32) {
    %c0_i32 = arith.constant 0 : i32
    %c0_i32_0 = arith.constant 0 : i32
    return %arg0, %c0_i32 : i32, i32
  }
  func.func @transform_1(%arg0: i32) -> (i32, i32) {
    %c0_i32 = arith.constant 0 : i32
    %c0_i32_0 = arith.constant 0 : i32
    return %arg0, %c0_i32 : i32, i32
  }
  func.func @transform_2(%arg0: i32) -> (i32, i32) {
    %c0_i32 = arith.constant 0 : i32
    %c0_i32_0 = arith.constant 0 : i32
    return %arg0, %c0_i32 : i32, i32
  }
  func.func @transform_3(%arg0: i32) -> (i32, i32) {
    %c0_i32 = arith.constant 0 : i32
    %c0_i32_0 = arith.constant 0 : i32
    %c0_i32_1 = arith.constant 0 : i32
    return %c0_i32, %c0_i32_0 : i32, i32
  }
  func.func @transform_4(%arg0: i32) -> (i32, i32) {
    %c0_i32 = arith.constant 0 : i32
    %c0_i32_0 = arith.constant 0 : i32
    %c0_i32_1 = arith.constant 0 : i32
    return %c0_i32, %c0_i32_0 : i32, i32
  }
  func.func @transform_5(%arg0: i32) -> (i32, i32) {
    %c0_i32 = arith.constant 0 : i32
    %c0_i32_0 = arith.constant 0 : i32
    %c0_i32_1 = arith.constant 0 : i32
    return %c0_i32, %c0_i32_0 : i32, i32
  }
  func.func @transform_6(%arg0: i32) -> (i32, i32) {
    %c0_i32 = arith.constant 0 : i32
    %c0_i32_0 = arith.constant 0 : i32
    %c0_i32_1 = arith.constant 0 : i32
    return %c0_i32, %c0_i32_0 : i32, i32
  }
  func.func @transform_7(%arg0: i32) -> (i32, i32) {
    %c0_i32 = arith.constant 0 : i32
    %c0_i32_0 = arith.constant 0 : i32
    %c0_i32_1 = arith.constant 0 : i32
    return %c0_i32, %c0_i32_0 : i32, i32
  }
  func.func @transform_8(%arg0: i32) -> (i32, i32) {
    %c0_i32 = arith.constant 0 : i32
    %c0_i32_0 = arith.constant 0 : i32
    %c0_i32_1 = arith.constant 0 : i32
    return %c0_i32, %c0_i32_0 : i32, i32
  }
  func.func @transform_9(%arg0: i32) -> (i32, i32) {
    %c0_i32 = arith.constant 0 : i32
    %c0_i32_0 = arith.constant 0 : i32
    return %arg0, %c0_i32 : i32, i32
  }
  func.func @transform_10(%arg0: i32) -> (i32, i32) {
    %c0_i32 = arith.constant 0 : i32
    %c0_i32_0 = arith.constant 0 : i32
    return %arg0, %c0_i32 : i32, i32
  }
  func.func @transform_11(%arg0: i32) -> (i32, i32) {
    %c0_i32 = arith.constant 0 : i32
    %c0_i32_0 = arith.constant 0 : i32
    %c0_i32_1 = arith.constant 0 : i32
    return %c0_i32, %c0_i32_0 : i32, i32
  }
  func.func @transform_12(%arg0: i32) -> (i32, i32) {
    %c0_i32 = arith.constant 0 : i32
    %c0_i32_0 = arith.constant 0 : i32
    return %arg0, %c0_i32 : i32, i32
  }
  func.func @transform_13(%arg0: i32) -> (i32, i32) {
    %c0_i32 = arith.constant 0 : i32
    %c0_i32_0 = arith.constant 0 : i32
    return %arg0, %c0_i32 : i32, i32
  }
  func.func @transform_14(%arg0: i32) -> (i32, i32) {
    %c0_i32 = arith.constant 0 : i32
    %c0_i32_0 = arith.constant 0 : i32
    return %arg0, %c0_i32 : i32, i32
  }
}

</mosaic_0001>

<sc_bundles>
// kernel: kernel.13.cloned.1.call-start
scs
__scs_entry_jumppad:
0x0: {  	(pc) =	sbr.rel $0x88, $3  }
0x1: {  	(tag) =	ssettag $0x0;
	lr =	simm.s32 $0x1  }
0x2: {  	[smem:$0x3F8F] =	sst lr;
	_ =	strace $0xD0000000  }
0x3: {  	_ = 	snop  }
0x4: {  	_ = 	snop  }
0x5: {  	_ = 	snop  }
0x6: {  	_ = 	snop  }
0x7: {  	_ = 	snop  }
__scs_overlays_trampoline_lowered:
0x8: {  	[smem:$0x3F9E] =	sst s0  }
0x9: {  	[smem:$0x3F9F] =	sst s1  }
0xa: {  	[smem:$0x3FA0] =	sst s2  }
0xb: {  	[smem:$0x3FA1] =	sst s3  }
0xc: {  	[smem:$0x3FA2] =	sst s4  }
0xd: {  	[smem:$0x3FA3] =	sst s5  }
0xe: {  	[smem:$0x3FA4] =	sst s6  }
0xf: {  	[smem:$0x3FA5] =	sst s7  }
0x10: {  	[smem:$0x3FA6] =	sst s8  }
0x11: {  	[smem:$0x3FA7] =	sst s9;
	s0 =	simm.s32 @!p0 $0x0  }
0x12: {  	s1 =	sld [smem:$0x3F8D];
	s0 =	simm.s32 @p0 $0x1  }
0x13: {  	[smem:$0x3FA8] =	sst s0;
	s0 =	simm.s32 @!p1 $0x0  }
0x14: {  	s2 =	sld [smem:$0x3F8C];
	s0 =	simm.s32 @p1 $0x1  }
0x15: {  	[smem:$0x3FA9] =	sst s0;
	s0 =	simm.s32 @!p2 $0x0  }
0x16: {  	s3 =	sld [smem:$0x3FDB];
	s0 =	simm.s32 @p2 $0x1  }
0x17: {  	s4 =	simm.s32 $0x1BF5;
	[smem:$0x3FAB] =	sst s0  }
0x18: {  	s0 =	sld [smem:$0x3F8E];
	_ =	swait.ge [sflag:s4], $0x0  }
0x19: {  	s7 =	sld [smem:$0x3F8F]  }
0x1a: {  	s8 =	sadd.s32 $0xFFFFE003, lr  }
0x1b: {  	s9 =	sadd.s32 $0xFFFFFEF7, lr;
	s5 =	simm.s32 $0xFFFFFFFF;
	p2 =	slt.u32 s8, $0xFFFFF086  }
0x1c: {  	p1 =	slt.u32 s9, $0xF7A;
	s5 =	simm.s32 @!p2 $0x0  }
0x1d: {  	s5 =	simm.s32 @p1 $0x1;
	p0 =	seq.s32 s7, s2  }
0x1e: {  	s7 =	smul.u32 @!p0 $0xF7A, s2;
	p2 =	seq.s32 @!p0 s5, $0x0  }
0x1f: {  	s9 =	smul.u32 $0xF7A, s1;
	s8 =	simm.s32 @!p0 $0x1BF5;
	p2 =	por !p2, p0  }
0x20: {  	[sflag:s8] =	ssyncset.s32 @!p0 $0xFFFFF086;
	s6 =	sadd.s32 @!p0 s3, s7;
	s7 =	simm.s32 @!p0 $0x108  }
0x21: {  	s3 =	sadd.s32 s3, s9;
	s6 =	sadd.s32 @!p0 $0x88, s6;
	s7 =	simm.s32 @p2 $0x1082  }
0x22: {  	[simem:s7], [sflag:s8] =	dma.local @!p0 [hbm:s6], $0xF7A  }
0x23: {  	s9 =	sor.u32 $0xD0000000, s2;
	s6 =	simm.s32 $0x108;
	_ =	swait.ge @!p0 [sflag:s8], $0x0  }
0x24: {  	s3 =	sadd.s32 $0x88, s3;
	s6 =	simm.s32 @!p1 $0x1082;
	[sflag:s4] =	ssyncset.s32 $0xFFFFF086  }
0x25: {  	[simem:s6], [sflag:s4] =	dma.local [hbm:s3], $0xF7A  }
0x26: {  	[smem:$0x3F8F] =	sst s1;
	(tag) =	ssettag s2;
	_ =	strace s9  }
0x27: {  	s1 =	sld [smem:$0x3F9F]  }
0x28: {  	s2 =	sld [smem:$0x3FA0]  }
0x29: {  	s4 =	sld [smem:$0x3FA2]  }
0x2a: {  	p0 =	seq.s32 s5, $0x0;
	s5 =	sld [smem:$0x3FA3]  }
0x2b: {  	s6 =	sld [smem:$0x3FA4]  }
0x2c: {  	s7 =	sld [smem:$0x3FA5]  }
0x2d: {  	s3 =	simm.s32 $0x108;
	s8 =	sld [smem:$0x3FA6]  }
0x2e: {  	s3 =	simm.s32 @!p0 $0x1082;
	s9 =	sld [smem:$0x3FA7]  }
0x2f: {  	lr =	sadd.s32 s0, s3;
	s0 =	sld [smem:$0x3F9E]  }
0x30: {  	s3 =	sld [smem:$0x3FA1]  }
0x31: {  	[smem:$0x3FAA] =	sst s10  }
0x32: {  	s10 =	sld [smem:$0x3FA8];
	_ =	sdelay $0x3  }
0x33: {  	p0 =	seq.s32 s10, $0x1;
	s10 =	sld [smem:$0x3FAA];
	_ =	sdelay $0x3  }
0x34: {  	[smem:$0x3FAA] =	sst s10  }
0x35: {  	s10 =	sld [smem:$0x3FA9];
	_ =	sdelay $0x3  }
0x36: {  	p1 =	seq.s32 s10, $0x1;
	s10 =	sld [smem:$0x3FAA];
	_ =	sdelay $0x3  }
0x37: {  	[smem:$0x3FAA] =	sst s10  }
0x38: {  	s10 =	sld [smem:$0x3FAB]  }
0x39: {  	_ = 	snop;
	(pc) =	sbr.ind lr, $3  }
0x3a: {  	_ = 	snop  }
0x3b: {  	_ = 	snop  }
0x3c: {  	p2 =	seq.s32 s10, $0x1;
	s10 =	sld [smem:$0x3FAA]  }
0x3d: {  	_ =	shalt  }
0x3e: {  	_ =	shalt  }
0x3f: {  	_ =	shalt  }
0x40: {  	_ =	shalt  }
0x41: {  	_ =	shalt  }
0x42: {  	_ =	shalt  }
0x43: {  	_ =	shalt  }
0x44: {  	_ =	shalt  }
0x45: {  	_ =	shalt  }
0x46: {  	_ =	shalt  }
0x47: {  	_ =	shalt  }
0x48: {  	_ =	shalt  }
0x49: {  	_ =	shalt  }
0x4a: {  	_ =	shalt  }
0x4b: {  	_ =	shalt  }
0x4c: {  	_ =	shalt  }
0x4d: {  	_ =	shalt  }
0x4e: {  	_ =	shalt  }
0x4f: {  	_ =	shalt  }
0x50: {  	_ =	shalt  }
0x51: {  	_ =	shalt  }
0x52: {  	_ =	shalt  }
0x53: {  	_ =	shalt  }
0x54: {  	_ =	shalt  }
0x55: {  	_ =	shalt  }
0x56: {  	_ =	shalt  }
0x57: {  	_ =	shalt  }
0x58: {  	_ =	shalt  }
0x59: {  	_ =	shalt  }
0x5a: {  	_ =	shalt  }
0x5b: {  	_ =	shalt  }
0x5c: {  	_ =	shalt  }
0x5d: {  	_ =	shalt  }
0x5e: {  	_ =	shalt  }
0x5f: {  	_ =	shalt  }
0x60: {  	_ =	shalt  }
0x61: {  	_ =	shalt  }
0x62: {  	_ =	shalt  }
0x63: {  	_ =	shalt  }
0x64: {  	_ =	shalt  }
0x65: {  	_ =	shalt  }
0x66: {  	_ =	shalt  }
0x67: {  	_ =	shalt  }
0x68: {  	_ =	shalt  }
0x69: {  	_ =	shalt  }
0x6a: {  	_ =	shalt  }
0x6b: {  	_ =	shalt  }
0x6c: {  	_ =	shalt  }
0x6d: {  	_ =	shalt  }
0x6e: {  	_ =	shalt  }
0x6f: {  	_ =	shalt  }
0x70: {  	_ =	shalt  }
0x71: {  	_ =	shalt  }
0x72: {  	_ =	shalt  }
0x73: {  	_ =	shalt  }
0x74: {  	_ =	shalt  }
0x75: {  	_ =	shalt  }
0x76: {  	_ =	shalt  }
0x77: {  	_ =	shalt  }
0x78: {  	_ =	shalt  }
0x79: {  	_ =	shalt  }
0x7a: {  	_ =	shalt  }
0x7b: {  	_ =	shalt  }
0x7c: {  	_ =	shalt  }
0x7d: {  	_ =	shalt  }
0x7e: {  	_ =	shalt  }
0x7f: {  	_ =	shalt  }
0x80: {  	_ =	shalt  }
0x81: {  	_ =	shalt  }
0x82: {  	_ =	shalt  }
0x83: {  	_ =	shalt  }
0x84: {  	_ =	shalt  }
0x85: {  	_ =	shalt  }
0x86: {  	_ =	shalt  }
0x87: {  	_ =	shalt  }
.Lfunc_end0:
.L_simem_size_0:
called_computation_lowered:
.L_overlay_start_0:
0x88: {  	s2 =	sld [smem:$0x3FD9]  }
0x89: {  	s3 =	sld [smem:$0x3FFE];
	_ =	sdelay $0x1  }
0x8a: {  	s1 =	srdreg.scid  }
0x8b: {  	s0 =	sand.u32 $0x1, s1  }
0x8c: {  	s14 =	sshll.u32 s0, $0xA;
	s2 =	sadd.s32 s3, s2  }
0x8d: {  	s2 =	sadd.s32 s2, s14  }
0x8e: {  	[smem:$0x3FB6] =	sst s2  }
0x8f: {  	_ = 	snop  }
0x90: {  	s2 =	sld [smem:$0x3FD0];
	_ =	sdelay $0x2  }
0x91: {  	s4 =	simm.s32 $0xB;
	s5 =	simm.s32 $0x10;
	s15 =	sld [smem:$0x3FC6]  }
0x92: {  	[smem:s5], [sflag:s4] =	dma.local [hbm:s2], $0x1  }
0x93: {  	_ =	swait.eq [sflag:s4], $0x1  }
0x94: {  	s16 =	sld [smem:$0x14];
	[sflag:s4] =	ssyncset.done $0x0  }
0x95: {  	s17 =	sld [smem:$0x15];
	[sflag:s4] =	ssyncadd.s32 $0xFFFFFFFF  }
0x96: {  	s18 =	sld [smem:$0x16];
	(tm) =	ssettm $0x1  }
0x97: {  	s6 =	sld [smem:$0x3FFB];
	_ =	sdelay $0x3  }
0x98: {  	_ =	strace s6  }
0x99: {  	s6 =	sld [smem:$0x3FFC];
	_ =	sdelay $0x3  }
0x9a: {  	_ =	strace s6  }
0x9b: {  	s6 =	sld [smem:$0x3FFD];
	_ =	sdelay $0x3  }
0x9c: {  	_ =	strace s6  }
0x9d: {  	_ =	strace $0x8FFFFFFF  }
0x9e: {  	s19 =	sld [smem:$0x3FDB];
	_ =	sdelay $0x1  }
0x9f: {  	s7 =	simm.s32 $_scs_section_size  }
0xa0: {  	s8 =	simm.s32 $_size__tile_overlayer_lowered;
	s9 =	simm.s32 $_tile_overlayer_lowered  }
0xa1: {  	s22 =	simm.s32 $0x1BFF;
	s21 =	sshll.u32 s9, $0x1;
	s6 =	sadd.s32 s7, s19  }
0xa2: {  	s10 =	simm.s32 $0x0;
	s20 =	sshll.u32 s8, $0x1;
	s8 =	sadd.s32 s21, s6  }
0xa3: {  	[timem:s10], [sflag:s22] =	dma.local [hbm:s8], s20  }
0xa4: {  	_ =	swait.ge [sflag:s22], s20  }
0xa5: {  	s7 =	ssub.s32 $0x0, s20;
	[sflag:s22] =	ssyncset.done $0x0  }
0xa6: {  	[sflag:s22] =	ssyncadd.s32 s7;
	_ =	sdelay $0x1  }
0xa7: {  	s23 =	simm.s32 $0x1B8B  }
0xa8: {  	_ =	swait.ge [sflag:s23], $0x1  }
0xa9: {  	[sflag:s23] =	ssyncset.done $0x0  }
0xaa: {  	s25 =	simm.s32 $0x1B8E;
	s24 =	sld [smem:$0x3FFE];
	[sflag:s23] =	ssyncadd.s32 $0xFFFFFFFF  }
0xab: {  	s26 =	simm.s32 $execute0_lowered;
	[smem:$0x3FD2] =	sst s25  }
0xac: {  	s8 =	sshll.u32 s26, $0x1;
	_ =	strace $0x80000046;
	[dreg:$0x1] =	wrdreg $0xFFFFFFFF  }
0xad: {  	s28 =	simm.s32 $_size_execute0_lowered;
	s6 =	sadd.s32 s6, s8;
	[dreg:$0x0] =	wrdreg $0x0  }
0xae: {  	s8 =	sshll.u32 s28, $0x1;
	[dreg:$0x2] =	wrdreg s6  }
0xaf: {  	[dreg:$0x3] =	wrdreg s8  }
0xb0: {  	[dreg:$0x4] =	wrdreg $0xC0  }
0xb1: {  	_ =	task [dreg:s10], $0x5FFFF  }
0xb2: {  	[dreg:$0x1] =	wrdreg $0xFFFFFFFF  }
0xb3: {  	[dreg:$0x0] =	wrdreg $0x60  }
0xb4: {  	[dreg:$0x2] =	wrdreg s15  }
0xb5: {  	[dreg:$0x3] =	wrdreg s17  }
0xb6: {  	[dreg:$0x4] =	wrdreg s18  }
0xb7: {  	[dreg:$0x5] =	wrdreg s16  }
0xb8: {  	[dreg:$0x6] =	wrdreg s24  }
0xb9: {  	[dreg:$0x7] =	wrdreg $0xA  }
0xba: {  	_ =	task.clear_ibuf [dreg:s10], $0x8FFFF;
	_ =	strace $0x90000046  }
0xbb: {  	s29 =	simm.s32 $0xA;
	_ =	strace $0x80000048  }
0xbc: {  	_ =	swait.ge [sflag:s29], $0x1  }
0xbd: {  	[sflag:s29] =	ssyncadd.s32 $0xFFFFFFFF  }
0xbe: {  	_ =	strace $0x90000048  }
0xbf: {  	_ =	sfence  }
0xc0: {  	s30 =	sld [smem:$0x0];
	_ =	sdelay $0x2  }
0xc1: {  	s31 =	sshll.u32 s1, $0xD;
	s1 =	sshrl.u32 s1, $0x2  }
0xc2: {  	s3 =	sand.u32 $0x4000, s31;
	s1 =	sadd.s32 s1, s30  }
0xc3: {  	s0 =	sor.u32 s3, s0;
	s1 =	sshll.u32 s1, $0x11  }
0xc4: {  	s0 =	sor.u32 s1, s0  }
0xc5: {  	s0 =	sadd.s32 $0x8F2B, s0  }
0xc6: {  	[sflag:s0] =	ssyncadd.remote.s32 $0x1  }
0xc7: {  	_ =	sfence.sel $0xFFFF  }
0xc8: {  	[dreg:$0x0] =	wrdreg $0xFFFFFFFF;
	(pc) =	sbr.abs _section_cstart, $3  }
0xc9: {  	[dreg:$0x1] =	wrdreg $0xFFFFFFFF  }
0xca: {  	_ =	task.clear_ibuf [dreg:s10], $0x2FFFF;
	_ =	strace $0x9FFFFFFF  }
0xcb: {  	(tm) =	ssettm $0x7FFFFFFF  }
tec
execute0_lowered:
.L_overlay_start_1:
0x0: {  	(tag) =	ssettag $0x1  }
0x1: {  	s1 =	rddreg [dreg:$0x0]  }
0x2: {  	s2 =	rddreg [dreg:$0x1]  }
0x3: {  	s8 =	rddreg [dreg:$0x2]  }
0x4: {  	s6 =	rddreg [dreg:$0x3]  }
0x5: {  	s5 =	rddreg [dreg:$0x4]  }
0x6: {  	s0 =	rddreg [dreg:$0x5]  }
0x7: {  	s3 =	stileid.u32;
	s7 =	srdreg.scid  }
0x8: {  	s4 =	simm.s32 $0x0;
	s15 =	simm.s32 $0x0;
	s9 =	smul.u32 $0x2800, s3  }
0x9: {  	s7 =	sand.u32 $0x1, s7;
	[smem:$0x7FF] =	sst s4;
	s11 =	smul.u32 $0x280, s3  }
0xa: {  	s10 =	ssub.s32 $0x2, s7;
	_ =	strace $0x80000047;
	s13 =	smul.u32 $0x140, s7  }
0xb: {  	s7 =	smul.u32 $0x1400, s7;
	s12 =	sshrl.u32 s10, $0x1;
	s14 =	sadd.s32 s9, s5  }
0xc: {  	s6 =	sadd.s32 s9, s6;
	s30 =	ssub.s32 s10, s12;
	s31 =	sadd.s32 s13, s11  }
0xd: {  	s6 =	sadd.s32 s7, s6;
	s7 =	sadd.s32 s7, s14;
	s10 =	simm.s32 $0x40  }
0xe: {  	s11 =	simm.s32 $0x80;
	s12 =	simm.s32 $0x1;
	s13 =	simm.s32 $0x2080  }
0xf: {  	s14 =	simm.s32 $0x2;
	s5 =	smax.u32 s30, $0x1;
	s9 =	sshrl.u32 s31, $0x3  }
0x10: {  	s7 =	sadd.s32 $0x2C800, s7;
	s8 =	sadd.s32 s9, s8;
	s9 =	simm.s32 $0x3  }
.LBB2_1:
0x11: {  	[tilespmem:s4], [sflag:$0x3] =	stream.linear.gather [hbm4b:s8+s4], $0x40, $0x38;
	[tilespmem:$0x4080] =	vst v63  }
0x12: {  	_ =	swait.ge [sflag:s9], $0x40  }
0x13: {  	[sflag:s9] =	ssyncset.done $0x0  }
0x14: {  	[sflag:s9] =	ssyncadd.s32 $0xFFFFFFC0  }
0x15: {  	[tilespmem:s11], [sflag:$0x1] =	stream.indirect.gather [hbm4b:s1+s10], $0x80, s4, s10, $0xb8;
	[tilespmem:$0x4080] =	vst v63  }
0x16: {  	_ =	swait.ge [sflag:s12], $0x2000  }
0x17: {  	[sflag:s12] =	ssyncset.done $0x0  }
0x18: {  	[sflag:s12] =	ssyncadd.s32 $0xFFFFE000  }
0x19: {  	[tilespmem:s13], [sflag:$0x2] =	stream.indirect.gather [hbm4b:s2+s10], $0x80, s4, s10, $0xb8;
	[tilespmem:$0x4080] =	vst v63  }
0x1a: {  	_ =	swait.ge [sflag:s14], $0x2000  }
0x1b: {  	[sflag:s14] =	ssyncset.done $0x0  }
0x1c: {  	s16 =	sadd.s32 $0x0, s6;
	[sflag:s14] =	ssyncadd.s32 $0xFFFFE000  }
0x1d: {  	[hbm4b:s16+s4] =	stream.linear.scatter [tilespmem:s11], [sflag:$0x3], $0x2000, $0x38;
	[tilespmem:$0x4080] =	vst v63  }
0x1e: {  	_ =	swait.ge [sflag:s9], $0x2000  }
0x1f: {  	[sflag:s9] =	ssyncset.done $0x0  }
0x20: {  	s31 =	sadd.s32 $0x0, s7;
	[sflag:s9] =	ssyncadd.s32 $0xFFFFE000  }
0x21: {  	[hbm4b:s31+s4] =	stream.linear.scatter [tilespmem:s13], [sflag:$0x3], $0x2000, $0x38;
	[tilespmem:$0x4080] =	vst v63  }
0x22: {  	_ =	swait.ge [sflag:s9], $0x2000  }
0x23: {  	s17 =	smov.u32 s8;
	s16 =	simm.s32 $0x400;
	[sflag:s9] =	ssyncset.done $0x0  }
.LBB2_2:
0x24: {  	p0 =	sne.s32 s16, $0x1000;
	[sflag:s9] =	ssyncadd.s32 $0xFFFFE000;
	s17 =	sadd.s32 $0x8, s17  }
0x25: {  	[tilespmem:s4], [sflag:$0x3] =	stream.linear.gather [hbm4b:s17+s4], $0x40, $0x38;
	[tilespmem:$0x4080] =	vst v63  }
0x26: {  	s18 =	smov.u32 s16;
	s16 =	sadd.s32 $0x400, s16;
	_ =	swait.ge [sflag:s9], $0x40  }
0x27: {  	[sflag:s9] =	ssyncset.done $0x0  }
0x28: {  	[sflag:s9] =	ssyncadd.s32 $0xFFFFFFC0  }
0x29: {  	[tilespmem:s11], [sflag:$0x1] =	stream.indirect.gather [hbm4b:s1+s10], $0x80, s4, s10, $0xb8;
	[tilespmem:$0x4080] =	vst v63  }
0x2a: {  	_ =	swait.ge [sflag:s12], $0x2000  }
0x2b: {  	[sflag:s12] =	ssyncset.done $0x0  }
0x2c: {  	[sflag:s12] =	ssyncadd.s32 $0xFFFFE000  }
0x2d: {  	[tilespmem:s13], [sflag:$0x2] =	stream.indirect.gather [hbm4b:s2+s10], $0x80, s4, s10, $0xb8;
	[tilespmem:$0x4080] =	vst v63  }
0x2e: {  	_ =	swait.ge [sflag:s14], $0x2000  }
0x2f: {  	[sflag:s14] =	ssyncset.done $0x0  }
0x30: {  	s19 =	sadd.s32 s18, s6;
	[sflag:s14] =	ssyncadd.s32 $0xFFFFE000  }
0x31: {  	[hbm4b:s19+s4] =	stream.linear.scatter [tilespmem:s11], [sflag:$0x3], $0x2000, $0x38;
	[tilespmem:$0x4080] =	vst v63  }
0x32: {  	_ =	swait.ge [sflag:s9], $0x2000  }
.Ltmp0:
0x33: {  	[sflag:s9] =	ssyncset.done $0x0;
	(pc) =	sbr.rel @p0 .LBB2_2-.Ltmp0, $4  }
0x34: {  	s18 =	sadd.s32 s18, s7;
	[sflag:s9] =	ssyncadd.s32 $0xFFFFE000  }
0x35: {  	[hbm4b:s18+s4] =	stream.linear.scatter [tilespmem:s13], [sflag:$0x3], $0x2000, $0x38;
	[tilespmem:$0x4080] =	vst v63  }
0x36: {  	_ =	swait.ge [sflag:s9], $0x2000  }
0x37: {  	[sflag:s9] =	ssyncset.done $0x0  }
0x38: {  	s15 =	sadd.s32 $0x1, s15  }
0x39: {  	p0 =	sne.s32 s15, s5  }
.Ltmp1:
0x3a: {  	_ = 	snop;
	(pc) =	sbr.rel @p0 .LBB2_1-.Ltmp1, $2  }
0x3b: {  	_ =	sdelay $0x2  }
0x3c: {  	[sflag:s9] =	ssyncadd.s32 $0xFFFFE000  }
0x3d: {  	_ =	sfence.sel $0x180000  }
0x3e: {  	[bflag:$0x0] =	sbarrier.arrive $0xFFFF  }
0x3f: {  	p0 =	sne.s32 s3, $0x0;
	_ =	strace $0x90000047  }
0x40: {  	s0 =	sadd.s32 @!p0 $0x100000, s0;
	[bflag:$0x2] =	sbarrier.arrive $0xFFFF  }
0x41: {  	[sflag:s0] =	ssyncadd.tile.s32 @!p0 $0x1;
	_ =	shalt  }
.Lfunc_end2:
_tile_overlayer_lowered:
.L_overlay_start_2:
0x42: {  	(tag) =	ssettag $0x2  }
0x43: {  	s0 =	rddreg [dreg:$0x0];
	s2 =	stileid.u32  }
0x44: {  	s1 =	rddreg [dreg:$0x1];
	p0 =	sne.s32 s2, $0x0  }
0x45: {  	s3 =	rddreg [dreg:$0x2];
	[bflag:$0x3] =	sbarrier.arrive $0xFFFF;
	s2 =	simm.s32 @!p0 $0x1C03  }
0x46: {  	[timem:s3], [sflag:s2] =	dma.local @!p0 [hbm:s0], s1  }
0x47: {  	s0 =	simm.s32 @!p0 $0x3  }
0x48: {  	_ =	swait.ge @!p0 [sflag:s0], s1  }
0x49: {  	s1 =	ssub.s32 @!p0 $0x0, s1;
	[sflag:s0] =	ssyncset.done @!p0 $0x0  }
0x4a: {  	[sflag:s0] =	ssyncadd.s32 @!p0 s1  }
0x4b: {  	[bflag:$0x3] =	sbarrier.arrive $0xFFFF  }
0x4c: {  	_ =	shalt  }

// kernel: kernel.16.cloned.1.call-start
scs
__scs_entry_jumppad:
0x0: {  	(pc) =	sbr.rel $0x88, $3  }
0x1: {  	(tag) =	ssettag $0x0;
	lr =	simm.s32 $0x1  }
0x2: {  	[smem:$0x3F8F] =	sst lr;
	_ =	strace $0xD0000000  }
0x3: {  	_ = 	snop  }
0x4: {  	_ = 	snop  }
0x5: {  	_ = 	snop  }
0x6: {  	_ = 	snop  }
0x7: {  	_ = 	snop  }
__scs_overlays_trampoline_lowered:
0x8: {  	[smem:$0x3F9E] =	sst s0  }
0x9: {  	[smem:$0x3F9F] =	sst s1  }
0xa: {  	[smem:$0x3FA0] =	sst s2  }
0xb: {  	[smem:$0x3FA1] =	sst s3  }
0xc: {  	[smem:$0x3FA2] =	sst s4  }
0xd: {  	[smem:$0x3FA3] =	sst s5  }
0xe: {  	[smem:$0x3FA4] =	sst s6  }
0xf: {  	[smem:$0x3FA5] =	sst s7  }
0x10: {  	[smem:$0x3FA6] =	sst s8  }
0x11: {  	[smem:$0x3FA7] =	sst s9;
	s0 =	simm.s32 @!p0 $0x0  }
0x12: {  	s1 =	sld [smem:$0x3F8D];
	s0 =	simm.s32 @p0 $0x1  }
0x13: {  	[smem:$0x3FA8] =	sst s0;
	s0 =	simm.s32 @!p1 $0x0  }
0x14: {  	s2 =	sld [smem:$0x3F8C];
	s0 =	simm.s32 @p1 $0x1  }
0x15: {  	[smem:$0x3FA9] =	sst s0;
	s0 =	simm.s32 @!p2 $0x0  }
0x16: {  	s3 =	sld [smem:$0x3FDB];
	s0 =	simm.s32 @p2 $0x1  }
0x17: {  	s4 =	simm.s32 $0x1BF5;
	[smem:$0x3FAB] =	sst s0  }
0x18: {  	s0 =	sld [smem:$0x3F8E];
	_ =	swait.ge [sflag:s4], $0x0  }
0x19: {  	s7 =	sld [smem:$0x3F8F]  }
0x1a: {  	s8 =	sadd.s32 $0xFFFFE003, lr  }
0x1b: {  	s9 =	sadd.s32 $0xFFFFFEF7, lr;
	s5 =	simm.s32 $0xFFFFFFFF;
	p2 =	slt.u32 s8, $0xFFFFF086  }
0x1c: {  	p1 =	slt.u32 s9, $0xF7A;
	s5 =	simm.s32 @!p2 $0x0  }
0x1d: {  	s5 =	simm.s32 @p1 $0x1;
	p0 =	seq.s32 s7, s2  }
0x1e: {  	s7 =	smul.u32 @!p0 $0xF7A, s2;
	p2 =	seq.s32 @!p0 s5, $0x0  }
0x1f: {  	s9 =	smul.u32 $0xF7A, s1;
	s8 =	simm.s32 @!p0 $0x1BF5;
	p2 =	por !p2, p0  }
0x20: {  	[sflag:s8] =	ssyncset.s32 @!p0 $0xFFFFF086;
	s6 =	sadd.s32 @!p0 s3, s7;
	s7 =	simm.s32 @!p0 $0x108  }
0x21: {  	s3 =	sadd.s32 s3, s9;
	s6 =	sadd.s32 @!p0 $0x88, s6;
	s7 =	simm.s32 @p2 $0x1082  }
0x22: {  	[simem:s7], [sflag:s8] =	dma.local @!p0 [hbm:s6], $0xF7A  }
0x23: {  	s9 =	sor.u32 $0xD0000000, s2;
	s6 =	simm.s32 $0x108;
	_ =	swait.ge @!p0 [sflag:s8], $0x0  }
0x24: {  	s3 =	sadd.s32 $0x88, s3;
	s6 =	simm.s32 @!p1 $0x1082;
	[sflag:s4] =	ssyncset.s32 $0xFFFFF086  }
0x25: {  	[simem:s6], [sflag:s4] =	dma.local [hbm:s3], $0xF7A  }
0x26: {  	[smem:$0x3F8F] =	sst s1;
	(tag) =	ssettag s2;
	_ =	strace s9  }
0x27: {  	s1 =	sld [smem:$0x3F9F]  }
0x28: {  	s2 =	sld [smem:$0x3FA0]  }
0x29: {  	s4 =	sld [smem:$0x3FA2]  }
0x2a: {  	p0 =	seq.s32 s5, $0x0;
	s5 =	sld [smem:$0x3FA3]  }
0x2b: {  	s6 =	sld [smem:$0x3FA4]  }
0x2c: {  	s7 =	sld [smem:$0x3FA5]  }
0x2d: {  	s3 =	simm.s32 $0x108;
	s8 =	sld [smem:$0x3FA6]  }
0x2e: {  	s3 =	simm.s32 @!p0 $0x1082;
	s9 =	sld [smem:$0x3FA7]  }
0x2f: {  	lr =	sadd.s32 s0, s3;
	s0 =	sld [smem:$0x3F9E]  }
0x30: {  	s3 =	sld [smem:$0x3FA1]  }
0x31: {  	[smem:$0x3FAA] =	sst s10  }
0x32: {  	s10 =	sld [smem:$0x3FA8];
	_ =	sdelay $0x3  }
0x33: {  	p0 =	seq.s32 s10, $0x1;
	s10 =	sld [smem:$0x3FAA];
	_ =	sdelay $0x3  }
0x34: {  	[smem:$0x3FAA] =	sst s10  }
0x35: {  	s10 =	sld [smem:$0x3FA9];
	_ =	sdelay $0x3  }
0x36: {  	p1 =	seq.s32 s10, $0x1;
	s10 =	sld [smem:$0x3FAA];
	_ =	sdelay $0x3  }
0x37: {  	[smem:$0x3FAA] =	sst s10  }
0x38: {  	s10 =	sld [smem:$0x3FAB]  }
0x39: {  	_ = 	snop;
	(pc) =	sbr.ind lr, $3  }
0x3a: {  	_ = 	snop  }
0x3b: {  	_ = 	snop  }
0x3c: {  	p2 =	seq.s32 s10, $0x1;
	s10 =	sld [smem:$0x3FAA]  }
0x3d: {  	_ =	shalt  }
0x3e: {  	_ =	shalt  }
0x3f: {  	_ =	shalt  }
0x40: {  	_ =	shalt  }
0x41: {  	_ =	shalt  }
0x42: {  	_ =	shalt  }
0x43: {  	_ =	shalt  }
0x44: {  	_ =	shalt  }
0x45: {  	_ =	shalt  }
0x46: {  	_ =	shalt  }
0x47: {  	_ =	shalt  }
0x48: {  	_ =	shalt  }
0x49: {  	_ =	shalt  }
0x4a: {  	_ =	shalt  }
0x4b: {  	_ =	shalt  }
0x4c: {  	_ =	shalt  }
0x4d: {  	_ =	shalt  }
0x4e: {  	_ =	shalt  }
0x4f: {  	_ =	shalt  }
0x50: {  	_ =	shalt  }
0x51: {  	_ =	shalt  }
0x52: {  	_ =	shalt  }
0x53: {  	_ =	shalt  }
0x54: {  	_ =	shalt  }
0x55: {  	_ =	shalt  }
0x56: {  	_ =	shalt  }
0x57: {  	_ =	shalt  }
0x58: {  	_ =	shalt  }
0x59: {  	_ =	shalt  }
0x5a: {  	_ =	shalt  }
0x5b: {  	_ =	shalt  }
0x5c: {  	_ =	shalt  }
0x5d: {  	_ =	shalt  }
0x5e: {  	_ =	shalt  }
0x5f: {  	_ =	shalt  }
0x60: {  	_ =	shalt  }
0x61: {  	_ =	shalt  }
0x62: {  	_ =	shalt  }
0x63: {  	_ =	shalt  }
0x64: {  	_ =	shalt  }
0x65: {  	_ =	shalt  }
0x66: {  	_ =	shalt  }
0x67: {  	_ =	shalt  }
0x68: {  	_ =	shalt  }
0x69: {  	_ =	shalt  }
0x6a: {  	_ =	shalt  }
0x6b: {  	_ =	shalt  }
0x6c: {  	_ =	shalt  }
0x6d: {  	_ =	shalt  }
0x6e: {  	_ =	shalt  }
0x6f: {  	_ =	shalt  }
0x70: {  	_ =	shalt  }
0x71: {  	_ =	shalt  }
0x72: {  	_ =	shalt  }
0x73: {  	_ =	shalt  }
0x74: {  	_ =	shalt  }
0x75: {  	_ =	shalt  }
0x76: {  	_ =	shalt  }
0x77: {  	_ =	shalt  }
0x78: {  	_ =	shalt  }
0x79: {  	_ =	shalt  }
0x7a: {  	_ =	shalt  }
0x7b: {  	_ =	shalt  }
0x7c: {  	_ =	shalt  }
0x7d: {  	_ =	shalt  }
0x7e: {  	_ =	shalt  }
0x7f: {  	_ =	shalt  }
0x80: {  	_ =	shalt  }
0x81: {  	_ =	shalt  }
0x82: {  	_ =	shalt  }
0x83: {  	_ =	shalt  }
0x84: {  	_ =	shalt  }
0x85: {  	_ =	shalt  }
0x86: {  	_ =	shalt  }
0x87: {  	_ =	shalt  }
.Lfunc_end0:
.L_simem_size_0:
called_computation.1_lowered:
.L_overlay_start_0:
0x88: {  	s2 =	sld [smem:$0x3FD9]  }
0x89: {  	s3 =	sld [smem:$0x3FFE];
	_ =	sdelay $0x1  }
0x8a: {  	s1 =	srdreg.scid  }
0x8b: {  	s0 =	sand.u32 $0x1, s1  }
0x8c: {  	s15 =	sshll.u32 s0, $0xA;
	s2 =	sadd.s32 s3, s2  }
0x8d: {  	s2 =	sadd.s32 s2, s15  }
0x8e: {  	[smem:$0x3FB6] =	sst s2  }
0x8f: {  	_ = 	snop  }
0x90: {  	s2 =	sld [smem:$0x3FD0];
	_ =	sdelay $0x2  }
0x91: {  	s16 =	simm.s32 $0xB;
	s4 =	simm.s32 $0x10  }
0x92: {  	[smem:s4], [sflag:s16] =	dma.local [hbm:s2], $0x1  }
0x93: {  	_ =	swait.eq [sflag:s16], $0x1  }
0x94: {  	[sflag:s16] =	ssyncset.done $0x0  }
0x95: {  	[sflag:s16] =	ssyncadd.s32 $0xFFFFFFFF  }
0x96: {  	s17 =	sld [smem:$0x13];
	(tm) =	ssettm $0x1  }
0x97: {  	s18 =	sld [smem:$0x3FFB];
	_ =	sdelay $0x3  }
0x98: {  	_ =	strace s18  }
0x99: {  	s2 =	sld [smem:$0x3FFC];
	_ =	sdelay $0x3  }
0x9a: {  	_ =	strace s2  }
0x9b: {  	s2 =	sld [smem:$0x3FFD];
	_ =	sdelay $0x3  }
0x9c: {  	_ =	strace s2  }
0x9d: {  	_ =	strace $0x8FFFFFFF  }
0x9e: {  	s19 =	sld [smem:$0x3FDB];
	_ =	sdelay $0x1  }
0x9f: {  	s20 =	simm.s32 $_scs_section_size  }
0xa0: {  	s5 =	simm.s32 $_size__tile_overlayer_lowered;
	s6 =	simm.s32 $_tile_overlayer_lowered  }
0xa1: {  	s7 =	simm.s32 $0x1BFF;
	s21 =	sshll.u32 s6, $0x1;
	s4 =	sadd.s32 s20, s19  }
0xa2: {  	s22 =	simm.s32 $0x0;
	s5 =	sshll.u32 s5, $0x1;
	s6 =	sadd.s32 s21, s4  }
0xa3: {  	[timem:s22], [sflag:s7] =	dma.local [hbm:s6], s5  }
0xa4: {  	_ =	swait.ge [sflag:s7], s5  }
0xa5: {  	s5 =	ssub.s32 $0x0, s5;
	[sflag:s7] =	ssyncset.done $0x0  }
0xa6: {  	[sflag:s7] =	ssyncadd.s32 s5;
	_ =	sdelay $0x1  }
0xa7: {  	s23 =	simm.s32 $0x1B8B  }
0xa8: {  	_ =	swait.ge [sflag:s23], $0x1  }
0xa9: {  	[sflag:s23] =	ssyncset.done $0x0  }
0xaa: {  	[sflag:s23] =	ssyncadd.s32 $0xFFFFFFFF  }
0xab: {  	s5 =	sld [smem:$0x0]  }
0xac: {  	s6 =	sand.u32 $0xFFFFFFFE, s1  }
0xad: {  	p0 =	sne.s32 s1, s6  }
0xae: {  	s6 =	sshll.u32 @p0 s6, $0xE  }
0xaf: {  	s6 =	sadd.s32 @p0 $0x11B8D, s6;
	s7 =	sshll.u32 @p0 s5, $0x11  }
0xb0: {  	s6 =	sor.u32 @p0 s7, s6  }
0xb1: {  	[sflag:s6] =	ssyncadd.remote.s32 @p0 $0x1;
	_ =	sdelay $0x1  }
0xb2: {  	s6 =	simm.s32 @p0 $0x1B8D  }
0xb3: {  	_ =	swait.eq @p0 [sflag:s6], $0x1  }
0xb4: {  	[sflag:s6] =	ssyncadd.s32 @p0 $0xFFFFFFFF  }
0xb5: {  	s7 =	sshll.u32 @!p0 s1, $0xE  }
0xb6: {  	s7 =	sor.u32 @!p0 $0x4000, s7;
	s6 =	simm.s32 @!p0 $0x1B8D  }
0xb7: {  	s5 =	sshll.u32 @!p0 s5, $0x11;
	s7 =	sadd.s32 @!p0 $0x11B8D, s7;
	_ =	swait.eq @!p0 [sflag:s6], $0x1  }
0xb8: {  	s5 =	sor.u32 @!p0 s5, s7;
	[sflag:s6] =	ssyncadd.s32 @!p0 $0xFFFFFFFF  }
0xb9: {  	s25 =	simm.s32 $0x1B8E;
	s24 =	sld [smem:$0x3FFE];
	[sflag:s5] =	ssyncadd.remote.s32 @!p0 $0x1  }
0xba: {  	s26 =	simm.s32 $execute0_lowered;
	[smem:$0x3FD2] =	sst s25  }
0xbb: {  	s6 =	sshll.u32 s26, $0x1;
	_ =	strace $0x80000049;
	[dreg:$0x1] =	wrdreg $0xFFFFFFFF  }
0xbc: {  	s28 =	simm.s32 $_size_execute0_lowered;
	s4 =	sadd.s32 s4, s6;
	[dreg:$0x0] =	wrdreg $0x0  }
0xbd: {  	s6 =	sshll.u32 s28, $0x1;
	[dreg:$0x2] =	wrdreg s4  }
0xbe: {  	[dreg:$0x3] =	wrdreg s6  }
0xbf: {  	[dreg:$0x4] =	wrdreg $0xC0  }
0xc0: {  	_ =	task [dreg:s22], $0x5FFFF  }
0xc1: {  	[dreg:$0x1] =	wrdreg $0xFFFFFFFF  }
0xc2: {  	[dreg:$0x0] =	wrdreg $0x60  }
0xc3: {  	[dreg:$0x2] =	wrdreg s24  }
0xc4: {  	[dreg:$0x3] =	wrdreg s17  }
0xc5: {  	[dreg:$0x4] =	wrdreg $0x41800  }
0xc6: {  	[dreg:$0x5] =	wrdreg $0x9  }
0xc7: {  	_ =	task.clear_ibuf [dreg:s22], $0x6FFFF;
	_ =	strace $0x90000049  }
0xc8: {  	s29 =	simm.s32 $0x9;
	_ =	strace $0x8000004B  }
0xc9: {  	_ =	swait.ge [sflag:s29], $0x1  }
0xca: {  	[sflag:s29] =	ssyncadd.s32 $0xFFFFFFFF  }
0xcb: {  	_ =	strace $0x9000004B  }
0xcc: {  	_ =	sfence  }
0xcd: {  	s30 =	sld [smem:$0x0];
	_ =	sdelay $0x2  }
0xce: {  	s31 =	sshll.u32 s1, $0xD;
	s1 =	sshrl.u32 s1, $0x2  }
0xcf: {  	s4 =	sand.u32 $0x4000, s31;
	s1 =	sadd.s32 s1, s30  }
0xd0: {  	s0 =	sor.u32 s4, s0;
	s1 =	sshll.u32 s1, $0x11  }
0xd1: {  	s0 =	sor.u32 s1, s0  }
0xd2: {  	s0 =	sadd.s32 $0x8F2B, s0  }
0xd3: {  	[sflag:s0] =	ssyncadd.remote.s32 $0x1  }
0xd4: {  	_ =	sfence.sel $0xFFFF  }
0xd5: {  	[dreg:$0x0] =	wrdreg $0xFFFFFFFF;
	(pc) =	sbr.abs _section_cstart, $3  }
0xd6: {  	[dreg:$0x1] =	wrdreg $0xFFFFFFFF  }
0xd7: {  	_ =	task.clear_ibuf [dreg:s22], $0x2FFFF;
	_ =	strace $0x9FFFFFFF  }
0xd8: {  	(tm) =	ssettm $0x7FFFFFFF  }
0xd9: {  	_ =	shalt  }
tec
execute0_lowered:
.L_overlay_start_1:
0x0: {  	(tag) =	ssettag $0x1  }
0x1: {  	s5 =	rddreg [dreg:$0x0]  }
0x2: {  	s2 =	rddreg [dreg:$0x1]  }
0x3: {  	s3 =	rddreg [dreg:$0x2]  }
0x4: {  	s0 =	rddreg [dreg:$0x3]  }
0x5: {  	s1 =	stileid.u32;
	s6 =	srdreg.scid;
	s4 =	simm.s32 $0x0  }
0x6: {  	s18 =	simm.s32 $0x1;
	s19 =	simm.s32 $0x2;
	s20 =	simm.s32 $0x100  }
0x7: {  	s21 =	simm.s32 $0x10;
	s22 =	simm.s32 $0x0;
	s7 =	smul.u32 $0x14000, s1  }
0x8: {  	s6 =	sand.u32 $0x1, s6;
	[smem:$0x7FF] =	sst s4;
	s24 =	smul.u32 $0x50000, s1  }
0x9: {  	s13 =	sadd.s32 $0x54800, s5;
	s29 =	sshll.u32 s1, $0x6;
	s15 =	smul.u32 $0x2710, s1  }
0xa: {  	s8 =	smul.u32 $0x140000, s6;
	_ =	strace $0x8000004A;
	s10 =	sshll.u32 s6, $0x4  }
0xb: {  	s25 =	ssub.s32 $0x2, s6;
	s12 =	smul.u32 $0x27100, s6;
	s6 =	sor.u32 $0x1C03, s29  }
0xc: {  	s9 =	sshrl.u32 s7, $0x3;
	s26 =	sor.u32 s1, s10;
	s28 =	sshrl.u32 s25, $0x1  }
0xd: {  	s9 =	sadd.s32 s9, s5;
	s7 =	sadd.s32 s7, s8;
	s8 =	sshrl.u32 s24, $0x2  }
0xe: {  	s10 =	ssub.s32 s25, s28;
	s12 =	sadd.s32 s15, s12;
	s15 =	simm.s32 $0x3  }
0xf: {  	s7 =	sshrl.u32 s7, $0x3;
	s14 =	sadd.s32 s8, s3;
	s30 =	sadd.s32 $0x4E300, s12  }
0x10: {  	s12 =	sadd.s32 $0x4E280, s12;
	s11 =	sadd.s32 s7, s5;
	s7 =	smul.u32 $0x2710, s26  }
0x11: {  	s10 =	smax.u32 s10, $0x1;
	s5 =	sadd.s32 $0x68200, s9;
	s31 =	sshrl.u32 s30, $0x3  }
0x12: {  	s17 =	sshrl.u32 s12, $0x3;
	s14 =	sshrl.u32 s14, $0x3;
	s7 =	sshrl.u32 s7, $0x3  }
0x13: {  	s9 =	sadd.s32 $0x90200, s11;
	s12 =	sadd.s32 s31, s13;
	s16 =	sadd.s32 s13, s7  }
0x14: {  	s13 =	sadd.s32 s17, s13;
	s17 =	simm.s32 $0x80;
	s7 =	sadd.s32 $0x9C40, s16  }
0x15: {  	s8 =	sadd.s32 $0xA120, s16;
	s11 =	sadd.s32 $0xA110, s16;
	s16 =	simm.s32 $0x180  }
.LBB2_1:
0x16: {  	[spmem:s14], [sflag:s6] =	dma.local [hbm:s5], $0x2800  }
0x17: {  	_ =	swait.ge [sflag:s15], $0x2800  }
0x18: {  	[sflag:s15] =	ssyncset.done $0x0  }
0x19: {  	[sflag:s15] =	ssyncadd.s32 $0xFFFFD800  }
0x1a: {  	[tilespmem:s16], [sflag:$0x3] =	stream.linear.gather [hbm4b:s2+s4], $0x4000, $0x38;
	[tilespmem:$0x18180] =	vst v63  }
0x1b: {  	_ =	swait.ge [sflag:s15], $0x4000  }
0x1c: {  	[sflag:s15] =	ssyncset.done $0x0  }
0x1d: {  	[sflag:s15] =	ssyncadd.s32 $0xFFFFC000  }
0x1e: {  	[bflag:$0x0] =	sbarrier.arrive $0xFFFF  }
0x1f: {  	[tilespmem:s4], [sflag:$0x1] =	stream.linear.gather [hbm4b:s7+s4], $0x80, $0x38;
	[tilespmem:$0x18180] =	vst v63  }
0x20: {  	s23 =	sadd.s32 $0x0, s13  }
0x21: {  	[tilespmem:s17], [sflag:$0x2] =	stream.linear.gather [hbm4b:s23+s4], $0x80, $0x38;
	[tilespmem:$0x18180] =	vst v63  }
0x22: {  	_ =	swait.ge [sflag:s18], $0x80  }
0x23: {  	[sflag:s18] =	ssyncset.done $0x0  }
0x24: {  	[sflag:s18] =	ssyncadd.s32 $0xFFFFFF80  }
0x25: {  	[spmem:s3] =	stream.indirect.scatter.add.f32 [tilespmem:s16], [sflag:$0x3], $0x80, s4, s17, $0xb8;
	[tilespmem:$0x18180] =	vst v63  }
0x26: {  	_ =	swait.ge [sflag:s15], $0x4000  }
0x27: {  	[sflag:s15] =	ssyncset.done $0x0  }
0x28: {  	s31 =	sadd.s32 $0x0, s12;
	[sflag:s15] =	ssyncadd.s32 $0xFFFFC000  }
0x29: {  	[tilespmem:s4], [sflag:$0x1] =	stream.linear.gather [hbm4b:s31+s4], $0x80, $0x38;
	[tilespmem:$0x18180] =	vst v63  }
0x2a: {  	_ =	swait.ge [sflag:s19], $0x80  }
0x2b: {  	[sflag:s19] =	ssyncset.done $0x0  }
0x2c: {  	[sflag:s19] =	ssyncadd.s32 $0xFFFFFF80  }
0x2d: {  	[spmem:s3] =	stream.indirect.scatter.add.f32 [tilespmem:s16], [sflag:$0x3], $0x80, s17, s17, $0xb8;
	[tilespmem:$0x18180] =	vst v63  }
0x2e: {  	_ =	swait.ge [sflag:s15], $0x4000  }
0x2f: {  	s24 =	simm.s32 $0x40;
	s23 =	simm.s32 $0x20;
	[sflag:s15] =	ssyncset.done $0x0  }
.LBB2_2:
0x30: {  	s25 =	sadd.s32 s23, s13  }
0x31: {  	[sflag:s15] =	ssyncadd.s32 $0xFFFFC000;
	s26 =	smov.u32 s24;
	s28 =	sadd.s32 $0x20, s24  }
0x32: {  	[tilespmem:s17], [sflag:$0x2] =	stream.linear.gather [hbm4b:s25+s4], $0x80, $0x38;
	[tilespmem:$0x18180] =	vst v63  }
0x33: {  	p0 =	sne.s32 s24, $0x4A0;
	_ =	swait.ge [sflag:s18], $0x80  }
0x34: {  	[sflag:s18] =	ssyncset.done $0x0  }
0x35: {  	[sflag:s18] =	ssyncadd.s32 $0xFFFFFF80  }
0x36: {  	[spmem:s3] =	stream.indirect.scatter.add.f32 [tilespmem:s16], [sflag:$0x3], $0x80, s4, s17, $0xb8;
	[tilespmem:$0x18180] =	vst v63  }
0x37: {  	_ =	swait.ge [sflag:s15], $0x4000  }
0x38: {  	[sflag:s15] =	ssyncset.done $0x0  }
0x39: {  	s24 =	sadd.s32 s23, s12;
	s23 =	smov.u32 s26;
	[sflag:s15] =	ssyncadd.s32 $0xFFFFC000  }
0x3a: {  	[tilespmem:s4], [sflag:$0x1] =	stream.linear.gather [hbm4b:s24+s4], $0x80, $0x38;
	[tilespmem:$0x18180] =	vst v63  }
0x3b: {  	_ =	swait.ge [sflag:s19], $0x80  }
.Ltmp0:
0x3c: {  	[sflag:s19] =	ssyncset.done $0x0;
	(pc) =	sbr.rel @p0 .LBB2_2-.Ltmp0, $4  }
0x3d: {  	[sflag:s19] =	ssyncadd.s32 $0xFFFFFF80  }
0x3e: {  	[spmem:s3] =	stream.indirect.scatter.add.f32 [tilespmem:s16], [sflag:$0x3], $0x80, s17, s17, $0xb8;
	[tilespmem:$0x18180] =	vst v63  }
0x3f: {  	_ =	swait.ge [sflag:s15], $0x4000  }
0x40: {  	s24 =	smov.u32 s28;
	[sflag:s15] =	ssyncset.done $0x0  }
0x41: {  	s24 =	sadd.s32 s23, s13;
	[sflag:s15] =	ssyncadd.s32 $0xFFFFC000  }
0x42: {  	[tilespmem:s17], [sflag:$0x2] =	stream.linear.gather [hbm4b:s24+s4], $0x80, $0x38;
	[tilespmem:$0x18180] =	vst v63  }
0x43: {  	_ =	swait.ge [sflag:s18], $0x80  }
0x44: {  	[sflag:s18] =	ssyncset.done $0x0  }
0x45: {  	[sflag:s18] =	ssyncadd.s32 $0xFFFFFF80  }
0x46: {  	[spmem:s3] =	stream.indirect.scatter.add.f32 [tilespmem:s16], [sflag:$0x3], $0x80, s4, s17, $0xb8;
	[tilespmem:$0x18180] =	vst v63  }
0x47: {  	_ =	swait.ge [sflag:s15], $0x4000  }
0x48: {  	[sflag:s15] =	ssyncset.done $0x0  }
0x49: {  	s31 =	sadd.s32 s23, s12;
	[sflag:s15] =	ssyncadd.s32 $0xFFFFC000  }
0x4a: {  	[tilespmem:s4], [sflag:$0x1] =	stream.linear.gather [hbm4b:s31+s4], $0x80, $0x38;
	[tilespmem:$0x18180] =	vst v63  }
0x4b: {  	_ =	swait.ge [sflag:s19], $0x80  }
0x4c: {  	[sflag:s19] =	ssyncset.done $0x0  }
0x4d: {  	[sflag:s19] =	ssyncadd.s32 $0xFFFFFF80  }
0x4e: {  	[spmem:s3] =	stream.indirect.scatter.add.f32 [tilespmem:s16], [sflag:$0x3], $0x80, s17, s17, $0xb8;
	[tilespmem:$0x18180] =	vst v63  }
0x4f: {  	_ =	swait.ge [sflag:s15], $0x4000  }
0x50: {  	[sflag:s15] =	ssyncset.done $0x0  }
0x51: {  	[sflag:s15] =	ssyncadd.s32 $0xFFFFC000  }
0x52: {  	[tilespmem:s17], [sflag:$0x2] =	stream.linear.gather [hbm4b:s11+s4], $0x80, $0x38;
	[tilespmem:$0x18180] =	vst v63  }
0x53: {  	_ =	swait.ge [sflag:s18], $0x80  }
0x54: {  	[sflag:s18] =	ssyncset.done $0x0  }
0x55: {  	[sflag:s18] =	ssyncadd.s32 $0xFFFFFF80  }
0x56: {  	[spmem:s3] =	stream.indirect.scatter.add.f32 [tilespmem:s16], [sflag:$0x3], $0x80, s4, s17, $0xb8;
	[tilespmem:$0x18180] =	vst v63  }
0x57: {  	_ =	swait.ge [sflag:s15], $0x4000  }
0x58: {  	[sflag:s15] =	ssyncset.done $0x0  }
0x59: {  	[sflag:s15] =	ssyncadd.s32 $0xFFFFC000  }
0x5a: {  	_ =	swait.ge [sflag:s19], $0x80  }
0x5b: {  	[sflag:s19] =	ssyncset.done $0x0  }
0x5c: {  	[sflag:s19] =	ssyncadd.s32 $0xFFFFFF80  }
0x5d: {  	[spmem:s3] =	stream.indirect.scatter.add.f32 [tilespmem:s16], [sflag:$0x3], $0x80, s17, s17, $0xb8;
	[tilespmem:$0x18180] =	vst v63  }
0x5e: {  	_ =	swait.ge [sflag:s15], $0x4000  }
0x5f: {  	[sflag:s15] =	ssyncset.done $0x0  }
0x60: {  	[sflag:s15] =	ssyncadd.s32 $0xFFFFC000  }
0x61: {  	[tilespmem:s20], [sflag:$0x3] =	stream.linear.gather [hbm4b:s8+s4], $0x10, $0x38;
	[tilespmem:$0x18180] =	vst v63  }
0x62: {  	_ =	swait.ge [sflag:s15], $0x10  }
0x63: {  	[sflag:s15] =	ssyncset.done $0x0  }
0x64: {  	[sflag:s15] =	ssyncadd.s32 $0xFFFFFFF0  }
0x65: {  	[spmem:s3] =	stream.indirect.scatter.add.f32 [tilespmem:s16], [sflag:$0x3], $0x80, s20, s21, $0xb8;
	[tilespmem:$0x18180] =	vst v63  }
0x66: {  	_ =	swait.ge [sflag:s15], $0x800  }
0x67: {  	s22 =	sadd.s32 $0x1, s22;
	[sflag:s15] =	ssyncset.done $0x0  }
0x68: {  	p0 =	sne.s32 s22, s10;
	[sflag:s15] =	ssyncadd.s32 $0xFFFFF800  }
.Ltmp1:
0x69: {  	[bflag:$0x0] =	sbarrier.arrive $0xFFFF;
	(pc) =	sbr.rel @p0 .LBB2_1-.Ltmp1, $4  }
0x6a: {  	[hbm:s9], [sflag:s6] =	dma.local [spmem:s14], $0x2800  }
0x6b: {  	_ =	swait.ge [sflag:s15], $0x2800  }
0x6c: {  	[sflag:s15] =	ssyncset.done $0x0  }
0x6d: {  	[sflag:s15] =	ssyncadd.s32 $0xFFFFD800  }
0x6e: {  	_ =	sfence.sel $0x180000  }
0x6f: {  	[bflag:$0x0] =	sbarrier.arrive $0xFFFF  }
0x70: {  	p0 =	sne.s32 s1, $0x0;
	_ =	strace $0x9000004A  }
0x71: {  	s0 =	sadd.s32 @!p0 $0x100000, s0;
	[bflag:$0x2] =	sbarrier.arrive $0xFFFF  }
0x72: {  	[sflag:s0] =	ssyncadd.tile.s32 @!p0 $0x1;
	_ =	shalt  }
.Lfunc_end2:
_tile_overlayer_lowered:
.L_overlay_start_2:
0x73: {  	(tag) =	ssettag $0x2  }
0x74: {  	s0 =	rddreg [dreg:$0x0];
	s2 =	stileid.u32  }
0x75: {  	s1 =	rddreg [dreg:$0x1];
	p0 =	sne.s32 s2, $0x0  }
0x76: {  	s3 =	rddreg [dreg:$0x2];
	[bflag:$0x3] =	sbarrier.arrive $0xFFFF;
	s2 =	simm.s32 @!p0 $0x1C03  }
0x77: {  	[timem:s3], [sflag:s2] =	dma.local @!p0 [hbm:s0], s1  }
0x78: {  	s0 =	simm.s32 @!p0 $0x3  }
0x79: {  	_ =	swait.ge @!p0 [sflag:s0], s1  }
0x7a: {  	s1 =	ssub.s32 @!p0 $0x0, s1;
	[sflag:s0] =	ssyncset.done @!p0 $0x0  }
0x7b: {  	[sflag:s0] =	ssyncadd.s32 @!p0 s1  }
0x7c: {  	[bflag:$0x3] =	sbarrier.arrive $0xFFFF  }
0x7d: {  	_ =	shalt  }

// kernel: kernel.19.cloned.1.call-start
scs
__scs_entry_jumppad:
0x0: {  	(pc) =	sbr.rel $0x88, $3  }
0x1: {  	(tag) =	ssettag $0x0;
	lr =	simm.s32 $0x1  }
0x2: {  	[smem:$0x3F8F] =	sst lr;
	_ =	strace $0xD0000000  }
0x3: {  	_ = 	snop  }
0x4: {  	_ = 	snop  }
0x5: {  	_ = 	snop  }
0x6: {  	_ = 	snop  }
0x7: {  	_ = 	snop  }
__scs_overlays_trampoline_lowered:
0x8: {  	[smem:$0x3F9E] =	sst s0  }
0x9: {  	[smem:$0x3F9F] =	sst s1  }
0xa: {  	[smem:$0x3FA0] =	sst s2  }
0xb: {  	[smem:$0x3FA1] =	sst s3  }
0xc: {  	[smem:$0x3FA2] =	sst s4  }
0xd: {  	[smem:$0x3FA3] =	sst s5  }
0xe: {  	[smem:$0x3FA4] =	sst s6  }
0xf: {  	[smem:$0x3FA5] =	sst s7  }
0x10: {  	[smem:$0x3FA6] =	sst s8  }
0x11: {  	[smem:$0x3FA7] =	sst s9;
	s0 =	simm.s32 @!p0 $0x0  }
0x12: {  	s1 =	sld [smem:$0x3F8D];
	s0 =	simm.s32 @p0 $0x1  }
0x13: {  	[smem:$0x3FA8] =	sst s0;
	s0 =	simm.s32 @!p1 $0x0  }
0x14: {  	s2 =	sld [smem:$0x3F8C];
	s0 =	simm.s32 @p1 $0x1  }
0x15: {  	[smem:$0x3FA9] =	sst s0;
	s0 =	simm.s32 @!p2 $0x0  }
0x16: {  	s3 =	sld [smem:$0x3FDB];
	s0 =	simm.s32 @p2 $0x1  }
0x17: {  	s4 =	simm.s32 $0x1BF5;
	[smem:$0x3FAB] =	sst s0  }
0x18: {  	s0 =	sld [smem:$0x3F8E];
	_ =	swait.ge [sflag:s4], $0x0  }
0x19: {  	s7 =	sld [smem:$0x3F8F]  }
0x1a: {  	s8 =	sadd.s32 $0xFFFFE003, lr  }
0x1b: {  	s9 =	sadd.s32 $0xFFFFFEF7, lr;
	s5 =	simm.s32 $0xFFFFFFFF;
	p2 =	slt.u32 s8, $0xFFFFF086  }
0x1c: {  	p1 =	slt.u32 s9, $0xF7A;
	s5 =	simm.s32 @!p2 $0x0  }
0x1d: {  	s5 =	simm.s32 @p1 $0x1;
	p0 =	seq.s32 s7, s2  }
0x1e: {  	s7 =	smul.u32 @!p0 $0xF7A, s2;
	p2 =	seq.s32 @!p0 s5, $0x0  }
0x1f: {  	s9 =	smul.u32 $0xF7A, s1;
	s8 =	simm.s32 @!p0 $0x1BF5;
	p2 =	por !p2, p0  }
0x20: {  	[sflag:s8] =	ssyncset.s32 @!p0 $0xFFFFF086;
	s6 =	sadd.s32 @!p0 s3, s7;
	s7 =	simm.s32 @!p0 $0x108  }
0x21: {  	s3 =	sadd.s32 s3, s9;
	s6 =	sadd.s32 @!p0 $0x88, s6;
	s7 =	simm.s32 @p2 $0x1082  }
0x22: {  	[simem:s7], [sflag:s8] =	dma.local @!p0 [hbm:s6], $0xF7A  }
0x23: {  	s9 =	sor.u32 $0xD0000000, s2;
	s6 =	simm.s32 $0x108;
	_ =	swait.ge @!p0 [sflag:s8], $0x0  }
0x24: {  	s3 =	sadd.s32 $0x88, s3;
	s6 =	simm.s32 @!p1 $0x1082;
	[sflag:s4] =	ssyncset.s32 $0xFFFFF086  }
0x25: {  	[simem:s6], [sflag:s4] =	dma.local [hbm:s3], $0xF7A  }
0x26: {  	[smem:$0x3F8F] =	sst s1;
	(tag) =	ssettag s2;
	_ =	strace s9  }
0x27: {  	s1 =	sld [smem:$0x3F9F]  }
0x28: {  	s2 =	sld [smem:$0x3FA0]  }
0x29: {  	s4 =	sld [smem:$0x3FA2]  }
0x2a: {  	p0 =	seq.s32 s5, $0x0;
	s5 =	sld [smem:$0x3FA3]  }
0x2b: {  	s6 =	sld [smem:$0x3FA4]  }
0x2c: {  	s7 =	sld [smem:$0x3FA5]  }
0x2d: {  	s3 =	simm.s32 $0x108;
	s8 =	sld [smem:$0x3FA6]  }
0x2e: {  	s3 =	simm.s32 @!p0 $0x1082;
	s9 =	sld [smem:$0x3FA7]  }
0x2f: {  	lr =	sadd.s32 s0, s3;
	s0 =	sld [smem:$0x3F9E]  }
0x30: {  	s3 =	sld [smem:$0x3FA1]  }
0x31: {  	[smem:$0x3FAA] =	sst s10  }
0x32: {  	s10 =	sld [smem:$0x3FA8];
	_ =	sdelay $0x3  }
0x33: {  	p0 =	seq.s32 s10, $0x1;
	s10 =	sld [smem:$0x3FAA];
	_ =	sdelay $0x3  }
0x34: {  	[smem:$0x3FAA] =	sst s10  }
0x35: {  	s10 =	sld [smem:$0x3FA9];
	_ =	sdelay $0x3  }
0x36: {  	p1 =	seq.s32 s10, $0x1;
	s10 =	sld [smem:$0x3FAA];
	_ =	sdelay $0x3  }
0x37: {  	[smem:$0x3FAA] =	sst s10  }
0x38: {  	s10 =	sld [smem:$0x3FAB]  }
0x39: {  	_ = 	snop;
	(pc) =	sbr.ind lr, $3  }
0x3a: {  	_ = 	snop  }
0x3b: {  	_ = 	snop  }
0x3c: {  	p2 =	seq.s32 s10, $0x1;
	s10 =	sld [smem:$0x3FAA]  }
0x3d: {  	_ =	shalt  }
0x3e: {  	_ =	shalt  }
0x3f: {  	_ =	shalt  }
0x40: {  	_ =	shalt  }
0x41: {  	_ =	shalt  }
0x42: {  	_ =	shalt  }
0x43: {  	_ =	shalt  }
0x44: {  	_ =	shalt  }
0x45: {  	_ =	shalt  }
0x46: {  	_ =	shalt  }
0x47: {  	_ =	shalt  }
0x48: {  	_ =	shalt  }
0x49: {  	_ =	shalt  }
0x4a: {  	_ =	shalt  }
0x4b: {  	_ =	shalt  }
0x4c: {  	_ =	shalt  }
0x4d: {  	_ =	shalt  }
0x4e: {  	_ =	shalt  }
0x4f: {  	_ =	shalt  }
0x50: {  	_ =	shalt  }
0x51: {  	_ =	shalt  }
0x52: {  	_ =	shalt  }
0x53: {  	_ =	shalt  }
0x54: {  	_ =	shalt  }
0x55: {  	_ =	shalt  }
0x56: {  	_ =	shalt  }
0x57: {  	_ =	shalt  }
0x58: {  	_ =	shalt  }
0x59: {  	_ =	shalt  }
0x5a: {  	_ =	shalt  }
0x5b: {  	_ =	shalt  }
0x5c: {  	_ =	shalt  }
0x5d: {  	_ =	shalt  }
0x5e: {  	_ =	shalt  }
0x5f: {  	_ =	shalt  }
0x60: {  	_ =	shalt  }
0x61: {  	_ =	shalt  }
0x62: {  	_ =	shalt  }
0x63: {  	_ =	shalt  }
0x64: {  	_ =	shalt  }
0x65: {  	_ =	shalt  }
0x66: {  	_ =	shalt  }
0x67: {  	_ =	shalt  }
0x68: {  	_ =	shalt  }
0x69: {  	_ =	shalt  }
0x6a: {  	_ =	shalt  }
0x6b: {  	_ =	shalt  }
0x6c: {  	_ =	shalt  }
0x6d: {  	_ =	shalt  }
0x6e: {  	_ =	shalt  }
0x6f: {  	_ =	shalt  }
0x70: {  	_ =	shalt  }
0x71: {  	_ =	shalt  }
0x72: {  	_ =	shalt  }
0x73: {  	_ =	shalt  }
0x74: {  	_ =	shalt  }
0x75: {  	_ =	shalt  }
0x76: {  	_ =	shalt  }
0x77: {  	_ =	shalt  }
0x78: {  	_ =	shalt  }
0x79: {  	_ =	shalt  }
0x7a: {  	_ =	shalt  }
0x7b: {  	_ =	shalt  }
0x7c: {  	_ =	shalt  }
0x7d: {  	_ =	shalt  }
0x7e: {  	_ =	shalt  }
0x7f: {  	_ =	shalt  }
0x80: {  	_ =	shalt  }
0x81: {  	_ =	shalt  }
0x82: {  	_ =	shalt  }
0x83: {  	_ =	shalt  }
0x84: {  	_ =	shalt  }
0x85: {  	_ =	shalt  }
0x86: {  	_ =	shalt  }
0x87: {  	_ =	shalt  }
.Lfunc_end0:
.L_simem_size_0:
called_computation.2_lowered:
.L_overlay_start_0:
0x88: {  	s2 =	sld [smem:$0x3FD9]  }
0x89: {  	s3 =	sld [smem:$0x3FFE];
	_ =	sdelay $0x1  }
0x8a: {  	s1 =	srdreg.scid  }
0x8b: {  	s0 =	sand.u32 $0x1, s1  }
0x8c: {  	s15 =	sshll.u32 s0, $0xA;
	s2 =	sadd.s32 s3, s2  }
0x8d: {  	s2 =	sadd.s32 s2, s15  }
0x8e: {  	[smem:$0x3FB6] =	sst s2  }
0x8f: {  	_ = 	snop  }
0x90: {  	s2 =	sld [smem:$0x3FD0];
	_ =	sdelay $0x2  }
0x91: {  	s16 =	simm.s32 $0xB;
	s4 =	simm.s32 $0x10  }
0x92: {  	[smem:s4], [sflag:s16] =	dma.local [hbm:s2], $0x1  }
0x93: {  	_ =	swait.eq [sflag:s16], $0x1  }
0x94: {  	[sflag:s16] =	ssyncset.done $0x0  }
0x95: {  	s17 =	sld [smem:$0x10];
	[sflag:s16] =	ssyncadd.s32 $0xFFFFFFFF  }
0x96: {  	s18 =	sld [smem:$0x14];
	(tm) =	ssettm $0x1  }
0x97: {  	s19 =	sld [smem:$0x3FFB];
	_ =	sdelay $0x3  }
0x98: {  	_ =	strace s19  }
0x99: {  	s2 =	sld [smem:$0x3FFC];
	_ =	sdelay $0x3  }
0x9a: {  	_ =	strace s2  }
0x9b: {  	s2 =	sld [smem:$0x3FFD];
	_ =	sdelay $0x3  }
0x9c: {  	_ =	strace s2  }
0x9d: {  	_ =	strace $0x8FFFFFFF  }
0x9e: {  	s20 =	sld [smem:$0x3FDB];
	_ =	sdelay $0x1  }
0x9f: {  	s5 =	simm.s32 $_scs_section_size  }
0xa0: {  	s6 =	simm.s32 $_size__tile_overlayer_lowered;
	s7 =	simm.s32 $_tile_overlayer_lowered  }
0xa1: {  	s8 =	simm.s32 $0x1BFF;
	s21 =	sshll.u32 s7, $0x1;
	s5 =	sadd.s32 s5, s20  }
0xa2: {  	s22 =	simm.s32 $0x0;
	s6 =	sshll.u32 s6, $0x1;
	s7 =	sadd.s32 s21, s5  }
0xa3: {  	[timem:s22], [sflag:s8] =	dma.local [hbm:s7], s6  }
0xa4: {  	_ =	swait.ge [sflag:s8], s6  }
0xa5: {  	s6 =	ssub.s32 $0x0, s6;
	[sflag:s8] =	ssyncset.done $0x0  }
0xa6: {  	[sflag:s8] =	ssyncadd.s32 s6;
	_ =	sdelay $0x1  }
0xa7: {  	s23 =	simm.s32 $0x1B8B  }
0xa8: {  	_ =	swait.ge [sflag:s23], $0x1  }
0xa9: {  	[sflag:s23] =	ssyncset.done $0x0  }
0xaa: {  	[sflag:s23] =	ssyncadd.s32 $0xFFFFFFFF  }
0xab: {  	s6 =	sld [smem:$0x0]  }
0xac: {  	s7 =	sand.u32 $0xFFFFFFFE, s1  }
0xad: {  	p0 =	sne.s32 s1, s7  }
0xae: {  	s7 =	sshll.u32 @p0 s7, $0xE  }
0xaf: {  	s7 =	sadd.s32 @p0 $0x11B8D, s7;
	s8 =	sshll.u32 @p0 s6, $0x11  }
0xb0: {  	s7 =	sor.u32 @p0 s8, s7  }
0xb1: {  	[sflag:s7] =	ssyncadd.remote.s32 @p0 $0x1;
	_ =	sdelay $0x1  }
0xb2: {  	s7 =	simm.s32 @p0 $0x1B8D  }
0xb3: {  	_ =	swait.eq @p0 [sflag:s7], $0x1  }
0xb4: {  	[sflag:s7] =	ssyncadd.s32 @p0 $0xFFFFFFFF  }
0xb5: {  	s8 =	sshll.u32 @!p0 s1, $0xE  }
0xb6: {  	s8 =	sor.u32 @!p0 $0x4000, s8;
	s7 =	simm.s32 @!p0 $0x1B8D  }
0xb7: {  	s6 =	sshll.u32 @!p0 s6, $0x11;
	s8 =	sadd.s32 @!p0 $0x11B8D, s8;
	_ =	swait.eq @!p0 [sflag:s7], $0x1  }
0xb8: {  	s6 =	sor.u32 @!p0 s6, s8;
	[sflag:s7] =	ssyncadd.s32 @!p0 $0xFFFFFFFF  }
0xb9: {  	s25 =	simm.s32 $0x1B8E;
	s24 =	sld [smem:$0x3FFE];
	[sflag:s6] =	ssyncadd.remote.s32 @!p0 $0x1  }
0xba: {  	s26 =	simm.s32 $execute0_lowered;
	[smem:$0x3FD2] =	sst s25  }
0xbb: {  	s7 =	sshll.u32 s26, $0x1;
	_ =	strace $0x8000004C;
	[dreg:$0x1] =	wrdreg $0xFFFFFFFF  }
0xbc: {  	s28 =	simm.s32 $_size_execute0_lowered;
	s5 =	sadd.s32 s5, s7;
	[dreg:$0x0] =	wrdreg $0x0  }
0xbd: {  	s7 =	sshll.u32 s28, $0x1;
	[dreg:$0x2] =	wrdreg s5  }
0xbe: {  	[dreg:$0x3] =	wrdreg s7  }
0xbf: {  	[dreg:$0x4] =	wrdreg $0xC0  }
0xc0: {  	_ =	task [dreg:s22], $0x5FFFF  }
0xc1: {  	[dreg:$0x1] =	wrdreg $0xFFFFFFFF  }
0xc2: {  	[dreg:$0x0] =	wrdreg $0x60  }
0xc3: {  	[dreg:$0x2] =	wrdreg s17  }
0xc4: {  	[dreg:$0x3] =	wrdreg s24  }
0xc5: {  	[dreg:$0x4] =	wrdreg s18  }
0xc6: {  	[dreg:$0x5] =	wrdreg $0xB2000  }
0xc7: {  	[dreg:$0x6] =	wrdreg $0xA  }
0xc8: {  	_ =	task.clear_ibuf [dreg:s22], $0x7FFFF;
	_ =	strace $0x9000004C  }
0xc9: {  	s29 =	simm.s32 $0xA;
	_ =	strace $0x8000004E  }
0xca: {  	_ =	swait.ge [sflag:s29], $0x1  }
0xcb: {  	[sflag:s29] =	ssyncadd.s32 $0xFFFFFFFF  }
0xcc: {  	_ =	strace $0x9000004E  }
0xcd: {  	_ =	sfence  }
0xce: {  	s30 =	sld [smem:$0x0];
	_ =	sdelay $0x2  }
0xcf: {  	s31 =	sshll.u32 s1, $0xD;
	s1 =	sshrl.u32 s1, $0x2  }
0xd0: {  	s4 =	sand.u32 $0x4000, s31;
	s1 =	sadd.s32 s1, s30  }
0xd1: {  	s0 =	sor.u32 s4, s0;
	s1 =	sshll.u32 s1, $0x11  }
0xd2: {  	s0 =	sor.u32 s1, s0  }
0xd3: {  	s0 =	sadd.s32 $0x8F2B, s0  }
0xd4: {  	[sflag:s0] =	ssyncadd.remote.s32 $0x1  }
0xd5: {  	_ =	sfence.sel $0xFFFF  }
0xd6: {  	[dreg:$0x0] =	wrdreg $0xFFFFFFFF;
	(pc) =	sbr.abs _section_cstart, $3  }
0xd7: {  	[dreg:$0x1] =	wrdreg $0xFFFFFFFF  }
0xd8: {  	_ =	task.clear_ibuf [dreg:s22], $0x2FFFF;
	_ =	strace $0x9FFFFFFF  }
0xd9: {  	(tm) =	ssettm $0x7FFFFFFF  }
tec
execute0_lowered:
.L_overlay_start_1:
0x0: {  	(tag) =	ssettag $0x1  }
0x1: {  	s1 =	rddreg [dreg:$0x0]  }
0x2: {  	s0 =	rddreg [dreg:$0x1]  }
0x3: {  	s2 =	rddreg [dreg:$0x2]  }
0x4: {  	s3 =	rddreg [dreg:$0x3];
	s4 =	simm.s32 $0x0  }
0x5: {  	s13 =	stileid.u32;
	s5 =	srdreg.scid;
	s31 =	simm.s32 $0x6  }
0x6: {  	s28 =	simm.s32 $0x8980;
	[smem:$0x7FF] =	sst s4;
	s6 =	smul.u32 $0x14000, s13  }
0x7: {  	s5 =	sand.u32 $0x1, s5;
	s7 =	sadd.s32 $0x54800, s0;
	s8 =	smul.u32 $0x50000, s13  }
0x8: {  	s15 =	sshll.u32 s13, $0x6;
	s17 =	smul.u32 $0x2710, s13;
	_ =	strace $0x8000004D  }
0x9: {  	s9 =	sshll.u32 s5, $0x4;
	s11 =	ssub.s32 $0x2, s5;
	s14 =	smul.u32 $0x27100, s5  }
0xa: {  	s15 =	sor.u32 $0x1C0D, s15;
	s5 =	smul.u32 $0x140000, s5;
	s10 =	sshrl.u32 s6, $0x3  }
0xb: {  	s9 =	sor.u32 s13, s9;
	s12 =	sshrl.u32 s11, $0x1;
	s8 =	sshrl.u32 s8, $0x2  }
0xc: {  	s13 =	simm.s32 $0x4;
	[dreg:$0x7] =	wrdreg s15;
	s9 =	smul.u32 $0x2710, s9  }
0xd: {  	s0 =	sadd.s32 s10, s0;
	s30 =	ssub.s32 s11, s12;
	s8 =	sadd.s32 s8, s3  }
0xe: {  	s5 =	sadd.s32 s6, s5;
	s10 =	simm.s32 $0x3;
	s11 =	simm.s32 $0xA  }
0xf: {  	s0 =	sadd.s32 $0x68200, s0;
	s5 =	sshrl.u32 s5, $0x3;
	s24 =	smax.u32 s30, $0x1  }
0x10: {  	[dreg:$0x5] =	wrdreg s0;
	s12 =	sshrl.u32 s9, $0x3;
	s0 =	sadd.s32 s17, s14  }
0x11: {  	s2 =	sadd.s32 s2, s5;
	[dreg:$0xe] =	wrdreg s24;
	s17 =	simm.s32 $0xD  }
0x12: {  	s9 =	simm.s32 $0x7;
	s14 =	simm.s32 $0xB;
	s16 =	sadd.s32 s7, s12  }
0x13: {  	s22 =	sadd.s32 $0x4E380, s0;
	[dreg:$0xd] =	wrdreg s2;
	s26 =	sadd.s32 $0x4E340, s0  }
0x14: {  	s29 =	sadd.s32 $0x4E300, s0;
	s18 =	sadd.s32 $0x9C40, s16;
	[dreg:$0x6] =	wrdreg s16  }
0x15: {  	s0 =	sadd.s32 $0x4E3C0, s0;
	s19 =	sadd.s32 $0x9C48, s16;
	[dreg:$0x8] =	wrdreg s18  }
0x16: {  	s12 =	simm.s32 $0x8;
	s20 =	sadd.s32 $0x9C50, s16;
	[dreg:$0x9] =	wrdreg s19  }
0x17: {  	s21 =	sadd.s32 $0x9C58, s16;
	s23 =	sadd.s32 $0xA120, s16;
	[dreg:$0xa] =	wrdreg s20  }
0x18: {  	s6 =	sshrl.u32 s22, $0x3;
	s2 =	sshrl.u32 s26, $0x3;
	[dreg:$0xb] =	wrdreg s21  }
0x19: {  	s5 =	sshrl.u32 s29, $0x3;
	s16 =	sshrl.u32 s8, $0x3;
	[dreg:$0xc] =	wrdreg s23  }
0x1a: {  	s0 =	sshrl.u32 s0, $0x3;
	s25 =	sadd.s32 s6, s7;
	[dreg:$0x13] =	wrdreg s16  }
0x1b: {  	s22 =	simm.s32 $0x40;
	s2 =	sadd.s32 s2, s7;
	[dreg:$0xf] =	wrdreg s25  }
0x1c: {  	s8 =	simm.s32 $0x9;
	s30 =	sadd.s32 s5, s7;
	[dreg:$0x10] =	wrdreg s2  }
0x1d: {  	s0 =	sadd.s32 s0, s7;
	s5 =	simm.s32 $0x2;
	[dreg:$0x11] =	wrdreg s30  }
0x1e: {  	s6 =	simm.s32 $0xC;
	[dreg:$0x12] =	wrdreg s0;
	s0 =	simm.s32 $0x0  }
.LBB2_1:
0x1f: {  	[dreg:$0x14] =	wrdreg s0  }
0x20: {  	s7 =	rddreg [dreg:$0x5]  }
0x21: {  	[spmem:s16], [sflag:s15] =	dma.local [hbm:s7], $0x2800  }
0x22: {  	_ =	swait.ge [sflag:s17], $0x2800  }
0x23: {  	[sflag:s17] =	ssyncset.done $0x0  }
0x24: {  	s23 =	rddreg [dreg:$0x6];
	[sflag:s17] =	ssyncadd.s32 $0xFFFFD800  }
0x25: {  	[tilespmem:s4], [sflag:$0xD] =	stream.linear.gather [hbm4b:s23+s4], $0x2710, $0x38;
	[tilespmem:$0x1F200] =	vst v63  }
0x26: {  	_ =	swait.ge [sflag:s17], $0x2710  }
0x27: {  	[sflag:s17] =	ssyncset.done $0x0  }
0x28: {  	[sflag:s17] =	ssyncadd.s32 $0xFFFFD8F0  }
0x29: {  	[bflag:$0x0] =	sbarrier.arrive $0xFFFF  }
0x2a: {  	s25 =	simm.s32 $0x2780;
	s24 =	rddreg [dreg:$0x8]  }
0x2b: {  	[tilespmem:s25], [sflag:$0x5] =	stream.linear.gather [hbm4b:s24+s4], $0x40, $0x38;
	[tilespmem:$0x1F200] =	vst v63  }
0x2c: {  	s26 =	simm.s32 $0x2980  }
0x2d: {  	[tilespmem:s26], [sflag:$0x1] =	stream.indirect.gather [hbm4b:s1+s22], $0x80, s4, s22, $0xb8;
	[tilespmem:$0x1F200] =	vst v63  }
0x2e: {  	s18 =	simm.s32 $0x2800;
	s29 =	rddreg [dreg:$0x9]  }
0x2f: {  	[tilespmem:s18], [sflag:$0x6] =	stream.linear.gather [hbm4b:s29+s4], $0x40, $0x38;
	[tilespmem:$0x1F200] =	vst v63  }
0x30: {  	s20 =	simm.s32 $0x4980  }
0x31: {  	[tilespmem:s20], [sflag:$0x2] =	stream.indirect.gather [hbm4b:s1+s22], $0x80, s22, s22, $0xb8;
	[tilespmem:$0x1F200] =	vst v63  }
0x32: {  	s21 =	simm.s32 $0x2880;
	s30 =	rddreg [dreg:$0xa]  }
0x33: {  	[tilespmem:s21], [sflag:$0x7] =	stream.linear.gather [hbm4b:s30+s4], $0x40, $0x38;
	[tilespmem:$0x1F200] =	vst v63  }
0x34: {  	s0 =	simm.s32 $0x80;
	s23 =	simm.s32 $0x6980  }
0x35: {  	[tilespmem:s23], [sflag:$0x3] =	stream.indirect.gather [hbm4b:s1+s22], $0x80, s0, s22, $0xb8;
	[tilespmem:$0x1F200] =	vst v63  }
0x36: {  	s16 =	simm.s32 $0x2900;
	s2 =	rddreg [dreg:$0xb]  }
0x37: {  	[tilespmem:s16], [sflag:$0x8] =	stream.linear.gather [hbm4b:s2+s4], $0x40, $0x38;
	[tilespmem:$0x1F200] =	vst v63  }
0x38: {  	s24 =	simm.s32 $0x8980;
	s29 =	simm.s32 $0x5;
	s2 =	simm.s32 $0xC0  }
0x39: {  	[tilespmem:s24], [sflag:$0x4] =	stream.indirect.gather [hbm4b:s1+s22], $0x80, s2, s22, $0xb8;
	[tilespmem:$0x1F200] =	vst v63  }
0x3a: {  	_ =	swait.ge [sflag:s29], $0x40  }
0x3b: {  	[sflag:s29] =	ssyncset.done $0x0  }
0x3c: {  	s30 =	simm.s32 $0x1;
	[sflag:s29] =	ssyncadd.s32 $0xFFFFFFC0  }
0x3d: {  	_ =	swait.ge [sflag:s30], $0x2000  }
0x3e: {  	[sflag:s30] =	ssyncset.done $0x0  }
0x3f: {  	[sflag:s30] =	ssyncadd.s32 $0xFFFFE000  }
0x40: {  	[spmem:s3] =	stream.indirect.scatter.add.f32 [tilespmem:s26], [sflag:$0x9], $0x80, s25, s22, $0xb8;
	[tilespmem:$0x1F200] =	vst v63  }
0x41: {  	_ =	swait.ge [sflag:s31], $0x40  }
0x42: {  	[sflag:s31] =	ssyncset.done $0x0  }
0x43: {  	[sflag:s31] =	ssyncadd.s32 $0xFFFFFFC0  }
0x44: {  	_ =	swait.ge [sflag:s5], $0x2000  }
0x45: {  	[sflag:s5] =	ssyncset.done $0x0  }
0x46: {  	[sflag:s5] =	ssyncadd.s32 $0xFFFFE000  }
0x47: {  	[spmem:s3] =	stream.indirect.scatter.add.f32 [tilespmem:s20], [sflag:$0xA], $0x80, s18, s22, $0xb8;
	[tilespmem:$0x1F200] =	vst v63  }
0x48: {  	_ =	swait.ge [sflag:s8], $0x2000  }
0x49: {  	[sflag:s8] =	ssyncset.done $0x0  }
0x4a: {  	s2 =	rddreg [dreg:$0x11];
	[sflag:s8] =	ssyncadd.s32 $0xFFFFE000  }
0x4b: {  	[tilespmem:s25], [sflag:$0x5] =	stream.linear.gather [hbm4b:s2+s4], $0x40, $0x38;
	[tilespmem:$0x1F200] =	vst v63  }
0x4c: {  	s19 =	simm.s32 $0x100  }
0x4d: {  	[tilespmem:s26], [sflag:$0x1] =	stream.indirect.gather [hbm4b:s1+s22], $0x80, s19, s22, $0xb8;
	[tilespmem:$0x1F200] =	vst v63  }
0x4e: {  	_ =	swait.ge [sflag:s9], $0x40  }
0x4f: {  	[sflag:s9] =	ssyncset.done $0x0  }
0x50: {  	[sflag:s9] =	ssyncadd.s32 $0xFFFFFFC0  }
0x51: {  	_ =	swait.ge [sflag:s10], $0x2000  }
0x52: {  	[sflag:s10] =	ssyncset.done $0x0  }
0x53: {  	[sflag:s10] =	ssyncadd.s32 $0xFFFFE000  }
0x54: {  	[spmem:s3] =	stream.indirect.scatter.add.f32 [tilespmem:s23], [sflag:$0xB], $0x80, s21, s22, $0xb8;
	[tilespmem:$0x1F200] =	vst v63  }
0x55: {  	_ =	swait.ge [sflag:s11], $0x2000  }
0x56: {  	[sflag:s11] =	ssyncset.done $0x0  }
0x57: {  	s19 =	rddreg [dreg:$0x10];
	[sflag:s11] =	ssyncadd.s32 $0xFFFFE000  }
0x58: {  	[tilespmem:s18], [sflag:$0x6] =	stream.linear.gather [hbm4b:s19+s4], $0x40, $0x38;
	[tilespmem:$0x1F200] =	vst v63  }
0x59: {  	s25 =	simm.s32 $0x140  }
0x5a: {  	[tilespmem:s20], [sflag:$0x2] =	stream.indirect.gather [hbm4b:s1+s22], $0x80, s25, s22, $0xb8;
	[tilespmem:$0x1F200] =	vst v63  }
0x5b: {  	_ =	swait.ge [sflag:s12], $0x40  }
0x5c: {  	[sflag:s12] =	ssyncset.done $0x0  }
0x5d: {  	[sflag:s12] =	ssyncadd.s32 $0xFFFFFFC0  }
0x5e: {  	_ =	swait.ge [sflag:s13], $0x2000  }
0x5f: {  	[sflag:s13] =	ssyncset.done $0x0  }
0x60: {  	[sflag:s13] =	ssyncadd.s32 $0xFFFFE000  }
0x61: {  	[spmem:s3] =	stream.indirect.scatter.add.f32 [tilespmem:s24], [sflag:$0xC], $0x80, s16, s22, $0xb8;
	[tilespmem:$0x1F200] =	vst v63  }
0x62: {  	_ =	swait.ge [sflag:s14], $0x2000  }
0x63: {  	[sflag:s14] =	ssyncset.done $0x0  }
0x64: {  	s26 =	rddreg [dreg:$0xf];
	[sflag:s14] =	ssyncadd.s32 $0xFFFFE000  }
0x65: {  	[tilespmem:s21], [sflag:$0x7] =	stream.linear.gather [hbm4b:s26+s4], $0x40, $0x38;
	[tilespmem:$0x1F200] =	vst v63  }
0x66: {  	s29 =	simm.s32 $0x180  }
0x67: {  	[tilespmem:s23], [sflag:$0x3] =	stream.indirect.gather [hbm4b:s1+s22], $0x80, s29, s22, $0xb8;
	[tilespmem:$0x1F200] =	vst v63  }
0x68: {  	_ =	swait.ge [sflag:s6], $0x2000  }
0x69: {  	s15 =	simm.s32 $0x400;
	s7 =	simm.s32 $0x1C0;
	[sflag:s6] =	ssyncset.done $0x0  }
0x6a: {  	s19 =	sadd.s32 $0x20, s19;
	s30 =	rddreg [dreg:$0x12];
	[sflag:s6] =	ssyncadd.s32 $0xFFFFE000  }
0x6b: {  	[tilespmem:s16], [sflag:$0x8] =	stream.linear.gather [hbm4b:s30+s4], $0x40, $0x38;
	[tilespmem:$0x1F200] =	vst v63  }
0x6c: {  	s18 =	sadd.s32 $0x20, s26;
	s17 =	sadd.s32 $0x20, s30;
	s16 =	sadd.s32 $0x20, s2  }
.LBB2_2:
0x6d: {  	[tilespmem:s28], [sflag:$0x4] =	stream.indirect.gather [hbm4b:s1+s22], $0x80, s7, s22, $0xb8;
	[tilespmem:$0x1F200] =	vst v63  }
0x6e: {  	s7 =	smov.u32 s15;
	s20 =	smov.u32 s17;
	s0 =	simm.s32 $0x5  }
0x6f: {  	p0 =	sne.s32 s15, $0x9400;
	s15 =	sadd.s32 $0x400, s15;
	_ =	swait.ge [sflag:s0], $0x40  }
0x70: {  	[sflag:s0] =	ssyncset.done $0x0  }
0x71: {  	[sflag:s0] =	ssyncadd.s32 $0xFFFFFFC0;
	s0 =	simm.s32 $0x1  }
0x72: {  	_ =	swait.ge [sflag:s0], $0x2000  }
0x73: {  	[sflag:s0] =	ssyncset.done $0x0  }
0x74: {  	s21 =	simm.s32 $0x2780;
	s25 =	simm.s32 $0x2980;
	[sflag:s0] =	ssyncadd.s32 $0xFFFFE000  }
0x75: {  	[spmem:s3] =	stream.indirect.scatter.add.f32 [tilespmem:s25], [sflag:$0x9], $0x80, s21, s22, $0xb8;
	[tilespmem:$0x1F200] =	vst v63  }
0x76: {  	_ =	swait.ge [sflag:s31], $0x40  }
0x77: {  	[sflag:s31] =	ssyncset.done $0x0  }
0x78: {  	[sflag:s31] =	ssyncadd.s32 $0xFFFFFFC0  }
0x79: {  	_ =	swait.ge [sflag:s5], $0x2000  }
0x7a: {  	[sflag:s5] =	ssyncset.done $0x0  }
0x7b: {  	s26 =	simm.s32 $0x2800;
	s29 =	simm.s32 $0x4980;
	[sflag:s5] =	ssyncadd.s32 $0xFFFFE000  }
0x7c: {  	[spmem:s3] =	stream.indirect.scatter.add.f32 [tilespmem:s29], [sflag:$0xA], $0x80, s26, s22, $0xb8;
	[tilespmem:$0x1F200] =	vst v63  }
0x7d: {  	_ =	swait.ge [sflag:s8], $0x2000  }
0x7e: {  	[sflag:s8] =	ssyncset.done $0x0  }
0x7f: {  	s23 =	simm.s32 $0x2780;
	s7 =	sshra.s32 s7, $0x2;
	[sflag:s8] =	ssyncadd.s32 $0xFFFFE000  }
0x80: {  	[tilespmem:s21], [sflag:$0x5] =	stream.linear.gather [hbm4b:s16+s4], $0x40, $0x38;
	[tilespmem:$0x1F200] =	vst v63  }
0x81: {  	s24 =	simm.s32 $0x2980;
	s21 =	sadd.s32 $0x100, s7  }
0x82: {  	[tilespmem:s25], [sflag:$0x1] =	stream.indirect.gather [hbm4b:s1+s22], $0x80, s21, s22, $0xb8;
	[tilespmem:$0x1F200] =	vst v63  }
0x83: {  	_ =	swait.ge [sflag:s9], $0x40  }
0x84: {  	[sflag:s9] =	ssyncset.done $0x0  }
0x85: {  	[sflag:s9] =	ssyncadd.s32 $0xFFFFFFC0  }
0x86: {  	_ =	swait.ge [sflag:s10], $0x2000  }
0x87: {  	[sflag:s10] =	ssyncset.done $0x0  }
0x88: {  	s30 =	simm.s32 $0x2880;
	s0 =	simm.s32 $0x6980;
	[sflag:s10] =	ssyncadd.s32 $0xFFFFE000  }
0x89: {  	[spmem:s3] =	stream.indirect.scatter.add.f32 [tilespmem:s0], [sflag:$0xB], $0x80, s30, s22, $0xb8;
	[tilespmem:$0x1F200] =	vst v63  }
0x8a: {  	_ =	swait.ge [sflag:s11], $0x2000  }
0x8b: {  	[sflag:s11] =	ssyncset.done $0x0  }
0x8c: {  	s25 =	simm.s32 $0x2800;
	[sflag:s11] =	ssyncadd.s32 $0xFFFFE000  }
0x8d: {  	[tilespmem:s26], [sflag:$0x6] =	stream.linear.gather [hbm4b:s19+s4], $0x40, $0x38;
	[tilespmem:$0x1F200] =	vst v63  }
0x8e: {  	s21 =	sadd.s32 $0x140, s7;
	s26 =	simm.s32 $0x4980  }
0x8f: {  	[tilespmem:s29], [sflag:$0x2] =	stream.indirect.gather [hbm4b:s1+s22], $0x80, s21, s22, $0xb8;
	[tilespmem:$0x1F200] =	vst v63  }
0x90: {  	_ =	swait.ge [sflag:s12], $0x40  }
0x91: {  	[sflag:s12] =	ssyncset.done $0x0  }
0x92: {  	[sflag:s12] =	ssyncadd.s32 $0xFFFFFFC0  }
0x93: {  	_ =	swait.ge [sflag:s13], $0x2000  }
0x94: {  	[sflag:s13] =	ssyncset.done $0x0  }
0x95: {  	s2 =	simm.s32 $0x2900;
	[sflag:s13] =	ssyncadd.s32 $0xFFFFE000  }
0x96: {  	[spmem:s3] =	stream.indirect.scatter.add.f32 [tilespmem:s28], [sflag:$0xC], $0x80, s2, s22, $0xb8;
	[tilespmem:$0x1F200] =	vst v63  }
0x97: {  	_ =	swait.ge [sflag:s14], $0x2000  }
0x98: {  	[sflag:s14] =	ssyncset.done $0x0  }
0x99: {  	s29 =	simm.s32 $0x2880;
	[sflag:s14] =	ssyncadd.s32 $0xFFFFE000  }
0x9a: {  	[tilespmem:s30], [sflag:$0x7] =	stream.linear.gather [hbm4b:s18+s4], $0x40, $0x38;
	[tilespmem:$0x1F200] =	vst v63  }
0x9b: {  	s21 =	sadd.s32 $0x180, s7;
	s30 =	simm.s32 $0x6980  }
0x9c: {  	[tilespmem:s0], [sflag:$0x3] =	stream.indirect.gather [hbm4b:s1+s22], $0x80, s21, s22, $0xb8;
	[tilespmem:$0x1F200] =	vst v63  }
.Ltmp0:
0x9d: {  	_ =	swait.ge [sflag:s6], $0x2000;
	(pc) =	sbr.rel @p0 .LBB2_2-.Ltmp0, $4  }
0x9e: {  	s17 =	sadd.s32 $0x20, s17;
	[sflag:s6] =	ssyncset.done $0x0  }
0x9f: {  	s16 =	sadd.s32 $0x20, s16;
	s0 =	simm.s32 $0x2900;
	[sflag:s6] =	ssyncadd.s32 $0xFFFFE000  }
0xa0: {  	[tilespmem:s2], [sflag:$0x8] =	stream.linear.gather [hbm4b:s20+s4], $0x40, $0x38;
	[tilespmem:$0x1F200] =	vst v63  }
0xa1: {  	s19 =	sadd.s32 $0x20, s19;
	s7 =	sadd.s32 $0x1C0, s7;
	s18 =	sadd.s32 $0x20, s18  }
0xa2: {  	s2 =	simm.s32 $0x8980;
	s20 =	simm.s32 $0x5  }
0xa3: {  	[tilespmem:s2], [sflag:$0x4] =	stream.indirect.gather [hbm4b:s1+s22], $0x80, s7, s22, $0xb8;
	[tilespmem:$0x1F200] =	vst v63  }
0xa4: {  	_ =	swait.ge [sflag:s20], $0x40  }
0xa5: {  	[sflag:s20] =	ssyncset.done $0x0  }
0xa6: {  	s15 =	simm.s32 $0x1;
	[sflag:s20] =	ssyncadd.s32 $0xFFFFFFC0  }
0xa7: {  	_ =	swait.ge [sflag:s15], $0x2000  }
0xa8: {  	[sflag:s15] =	ssyncset.done $0x0  }
0xa9: {  	[sflag:s15] =	ssyncadd.s32 $0xFFFFE000  }
0xaa: {  	[spmem:s3] =	stream.indirect.scatter.add.f32 [tilespmem:s24], [sflag:$0x9], $0x80, s23, s22, $0xb8;
	[tilespmem:$0x1F200] =	vst v63  }
0xab: {  	_ =	swait.ge [sflag:s31], $0x40  }
0xac: {  	[sflag:s31] =	ssyncset.done $0x0  }
0xad: {  	[sflag:s31] =	ssyncadd.s32 $0xFFFFFFC0  }
0xae: {  	_ =	swait.ge [sflag:s5], $0x2000  }
0xaf: {  	[sflag:s5] =	ssyncset.done $0x0  }
0xb0: {  	[sflag:s5] =	ssyncadd.s32 $0xFFFFE000  }
0xb1: {  	[spmem:s3] =	stream.indirect.scatter.add.f32 [tilespmem:s26], [sflag:$0xA], $0x80, s25, s22, $0xb8;
	[tilespmem:$0x1F200] =	vst v63  }
0xb2: {  	_ =	swait.ge [sflag:s8], $0x2000  }
0xb3: {  	[sflag:s8] =	ssyncset.done $0x0  }
0xb4: {  	[sflag:s8] =	ssyncadd.s32 $0xFFFFE000  }
0xb5: {  	_ =	swait.ge [sflag:s9], $0x40  }
0xb6: {  	[sflag:s9] =	ssyncset.done $0x0  }
0xb7: {  	[sflag:s9] =	ssyncadd.s32 $0xFFFFFFC0  }
0xb8: {  	_ =	swait.ge [sflag:s10], $0x2000  }
0xb9: {  	[sflag:s10] =	ssyncset.done $0x0  }
0xba: {  	[sflag:s10] =	ssyncadd.s32 $0xFFFFE000  }
0xbb: {  	[spmem:s3] =	stream.indirect.scatter.add.f32 [tilespmem:s30], [sflag:$0xB], $0x80, s29, s22, $0xb8;
	[tilespmem:$0x1F200] =	vst v63  }
0xbc: {  	_ =	swait.ge [sflag:s11], $0x2000  }
0xbd: {  	[sflag:s11] =	ssyncset.done $0x0  }
0xbe: {  	[sflag:s11] =	ssyncadd.s32 $0xFFFFE000  }
0xbf: {  	_ =	swait.ge [sflag:s12], $0x40  }
0xc0: {  	[sflag:s12] =	ssyncset.done $0x0  }
0xc1: {  	[sflag:s12] =	ssyncadd.s32 $0xFFFFFFC0  }
0xc2: {  	_ =	swait.ge [sflag:s13], $0x2000  }
0xc3: {  	[sflag:s13] =	ssyncset.done $0x0  }
0xc4: {  	[sflag:s13] =	ssyncadd.s32 $0xFFFFE000  }
0xc5: {  	[spmem:s3] =	stream.indirect.scatter.add.f32 [tilespmem:s2], [sflag:$0xC], $0x80, s0, s22, $0xb8;
	[tilespmem:$0x1F200] =	vst v63  }
0xc6: {  	_ =	swait.ge [sflag:s14], $0x2000  }
0xc7: {  	[sflag:s14] =	ssyncset.done $0x0  }
0xc8: {  	[sflag:s14] =	ssyncadd.s32 $0xFFFFE000  }
0xc9: {  	_ =	swait.ge [sflag:s6], $0x2000  }
0xca: {  	s17 =	simm.s32 $0xD;
	[sflag:s6] =	ssyncset.done $0x0  }
0xcb: {  	s23 =	simm.s32 $0xB180;
	s21 =	rddreg [dreg:$0xc];
	[sflag:s6] =	ssyncadd.s32 $0xFFFFE000  }
0xcc: {  	[tilespmem:s23], [sflag:$0xD] =	stream.linear.gather [hbm4b:s21+s4], $0x10, $0x38;
	[tilespmem:$0x1F200] =	vst v63  }
0xcd: {  	_ =	swait.ge [sflag:s17], $0x10  }
0xce: {  	s16 =	simm.s32 $0xA980;
	[sflag:s17] =	ssyncset.done $0x0  }
0xcf: {  	s24 =	simm.s32 $0x10;
	s25 =	simm.s32 $0x2700;
	[sflag:s17] =	ssyncadd.s32 $0xFFFFFFF0  }
0xd0: {  	[tilespmem:s16], [sflag:$0x1] =	stream.indirect.gather [hbm4b:s1+s24], $0x80, s25, s24, $0xb8;
	[tilespmem:$0x1F200] =	vst v63  }
0xd1: {  	_ =	swait.ge [sflag:s15], $0x800  }
0xd2: {  	[sflag:s15] =	ssyncset.done $0x0  }
0xd3: {  	[sflag:s15] =	ssyncadd.s32 $0xFFFFF800  }
0xd4: {  	[spmem:s3] =	stream.indirect.scatter.add.f32 [tilespmem:s16], [sflag:$0xD], $0x80, s23, s24, $0xb8;
	[tilespmem:$0x1F200] =	vst v63  }
0xd5: {  	_ =	swait.ge [sflag:s17], $0x800  }
0xd6: {  	[sflag:s17] =	ssyncset.done $0x0  }
0xd7: {  	[sflag:s17] =	ssyncadd.s32 $0xFFFFF800  }
0xd8: {  	[bflag:$0x0] =	sbarrier.arrive $0xFFFF  }
0xd9: {  	s15 =	rddreg [dreg:$0x7]  }
0xda: {  	s26 =	rddreg [dreg:$0xd]  }
0xdb: {  	s16 =	rddreg [dreg:$0x13]  }
0xdc: {  	[hbm:s26], [sflag:s15] =	dma.local [spmem:s16], $0x2800  }
0xdd: {  	_ =	swait.ge [sflag:s17], $0x2800  }
0xde: {  	s29 =	rddreg [dreg:$0x14]  }
0xdf: {  	s30 =	rddreg [dreg:$0xe];
	s0 =	sadd.s32 $0x1, s29  }
0xe0: {  	p0 =	sne.s32 s0, s30  }
.Ltmp1:
0xe1: {  	_ = 	snop;
	(pc) =	sbr.rel @p0 .LBB2_1-.Ltmp1, $3  }
0xe2: {  	_ =	sdelay $0x1  }
0xe3: {  	[sflag:s17] =	ssyncset.done $0x0  }
0xe4: {  	[sflag:s17] =	ssyncadd.s32 $0xFFFFD800  }
0xe5: {  	_ =	sfence.sel $0x180000  }
0xe6: {  	[bflag:$0x0] =	sbarrier.arrive $0xFFFF  }
0xe7: {  	_ =	strace $0x9000004D  }
0xe8: {  	s0 =	stileid.u32;
	[bflag:$0x2] =	sbarrier.arrive $0xFFFF  }
0xe9: {  	p0 =	sne.s32 s0, $0x0;
	s0 =	rddreg [dreg:$0x4]  }
0xea: {  	s0 =	sadd.s32 @!p0 $0x100000, s0  }
0xeb: {  	[sflag:s0] =	ssyncadd.tile.s32 @!p0 $0x1;
	_ =	shalt  }
.Lfunc_end2:
_tile_overlayer_lowered:
.L_overlay_start_2:
0xec: {  	(tag) =	ssettag $0x2  }
0xed: {  	s0 =	rddreg [dreg:$0x0];
	s2 =	stileid.u32  }
0xee: {  	s1 =	rddreg [dreg:$0x1];
	p0 =	sne.s32 s2, $0x0  }
0xef: {  	s3 =	rddreg [dreg:$0x2];
	[bflag:$0x3] =	sbarrier.arrive $0xFFFF;
	s2 =	simm.s32 @!p0 $0x1C0D  }
0xf0: {  	[timem:s3], [sflag:s2] =	dma.local @!p0 [hbm:s0], s1  }
0xf1: {  	s0 =	simm.s32 @!p0 $0xD  }
0xf2: {  	_ =	swait.ge @!p0 [sflag:s0], s1  }
0xf3: {  	s1 =	ssub.s32 @!p0 $0x0, s1;
	[sflag:s0] =	ssyncset.done @!p0 $0x0  }
0xf4: {  	[sflag:s0] =	ssyncadd.s32 @!p0 s1  }
0xf5: {  	[bflag:$0x3] =	sbarrier.arrive $0xFFFF  }
0xf6: {  	_ =	shalt  }

// kernel: kernel.22.cloned.1.call-start
scs
__scs_entry_jumppad:
0x0: {  	(pc) =	sbr.rel $0x88, $3  }
0x1: {  	(tag) =	ssettag $0x0;
	lr =	simm.s32 $0x1  }
0x2: {  	[smem:$0x3F8F] =	sst lr;
	_ =	strace $0xD0000000  }
0x3: {  	_ = 	snop  }
0x4: {  	_ = 	snop  }
0x5: {  	_ = 	snop  }
0x6: {  	_ = 	snop  }
0x7: {  	_ = 	snop  }
__scs_overlays_trampoline_lowered:
0x8: {  	[smem:$0x3F9E] =	sst s0  }
0x9: {  	[smem:$0x3F9F] =	sst s1  }
0xa: {  	[smem:$0x3FA0] =	sst s2  }
0xb: {  	[smem:$0x3FA1] =	sst s3  }
0xc: {  	[smem:$0x3FA2] =	sst s4  }
0xd: {  	[smem:$0x3FA3] =	sst s5  }
0xe: {  	[smem:$0x3FA4] =	sst s6  }
0xf: {  	[smem:$0x3FA5] =	sst s7  }
0x10: {  	[smem:$0x3FA6] =	sst s8  }
0x11: {  	[smem:$0x3FA7] =	sst s9;
	s0 =	simm.s32 @!p0 $0x0  }
0x12: {  	s1 =	sld [smem:$0x3F8D];
	s0 =	simm.s32 @p0 $0x1  }
0x13: {  	[smem:$0x3FA8] =	sst s0;
	s0 =	simm.s32 @!p1 $0x0  }
0x14: {  	s2 =	sld [smem:$0x3F8C];
	s0 =	simm.s32 @p1 $0x1  }
0x15: {  	[smem:$0x3FA9] =	sst s0;
	s0 =	simm.s32 @!p2 $0x0  }
0x16: {  	s3 =	sld [smem:$0x3FDB];
	s0 =	simm.s32 @p2 $0x1  }
0x17: {  	s4 =	simm.s32 $0x1BF5;
	[smem:$0x3FAB] =	sst s0  }
0x18: {  	s0 =	sld [smem:$0x3F8E];
	_ =	swait.ge [sflag:s4], $0x0  }
0x19: {  	s7 =	sld [smem:$0x3F8F]  }
0x1a: {  	s8 =	sadd.s32 $0xFFFFE003, lr  }
0x1b: {  	s9 =	sadd.s32 $0xFFFFFEF7, lr;
	s5 =	simm.s32 $0xFFFFFFFF;
	p2 =	slt.u32 s8, $0xFFFFF086  }
0x1c: {  	p1 =	slt.u32 s9, $0xF7A;
	s5 =	simm.s32 @!p2 $0x0  }
0x1d: {  	s5 =	simm.s32 @p1 $0x1;
	p0 =	seq.s32 s7, s2  }
0x1e: {  	s7 =	smul.u32 @!p0 $0xF7A, s2;
	p2 =	seq.s32 @!p0 s5, $0x0  }
0x1f: {  	s9 =	smul.u32 $0xF7A, s1;
	s8 =	simm.s32 @!p0 $0x1BF5;
	p2 =	por !p2, p0  }
0x20: {  	[sflag:s8] =	ssyncset.s32 @!p0 $0xFFFFF086;
	s6 =	sadd.s32 @!p0 s3, s7;
	s7 =	simm.s32 @!p0 $0x108  }
0x21: {  	s3 =	sadd.s32 s3, s9;
	s6 =	sadd.s32 @!p0 $0x88, s6;
	s7 =	simm.s32 @p2 $0x1082  }
0x22: {  	[simem:s7], [sflag:s8] =	dma.local @!p0 [hbm:s6], $0xF7A  }
0x23: {  	s9 =	sor.u32 $0xD0000000, s2;
	s6 =	simm.s32 $0x108;
	_ =	swait.ge @!p0 [sflag:s8], $0x0  }
0x24: {  	s3 =	sadd.s32 $0x88, s3;
	s6 =	simm.s32 @!p1 $0x1082;
	[sflag:s4] =	ssyncset.s32 $0xFFFFF086  }
0x25: {  	[simem:s6], [sflag:s4] =	dma.local [hbm:s3], $0xF7A  }
0x26: {  	[smem:$0x3F8F] =	sst s1;
	(tag) =	ssettag s2;
	_ =	strace s9  }
0x27: {  	s1 =	sld [smem:$0x3F9F]  }
0x28: {  	s2 =	sld [smem:$0x3FA0]  }
0x29: {  	s4 =	sld [smem:$0x3FA2]  }
0x2a: {  	p0 =	seq.s32 s5, $0x0;
	s5 =	sld [smem:$0x3FA3]  }
0x2b: {  	s6 =	sld [smem:$0x3FA4]  }
0x2c: {  	s7 =	sld [smem:$0x3FA5]  }
0x2d: {  	s3 =	simm.s32 $0x108;
	s8 =	sld [smem:$0x3FA6]  }
0x2e: {  	s3 =	simm.s32 @!p0 $0x1082;
	s9 =	sld [smem:$0x3FA7]  }
0x2f: {  	lr =	sadd.s32 s0, s3;
	s0 =	sld [smem:$0x3F9E]  }
0x30: {  	s3 =	sld [smem:$0x3FA1]  }
0x31: {  	[smem:$0x3FAA] =	sst s10  }
0x32: {  	s10 =	sld [smem:$0x3FA8];
	_ =	sdelay $0x3  }
0x33: {  	p0 =	seq.s32 s10, $0x1;
	s10 =	sld [smem:$0x3FAA];
	_ =	sdelay $0x3  }
0x34: {  	[smem:$0x3FAA] =	sst s10  }
0x35: {  	s10 =	sld [smem:$0x3FA9];
	_ =	sdelay $0x3  }
0x36: {  	p1 =	seq.s32 s10, $0x1;
	s10 =	sld [smem:$0x3FAA];
	_ =	sdelay $0x3  }
0x37: {  	[smem:$0x3FAA] =	sst s10  }
0x38: {  	s10 =	sld [smem:$0x3FAB]  }
0x39: {  	_ = 	snop;
	(pc) =	sbr.ind lr, $3  }
0x3a: {  	_ = 	snop  }
0x3b: {  	_ = 	snop  }
0x3c: {  	p2 =	seq.s32 s10, $0x1;
	s10 =	sld [smem:$0x3FAA]  }
0x3d: {  	_ =	shalt  }
0x3e: {  	_ =	shalt  }
0x3f: {  	_ =	shalt  }
0x40: {  	_ =	shalt  }
0x41: {  	_ =	shalt  }
0x42: {  	_ =	shalt  }
0x43: {  	_ =	shalt  }
0x44: {  	_ =	shalt  }
0x45: {  	_ =	shalt  }
0x46: {  	_ =	shalt  }
0x47: {  	_ =	shalt  }
0x48: {  	_ =	shalt  }
0x49: {  	_ =	shalt  }
0x4a: {  	_ =	shalt  }
0x4b: {  	_ =	shalt  }
0x4c: {  	_ =	shalt  }
0x4d: {  	_ =	shalt  }
0x4e: {  	_ =	shalt  }
0x4f: {  	_ =	shalt  }
0x50: {  	_ =	shalt  }
0x51: {  	_ =	shalt  }
0x52: {  	_ =	shalt  }
0x53: {  	_ =	shalt  }
0x54: {  	_ =	shalt  }
0x55: {  	_ =	shalt  }
0x56: {  	_ =	shalt  }
0x57: {  	_ =	shalt  }
0x58: {  	_ =	shalt  }
0x59: {  	_ =	shalt  }
0x5a: {  	_ =	shalt  }
0x5b: {  	_ =	shalt  }
0x5c: {  	_ =	shalt  }
0x5d: {  	_ =	shalt  }
0x5e: {  	_ =	shalt  }
0x5f: {  	_ =	shalt  }
0x60: {  	_ =	shalt  }
0x61: {  	_ =	shalt  }
0x62: {  	_ =	shalt  }
0x63: {  	_ =	shalt  }
0x64: {  	_ =	shalt  }
0x65: {  	_ =	shalt  }
0x66: {  	_ =	shalt  }
0x67: {  	_ =	shalt  }
0x68: {  	_ =	shalt  }
0x69: {  	_ =	shalt  }
0x6a: {  	_ =	shalt  }
0x6b: {  	_ =	shalt  }
0x6c: {  	_ =	shalt  }
0x6d: {  	_ =	shalt  }
0x6e: {  	_ =	shalt  }
0x6f: {  	_ =	shalt  }
0x70: {  	_ =	shalt  }
0x71: {  	_ =	shalt  }
0x72: {  	_ =	shalt  }
0x73: {  	_ =	shalt  }
0x74: {  	_ =	shalt  }
0x75: {  	_ =	shalt  }
0x76: {  	_ =	shalt  }
0x77: {  	_ =	shalt  }
0x78: {  	_ =	shalt  }
0x79: {  	_ =	shalt  }
0x7a: {  	_ =	shalt  }
0x7b: {  	_ =	shalt  }
0x7c: {  	_ =	shalt  }
0x7d: {  	_ =	shalt  }
0x7e: {  	_ =	shalt  }
0x7f: {  	_ =	shalt  }
0x80: {  	_ =	shalt  }
0x81: {  	_ =	shalt  }
0x82: {  	_ =	shalt  }
0x83: {  	_ =	shalt  }
0x84: {  	_ =	shalt  }
0x85: {  	_ =	shalt  }
0x86: {  	_ =	shalt  }
0x87: {  	_ =	shalt  }
.Lfunc_end0:
.L_simem_size_0:
called_computation.3_lowered:
.L_overlay_start_0:
0x88: {  	s2 =	sld [smem:$0x3FD9]  }
0x89: {  	s3 =	sld [smem:$0x3FFE];
	_ =	sdelay $0x1  }
0x8a: {  	s1 =	srdreg.scid  }
0x8b: {  	s0 =	sand.u32 $0x1, s1  }
0x8c: {  	s14 =	sshll.u32 s0, $0xA;
	s2 =	sadd.s32 s3, s2  }
0x8d: {  	s2 =	sadd.s32 s2, s14  }
0x8e: {  	[smem:$0x3FB6] =	sst s2  }
0x8f: {  	_ = 	snop  }
0x90: {  	s2 =	sld [smem:$0x3FD0];
	_ =	sdelay $0x2  }
0x91: {  	s15 =	simm.s32 $0xB;
	s4 =	simm.s32 $0x10  }
0x92: {  	[smem:s4], [sflag:s15] =	dma.local [hbm:s2], $0x1  }
0x93: {  	_ =	swait.eq [sflag:s15], $0x1  }
0x94: {  	[sflag:s15] =	ssyncset.done $0x0  }
0x95: {  	s16 =	sld [smem:$0x10];
	[sflag:s15] =	ssyncadd.s32 $0xFFFFFFFF  }
0x96: {  	s17 =	sld [smem:$0x14];
	(tm) =	ssettm $0x1  }
0x97: {  	s18 =	sld [smem:$0x3FFB];
	_ =	sdelay $0x3  }
0x98: {  	_ =	strace s18  }
0x99: {  	s4 =	sld [smem:$0x3FFC];
	_ =	sdelay $0x3  }
0x9a: {  	_ =	strace s4  }
0x9b: {  	s4 =	sld [smem:$0x3FFD];
	_ =	sdelay $0x3  }
0x9c: {  	_ =	strace s4  }
0x9d: {  	_ =	strace $0x8FFFFFFF  }
0x9e: {  	s19 =	sld [smem:$0x3FDB];
	_ =	sdelay $0x1  }
0x9f: {  	s5 =	simm.s32 $_scs_section_size  }
0xa0: {  	s6 =	simm.s32 $_size__tile_overlayer_lowered;
	s7 =	simm.s32 $_tile_overlayer_lowered  }
0xa1: {  	s22 =	simm.s32 $0x1BFF;
	s21 =	sshll.u32 s7, $0x1;
	s4 =	sadd.s32 s5, s19  }
0xa2: {  	s8 =	simm.s32 $0x0;
	s20 =	sshll.u32 s6, $0x1;
	s6 =	sadd.s32 s21, s4  }
0xa3: {  	[timem:s8], [sflag:s22] =	dma.local [hbm:s6], s20  }
0xa4: {  	_ =	swait.ge [sflag:s22], s20  }
0xa5: {  	s5 =	ssub.s32 $0x0, s20;
	[sflag:s22] =	ssyncset.done $0x0  }
0xa6: {  	[sflag:s22] =	ssyncadd.s32 s5;
	_ =	sdelay $0x1  }
0xa7: {  	s23 =	simm.s32 $0x1B8B  }
0xa8: {  	_ =	swait.ge [sflag:s23], $0x1  }
0xa9: {  	[sflag:s23] =	ssyncset.done $0x0  }
0xaa: {  	s25 =	simm.s32 $0x1B8E;
	s24 =	sld [smem:$0x3FFE];
	[sflag:s23] =	ssyncadd.s32 $0xFFFFFFFF  }
0xab: {  	s26 =	simm.s32 $execute0_lowered;
	[smem:$0x3FD2] =	sst s25  }
0xac: {  	s6 =	sshll.u32 s26, $0x1;
	_ =	strace $0x8000004F;
	[dreg:$0x1] =	wrdreg $0xFFFFFFFF  }
0xad: {  	s28 =	simm.s32 $_size_execute0_lowered;
	s4 =	sadd.s32 s4, s6;
	[dreg:$0x0] =	wrdreg $0x0  }
0xae: {  	s6 =	sshll.u32 s28, $0x1;
	[dreg:$0x2] =	wrdreg s4  }
0xaf: {  	[dreg:$0x3] =	wrdreg s6  }
0xb0: {  	[dreg:$0x4] =	wrdreg $0xC0  }
0xb1: {  	_ =	task [dreg:s8], $0x5FFFF  }
0xb2: {  	[dreg:$0x1] =	wrdreg $0xFFFFFFFF  }
0xb3: {  	[dreg:$0x0] =	wrdreg $0x60  }
0xb4: {  	[dreg:$0x2] =	wrdreg s16  }
0xb5: {  	[dreg:$0x3] =	wrdreg s24  }
0xb6: {  	[dreg:$0x4] =	wrdreg s17  }
0xb7: {  	[dreg:$0x5] =	wrdreg $0xB2000  }
0xb8: {  	[dreg:$0x6] =	wrdreg $0x9  }
0xb9: {  	_ =	task.clear_ibuf [dreg:s8], $0x7FFFF;
	_ =	strace $0x9000004F  }
0xba: {  	s29 =	simm.s32 $0x9;
	_ =	strace $0x80000051  }
0xbb: {  	_ =	swait.ge [sflag:s29], $0x1  }
0xbc: {  	[sflag:s29] =	ssyncadd.s32 $0xFFFFFFFF  }
0xbd: {  	_ =	strace $0x90000051  }
0xbe: {  	_ =	sfence  }
0xbf: {  	s30 =	sld [smem:$0x0];
	_ =	sdelay $0x2  }
0xc0: {  	s31 =	sshll.u32 s1, $0xD;
	s1 =	sshrl.u32 s1, $0x2  }
0xc1: {  	s3 =	sand.u32 $0x4000, s31;
	s1 =	sadd.s32 s1, s30  }
0xc2: {  	s0 =	sor.u32 s3, s0;
	s1 =	sshll.u32 s1, $0x11  }
0xc3: {  	s0 =	sor.u32 s1, s0  }
0xc4: {  	s0 =	sadd.s32 $0x8F2B, s0  }
0xc5: {  	[sflag:s0] =	ssyncadd.remote.s32 $0x1  }
0xc6: {  	_ =	sfence.sel $0xFFFF  }
0xc7: {  	[dreg:$0x0] =	wrdreg $0xFFFFFFFF;
	(pc) =	sbr.abs _section_cstart, $3  }
0xc8: {  	[dreg:$0x1] =	wrdreg $0xFFFFFFFF  }
0xc9: {  	_ =	task.clear_ibuf [dreg:s8], $0x2FFFF;
	_ =	strace $0x9FFFFFFF  }
0xca: {  	(tm) =	ssettm $0x7FFFFFFF  }
0xcb: {  	_ =	shalt  }
tec
execute0_lowered:
.L_overlay_start_1:
0x0: {  	(tag) =	ssettag $0x1  }
0x1: {  	s1 =	rddreg [dreg:$0x0]  }
0x2: {  	s0 =	rddreg [dreg:$0x1]  }
0x3: {  	s2 =	rddreg [dreg:$0x2]  }
0x4: {  	s3 =	rddreg [dreg:$0x3];
	s4 =	simm.s32 $0x0  }
0x5: {  	s13 =	stileid.u32;
	s5 =	srdreg.scid;
	s31 =	simm.s32 $0x6  }
0x6: {  	s28 =	simm.s32 $0x8980;
	[smem:$0x7FF] =	sst s4;
	s6 =	smul.u32 $0x14000, s13  }
0x7: {  	s5 =	sand.u32 $0x1, s5;
	s7 =	sadd.s32 $0x54800, s0;
	s8 =	smul.u32 $0x50000, s13  }
0x8: {  	s15 =	sshll.u32 s13, $0x6;
	s17 =	smul.u32 $0x2710, s13;
	_ =	strace $0x80000050  }
0x9: {  	s9 =	sshll.u32 s5, $0x4;
	s11 =	ssub.s32 $0x2, s5;
	s14 =	smul.u32 $0x27100, s5  }
0xa: {  	s15 =	sor.u32 $0x1C0D, s15;
	s5 =	smul.u32 $0x140000, s5;
	s10 =	sshrl.u32 s6, $0x3  }
0xb: {  	s9 =	sor.u32 s13, s9;
	s12 =	sshrl.u32 s11, $0x1;
	s8 =	sshrl.u32 s8, $0x2  }
0xc: {  	s13 =	simm.s32 $0x4;
	[dreg:$0x7] =	wrdreg s15;
	s9 =	smul.u32 $0x2710, s9  }
0xd: {  	s0 =	sadd.s32 s10, s0;
	s30 =	ssub.s32 s11, s12;
	s8 =	sadd.s32 s8, s3  }
0xe: {  	s5 =	sadd.s32 s6, s5;
	s10 =	simm.s32 $0x3;
	s11 =	simm.s32 $0xA  }
0xf: {  	s0 =	sadd.s32 $0x68200, s0;
	s5 =	sshrl.u32 s5, $0x3;
	s24 =	smax.u32 s30, $0x1  }
0x10: {  	[dreg:$0x5] =	wrdreg s0;
	s12 =	sshrl.u32 s9, $0x3;
	s0 =	sadd.s32 s17, s14  }
0x11: {  	s2 =	sadd.s32 s2, s5;
	[dreg:$0xe] =	wrdreg s24;
	s17 =	simm.s32 $0xD  }
0x12: {  	s9 =	simm.s32 $0x7;
	s14 =	simm.s32 $0xB;
	s16 =	sadd.s32 s7, s12  }
0x13: {  	s22 =	sadd.s32 $0x4E380, s0;
	[dreg:$0xd] =	wrdreg s2;
	s26 =	sadd.s32 $0x4E340, s0  }
0x14: {  	s29 =	sadd.s32 $0x4E300, s0;
	s18 =	sadd.s32 $0x9C40, s16;
	[dreg:$0x6] =	wrdreg s16  }
0x15: {  	s0 =	sadd.s32 $0x4E3C0, s0;
	s19 =	sadd.s32 $0x9C48, s16;
	[dreg:$0x8] =	wrdreg s18  }
0x16: {  	s12 =	simm.s32 $0x8;
	s20 =	sadd.s32 $0x9C50, s16;
	[dreg:$0x9] =	wrdreg s19  }
0x17: {  	s21 =	sadd.s32 $0x9C58, s16;
	s23 =	sadd.s32 $0xA120, s16;
	[dreg:$0xa] =	wrdreg s20  }
0x18: {  	s6 =	sshrl.u32 s22, $0x3;
	s2 =	sshrl.u32 s26, $0x3;
	[dreg:$0xb] =	wrdreg s21  }
0x19: {  	s5 =	sshrl.u32 s29, $0x3;
	s16 =	sshrl.u32 s8, $0x3;
	[dreg:$0xc] =	wrdreg s23  }
0x1a: {  	s0 =	sshrl.u32 s0, $0x3;
	s25 =	sadd.s32 s6, s7;
	[dreg:$0x13] =	wrdreg s16  }
0x1b: {  	s22 =	simm.s32 $0x40;
	s2 =	sadd.s32 s2, s7;
	[dreg:$0xf] =	wrdreg s25  }
0x1c: {  	s8 =	simm.s32 $0x9;
	s30 =	sadd.s32 s5, s7;
	[dreg:$0x10] =	wrdreg s2  }
0x1d: {  	s0 =	sadd.s32 s0, s7;
	s5 =	simm.s32 $0x2;
	[dreg:$0x11] =	wrdreg s30  }
0x1e: {  	s6 =	simm.s32 $0xC;
	[dreg:$0x12] =	wrdreg s0;
	s0 =	simm.s32 $0x0  }
.LBB2_1:
0x1f: {  	[dreg:$0x14] =	wrdreg s0  }
0x20: {  	s7 =	rddreg [dreg:$0x5]  }
0x21: {  	[spmem:s16], [sflag:s15] =	dma.local [hbm:s7], $0x2800  }
0x22: {  	_ =	swait.ge [sflag:s17], $0x2800  }
0x23: {  	[sflag:s17] =	ssyncset.done $0x0  }
0x24: {  	s23 =	rddreg [dreg:$0x6];
	[sflag:s17] =	ssyncadd.s32 $0xFFFFD800  }
0x25: {  	[tilespmem:s4], [sflag:$0xD] =	stream.linear.gather [hbm4b:s23+s4], $0x2710, $0x38;
	[tilespmem:$0x1F200] =	vst v63  }
0x26: {  	_ =	swait.ge [sflag:s17], $0x2710  }
0x27: {  	[sflag:s17] =	ssyncset.done $0x0  }
0x28: {  	[sflag:s17] =	ssyncadd.s32 $0xFFFFD8F0  }
0x29: {  	[bflag:$0x0] =	sbarrier.arrive $0xFFFF  }
0x2a: {  	s25 =	simm.s32 $0x2780;
	s24 =	rddreg [dreg:$0x8]  }
0x2b: {  	[tilespmem:s25], [sflag:$0x5] =	stream.linear.gather [hbm4b:s24+s4], $0x40, $0x38;
	[tilespmem:$0x1F200] =	vst v63  }
0x2c: {  	s26 =	simm.s32 $0x2980  }
0x2d: {  	[tilespmem:s26], [sflag:$0x1] =	stream.indirect.gather [hbm4b:s1+s22], $0x80, s4, s22, $0xb8;
	[tilespmem:$0x1F200] =	vst v63  }
0x2e: {  	s18 =	simm.s32 $0x2800;
	s29 =	rddreg [dreg:$0x9]  }
0x2f: {  	[tilespmem:s18], [sflag:$0x6] =	stream.linear.gather [hbm4b:s29+s4], $0x40, $0x38;
	[tilespmem:$0x1F200] =	vst v63  }
0x30: {  	s20 =	simm.s32 $0x4980  }
0x31: {  	[tilespmem:s20], [sflag:$0x2] =	stream.indirect.gather [hbm4b:s1+s22], $0x80, s22, s22, $0xb8;
	[tilespmem:$0x1F200] =	vst v63  }
0x32: {  	s21 =	simm.s32 $0x2880;
	s30 =	rddreg [dreg:$0xa]  }
0x33: {  	[tilespmem:s21], [sflag:$0x7] =	stream.linear.gather [hbm4b:s30+s4], $0x40, $0x38;
	[tilespmem:$0x1F200] =	vst v63  }
0x34: {  	s0 =	simm.s32 $0x80;
	s23 =	simm.s32 $0x6980  }
0x35: {  	[tilespmem:s23], [sflag:$0x3] =	stream.indirect.gather [hbm4b:s1+s22], $0x80, s0, s22, $0xb8;
	[tilespmem:$0x1F200] =	vst v63  }
0x36: {  	s16 =	simm.s32 $0x2900;
	s2 =	rddreg [dreg:$0xb]  }
0x37: {  	[tilespmem:s16], [sflag:$0x8] =	stream.linear.gather [hbm4b:s2+s4], $0x40, $0x38;
	[tilespmem:$0x1F200] =	vst v63  }
0x38: {  	s24 =	simm.s32 $0x8980;
	s29 =	simm.s32 $0x5;
	s2 =	simm.s32 $0xC0  }
0x39: {  	[tilespmem:s24], [sflag:$0x4] =	stream.indirect.gather [hbm4b:s1+s22], $0x80, s2, s22, $0xb8;
	[tilespmem:$0x1F200] =	vst v63  }
0x3a: {  	_ =	swait.ge [sflag:s29], $0x40  }
0x3b: {  	[sflag:s29] =	ssyncset.done $0x0  }
0x3c: {  	s30 =	simm.s32 $0x1;
	[sflag:s29] =	ssyncadd.s32 $0xFFFFFFC0  }
0x3d: {  	_ =	swait.ge [sflag:s30], $0x2000  }
0x3e: {  	[sflag:s30] =	ssyncset.done $0x0  }
0x3f: {  	[sflag:s30] =	ssyncadd.s32 $0xFFFFE000  }
0x40: {  	[spmem:s3] =	stream.indirect.scatter.add.f32 [tilespmem:s26], [sflag:$0x9], $0x80, s25, s22, $0xb8;
	[tilespmem:$0x1F200] =	vst v63  }
0x41: {  	_ =	swait.ge [sflag:s31], $0x40  }
0x42: {  	[sflag:s31] =	ssyncset.done $0x0  }
0x43: {  	[sflag:s31] =	ssyncadd.s32 $0xFFFFFFC0  }
0x44: {  	_ =	swait.ge [sflag:s5], $0x2000  }
0x45: {  	[sflag:s5] =	ssyncset.done $0x0  }
0x46: {  	[sflag:s5] =	ssyncadd.s32 $0xFFFFE000  }
0x47: {  	[spmem:s3] =	stream.indirect.scatter.add.f32 [tilespmem:s20], [sflag:$0xA], $0x80, s18, s22, $0xb8;
	[tilespmem:$0x1F200] =	vst v63  }
0x48: {  	_ =	swait.ge [sflag:s8], $0x2000  }
0x49: {  	[sflag:s8] =	ssyncset.done $0x0  }
0x4a: {  	s2 =	rddreg [dreg:$0x11];
	[sflag:s8] =	ssyncadd.s32 $0xFFFFE000  }
0x4b: {  	[tilespmem:s25], [sflag:$0x5] =	stream.linear.gather [hbm4b:s2+s4], $0x40, $0x38;
	[tilespmem:$0x1F200] =	vst v63  }
0x4c: {  	s19 =	simm.s32 $0x100  }
0x4d: {  	[tilespmem:s26], [sflag:$0x1] =	stream.indirect.gather [hbm4b:s1+s22], $0x80, s19, s22, $0xb8;
	[tilespmem:$0x1F200] =	vst v63  }
0x4e: {  	_ =	swait.ge [sflag:s9], $0x40  }
0x4f: {  	[sflag:s9] =	ssyncset.done $0x0  }
0x50: {  	[sflag:s9] =	ssyncadd.s32 $0xFFFFFFC0  }
0x51: {  	_ =	swait.ge [sflag:s10], $0x2000  }
0x52: {  	[sflag:s10] =	ssyncset.done $0x0  }
0x53: {  	[sflag:s10] =	ssyncadd.s32 $0xFFFFE000  }
0x54: {  	[spmem:s3] =	stream.indirect.scatter.add.f32 [tilespmem:s23], [sflag:$0xB], $0x80, s21, s22, $0xb8;
	[tilespmem:$0x1F200] =	vst v63  }
0x55: {  	_ =	swait.ge [sflag:s11], $0x2000  }
0x56: {  	[sflag:s11] =	ssyncset.done $0x0  }
0x57: {  	s19 =	rddreg [dreg:$0x10];
	[sflag:s11] =	ssyncadd.s32 $0xFFFFE000  }
0x58: {  	[tilespmem:s18], [sflag:$0x6] =	stream.linear.gather [hbm4b:s19+s4], $0x40, $0x38;
	[tilespmem:$0x1F200] =	vst v63  }
0x59: {  	s25 =	simm.s32 $0x140  }
0x5a: {  	[tilespmem:s20], [sflag:$0x2] =	stream.indirect.gather [hbm4b:s1+s22], $0x80, s25, s22, $0xb8;
	[tilespmem:$0x1F200] =	vst v63  }
0x5b: {  	_ =	swait.ge [sflag:s12], $0x40  }
0x5c: {  	[sflag:s12] =	ssyncset.done $0x0  }
0x5d: {  	[sflag:s12] =	ssyncadd.s32 $0xFFFFFFC0  }
0x5e: {  	_ =	swait.ge [sflag:s13], $0x2000  }
0x5f: {  	[sflag:s13] =	ssyncset.done $0x0  }
0x60: {  	[sflag:s13] =	ssyncadd.s32 $0xFFFFE000  }
0x61: {  	[spmem:s3] =	stream.indirect.scatter.add.f32 [tilespmem:s24], [sflag:$0xC], $0x80, s16, s22, $0xb8;
	[tilespmem:$0x1F200] =	vst v63  }
0x62: {  	_ =	swait.ge [sflag:s14], $0x2000  }
0x63: {  	[sflag:s14] =	ssyncset.done $0x0  }
0x64: {  	s26 =	rddreg [dreg:$0xf];
	[sflag:s14] =	ssyncadd.s32 $0xFFFFE000  }
0x65: {  	[tilespmem:s21], [sflag:$0x7] =	stream.linear.gather [hbm4b:s26+s4], $0x40, $0x38;
	[tilespmem:$0x1F200] =	vst v63  }
0x66: {  	s29 =	simm.s32 $0x180  }
0x67: {  	[tilespmem:s23], [sflag:$0x3] =	stream.indirect.gather [hbm4b:s1+s22], $0x80, s29, s22, $0xb8;
	[tilespmem:$0x1F200] =	vst v63  }
0x68: {  	_ =	swait.ge [sflag:s6], $0x2000  }
0x69: {  	s15 =	simm.s32 $0x400;
	s7 =	simm.s32 $0x1C0;
	[sflag:s6] =	ssyncset.done $0x0  }
0x6a: {  	s19 =	sadd.s32 $0x20, s19;
	s30 =	rddreg [dreg:$0x12];
	[sflag:s6] =	ssyncadd.s32 $0xFFFFE000  }
0x6b: {  	[tilespmem:s16], [sflag:$0x8] =	stream.linear.gather [hbm4b:s30+s4], $0x40, $0x38;
	[tilespmem:$0x1F200] =	vst v63  }
0x6c: {  	s18 =	sadd.s32 $0x20, s26;
	s17 =	sadd.s32 $0x20, s30;
	s16 =	sadd.s32 $0x20, s2  }
.LBB2_2:
0x6d: {  	[tilespmem:s28], [sflag:$0x4] =	stream.indirect.gather [hbm4b:s1+s22], $0x80, s7, s22, $0xb8;
	[tilespmem:$0x1F200] =	vst v63  }
0x6e: {  	s7 =	smov.u32 s15;
	s20 =	smov.u32 s17;
	s0 =	simm.s32 $0x5  }
0x6f: {  	p0 =	sne.s32 s15, $0x9400;
	s15 =	sadd.s32 $0x400, s15;
	_ =	swait.ge [sflag:s0], $0x40  }
0x70: {  	[sflag:s0] =	ssyncset.done $0x0  }
0x71: {  	[sflag:s0] =	ssyncadd.s32 $0xFFFFFFC0;
	s0 =	simm.s32 $0x1  }
0x72: {  	_ =	swait.ge [sflag:s0], $0x2000  }
0x73: {  	[sflag:s0] =	ssyncset.done $0x0  }
0x74: {  	s21 =	simm.s32 $0x2780;
	s25 =	simm.s32 $0x2980;
	[sflag:s0] =	ssyncadd.s32 $0xFFFFE000  }
0x75: {  	[spmem:s3] =	stream.indirect.scatter.add.f32 [tilespmem:s25], [sflag:$0x9], $0x80, s21, s22, $0xb8;
	[tilespmem:$0x1F200] =	vst v63  }
0x76: {  	_ =	swait.ge [sflag:s31], $0x40  }
0x77: {  	[sflag:s31] =	ssyncset.done $0x0  }
0x78: {  	[sflag:s31] =	ssyncadd.s32 $0xFFFFFFC0  }
0x79: {  	_ =	swait.ge [sflag:s5], $0x2000  }
0x7a: {  	[sflag:s5] =	ssyncset.done $0x0  }
0x7b: {  	s26 =	simm.s32 $0x2800;
	s29 =	simm.s32 $0x4980;
	[sflag:s5] =	ssyncadd.s32 $0xFFFFE000  }
0x7c: {  	[spmem:s3] =	stream.indirect.scatter.add.f32 [tilespmem:s29], [sflag:$0xA], $0x80, s26, s22, $0xb8;
	[tilespmem:$0x1F200] =	vst v63  }
0x7d: {  	_ =	swait.ge [sflag:s8], $0x2000  }
0x7e: {  	[sflag:s8] =	ssyncset.done $0x0  }
0x7f: {  	s23 =	simm.s32 $0x2780;
	s7 =	sshra.s32 s7, $0x2;
	[sflag:s8] =	ssyncadd.s32 $0xFFFFE000  }
0x80: {  	[tilespmem:s21], [sflag:$0x5] =	stream.linear.gather [hbm4b:s16+s4], $0x40, $0x38;
	[tilespmem:$0x1F200] =	vst v63  }
0x81: {  	s24 =	simm.s32 $0x2980;
	s21 =	sadd.s32 $0x100, s7  }
0x82: {  	[tilespmem:s25], [sflag:$0x1] =	stream.indirect.gather [hbm4b:s1+s22], $0x80, s21, s22, $0xb8;
	[tilespmem:$0x1F200] =	vst v63  }
0x83: {  	_ =	swait.ge [sflag:s9], $0x40  }
0x84: {  	[sflag:s9] =	ssyncset.done $0x0  }
0x85: {  	[sflag:s9] =	ssyncadd.s32 $0xFFFFFFC0  }
0x86: {  	_ =	swait.ge [sflag:s10], $0x2000  }
0x87: {  	[sflag:s10] =	ssyncset.done $0x0  }
0x88: {  	s30 =	simm.s32 $0x2880;
	s0 =	simm.s32 $0x6980;
	[sflag:s10] =	ssyncadd.s32 $0xFFFFE000  }
0x89: {  	[spmem:s3] =	stream.indirect.scatter.add.f32 [tilespmem:s0], [sflag:$0xB], $0x80, s30, s22, $0xb8;
	[tilespmem:$0x1F200] =	vst v63  }
0x8a: {  	_ =	swait.ge [sflag:s11], $0x2000  }
0x8b: {  	[sflag:s11] =	ssyncset.done $0x0  }
0x8c: {  	s25 =	simm.s32 $0x2800;
	[sflag:s11] =	ssyncadd.s32 $0xFFFFE000  }
0x8d: {  	[tilespmem:s26], [sflag:$0x6] =	stream.linear.gather [hbm4b:s19+s4], $0x40, $0x38;
	[tilespmem:$0x1F200] =	vst v63  }
0x8e: {  	s21 =	sadd.s32 $0x140, s7;
	s26 =	simm.s32 $0x4980  }
0x8f: {  	[tilespmem:s29], [sflag:$0x2] =	stream.indirect.gather [hbm4b:s1+s22], $0x80, s21, s22, $0xb8;
	[tilespmem:$0x1F200] =	vst v63  }
0x90: {  	_ =	swait.ge [sflag:s12], $0x40  }
0x91: {  	[sflag:s12] =	ssyncset.done $0x0  }
0x92: {  	[sflag:s12] =	ssyncadd.s32 $0xFFFFFFC0  }
0x93: {  	_ =	swait.ge [sflag:s13], $0x2000  }
0x94: {  	[sflag:s13] =	ssyncset.done $0x0  }
0x95: {  	s2 =	simm.s32 $0x2900;
	[sflag:s13] =	ssyncadd.s32 $0xFFFFE000  }
0x96: {  	[spmem:s3] =	stream.indirect.scatter.add.f32 [tilespmem:s28], [sflag:$0xC], $0x80, s2, s22, $0xb8;
	[tilespmem:$0x1F200] =	vst v63  }
0x97: {  	_ =	swait.ge [sflag:s14], $0x2000  }
0x98: {  	[sflag:s14] =	ssyncset.done $0x0  }
0x99: {  	s29 =	simm.s32 $0x2880;
	[sflag:s14] =	ssyncadd.s32 $0xFFFFE000  }
0x9a: {  	[tilespmem:s30], [sflag:$0x7] =	stream.linear.gather [hbm4b:s18+s4], $0x40, $0x38;
	[tilespmem:$0x1F200] =	vst v63  }
0x9b: {  	s21 =	sadd.s32 $0x180, s7;
	s30 =	simm.s32 $0x6980  }
0x9c: {  	[tilespmem:s0], [sflag:$0x3] =	stream.indirect.gather [hbm4b:s1+s22], $0x80, s21, s22, $0xb8;
	[tilespmem:$0x1F200] =	vst v63  }
.Ltmp0:
0x9d: {  	_ =	swait.ge [sflag:s6], $0x2000;
	(pc) =	sbr.rel @p0 .LBB2_2-.Ltmp0, $4  }
0x9e: {  	s17 =	sadd.s32 $0x20, s17;
	[sflag:s6] =	ssyncset.done $0x0  }
0x9f: {  	s16 =	sadd.s32 $0x20, s16;
	s0 =	simm.s32 $0x2900;
	[sflag:s6] =	ssyncadd.s32 $0xFFFFE000  }
0xa0: {  	[tilespmem:s2], [sflag:$0x8] =	stream.linear.gather [hbm4b:s20+s4], $0x40, $0x38;
	[tilespmem:$0x1F200] =	vst v63  }
0xa1: {  	s19 =	sadd.s32 $0x20, s19;
	s7 =	sadd.s32 $0x1C0, s7;
	s18 =	sadd.s32 $0x20, s18  }
0xa2: {  	s2 =	simm.s32 $0x8980;
	s20 =	simm.s32 $0x5  }
0xa3: {  	[tilespmem:s2], [sflag:$0x4] =	stream.indirect.gather [hbm4b:s1+s22], $0x80, s7, s22, $0xb8;
	[tilespmem:$0x1F200] =	vst v63  }
0xa4: {  	_ =	swait.ge [sflag:s20], $0x40  }
0xa5: {  	[sflag:s20] =	ssyncset.done $0x0  }
0xa6: {  	s15 =	simm.s32 $0x1;
	[sflag:s20] =	ssyncadd.s32 $0xFFFFFFC0  }
0xa7: {  	_ =	swait.ge [sflag:s15], $0x2000  }
0xa8: {  	[sflag:s15] =	ssyncset.done $0x0  }
0xa9: {  	[sflag:s15] =	ssyncadd.s32 $0xFFFFE000  }
0xaa: {  	[spmem:s3] =	stream.indirect.scatter.add.f32 [tilespmem:s24], [sflag:$0x9], $0x80, s23, s22, $0xb8;
	[tilespmem:$0x1F200] =	vst v63  }
0xab: {  	_ =	swait.ge [sflag:s31], $0x40  }
0xac: {  	[sflag:s31] =	ssyncset.done $0x0  }
0xad: {  	[sflag:s31] =	ssyncadd.s32 $0xFFFFFFC0  }
0xae: {  	_ =	swait.ge [sflag:s5], $0x2000  }
0xaf: {  	[sflag:s5] =	ssyncset.done $0x0  }
0xb0: {  	[sflag:s5] =	ssyncadd.s32 $0xFFFFE000  }
0xb1: {  	[spmem:s3] =	stream.indirect.scatter.add.f32 [tilespmem:s26], [sflag:$0xA], $0x80, s25, s22, $0xb8;
	[tilespmem:$0x1F200] =	vst v63  }
0xb2: {  	_ =	swait.ge [sflag:s8], $0x2000  }
0xb3: {  	[sflag:s8] =	ssyncset.done $0x0  }
0xb4: {  	[sflag:s8] =	ssyncadd.s32 $0xFFFFE000  }
0xb5: {  	_ =	swait.ge [sflag:s9], $0x40  }
0xb6: {  	[sflag:s9] =	ssyncset.done $0x0  }
0xb7: {  	[sflag:s9] =	ssyncadd.s32 $0xFFFFFFC0  }
0xb8: {  	_ =	swait.ge [sflag:s10], $0x2000  }
0xb9: {  	[sflag:s10] =	ssyncset.done $0x0  }
0xba: {  	[sflag:s10] =	ssyncadd.s32 $0xFFFFE000  }
0xbb: {  	[spmem:s3] =	stream.indirect.scatter.add.f32 [tilespmem:s30], [sflag:$0xB], $0x80, s29, s22, $0xb8;
	[tilespmem:$0x1F200] =	vst v63  }
0xbc: {  	_ =	swait.ge [sflag:s11], $0x2000  }
0xbd: {  	[sflag:s11] =	ssyncset.done $0x0  }
0xbe: {  	[sflag:s11] =	ssyncadd.s32 $0xFFFFE000  }
0xbf: {  	_ =	swait.ge [sflag:s12], $0x40  }
0xc0: {  	[sflag:s12] =	ssyncset.done $0x0  }
0xc1: {  	[sflag:s12] =	ssyncadd.s32 $0xFFFFFFC0  }
0xc2: {  	_ =	swait.ge [sflag:s13], $0x2000  }
0xc3: {  	[sflag:s13] =	ssyncset.done $0x0  }
0xc4: {  	[sflag:s13] =	ssyncadd.s32 $0xFFFFE000  }
0xc5: {  	[spmem:s3] =	stream.indirect.scatter.add.f32 [tilespmem:s2], [sflag:$0xC], $0x80, s0, s22, $0xb8;
	[tilespmem:$0x1F200] =	vst v63  }
0xc6: {  	_ =	swait.ge [sflag:s14], $0x2000  }
0xc7: {  	[sflag:s14] =	ssyncset.done $0x0  }
0xc8: {  	[sflag:s14] =	ssyncadd.s32 $0xFFFFE000  }
0xc9: {  	_ =	swait.ge [sflag:s6], $0x2000  }
0xca: {  	s17 =	simm.s32 $0xD;
	[sflag:s6] =	ssyncset.done $0x0  }
0xcb: {  	s23 =	simm.s32 $0xB180;
	s21 =	rddreg [dreg:$0xc];
	[sflag:s6] =	ssyncadd.s32 $0xFFFFE000  }
0xcc: {  	[tilespmem:s23], [sflag:$0xD] =	stream.linear.gather [hbm4b:s21+s4], $0x10, $0x38;
	[tilespmem:$0x1F200] =	vst v63  }
0xcd: {  	_ =	swait.ge [sflag:s17], $0x10  }
0xce: {  	s16 =	simm.s32 $0xA980;
	[sflag:s17] =	ssyncset.done $0x0  }
0xcf: {  	s24 =	simm.s32 $0x10;
	s25 =	simm.s32 $0x2700;
	[sflag:s17] =	ssyncadd.s32 $0xFFFFFFF0  }
0xd0: {  	[tilespmem:s16], [sflag:$0x1] =	stream.indirect.gather [hbm4b:s1+s24], $0x80, s25, s24, $0xb8;
	[tilespmem:$0x1F200] =	vst v63  }
0xd1: {  	_ =	swait.ge [sflag:s15], $0x800  }
0xd2: {  	[sflag:s15] =	ssyncset.done $0x0  }
0xd3: {  	[sflag:s15] =	ssyncadd.s32 $0xFFFFF800  }
0xd4: {  	[spmem:s3] =	stream.indirect.scatter.add.f32 [tilespmem:s16], [sflag:$0xD], $0x80, s23, s24, $0xb8;
	[tilespmem:$0x1F200] =	vst v63  }
0xd5: {  	_ =	swait.ge [sflag:s17], $0x800  }
0xd6: {  	[sflag:s17] =	ssyncset.done $0x0  }
0xd7: {  	[sflag:s17] =	ssyncadd.s32 $0xFFFFF800  }
0xd8: {  	[bflag:$0x0] =	sbarrier.arrive $0xFFFF  }
0xd9: {  	s15 =	rddreg [dreg:$0x7]  }
0xda: {  	s26 =	rddreg [dreg:$0xd]  }
0xdb: {  	s16 =	rddreg [dreg:$0x13]  }
0xdc: {  	[hbm:s26], [sflag:s15] =	dma.local [spmem:s16], $0x2800  }
0xdd: {  	_ =	swait.ge [sflag:s17], $0x2800  }
0xde: {  	s29 =	rddreg [dreg:$0x14]  }
0xdf: {  	s30 =	rddreg [dreg:$0xe];
	s0 =	sadd.s32 $0x1, s29  }
0xe0: {  	p0 =	sne.s32 s0, s30  }
.Ltmp1:
0xe1: {  	_ = 	snop;
	(pc) =	sbr.rel @p0 .LBB2_1-.Ltmp1, $3  }
0xe2: {  	_ =	sdelay $0x1  }
0xe3: {  	[sflag:s17] =	ssyncset.done $0x0  }
0xe4: {  	[sflag:s17] =	ssyncadd.s32 $0xFFFFD800  }
0xe5: {  	_ =	sfence.sel $0x180000  }
0xe6: {  	[bflag:$0x0] =	sbarrier.arrive $0xFFFF  }
0xe7: {  	_ =	strace $0x90000050  }
0xe8: {  	s0 =	stileid.u32;
	[bflag:$0x2] =	sbarrier.arrive $0xFFFF  }
0xe9: {  	p0 =	sne.s32 s0, $0x0;
	s0 =	rddreg [dreg:$0x4]  }
0xea: {  	s0 =	sadd.s32 @!p0 $0x100000, s0  }
0xeb: {  	[sflag:s0] =	ssyncadd.tile.s32 @!p0 $0x1;
	_ =	shalt  }
.Lfunc_end2:
_tile_overlayer_lowered:
.L_overlay_start_2:
0xec: {  	(tag) =	ssettag $0x2  }
0xed: {  	s0 =	rddreg [dreg:$0x0];
	s2 =	stileid.u32  }
0xee: {  	s1 =	rddreg [dreg:$0x1];
	p0 =	sne.s32 s2, $0x0  }
0xef: {  	s3 =	rddreg [dreg:$0x2];
	[bflag:$0x3] =	sbarrier.arrive $0xFFFF;
	s2 =	simm.s32 @!p0 $0x1C0D  }
0xf0: {  	[timem:s3], [sflag:s2] =	dma.local @!p0 [hbm:s0], s1  }
0xf1: {  	s0 =	simm.s32 @!p0 $0xD  }
0xf2: {  	_ =	swait.ge @!p0 [sflag:s0], s1  }
0xf3: {  	s1 =	ssub.s32 @!p0 $0x0, s1;
	[sflag:s0] =	ssyncset.done @!p0 $0x0  }
0xf4: {  	[sflag:s0] =	ssyncadd.s32 @!p0 s1  }
0xf5: {  	[bflag:$0x3] =	sbarrier.arrive $0xFFFF  }
0xf6: {  	_ =	shalt  }

// kernel: kernel.25.cloned.1.call-start
scs
__scs_entry_jumppad:
0x0: {  	(pc) =	sbr.rel $0x88, $3  }
0x1: {  	(tag) =	ssettag $0x0;
	lr =	simm.s32 $0x1  }
0x2: {  	[smem:$0x3F8F] =	sst lr;
	_ =	strace $0xD0000000  }
0x3: {  	_ = 	snop  }
0x4: {  	_ = 	snop  }
0x5: {  	_ = 	snop  }
0x6: {  	_ = 	snop  }
0x7: {  	_ = 	snop  }
__scs_overlays_trampoline_lowered:
0x8: {  	[smem:$0x3F9E] =	sst s0  }
0x9: {  	[smem:$0x3F9F] =	sst s1  }
0xa: {  	[smem:$0x3FA0] =	sst s2  }
0xb: {  	[smem:$0x3FA1] =	sst s3  }
0xc: {  	[smem:$0x3FA2] =	sst s4  }
0xd: {  	[smem:$0x3FA3] =	sst s5  }
0xe: {  	[smem:$0x3FA4] =	sst s6  }
0xf: {  	[smem:$0x3FA5] =	sst s7  }
0x10: {  	[smem:$0x3FA6] =	sst s8  }
0x11: {  	[smem:$0x3FA7] =	sst s9;
	s0 =	simm.s32 @!p0 $0x0  }
0x12: {  	s1 =	sld [smem:$0x3F8D];
	s0 =	simm.s32 @p0 $0x1  }
0x13: {  	[smem:$0x3FA8] =	sst s0;
	s0 =	simm.s32 @!p1 $0x0  }
0x14: {  	s2 =	sld [smem:$0x3F8C];
	s0 =	simm.s32 @p1 $0x1  }
0x15: {  	[smem:$0x3FA9] =	sst s0;
	s0 =	simm.s32 @!p2 $0x0  }
0x16: {  	s3 =	sld [smem:$0x3FDB];
	s0 =	simm.s32 @p2 $0x1  }
0x17: {  	s4 =	simm.s32 $0x1BF5;
	[smem:$0x3FAB] =	sst s0  }
0x18: {  	s0 =	sld [smem:$0x3F8E];
	_ =	swait.ge [sflag:s4], $0x0  }
0x19: {  	s7 =	sld [smem:$0x3F8F]  }
0x1a: {  	s8 =	sadd.s32 $0xFFFFE003, lr  }
0x1b: {  	s9 =	sadd.s32 $0xFFFFFEF7, lr;
	s5 =	simm.s32 $0xFFFFFFFF;
	p2 =	slt.u32 s8, $0xFFFFF086  }
0x1c: {  	p1 =	slt.u32 s9, $0xF7A;
	s5 =	simm.s32 @!p2 $0x0  }
0x1d: {  	s5 =	simm.s32 @p1 $0x1;
	p0 =	seq.s32 s7, s2  }
0x1e: {  	s7 =	smul.u32 @!p0 $0xF7A, s2;
	p2 =	seq.s32 @!p0 s5, $0x0  }
0x1f: {  	s9 =	smul.u32 $0xF7A, s1;
	s8 =	simm.s32 @!p0 $0x1BF5;
	p2 =	por !p2, p0  }
0x20: {  	[sflag:s8] =	ssyncset.s32 @!p0 $0xFFFFF086;
	s6 =	sadd.s32 @!p0 s3, s7;
	s7 =	simm.s32 @!p0 $0x108  }
0x21: {  	s3 =	sadd.s32 s3, s9;
	s6 =	sadd.s32 @!p0 $0x88, s6;
	s7 =	simm.s32 @p2 $0x1082  }
0x22: {  	[simem:s7], [sflag:s8] =	dma.local @!p0 [hbm:s6], $0xF7A  }
0x23: {  	s9 =	sor.u32 $0xD0000000, s2;
	s6 =	simm.s32 $0x108;
	_ =	swait.ge @!p0 [sflag:s8], $0x0  }
0x24: {  	s3 =	sadd.s32 $0x88, s3;
	s6 =	simm.s32 @!p1 $0x1082;
	[sflag:s4] =	ssyncset.s32 $0xFFFFF086  }
0x25: {  	[simem:s6], [sflag:s4] =	dma.local [hbm:s3], $0xF7A  }
0x26: {  	[smem:$0x3F8F] =	sst s1;
	(tag) =	ssettag s2;
	_ =	strace s9  }
0x27: {  	s1 =	sld [smem:$0x3F9F]  }
0x28: {  	s2 =	sld [smem:$0x3FA0]  }
0x29: {  	s4 =	sld [smem:$0x3FA2]  }
0x2a: {  	p0 =	seq.s32 s5, $0x0;
	s5 =	sld [smem:$0x3FA3]  }
0x2b: {  	s6 =	sld [smem:$0x3FA4]  }
0x2c: {  	s7 =	sld [smem:$0x3FA5]  }
0x2d: {  	s3 =	simm.s32 $0x108;
	s8 =	sld [smem:$0x3FA6]  }
0x2e: {  	s3 =	simm.s32 @!p0 $0x1082;
	s9 =	sld [smem:$0x3FA7]  }
0x2f: {  	lr =	sadd.s32 s0, s3;
	s0 =	sld [smem:$0x3F9E]  }
0x30: {  	s3 =	sld [smem:$0x3FA1]  }
0x31: {  	[smem:$0x3FAA] =	sst s10  }
0x32: {  	s10 =	sld [smem:$0x3FA8];
	_ =	sdelay $0x3  }
0x33: {  	p0 =	seq.s32 s10, $0x1;
	s10 =	sld [smem:$0x3FAA];
	_ =	sdelay $0x3  }
0x34: {  	[smem:$0x3FAA] =	sst s10  }
0x35: {  	s10 =	sld [smem:$0x3FA9];
	_ =	sdelay $0x3  }
0x36: {  	p1 =	seq.s32 s10, $0x1;
	s10 =	sld [smem:$0x3FAA];
	_ =	sdelay $0x3  }
0x37: {  	[smem:$0x3FAA] =	sst s10  }
0x38: {  	s10 =	sld [smem:$0x3FAB]  }
0x39: {  	_ = 	snop;
	(pc) =	sbr.ind lr, $3  }
0x3a: {  	_ = 	snop  }
0x3b: {  	_ = 	snop  }
0x3c: {  	p2 =	seq.s32 s10, $0x1;
	s10 =	sld [smem:$0x3FAA]  }
0x3d: {  	_ =	shalt  }
0x3e: {  	_ =	shalt  }
0x3f: {  	_ =	shalt  }
0x40: {  	_ =	shalt  }
0x41: {  	_ =	shalt  }
0x42: {  	_ =	shalt  }
0x43: {  	_ =	shalt  }
0x44: {  	_ =	shalt  }
0x45: {  	_ =	shalt  }
0x46: {  	_ =	shalt  }
0x47: {  	_ =	shalt  }
0x48: {  	_ =	shalt  }
0x49: {  	_ =	shalt  }
0x4a: {  	_ =	shalt  }
0x4b: {  	_ =	shalt  }
0x4c: {  	_ =	shalt  }
0x4d: {  	_ =	shalt  }
0x4e: {  	_ =	shalt  }
0x4f: {  	_ =	shalt  }
0x50: {  	_ =	shalt  }
0x51: {  	_ =	shalt  }
0x52: {  	_ =	shalt  }
0x53: {  	_ =	shalt  }
0x54: {  	_ =	shalt  }
0x55: {  	_ =	shalt  }
0x56: {  	_ =	shalt  }
0x57: {  	_ =	shalt  }
0x58: {  	_ =	shalt  }
0x59: {  	_ =	shalt  }
0x5a: {  	_ =	shalt  }
0x5b: {  	_ =	shalt  }
0x5c: {  	_ =	shalt  }
0x5d: {  	_ =	shalt  }
0x5e: {  	_ =	shalt  }
0x5f: {  	_ =	shalt  }
0x60: {  	_ =	shalt  }
0x61: {  	_ =	shalt  }
0x62: {  	_ =	shalt  }
0x63: {  	_ =	shalt  }
0x64: {  	_ =	shalt  }
0x65: {  	_ =	shalt  }
0x66: {  	_ =	shalt  }
0x67: {  	_ =	shalt  }
0x68: {  	_ =	shalt  }
0x69: {  	_ =	shalt  }
0x6a: {  	_ =	shalt  }
0x6b: {  	_ =	shalt  }
0x6c: {  	_ =	shalt  }
0x6d: {  	_ =	shalt  }
0x6e: {  	_ =	shalt  }
0x6f: {  	_ =	shalt  }
0x70: {  	_ =	shalt  }
0x71: {  	_ =	shalt  }
0x72: {  	_ =	shalt  }
0x73: {  	_ =	shalt  }
0x74: {  	_ =	shalt  }
0x75: {  	_ =	shalt  }
0x76: {  	_ =	shalt  }
0x77: {  	_ =	shalt  }
0x78: {  	_ =	shalt  }
0x79: {  	_ =	shalt  }
0x7a: {  	_ =	shalt  }
0x7b: {  	_ =	shalt  }
0x7c: {  	_ =	shalt  }
0x7d: {  	_ =	shalt  }
0x7e: {  	_ =	shalt  }
0x7f: {  	_ =	shalt  }
0x80: {  	_ =	shalt  }
0x81: {  	_ =	shalt  }
0x82: {  	_ =	shalt  }
0x83: {  	_ =	shalt  }
0x84: {  	_ =	shalt  }
0x85: {  	_ =	shalt  }
0x86: {  	_ =	shalt  }
0x87: {  	_ =	shalt  }
.Lfunc_end0:
.L_simem_size_0:
called_computation.4_lowered:
.L_overlay_start_0:
0x88: {  	s2 =	sld [smem:$0x3FD9]  }
0x89: {  	s3 =	sld [smem:$0x3FFE];
	_ =	sdelay $0x1  }
0x8a: {  	s1 =	srdreg.scid  }
0x8b: {  	s0 =	sand.u32 $0x1, s1  }
0x8c: {  	s14 =	sshll.u32 s0, $0xA;
	s2 =	sadd.s32 s3, s2  }
0x8d: {  	s2 =	sadd.s32 s2, s14  }
0x8e: {  	[smem:$0x3FB6] =	sst s2  }
0x8f: {  	_ = 	snop  }
0x90: {  	s2 =	sld [smem:$0x3FD0];
	_ =	sdelay $0x2  }
0x91: {  	s15 =	simm.s32 $0xB;
	s4 =	simm.s32 $0x10  }
0x92: {  	[smem:s4], [sflag:s15] =	dma.local [hbm:s2], $0x1  }
0x93: {  	_ =	swait.eq [sflag:s15], $0x1  }
0x94: {  	[sflag:s15] =	ssyncset.done $0x0  }
0x95: {  	s16 =	sld [smem:$0x10];
	[sflag:s15] =	ssyncadd.s32 $0xFFFFFFFF  }
0x96: {  	s17 =	sld [smem:$0x14];
	(tm) =	ssettm $0x1  }
0x97: {  	s18 =	sld [smem:$0x3FFB];
	_ =	sdelay $0x3  }
0x98: {  	_ =	strace s18  }
0x99: {  	s4 =	sld [smem:$0x3FFC];
	_ =	sdelay $0x3  }
0x9a: {  	_ =	strace s4  }
0x9b: {  	s4 =	sld [smem:$0x3FFD];
	_ =	sdelay $0x3  }
0x9c: {  	_ =	strace s4  }
0x9d: {  	_ =	strace $0x8FFFFFFF  }
0x9e: {  	s19 =	sld [smem:$0x3FDB];
	_ =	sdelay $0x1  }
0x9f: {  	s5 =	simm.s32 $_scs_section_size  }
0xa0: {  	s6 =	simm.s32 $_size__tile_overlayer_lowered;
	s7 =	simm.s32 $_tile_overlayer_lowered  }
0xa1: {  	s22 =	simm.s32 $0x1BFF;
	s21 =	sshll.u32 s7, $0x1;
	s4 =	sadd.s32 s5, s19  }
0xa2: {  	s8 =	simm.s32 $0x0;
	s20 =	sshll.u32 s6, $0x1;
	s6 =	sadd.s32 s21, s4  }
0xa3: {  	[timem:s8], [sflag:s22] =	dma.local [hbm:s6], s20  }
0xa4: {  	_ =	swait.ge [sflag:s22], s20  }
0xa5: {  	s5 =	ssub.s32 $0x0, s20;
	[sflag:s22] =	ssyncset.done $0x0  }
0xa6: {  	[sflag:s22] =	ssyncadd.s32 s5;
	_ =	sdelay $0x1  }
0xa7: {  	s23 =	simm.s32 $0x1B8B  }
0xa8: {  	_ =	swait.ge [sflag:s23], $0x1  }
0xa9: {  	[sflag:s23] =	ssyncset.done $0x0  }
0xaa: {  	s25 =	simm.s32 $0x1B8E;
	s24 =	sld [smem:$0x3FFE];
	[sflag:s23] =	ssyncadd.s32 $0xFFFFFFFF  }
0xab: {  	s26 =	simm.s32 $execute0_lowered;
	[smem:$0x3FD2] =	sst s25  }
0xac: {  	s6 =	sshll.u32 s26, $0x1;
	_ =	strace $0x80000052;
	[dreg:$0x1] =	wrdreg $0xFFFFFFFF  }
0xad: {  	s28 =	simm.s32 $_size_execute0_lowered;
	s4 =	sadd.s32 s4, s6;
	[dreg:$0x0] =	wrdreg $0x0  }
0xae: {  	s6 =	sshll.u32 s28, $0x1;
	[dreg:$0x2] =	wrdreg s4  }
0xaf: {  	[dreg:$0x3] =	wrdreg s6  }
0xb0: {  	[dreg:$0x4] =	wrdreg $0xC0  }
0xb1: {  	_ =	task [dreg:s8], $0x5FFFF  }
0xb2: {  	[dreg:$0x1] =	wrdreg $0xFFFFFFFF  }
0xb3: {  	[dreg:$0x0] =	wrdreg $0x60  }
0xb4: {  	[dreg:$0x2] =	wrdreg s16  }
0xb5: {  	[dreg:$0x3] =	wrdreg s24  }
0xb6: {  	[dreg:$0x4] =	wrdreg s17  }
0xb7: {  	[dreg:$0x5] =	wrdreg $0xB2000  }
0xb8: {  	[dreg:$0x6] =	wrdreg $0x9  }
0xb9: {  	_ =	task.clear_ibuf [dreg:s8], $0x7FFFF;
	_ =	strace $0x90000052  }
0xba: {  	s29 =	simm.s32 $0x9;
	_ =	strace $0x80000054  }
0xbb: {  	_ =	swait.ge [sflag:s29], $0x1  }
0xbc: {  	[sflag:s29] =	ssyncadd.s32 $0xFFFFFFFF  }
0xbd: {  	_ =	strace $0x90000054  }
0xbe: {  	_ =	sfence  }
0xbf: {  	s30 =	sld [smem:$0x0];
	_ =	sdelay $0x2  }
0xc0: {  	s31 =	sshll.u32 s1, $0xD;
	s1 =	sshrl.u32 s1, $0x2  }
0xc1: {  	s3 =	sand.u32 $0x4000, s31;
	s1 =	sadd.s32 s1, s30  }
0xc2: {  	s0 =	sor.u32 s3, s0;
	s1 =	sshll.u32 s1, $0x11  }
0xc3: {  	s0 =	sor.u32 s1, s0  }
0xc4: {  	s0 =	sadd.s32 $0x8F2B, s0  }
0xc5: {  	[sflag:s0] =	ssyncadd.remote.s32 $0x1  }
0xc6: {  	_ =	sfence.sel $0xFFFF  }
0xc7: {  	[dreg:$0x0] =	wrdreg $0xFFFFFFFF;
	(pc) =	sbr.abs _section_cstart, $3  }
0xc8: {  	[dreg:$0x1] =	wrdreg $0xFFFFFFFF  }
0xc9: {  	_ =	task.clear_ibuf [dreg:s8], $0x2FFFF;
	_ =	strace $0x9FFFFFFF  }
0xca: {  	(tm) =	ssettm $0x7FFFFFFF  }
0xcb: {  	_ =	shalt  }
tec
execute0_lowered:
.L_overlay_start_1:
0x0: {  	(tag) =	ssettag $0x1  }
0x1: {  	s1 =	rddreg [dreg:$0x0]  }
0x2: {  	s0 =	rddreg [dreg:$0x1]  }
0x3: {  	s2 =	rddreg [dreg:$0x2]  }
0x4: {  	s3 =	rddreg [dreg:$0x3];
	s4 =	simm.s32 $0x0  }
0x5: {  	s13 =	stileid.u32;
	s5 =	srdreg.scid;
	s31 =	simm.s32 $0x6  }
0x6: {  	s28 =	simm.s32 $0x8980;
	[smem:$0x7FF] =	sst s4;
	s6 =	smul.u32 $0x14000, s13  }
0x7: {  	s5 =	sand.u32 $0x1, s5;
	s7 =	sadd.s32 $0x54800, s0;
	s8 =	smul.u32 $0x50000, s13  }
0x8: {  	s15 =	sshll.u32 s13, $0x6;
	s17 =	smul.u32 $0x2710, s13;
	_ =	strace $0x80000053  }
0x9: {  	s9 =	sshll.u32 s5, $0x4;
	s11 =	ssub.s32 $0x2, s5;
	s14 =	smul.u32 $0x27100, s5  }
0xa: {  	s15 =	sor.u32 $0x1C0D, s15;
	s5 =	smul.u32 $0x140000, s5;
	s10 =	sshrl.u32 s6, $0x3  }
0xb: {  	s9 =	sor.u32 s13, s9;
	s12 =	sshrl.u32 s11, $0x1;
	s8 =	sshrl.u32 s8, $0x2  }
0xc: {  	s13 =	simm.s32 $0x4;
	[dreg:$0x7] =	wrdreg s15;
	s9 =	smul.u32 $0x2710, s9  }
0xd: {  	s0 =	sadd.s32 s10, s0;
	s30 =	ssub.s32 s11, s12;
	s8 =	sadd.s32 s8, s3  }
0xe: {  	s5 =	sadd.s32 s6, s5;
	s10 =	simm.s32 $0x3;
	s11 =	simm.s32 $0xA  }
0xf: {  	s0 =	sadd.s32 $0x68200, s0;
	s5 =	sshrl.u32 s5, $0x3;
	s24 =	smax.u32 s30, $0x1  }
0x10: {  	[dreg:$0x5] =	wrdreg s0;
	s12 =	sshrl.u32 s9, $0x3;
	s0 =	sadd.s32 s17, s14  }
0x11: {  	s2 =	sadd.s32 s2, s5;
	[dreg:$0xe] =	wrdreg s24;
	s17 =	simm.s32 $0xD  }
0x12: {  	s9 =	simm.s32 $0x7;
	s14 =	simm.s32 $0xB;
	s16 =	sadd.s32 s7, s12  }
0x13: {  	s22 =	sadd.s32 $0x4E380, s0;
	[dreg:$0xd] =	wrdreg s2;
	s26 =	sadd.s32 $0x4E340, s0  }
0x14: {  	s29 =	sadd.s32 $0x4E300, s0;
	s18 =	sadd.s32 $0x9C40, s16;
	[dreg:$0x6] =	wrdreg s16  }
0x15: {  	s0 =	sadd.s32 $0x4E3C0, s0;
	s19 =	sadd.s32 $0x9C48, s16;
	[dreg:$0x8] =	wrdreg s18  }
0x16: {  	s12 =	simm.s32 $0x8;
	s20 =	sadd.s32 $0x9C50, s16;
	[dreg:$0x9] =	wrdreg s19  }
0x17: {  	s21 =	sadd.s32 $0x9C58, s16;
	s23 =	sadd.s32 $0xA120, s16;
	[dreg:$0xa] =	wrdreg s20  }
0x18: {  	s6 =	sshrl.u32 s22, $0x3;
	s2 =	sshrl.u32 s26, $0x3;
	[dreg:$0xb] =	wrdreg s21  }
0x19: {  	s5 =	sshrl.u32 s29, $0x3;
	s16 =	sshrl.u32 s8, $0x3;
	[dreg:$0xc] =	wrdreg s23  }
0x1a: {  	s0 =	sshrl.u32 s0, $0x3;
	s25 =	sadd.s32 s6, s7;
	[dreg:$0x13] =	wrdreg s16  }
0x1b: {  	s22 =	simm.s32 $0x40;
	s2 =	sadd.s32 s2, s7;
	[dreg:$0xf] =	wrdreg s25  }
0x1c: {  	s8 =	simm.s32 $0x9;
	s30 =	sadd.s32 s5, s7;
	[dreg:$0x10] =	wrdreg s2  }
0x1d: {  	s0 =	sadd.s32 s0, s7;
	s5 =	simm.s32 $0x2;
	[dreg:$0x11] =	wrdreg s30  }
0x1e: {  	s6 =	simm.s32 $0xC;
	[dreg:$0x12] =	wrdreg s0;
	s0 =	simm.s32 $0x0  }
.LBB2_1:
0x1f: {  	[dreg:$0x14] =	wrdreg s0  }
0x20: {  	s7 =	rddreg [dreg:$0x5]  }
0x21: {  	[spmem:s16], [sflag:s15] =	dma.local [hbm:s7], $0x2800  }
0x22: {  	_ =	swait.ge [sflag:s17], $0x2800  }
0x23: {  	[sflag:s17] =	ssyncset.done $0x0  }
0x24: {  	s23 =	rddreg [dreg:$0x6];
	[sflag:s17] =	ssyncadd.s32 $0xFFFFD800  }
0x25: {  	[tilespmem:s4], [sflag:$0xD] =	stream.linear.gather [hbm4b:s23+s4], $0x2710, $0x38;
	[tilespmem:$0x1F200] =	vst v63  }
0x26: {  	_ =	swait.ge [sflag:s17], $0x2710  }
0x27: {  	[sflag:s17] =	ssyncset.done $0x0  }
0x28: {  	[sflag:s17] =	ssyncadd.s32 $0xFFFFD8F0  }
0x29: {  	[bflag:$0x0] =	sbarrier.arrive $0xFFFF  }
0x2a: {  	s25 =	simm.s32 $0x2780;
	s24 =	rddreg [dreg:$0x8]  }
0x2b: {  	[tilespmem:s25], [sflag:$0x5] =	stream.linear.gather [hbm4b:s24+s4], $0x40, $0x38;
	[tilespmem:$0x1F200] =	vst v63  }
0x2c: {  	s26 =	simm.s32 $0x2980  }
0x2d: {  	[tilespmem:s26], [sflag:$0x1] =	stream.indirect.gather [hbm4b:s1+s22], $0x80, s4, s22, $0xb8;
	[tilespmem:$0x1F200] =	vst v63  }
0x2e: {  	s18 =	simm.s32 $0x2800;
	s29 =	rddreg [dreg:$0x9]  }
0x2f: {  	[tilespmem:s18], [sflag:$0x6] =	stream.linear.gather [hbm4b:s29+s4], $0x40, $0x38;
	[tilespmem:$0x1F200] =	vst v63  }
0x30: {  	s20 =	simm.s32 $0x4980  }
0x31: {  	[tilespmem:s20], [sflag:$0x2] =	stream.indirect.gather [hbm4b:s1+s22], $0x80, s22, s22, $0xb8;
	[tilespmem:$0x1F200] =	vst v63  }
0x32: {  	s21 =	simm.s32 $0x2880;
	s30 =	rddreg [dreg:$0xa]  }
0x33: {  	[tilespmem:s21], [sflag:$0x7] =	stream.linear.gather [hbm4b:s30+s4], $0x40, $0x38;
	[tilespmem:$0x1F200] =	vst v63  }
0x34: {  	s0 =	simm.s32 $0x80;
	s23 =	simm.s32 $0x6980  }
0x35: {  	[tilespmem:s23], [sflag:$0x3] =	stream.indirect.gather [hbm4b:s1+s22], $0x80, s0, s22, $0xb8;
	[tilespmem:$0x1F200] =	vst v63  }
0x36: {  	s16 =	simm.s32 $0x2900;
	s2 =	rddreg [dreg:$0xb]  }
0x37: {  	[tilespmem:s16], [sflag:$0x8] =	stream.linear.gather [hbm4b:s2+s4], $0x40, $0x38;
	[tilespmem:$0x1F200] =	vst v63  }
0x38: {  	s24 =	simm.s32 $0x8980;
	s29 =	simm.s32 $0x5;
	s2 =	simm.s32 $0xC0  }
0x39: {  	[tilespmem:s24], [sflag:$0x4] =	stream.indirect.gather [hbm4b:s1+s22], $0x80, s2, s22, $0xb8;
	[tilespmem:$0x1F200] =	vst v63  }
0x3a: {  	_ =	swait.ge [sflag:s29], $0x40  }
0x3b: {  	[sflag:s29] =	ssyncset.done $0x0  }
0x3c: {  	s30 =	simm.s32 $0x1;
	[sflag:s29] =	ssyncadd.s32 $0xFFFFFFC0  }
0x3d: {  	_ =	swait.ge [sflag:s30], $0x2000  }
0x3e: {  	[sflag:s30] =	ssyncset.done $0x0  }
0x3f: {  	[sflag:s30] =	ssyncadd.s32 $0xFFFFE000  }
0x40: {  	[spmem:s3] =	stream.indirect.scatter.add.f32 [tilespmem:s26], [sflag:$0x9], $0x80, s25, s22, $0xb8;
	[tilespmem:$0x1F200] =	vst v63  }
0x41: {  	_ =	swait.ge [sflag:s31], $0x40  }
0x42: {  	[sflag:s31] =	ssyncset.done $0x0  }
0x43: {  	[sflag:s31] =	ssyncadd.s32 $0xFFFFFFC0  }
0x44: {  	_ =	swait.ge [sflag:s5], $0x2000  }
0x45: {  	[sflag:s5] =	ssyncset.done $0x0  }
0x46: {  	[sflag:s5] =	ssyncadd.s32 $0xFFFFE000  }
0x47: {  	[spmem:s3] =	stream.indirect.scatter.add.f32 [tilespmem:s20], [sflag:$0xA], $0x80, s18, s22, $0xb8;
	[tilespmem:$0x1F200] =	vst v63  }
0x48: {  	_ =	swait.ge [sflag:s8], $0x2000  }
0x49: {  	[sflag:s8] =	ssyncset.done $0x0  }
0x4a: {  	s2 =	rddreg [dreg:$0x11];
	[sflag:s8] =	ssyncadd.s32 $0xFFFFE000  }
0x4b: {  	[tilespmem:s25], [sflag:$0x5] =	stream.linear.gather [hbm4b:s2+s4], $0x40, $0x38;
	[tilespmem:$0x1F200] =	vst v63  }
0x4c: {  	s19 =	simm.s32 $0x100  }
0x4d: {  	[tilespmem:s26], [sflag:$0x1] =	stream.indirect.gather [hbm4b:s1+s22], $0x80, s19, s22, $0xb8;
	[tilespmem:$0x1F200] =	vst v63  }
0x4e: {  	_ =	swait.ge [sflag:s9], $0x40  }
0x4f: {  	[sflag:s9] =	ssyncset.done $0x0  }
0x50: {  	[sflag:s9] =	ssyncadd.s32 $0xFFFFFFC0  }
0x51: {  	_ =	swait.ge [sflag:s10], $0x2000  }
0x52: {  	[sflag:s10] =	ssyncset.done $0x0  }
0x53: {  	[sflag:s10] =	ssyncadd.s32 $0xFFFFE000  }
0x54: {  	[spmem:s3] =	stream.indirect.scatter.add.f32 [tilespmem:s23], [sflag:$0xB], $0x80, s21, s22, $0xb8;
	[tilespmem:$0x1F200] =	vst v63  }
0x55: {  	_ =	swait.ge [sflag:s11], $0x2000  }
0x56: {  	[sflag:s11] =	ssyncset.done $0x0  }
0x57: {  	s19 =	rddreg [dreg:$0x10];
	[sflag:s11] =	ssyncadd.s32 $0xFFFFE000  }
0x58: {  	[tilespmem:s18], [sflag:$0x6] =	stream.linear.gather [hbm4b:s19+s4], $0x40, $0x38;
	[tilespmem:$0x1F200] =	vst v63  }
0x59: {  	s25 =	simm.s32 $0x140  }
0x5a: {  	[tilespmem:s20], [sflag:$0x2] =	stream.indirect.gather [hbm4b:s1+s22], $0x80, s25, s22, $0xb8;
	[tilespmem:$0x1F200] =	vst v63  }
0x5b: {  	_ =	swait.ge [sflag:s12], $0x40  }
0x5c: {  	[sflag:s12] =	ssyncset.done $0x0  }
0x5d: {  	[sflag:s12] =	ssyncadd.s32 $0xFFFFFFC0  }
0x5e: {  	_ =	swait.ge [sflag:s13], $0x2000  }
0x5f: {  	[sflag:s13] =	ssyncset.done $0x0  }
0x60: {  	[sflag:s13] =	ssyncadd.s32 $0xFFFFE000  }
0x61: {  	[spmem:s3] =	stream.indirect.scatter.add.f32 [tilespmem:s24], [sflag:$0xC], $0x80, s16, s22, $0xb8;
	[tilespmem:$0x1F200] =	vst v63  }
0x62: {  	_ =	swait.ge [sflag:s14], $0x2000  }
0x63: {  	[sflag:s14] =	ssyncset.done $0x0  }
0x64: {  	s26 =	rddreg [dreg:$0xf];
	[sflag:s14] =	ssyncadd.s32 $0xFFFFE000  }
0x65: {  	[tilespmem:s21], [sflag:$0x7] =	stream.linear.gather [hbm4b:s26+s4], $0x40, $0x38;
	[tilespmem:$0x1F200] =	vst v63  }
0x66: {  	s29 =	simm.s32 $0x180  }
0x67: {  	[tilespmem:s23], [sflag:$0x3] =	stream.indirect.gather [hbm4b:s1+s22], $0x80, s29, s22, $0xb8;
	[tilespmem:$0x1F200] =	vst v63  }
0x68: {  	_ =	swait.ge [sflag:s6], $0x2000  }
0x69: {  	s15 =	simm.s32 $0x400;
	s7 =	simm.s32 $0x1C0;
	[sflag:s6] =	ssyncset.done $0x0  }
0x6a: {  	s19 =	sadd.s32 $0x20, s19;
	s30 =	rddreg [dreg:$0x12];
	[sflag:s6] =	ssyncadd.s32 $0xFFFFE000  }
0x6b: {  	[tilespmem:s16], [sflag:$0x8] =	stream.linear.gather [hbm4b:s30+s4], $0x40, $0x38;
	[tilespmem:$0x1F200] =	vst v63  }
0x6c: {  	s18 =	sadd.s32 $0x20, s26;
	s17 =	sadd.s32 $0x20, s30;
	s16 =	sadd.s32 $0x20, s2  }
.LBB2_2:
0x6d: {  	[tilespmem:s28], [sflag:$0x4] =	stream.indirect.gather [hbm4b:s1+s22], $0x80, s7, s22, $0xb8;
	[tilespmem:$0x1F200] =	vst v63  }
0x6e: {  	s7 =	smov.u32 s15;
	s20 =	smov.u32 s17;
	s0 =	simm.s32 $0x5  }
0x6f: {  	p0 =	sne.s32 s15, $0x9400;
	s15 =	sadd.s32 $0x400, s15;
	_ =	swait.ge [sflag:s0], $0x40  }
0x70: {  	[sflag:s0] =	ssyncset.done $0x0  }
0x71: {  	[sflag:s0] =	ssyncadd.s32 $0xFFFFFFC0;
	s0 =	simm.s32 $0x1  }
0x72: {  	_ =	swait.ge [sflag:s0], $0x2000  }
0x73: {  	[sflag:s0] =	ssyncset.done $0x0  }
0x74: {  	s21 =	simm.s32 $0x2780;
	s25 =	simm.s32 $0x2980;
	[sflag:s0] =	ssyncadd.s32 $0xFFFFE000  }
0x75: {  	[spmem:s3] =	stream.indirect.scatter.add.f32 [tilespmem:s25], [sflag:$0x9], $0x80, s21, s22, $0xb8;
	[tilespmem:$0x1F200] =	vst v63  }
0x76: {  	_ =	swait.ge [sflag:s31], $0x40  }
0x77: {  	[sflag:s31] =	ssyncset.done $0x0  }
0x78: {  	[sflag:s31] =	ssyncadd.s32 $0xFFFFFFC0  }
0x79: {  	_ =	swait.ge [sflag:s5], $0x2000  }
0x7a: {  	[sflag:s5] =	ssyncset.done $0x0  }
0x7b: {  	s26 =	simm.s32 $0x2800;
	s29 =	simm.s32 $0x4980;
	[sflag:s5] =	ssyncadd.s32 $0xFFFFE000  }
0x7c: {  	[spmem:s3] =	stream.indirect.scatter.add.f32 [tilespmem:s29], [sflag:$0xA], $0x80, s26, s22, $0xb8;
	[tilespmem:$0x1F200] =	vst v63  }
0x7d: {  	_ =	swait.ge [sflag:s8], $0x2000  }
0x7e: {  	[sflag:s8] =	ssyncset.done $0x0  }
0x7f: {  	s23 =	simm.s32 $0x2780;
	s7 =	sshra.s32 s7, $0x2;
	[sflag:s8] =	ssyncadd.s32 $0xFFFFE000  }
0x80: {  	[tilespmem:s21], [sflag:$0x5] =	stream.linear.gather [hbm4b:s16+s4], $0x40, $0x38;
	[tilespmem:$0x1F200] =	vst v63  }
0x81: {  	s24 =	simm.s32 $0x2980;
	s21 =	sadd.s32 $0x100, s7  }
0x82: {  	[tilespmem:s25], [sflag:$0x1] =	stream.indirect.gather [hbm4b:s1+s22], $0x80, s21, s22, $0xb8;
	[tilespmem:$0x1F200] =	vst v63  }
0x83: {  	_ =	swait.ge [sflag:s9], $0x40  }
0x84: {  	[sflag:s9] =	ssyncset.done $0x0  }
0x85: {  	[sflag:s9] =	ssyncadd.s32 $0xFFFFFFC0  }
0x86: {  	_ =	swait.ge [sflag:s10], $0x2000  }
0x87: {  	[sflag:s10] =	ssyncset.done $0x0  }
0x88: {  	s30 =	simm.s32 $0x2880;
	s0 =	simm.s32 $0x6980;
	[sflag:s10] =	ssyncadd.s32 $0xFFFFE000  }
0x89: {  	[spmem:s3] =	stream.indirect.scatter.add.f32 [tilespmem:s0], [sflag:$0xB], $0x80, s30, s22, $0xb8;
	[tilespmem:$0x1F200] =	vst v63  }
0x8a: {  	_ =	swait.ge [sflag:s11], $0x2000  }
0x8b: {  	[sflag:s11] =	ssyncset.done $0x0  }
0x8c: {  	s25 =	simm.s32 $0x2800;
	[sflag:s11] =	ssyncadd.s32 $0xFFFFE000  }
0x8d: {  	[tilespmem:s26], [sflag:$0x6] =	stream.linear.gather [hbm4b:s19+s4], $0x40, $0x38;
	[tilespmem:$0x1F200] =	vst v63  }
0x8e: {  	s21 =	sadd.s32 $0x140, s7;
	s26 =	simm.s32 $0x4980  }
0x8f: {  	[tilespmem:s29], [sflag:$0x2] =	stream.indirect.gather [hbm4b:s1+s22], $0x80, s21, s22, $0xb8;
	[tilespmem:$0x1F200] =	vst v63  }
0x90: {  	_ =	swait.ge [sflag:s12], $0x40  }
0x91: {  	[sflag:s12] =	ssyncset.done $0x0  }
0x92: {  	[sflag:s12] =	ssyncadd.s32 $0xFFFFFFC0  }
0x93: {  	_ =	swait.ge [sflag:s13], $0x2000  }
0x94: {  	[sflag:s13] =	ssyncset.done $0x0  }
0x95: {  	s2 =	simm.s32 $0x2900;
	[sflag:s13] =	ssyncadd.s32 $0xFFFFE000  }
0x96: {  	[spmem:s3] =	stream.indirect.scatter.add.f32 [tilespmem:s28], [sflag:$0xC], $0x80, s2, s22, $0xb8;
	[tilespmem:$0x1F200] =	vst v63  }
0x97: {  	_ =	swait.ge [sflag:s14], $0x2000  }
0x98: {  	[sflag:s14] =	ssyncset.done $0x0  }
0x99: {  	s29 =	simm.s32 $0x2880;
	[sflag:s14] =	ssyncadd.s32 $0xFFFFE000  }
0x9a: {  	[tilespmem:s30], [sflag:$0x7] =	stream.linear.gather [hbm4b:s18+s4], $0x40, $0x38;
	[tilespmem:$0x1F200] =	vst v63  }
0x9b: {  	s21 =	sadd.s32 $0x180, s7;
	s30 =	simm.s32 $0x6980  }
0x9c: {  	[tilespmem:s0], [sflag:$0x3] =	stream.indirect.gather [hbm4b:s1+s22], $0x80, s21, s22, $0xb8;
	[tilespmem:$0x1F200] =	vst v63  }
.Ltmp0:
0x9d: {  	_ =	swait.ge [sflag:s6], $0x2000;
	(pc) =	sbr.rel @p0 .LBB2_2-.Ltmp0, $4  }
0x9e: {  	s17 =	sadd.s32 $0x20, s17;
	[sflag:s6] =	ssyncset.done $0x0  }
0x9f: {  	s16 =	sadd.s32 $0x20, s16;
	s0 =	simm.s32 $0x2900;
	[sflag:s6] =	ssyncadd.s32 $0xFFFFE000  }
0xa0: {  	[tilespmem:s2], [sflag:$0x8] =	stream.linear.gather [hbm4b:s20+s4], $0x40, $0x38;
	[tilespmem:$0x1F200] =	vst v63  }
0xa1: {  	s19 =	sadd.s32 $0x20, s19;
	s7 =	sadd.s32 $0x1C0, s7;
	s18 =	sadd.s32 $0x20, s18  }
0xa2: {  	s2 =	simm.s32 $0x8980;
	s20 =	simm.s32 $0x5  }
0xa3: {  	[tilespmem:s2], [sflag:$0x4] =	stream.indirect.gather [hbm4b:s1+s22], $0x80, s7, s22, $0xb8;
	[tilespmem:$0x1F200] =	vst v63  }
0xa4: {  	_ =	swait.ge [sflag:s20], $0x40  }
0xa5: {  	[sflag:s20] =	ssyncset.done $0x0  }
0xa6: {  	s15 =	simm.s32 $0x1;
	[sflag:s20] =	ssyncadd.s32 $0xFFFFFFC0  }
0xa7: {  	_ =	swait.ge [sflag:s15], $0x2000  }
0xa8: {  	[sflag:s15] =	ssyncset.done $0x0  }
0xa9: {  	[sflag:s15] =	ssyncadd.s32 $0xFFFFE000  }
0xaa: {  	[spmem:s3] =	stream.indirect.scatter.add.f32 [tilespmem:s24], [sflag:$0x9], $0x80, s23, s22, $0xb8;
	[tilespmem:$0x1F200] =	vst v63  }
0xab: {  	_ =	swait.ge [sflag:s31], $0x40  }
0xac: {  	[sflag:s31] =	ssyncset.done $0x0  }
0xad: {  	[sflag:s31] =	ssyncadd.s32 $0xFFFFFFC0  }
0xae: {  	_ =	swait.ge [sflag:s5], $0x2000  }
0xaf: {  	[sflag:s5] =	ssyncset.done $0x0  }
0xb0: {  	[sflag:s5] =	ssyncadd.s32 $0xFFFFE000  }
0xb1: {  	[spmem:s3] =	stream.indirect.scatter.add.f32 [tilespmem:s26], [sflag:$0xA], $0x80, s25, s22, $0xb8;
	[tilespmem:$0x1F200] =	vst v63  }
0xb2: {  	_ =	swait.ge [sflag:s8], $0x2000  }
0xb3: {  	[sflag:s8] =	ssyncset.done $0x0  }
0xb4: {  	[sflag:s8] =	ssyncadd.s32 $0xFFFFE000  }
0xb5: {  	_ =	swait.ge [sflag:s9], $0x40  }
0xb6: {  	[sflag:s9] =	ssyncset.done $0x0  }
0xb7: {  	[sflag:s9] =	ssyncadd.s32 $0xFFFFFFC0  }
0xb8: {  	_ =	swait.ge [sflag:s10], $0x2000  }
0xb9: {  	[sflag:s10] =	ssyncset.done $0x0  }
0xba: {  	[sflag:s10] =	ssyncadd.s32 $0xFFFFE000  }
0xbb: {  	[spmem:s3] =	stream.indirect.scatter.add.f32 [tilespmem:s30], [sflag:$0xB], $0x80, s29, s22, $0xb8;
	[tilespmem:$0x1F200] =	vst v63  }
0xbc: {  	_ =	swait.ge [sflag:s11], $0x2000  }
0xbd: {  	[sflag:s11] =	ssyncset.done $0x0  }
0xbe: {  	[sflag:s11] =	ssyncadd.s32 $0xFFFFE000  }
0xbf: {  	_ =	swait.ge [sflag:s12], $0x40  }
0xc0: {  	[sflag:s12] =	ssyncset.done $0x0  }
0xc1: {  	[sflag:s12] =	ssyncadd.s32 $0xFFFFFFC0  }
0xc2: {  	_ =	swait.ge [sflag:s13], $0x2000  }
0xc3: {  	[sflag:s13] =	ssyncset.done $0x0  }
0xc4: {  	[sflag:s13] =	ssyncadd.s32 $0xFFFFE000  }
0xc5: {  	[spmem:s3] =	stream.indirect.scatter.add.f32 [tilespmem:s2], [sflag:$0xC], $0x80, s0, s22, $0xb8;
	[tilespmem:$0x1F200] =	vst v63  }
0xc6: {  	_ =	swait.ge [sflag:s14], $0x2000  }
0xc7: {  	[sflag:s14] =	ssyncset.done $0x0  }
0xc8: {  	[sflag:s14] =	ssyncadd.s32 $0xFFFFE000  }
0xc9: {  	_ =	swait.ge [sflag:s6], $0x2000  }
0xca: {  	s17 =	simm.s32 $0xD;
	[sflag:s6] =	ssyncset.done $0x0  }
0xcb: {  	s23 =	simm.s32 $0xB180;
	s21 =	rddreg [dreg:$0xc];
	[sflag:s6] =	ssyncadd.s32 $0xFFFFE000  }
0xcc: {  	[tilespmem:s23], [sflag:$0xD] =	stream.linear.gather [hbm4b:s21+s4], $0x10, $0x38;
	[tilespmem:$0x1F200] =	vst v63  }
0xcd: {  	_ =	swait.ge [sflag:s17], $0x10  }
0xce: {  	s16 =	simm.s32 $0xA980;
	[sflag:s17] =	ssyncset.done $0x0  }
0xcf: {  	s24 =	simm.s32 $0x10;
	s25 =	simm.s32 $0x2700;
	[sflag:s17] =	ssyncadd.s32 $0xFFFFFFF0  }
0xd0: {  	[tilespmem:s16], [sflag:$0x1] =	stream.indirect.gather [hbm4b:s1+s24], $0x80, s25, s24, $0xb8;
	[tilespmem:$0x1F200] =	vst v63  }
0xd1: {  	_ =	swait.ge [sflag:s15], $0x800  }
0xd2: {  	[sflag:s15] =	ssyncset.done $0x0  }
0xd3: {  	[sflag:s15] =	ssyncadd.s32 $0xFFFFF800  }
0xd4: {  	[spmem:s3] =	stream.indirect.scatter.add.f32 [tilespmem:s16], [sflag:$0xD], $0x80, s23, s24, $0xb8;
	[tilespmem:$0x1F200] =	vst v63  }
0xd5: {  	_ =	swait.ge [sflag:s17], $0x800  }
0xd6: {  	[sflag:s17] =	ssyncset.done $0x0  }
0xd7: {  	[sflag:s17] =	ssyncadd.s32 $0xFFFFF800  }
0xd8: {  	[bflag:$0x0] =	sbarrier.arrive $0xFFFF  }
0xd9: {  	s15 =	rddreg [dreg:$0x7]  }
0xda: {  	s26 =	rddreg [dreg:$0xd]  }
0xdb: {  	s16 =	rddreg [dreg:$0x13]  }
0xdc: {  	[hbm:s26], [sflag:s15] =	dma.local [spmem:s16], $0x2800  }
0xdd: {  	_ =	swait.ge [sflag:s17], $0x2800  }
0xde: {  	s29 =	rddreg [dreg:$0x14]  }
0xdf: {  	s30 =	rddreg [dreg:$0xe];
	s0 =	sadd.s32 $0x1, s29  }
0xe0: {  	p0 =	sne.s32 s0, s30  }
.Ltmp1:
0xe1: {  	_ = 	snop;
	(pc) =	sbr.rel @p0 .LBB2_1-.Ltmp1, $3  }
0xe2: {  	_ =	sdelay $0x1  }
0xe3: {  	[sflag:s17] =	ssyncset.done $0x0  }
0xe4: {  	[sflag:s17] =	ssyncadd.s32 $0xFFFFD800  }
0xe5: {  	_ =	sfence.sel $0x180000  }
0xe6: {  	[bflag:$0x0] =	sbarrier.arrive $0xFFFF  }
0xe7: {  	_ =	strace $0x90000053  }
0xe8: {  	s0 =	stileid.u32;
	[bflag:$0x2] =	sbarrier.arrive $0xFFFF  }
0xe9: {  	p0 =	sne.s32 s0, $0x0;
	s0 =	rddreg [dreg:$0x4]  }
0xea: {  	s0 =	sadd.s32 @!p0 $0x100000, s0  }
0xeb: {  	[sflag:s0] =	ssyncadd.tile.s32 @!p0 $0x1;
	_ =	shalt  }
.Lfunc_end2:
_tile_overlayer_lowered:
.L_overlay_start_2:
0xec: {  	(tag) =	ssettag $0x2  }
0xed: {  	s0 =	rddreg [dreg:$0x0];
	s2 =	stileid.u32  }
0xee: {  	s1 =	rddreg [dreg:$0x1];
	p0 =	sne.s32 s2, $0x0  }
0xef: {  	s3 =	rddreg [dreg:$0x2];
	[bflag:$0x3] =	sbarrier.arrive $0xFFFF;
	s2 =	simm.s32 @!p0 $0x1C0D  }
0xf0: {  	[timem:s3], [sflag:s2] =	dma.local @!p0 [hbm:s0], s1  }
0xf1: {  	s0 =	simm.s32 @!p0 $0xD  }
0xf2: {  	_ =	swait.ge @!p0 [sflag:s0], s1  }
0xf3: {  	s1 =	ssub.s32 @!p0 $0x0, s1;
	[sflag:s0] =	ssyncset.done @!p0 $0x0  }
0xf4: {  	[sflag:s0] =	ssyncadd.s32 @!p0 s1  }
0xf5: {  	[bflag:$0x3] =	sbarrier.arrive $0xFFFF  }
0xf6: {  	_ =	shalt  }

</sc_bundles>
